<compile_context>
chip_gen: v7x
topology: tpu7x:2x2x1
jax: 0.10.2.dev20260603
libtpu: 0.0.44.dev20260713+nightly
codegen_flags: <defaults>
</compile_context>

<pallas_src>
import jax
import jax.numpy as jnp
from jax import lax
from jax.experimental import pallas as pl
from jax.experimental.pallas import tpu as pltpu
from jax.experimental.pallas import tpu_sc as plsc

F32 = jnp.float32
H = 16


_SC_NC, _SC_NS = 2, 16
_SC_NW = _SC_NC * _SC_NS


def _sc_gather_rows(table, idx):
    n, d = idx.shape[0], table.shape[1]
    per_w = n // _SC_NW
    ch = min(per_w, 32)
    n_ch = per_w // ch
    mesh = plsc.VectorSubcoreMesh(core_axis_name="c", subcore_axis_name="s")

    def body(table_hbm, idx_hbm, out_hbm, idx_v, rows_v,
             gs0, gs1, ws0, ws1):
        wid = lax.axis_index("s") * _SC_NC + lax.axis_index("c")
        gs = (gs0, gs1)
        ws = (ws0, ws1)
        hg = [None] * n_ch
        hw = [None] * n_ch
        for j in range(n_ch):
            b = j % 2
            if j >= 2:
                hw[j - 2].wait()
            base = wid * per_w + j * ch
            pltpu.sync_copy(idx_hbm.at[pl.ds(base, ch)], idx_v.at[b])
            hg[j] = pltpu.async_copy(table_hbm.at[idx_v.at[b]],
                                     rows_v.at[b], gs[b])
            if j >= 1:
                pb = (j - 1) % 2
                hg[j - 1].wait()
                pbase = wid * per_w + (j - 1) * ch
                hw[j - 1] = pltpu.async_copy(
                    rows_v.at[pb], out_hbm.at[pl.ds(pbase, ch)], ws[pb])
        last = n_ch - 1
        hg[last].wait()
        lbase = wid * per_w + last * ch
        hw[last] = pltpu.async_copy(
            rows_v.at[last % 2], out_hbm.at[pl.ds(lbase, ch)], ws[last % 2])
        if n_ch >= 2:
            hw[last - 1].wait()
        hw[last].wait()

    return pl.kernel(
        body,
        out_type=jax.ShapeDtypeStruct((n, d), F32),
        mesh=mesh,
        scratch_types=[
            pltpu.VMEM((2, ch), jnp.int32),
            pltpu.VMEM((2, ch, d), F32),
            pltpu.SemaphoreType.DMA,
            pltpu.SemaphoreType.DMA,
            pltpu.SemaphoreType.DMA,
            pltpu.SemaphoreType.DMA,
        ],
    )(table, idx)




def _ln_rows(tt, g_ref, b_ref):
    mu = jnp.mean(tt, axis=-1, keepdims=True)
    var = jnp.mean((tt - mu) ** 2, axis=-1, keepdims=True)
    return (tt - mu) / jnp.sqrt(var + 1e-5) * g_ref[0] + b_ref[0]


def _qkv_proj(prologue_inputs, prologue_specs, make_x, wq, wk, wv,
              bq3, bk3, bv3, l, n, d):
    bm = 512

    def body(*refs):
        np_ = len(prologue_inputs)
        pro = refs[:np_]
        wq_ref, wk_ref, wv_ref, bq_ref, bk_ref, bv_ref, o_ref, x0_ref = \
            refs[np_:]
        xv = make_x(*pro)
        x0_ref[...] = xv
        o_ref[:, 0:d] = (
            jnp.dot(xv, wq_ref[0], preferred_element_type=F32) + bq_ref[0]
        )
        o_ref[:, d:2 * d] = (
            jnp.dot(xv, wk_ref[0], preferred_element_type=F32) + bk_ref[0]
        )
        o_ref[:, 2 * d:3 * d] = (
            jnp.dot(xv, wv_ref[0], preferred_element_type=F32) + bv_ref[0]
        )

    wspec = pl.BlockSpec((1, d, d), lambda i: (l, 0, 0))
    bspec = pl.BlockSpec((1, 1, d), lambda i: (l, 0, 0))
    return pl.pallas_call(
        body,
        grid=(n // bm,),
        in_specs=list(prologue_specs) + [wspec, wspec, wspec,
                                         bspec, bspec, bspec],
        out_specs=[pl.BlockSpec((bm, 3 * d), lambda i: (i, 0)),
                   pl.BlockSpec((bm, d), lambda i: (i, 0))],
        out_shape=[jax.ShapeDtypeStruct((n, 3 * d), F32),
                   jax.ShapeDtypeStruct((n, d), F32)],
    )(*prologue_inputs, wq, wk, wv, bq3, bk3, bv3)


def _attention(qkv, batch, t):
    n = batch * t
    d = qkv.shape[1] // 3
    dh = d // H
    qb = 512
    n_pair = H // 2
    nqb = t // qb
    scale = 1.0 / (dh ** 0.5)

    def body(q_ref, k_ref, v_ref, o_ref):
        q = q_ref[...] * scale
        k = k_ref[...]
        v = v_ref[...]
        ones = jnp.ones((t, 1), F32)
        for h in range(2):
            sl = slice(h * dh, (h + 1) * dh)
            s = lax.dot_general(
                q[:, sl], k[:, sl], (((1,), (1,)), ((), ())),
                preferred_element_type=F32,
            )
            e = jnp.exp(s)
            ev = jnp.dot(e, v[:, sl], preferred_element_type=F32)
            ssum = jnp.dot(e, ones, preferred_element_type=F32)
            o_ref[:, sl] = ev / ssum

    def im_q(p, j):
        return (p // n_pair * nqb + j, p % n_pair)

    def im_k(p, j):
        return (p // n_pair, n_pair + p % n_pair)

    def im_v(p, j):
        return (p // n_pair, 2 * n_pair + p % n_pair)

    return pl.pallas_call(
        body,
        grid=(batch * n_pair, nqb),
        in_specs=[
            pl.BlockSpec((qb, 2 * dh), im_q),
            pl.BlockSpec((t, 2 * dh), im_k),
            pl.BlockSpec((t, 2 * dh), im_v),
        ],
        out_specs=pl.BlockSpec((qb, 2 * dh), im_q),
        out_shape=jax.ShapeDtypeStruct((n, d), F32),
    )(qkv, qkv, qkv)


def _o_ln_router(av, x0, wo, bo3, g3, b3, rw, l):
    n, d = av.shape
    e = rw.shape[2]
    bm = 512

    def body(av_ref, x0_ref, wo_ref, bo_ref, g_ref, b_ref, rw_ref,
             x1_ref, rl_ref):
        tt = (
            jnp.dot(av_ref[...], wo_ref[0], preferred_element_type=F32)
            + bo_ref[0]
            + x0_ref[...]
        )
        mu = jnp.mean(tt, axis=-1, keepdims=True)
        var = jnp.mean((tt - mu) ** 2, axis=-1, keepdims=True)
        x1 = (tt - mu) / jnp.sqrt(var + 1e-5) * g_ref[0] + b_ref[0]
        x1_ref[...] = x1
        rl_ref[...] = jnp.dot(x1, rw_ref[0], preferred_element_type=F32)

    return pl.pallas_call(
        body,
        grid=(n // bm,),
        in_specs=[
            pl.BlockSpec((bm, d), lambda i: (i, 0)),
            pl.BlockSpec((bm, d), lambda i: (i, 0)),
            pl.BlockSpec((1, d, d), lambda i: (l, 0, 0)),
            pl.BlockSpec((1, 1, d), lambda i: (l, 0, 0)),
            pl.BlockSpec((1, 1, d), lambda i: (l, 0, 0)),
            pl.BlockSpec((1, 1, d), lambda i: (l, 0, 0)),
            pl.BlockSpec((1, d, e), lambda i: (l, 0, 0)),
        ],
        out_specs=[
            pl.BlockSpec((bm, d), lambda i: (i, 0)),
            pl.BlockSpec((bm, e), lambda i: (i, 0)),
        ],
        out_shape=[
            jax.ShapeDtypeStruct((n, d), F32),
            jax.ShapeDtypeStruct((n, e), F32),
        ],
    )(av, x0, wo, bo3, g3, b3, rw)


def _route(rl, cap, auxc):
    n, e = rl.shape
    bm = 512
    nb = n // bm

    def body(rl_ref, slot_ref, gk_ref, aux_ref, src_ref, cnt, fsum, psum,
             sacc):
        i = pl.program_id(0)

        @pl.when(i == 0)
        def _():
            cnt[...] = jnp.zeros_like(cnt)
            fsum[...] = jnp.zeros_like(fsum)
            psum[...] = jnp.zeros_like(psum)
            sacc[...] = jnp.zeros_like(sacc)

        r = rl_ref[...]
        mx = jnp.max(r, axis=-1, keepdims=True)
        ex = jnp.exp(r - mx)
        probs = ex / jnp.sum(ex, axis=-1, keepdims=True)
        gate = jnp.max(probs, axis=-1)
        col = lax.broadcasted_iota(jnp.int32, (bm, e), 1)
        eidx = jnp.min(jnp.where(r >= mx, col, e), axis=-1)
        oneh = (col == eidx[:, None]).astype(F32)

        ri = lax.broadcasted_iota(jnp.int32, (bm, bm), 0)
        ci = lax.broadcasted_iota(jnp.int32, (bm, bm), 1)
        tril = (ri >= ci).astype(F32)
        pos_in = jnp.dot(tril, oneh, preferred_element_type=F32)
        pos_tot = pos_in + cnt[...]
        posn = jnp.sum(pos_tot * oneh, axis=-1) - 1.0
        keep = posn < cap
        gk = jnp.where(keep, gate, 0.0)
        sloti = jnp.where(keep, eidx * cap + posn.astype(jnp.int32), 0)
        slot_ref[0, 0, :] = sloti
        gk_ref[0, 0, :] = gk

        rowi = lax.broadcasted_iota(jnp.int32, (bm, e), 0)
        valoneh = jnp.where(
            (col == eidx[:, None]) & keep[:, None],
            rowi.astype(F32) + (i * bm + 1).astype(F32), 0.0)
        posc = lax.broadcasted_iota(jnp.int32, (bm, cap), 1)
        pos_oh = ((posc == posn.astype(jnp.int32)[:, None])
                  & keep[:, None]).astype(F32)
        sacc[...] = sacc[...] + lax.dot_general(
            valoneh, pos_oh, (((0,), (0,)), ((), ())),
            preferred_element_type=F32,
            precision=jax.lax.Precision.HIGHEST,
        )

        cnt[...] = cnt[...] + jnp.sum(oneh, axis=0, keepdims=True)
        fsum[...] = fsum[...] + jnp.sum(oneh, axis=0, keepdims=True)
        psum[...] = psum[...] + jnp.sum(probs, axis=0, keepdims=True)

        @pl.when(i == nb - 1)
        def _():
            aux_ref[...] = jnp.reshape(
                auxc * e * jnp.sum(fsum[...] * psum[...]) / (n * n), (1, 1)
            )
            src_ref[...] = jnp.maximum(sacc[...] - 1.0, 0.0).astype(jnp.int32)

    return pl.pallas_call(
        body,
        grid=(nb,),
        in_specs=[pl.BlockSpec((bm, e), lambda i: (i, 0))],
        out_specs=[
            pl.BlockSpec((1, 1, bm), lambda i: (i, 0, 0)),
            pl.BlockSpec((1, 1, bm), lambda i: (i, 0, 0)),
            pl.BlockSpec((1, 1), lambda i: (0, 0)),
            pl.BlockSpec((e, cap), lambda i: (0, 0)),
        ],
        out_shape=[
            jax.ShapeDtypeStruct((nb, 1, bm), jnp.int32),
            jax.ShapeDtypeStruct((nb, 1, bm), F32),
            jax.ShapeDtypeStruct((1, 1), F32),
            jax.ShapeDtypeStruct((e, cap), jnp.int32),
        ],
        scratch_shapes=[
            pltpu.VMEM((1, e), F32),
            pltpu.VMEM((1, e), F32),
            pltpu.VMEM((1, e), F32),
            pltpu.VMEM((e, cap), F32),
        ],
    )(rl)


def _expert_ffn(einp, w1s, b1s, w2s, b2s, cap, ne, l):
    d = w1s.shape[1]
    f = w1s.shape[2]
    fb = 1024
    nfb = f // fb

    def body(x_ref, w1_ref, b1_ref, w2_ref, b2_ref, o_ref):
        j = pl.program_id(1)
        h = jnp.maximum(
            jnp.dot(x_ref[...], w1_ref[0], preferred_element_type=F32)
            + b1_ref[0],
            0.0,
        )
        part = jnp.dot(h, w2_ref[0], preferred_element_type=F32)

        @pl.when(j == 0)
        def _():
            o_ref[...] = part + b2_ref[0]

        @pl.when(j > 0)
        def _():
            o_ref[...] = o_ref[...] + part

    return pl.pallas_call(
        body,
        grid=(ne, nfb),
        in_specs=[
            pl.BlockSpec((cap, d), lambda e, j: (e, 0)),
            pl.BlockSpec((1, d, fb), lambda e, j: (l * ne + e, 0, j)),
            pl.BlockSpec((1, 1, fb), lambda e, j: (l * ne + e, 0, j)),
            pl.BlockSpec((1, fb, d), lambda e, j: (l * ne + e, j, 0)),
            pl.BlockSpec((1, 1, d), lambda e, j: (l * ne + e, 0, 0)),
        ],
        out_specs=pl.BlockSpec((cap, d), lambda e, j: (e, 0)),
        out_shape=jax.ShapeDtypeStruct((ne * cap, d), F32),
    )(einp, w1s, b1s, w2s, b2s)




def _pool_cls(x1, moeraw, gk, g3, b3, mask3, w, b, batch, t, l):
    n, d = x1.shape
    c = w.shape[1]
    bm = 512
    njb = t // bm

    def body(x_ref, mo_ref, gk_ref, g_ref, bb_ref, m_ref, w_ref, b_ref,
             o_ref, acc):
        bi = pl.program_id(0)
        j = pl.program_id(1)

        @pl.when((bi == 0) & (j == 0))
        def _():
            acc[...] = jnp.zeros_like(acc)

        x2 = _ln_rows(x_ref[...] + mo_ref[...] * gk_ref[0], g_ref, bb_ref)
        mrow = m_ref[pl.ds(bi, 1), 0, pl.ds(j * bm, bm)]
        acc[pl.ds(bi, 1), :] = acc[pl.ds(bi, 1), :] + jnp.dot(
            mrow, x2, preferred_element_type=F32
        )

        @pl.when((bi == batch - 1) & (j == njb - 1))
        def _():
            maskf = m_ref[...]
            denom = jnp.clip(
                jnp.sum(maskf[:, 0, :], axis=-1, keepdims=True), 1.0, None
            )
            pooled = acc[...] / denom
            o_ref[...] = (
                jnp.dot(pooled, w_ref[...], preferred_element_type=F32)
                + b_ref[...]
            )

    return pl.pallas_call(
        body,
        grid=(batch, njb),
        in_specs=[
            pl.BlockSpec((bm, d), lambda bi, j: (bi * njb + j, 0)),
            pl.BlockSpec((bm, d), lambda bi, j: (bi * njb + j, 0)),
            pl.BlockSpec((1, bm, 1), lambda bi, j: (bi * njb + j, 0, 0)),
            pl.BlockSpec((1, 1, d), lambda bi, j: (l, 0, 0)),
            pl.BlockSpec((1, 1, d), lambda bi, j: (l, 0, 0)),
            pl.BlockSpec((batch, 1, t), lambda bi, j: (0, 0, 0)),
            pl.BlockSpec((d, c), lambda bi, j: (0, 0)),
            pl.BlockSpec((1, c), lambda bi, j: (0, 0)),
        ],
        out_specs=pl.BlockSpec((batch, c), lambda bi, j: (0, 0)),
        out_shape=jax.ShapeDtypeStruct((batch, c), F32),
        scratch_shapes=[pltpu.VMEM((batch, d), F32)],
    )(x1, moeraw, gk, g3, b3, mask3, w, b)




def kernel(input_ids, attention_mask, tok_emb, pos_emb, Wq, bq, Wk, bk, Wv, bv,
           Wo, bo, ln1_g, ln1_b, ln2_g, ln2_b, router_w, W1, b1, W2, b2,
           cls_w, cls_b):
    batch, t = input_ids.shape
    n = batch * t
    d = tok_emb.shape[1]
    nl, _, e = router_w.shape
    f = W1.shape[3]
    cap = int(1.0 * n / e)
    bm = 512
    nb = n // bm

    ids = input_ids.reshape(n)
    emb = _sc_gather_rows(tok_emb, ids)
    pos2 = pos_emb[:t]
    npos = t // bm
    mask3 = attention_mask.astype(F32).reshape(batch, 1, t)

    bq3 = bq.reshape(nl, 1, d)
    bk3 = bk.reshape(nl, 1, d)
    bv3 = bv.reshape(nl, 1, d)
    bo3 = bo.reshape(nl, 1, d)
    g13 = ln1_g.reshape(nl, 1, d)
    b13 = ln1_b.reshape(nl, 1, d)
    g23 = ln2_g.reshape(nl, 1, d)
    b23 = ln2_b.reshape(nl, 1, d)
    w1s = W1.reshape(nl * e, d, f)
    b1s = b1.reshape(nl * e, 1, f)
    w2s = W2.reshape(nl * e, f, d)
    b2s = b2.reshape(nl * e, 1, d)

    aux = None
    x1 = moeraw = gk3d = None
    for l in range(nl):
        if l == 0:
            pro_inputs = (emb, pos2)
            pro_specs = (
                pl.BlockSpec((bm, d), lambda i: (i, 0)),
                pl.BlockSpec((bm, d), lambda i: (i % npos, 0)),
            )

            def make_x(e_ref, p_ref):
                return e_ref[...] + p_ref[...]
        else:
            ll = l - 1
            pro_inputs = (x1, moeraw, gk3d, g23, b23)
            pro_specs = (
                pl.BlockSpec((bm, d), lambda i: (i, 0)),
                pl.BlockSpec((bm, d), lambda i: (i, 0)),
                pl.BlockSpec((1, bm, 1), lambda i: (i, 0, 0)),
                pl.BlockSpec((1, 1, d), lambda i, ll=ll: (ll, 0, 0)),
                pl.BlockSpec((1, 1, d), lambda i, ll=ll: (ll, 0, 0)),
            )

            def make_x(x1_ref, mo_ref, gk_ref, g_ref, b_ref):
                return _ln_rows(
                    x1_ref[...] + mo_ref[...] * gk_ref[0], g_ref, b_ref
                )

        qkv, x0 = _qkv_proj(pro_inputs, pro_specs, make_x,
                            Wq, Wk, Wv, bq3, bk3, bv3, l, n, d)
        av = _attention(qkv, batch, t)
        x1, rl = _o_ln_router(av, x0, Wo, bo3, g13, b13, router_w, l)
        slot3, gk3, aux_l, src2 = _route(rl, cap, 0.01)
        slot = slot3.reshape(n)
        gkf = gk3.reshape(n)
        einp = _sc_gather_rows(x1, src2.reshape(n))
        eout = _expert_ffn(einp, w1s, b1s, w2s, b2s, cap, e, l)
        moeraw = _sc_gather_rows(eout, slot)
        gk3d = gkf.reshape(nb, bm, 1)
        aux = aux_l if aux is None else aux + aux_l

    logits = _pool_cls(x1, moeraw, gk3d, g23, b23, mask3, cls_w,
                       cls_b.reshape(1, -1), batch, t, nl - 1)
    return logits, aux[0, 0]

# --- scband reference (transcript-rebuilt; emitter-appended) ---
"""Pipeline reference for scband-switch-classifier-89240830476910 (READ-ONLY COPY).

The authoritative reference and input builder live on the scoring server;
editing this copy changes nothing except your own understanding.
"""

import jax, jax.numpy as jnp
import numpy as np

V = 32000; C = 1000; D = 1024; NL = 2; H = 16; F = 2048; E = 8; MAXLEN = 2048; B = 2; T = 2048
CAPF = 1.0; AUXC = 0.01


def _ln(x, g, b):
    mu = jnp.mean(x, -1, keepdims=True)
    var = jnp.mean((x - mu) ** 2, -1, keepdims=True)
    return (x - mu) / jnp.sqrt(var + 1e-5) * g + b


def setup_inputs(seed: int = 0) -> dict:
    key = jax.random.key(seed)
    ks = jax.random.split(key, 24)
    def nrm(k, shape, scale):
        return jax.random.normal(k, shape, dtype=jnp.float32) * scale
    sd = D ** -0.5
    inp = {}
    inp['input_ids'] = jax.random.randint(ks[0], (B, T), 0, V, dtype=jnp.int32)
    inp['attention_mask'] = jnp.ones((B, T), dtype=jnp.int32)
    inp['tok_emb'] = nrm(ks[1], (V, D), 0.02)
    inp['pos_emb'] = nrm(ks[2], (MAXLEN, D), 0.02)
    inp['Wq'] = nrm(ks[3], (NL, D, D), sd); inp['bq'] = jnp.zeros((NL, D), jnp.float32)
    inp['Wk'] = nrm(ks[4], (NL, D, D), sd); inp['bk'] = jnp.zeros((NL, D), jnp.float32)
    inp['Wv'] = nrm(ks[5], (NL, D, D), sd); inp['bv'] = jnp.zeros((NL, D), jnp.float32)
    inp['Wo'] = nrm(ks[6], (NL, D, D), sd); inp['bo'] = jnp.zeros((NL, D), jnp.float32)
    inp['ln1_g'] = jnp.ones((NL, D), jnp.float32); inp['ln1_b'] = jnp.zeros((NL, D), jnp.float32)
    inp['ln2_g'] = jnp.ones((NL, D), jnp.float32); inp['ln2_b'] = jnp.zeros((NL, D), jnp.float32)
    inp['router_w'] = nrm(ks[7], (NL, D, E), sd)
    inp['W1'] = nrm(ks[8], (NL, E, D, F), sd); inp['b1'] = jnp.zeros((NL, E, F), jnp.float32)
    inp['W2'] = nrm(ks[9], (NL, E, F, D), F ** -0.5); inp['b2'] = jnp.zeros((NL, E, D), jnp.float32)
    inp['cls_w'] = nrm(ks[10], (D, C), sd); inp['cls_b'] = jnp.zeros((C,), jnp.float32)
    return inp


def _forward(input_ids, attention_mask, tok_emb, pos_emb, Wq, bq, Wk, bk, Wv, bv, Wo, bo,
             ln1_g, ln1_b, ln2_g, ln2_b, router_w, W1, b1, W2, b2, cls_w, cls_b):
    Bb, Tt = input_ids.shape
    dh = D // H
    x = tok_emb[input_ids] + pos_emb[:Tt][None, :, :]
    maskf = attention_mask.astype(jnp.float32)
    bias = (1.0 - maskf)[:, None, None, :] * (-1e9)
    ntok = Bb * Tt
    cap = int(CAPF * ntok / E)
    aux_total = jnp.float32(0.0)
    for l in range(NL):
        q = (x @ Wq[l] + bq[l]).reshape(Bb, Tt, H, dh).transpose(0, 2, 1, 3)
        k = (x @ Wk[l] + bk[l]).reshape(Bb, Tt, H, dh).transpose(0, 2, 1, 3)
        v = (x @ Wv[l] + bv[l]).reshape(Bb, Tt, H, dh).transpose(0, 2, 1, 3)
        scores = jnp.einsum('bhqd,bhkd->bhqk', q, k) / np.sqrt(dh) + bias
        attn = jax.nn.softmax(scores, axis=-1)
        av = jnp.einsum('bhqk,bhkd->bhqd', attn, v).transpose(0, 2, 1, 3).reshape(Bb, Tt, D)
        x = _ln(x + av @ Wo[l] + bo[l], ln1_g[l], ln1_b[l])
        # Switch (top-1) MoE FFN with capacity and token dropping
        tokens = x.reshape(ntok, D)
        rl = tokens @ router_w[l]
        probs = jax.nn.softmax(rl, axis=-1)
        eidx = jnp.argmax(probs, axis=-1)
        gate = jnp.max(probs, axis=-1)
        oneh = jax.nn.one_hot(eidx, E, dtype=jnp.float32)
        posm = jnp.cumsum(oneh, axis=0) * oneh
        posn = jnp.sum(posm, axis=-1) - 1.0
        keep = (posn < cap).astype(jnp.float32)
        pos_oh = jax.nn.one_hot(posn.astype(jnp.int32), cap, dtype=jnp.float32)
        dispatch = (oneh * keep[:, None])[:, :, None] * pos_oh[:, None, :]
        einp = jnp.einsum('nec,nd->ecd', dispatch, tokens)
        h = jax.nn.relu(jnp.einsum('ecd,edf->ecf', einp, W1[l]) + b1[l][:, None, :])
        eout = jnp.einsum('ecf,efd->ecd', h, W2[l]) + b2[l][:, None, :]
        moe = jnp.einsum('nec,ecd->nd', dispatch, eout) * gate[:, None]
        x = _ln(x + moe.reshape(Bb, Tt, D), ln2_g[l], ln2_b[l])
        frac = jnp.mean(oneh, axis=0)
        pmean = jnp.mean(probs, axis=0)
        aux_total = aux_total + AUXC * E * jnp.sum(frac * pmean)
    denom = jnp.clip(jnp.sum(maskf, axis=1, keepdims=True), 1.0, None)
    pooled = jnp.sum(x * maskf[:, :, None], axis=1) / denom
    logits = pooled @ cls_w + cls_b
    return logits, aux_total


def reference(input_ids, attention_mask, tok_emb, pos_emb, Wq, bq, Wk, bk, Wv, bv, Wo, bo,
              ln1_g, ln1_b, ln2_g, ln2_b, router_w, W1, b1, W2, b2, cls_w, cls_b):
    return _forward(input_ids=input_ids, attention_mask=attention_mask, tok_emb=tok_emb,
                    pos_emb=pos_emb, Wq=Wq, bq=bq, Wk=Wk, bk=bk, Wv=Wv, bv=bv, Wo=Wo, bo=bo,
                    ln1_g=ln1_g, ln1_b=ln1_b, ln2_g=ln2_g, ln2_b=ln2_b, router_w=router_w,
                    W1=W1, b1=b1, W2=W2, b2=b2, cls_w=cls_w, cls_b=cls_b)

if __name__ == "__main__":
    import jax
    _d = setup_inputs()
    print(jax.jit(kernel)(*tuple(_d.values())))

</pallas_src>

<mosaic_0001>
#map = affine_map<(d0, d1) -> (0, 0)>
#map1 = affine_map<(d0, d1) -> (0)>
module attributes {stable_mosaic.version = 14 : i64} {
  func.func @body(%arg0: i32, %arg1: i32, %arg2: memref<4096x1024xf32, #tpu.memory_space<hbm>>, %arg3: memref<4096xi32, #tpu.memory_space<hbm>>, %arg4: memref<4096x1024xf32, #tpu.memory_space<hbm>>, %arg5: memref<2x32xi32, #tpu.memory_space<vmem>>, %arg6: memref<2x32x1024xf32, #tpu.memory_space<vmem>>, %arg7: memref<!tpu.dma_semaphore, #tpu.memory_space<semaphore_mem>>, %arg8: memref<!tpu.dma_semaphore, #tpu.memory_space<semaphore_mem>>, %arg9: memref<!tpu.dma_semaphore, #tpu.memory_space<semaphore_mem>>, %arg10: memref<!tpu.dma_semaphore, #tpu.memory_space<semaphore_mem>>) attributes {dimension_semantics = [#tpu.dimension_semantics<core_parallel>, #tpu.dimension_semantics<subcore_parallel>], iteration_bounds = array<i64: 2, 16>, scalar_prefetch = 0 : i64, scratch_operands = 6 : i64, tpu.core_type = #tpu.core_type<sc_vector_subcore>, window_params = [{transform_indices = #map}, {transform_indices = #map1}, {transform_indices = #map}]} {
    %mul3A = arith.constant 2 : i32
    %mul3A_0 = arith.muli %arg1, %mul3A : i32
    %add3A = arith.addi %mul3A_0, %arg0 : i32
    %mul3A_1 = arith.constant 128 : i32
    %mul3A_2 = arith.muli %add3A, %mul3A_1 : i32
    %add3A_3 = arith.constant 0 : i32
    %add3A_4 = arith.addi %mul3A_2, %add3A_3 : i32
    %run_scoped3A = arith.constant 0 : i32
    "tpu.region"() ({
      %run_scoped3A_234 = tpu.sem_alloc : memref<!tpu.dma_semaphore, #tpu.memory_space<semaphore_mem>>
      %dma_start3A_235 = arith.constant 0 : i32
      %dma_start3A_236 = tpu.memref_slice %arg5[%run_scoped3A, %dma_start3A_235] : memref<2x32xi32, #tpu.memory_space<vmem>> -> memref<1x32xi32, #tpu.memory_space<vmem>>
      %dma_start3A_237 = tpu.memref_squeeze %dma_start3A_236 : memref<1x32xi32, #tpu.memory_space<vmem>> -> memref<32xi32, #tpu.memory_space<vmem>>
      %dma_start3A_238 = tpu.memref_slice %arg3[%add3A_4] : memref<4096xi32, #tpu.memory_space<hbm>> -> memref<32xi32, #tpu.memory_space<hbm>>
      %dma_start3A_239 = arith.constant 0 : i32
      %dma_start3A_240 = tpu.memref_slice %arg5[%run_scoped3A, %dma_start3A_239] : memref<2x32xi32, #tpu.memory_space<vmem>> -> memref<1x32xi32, #tpu.memory_space<vmem>>
      %dma_start3A_241 = tpu.memref_squeeze %dma_start3A_240 : memref<1x32xi32, #tpu.memory_space<vmem>> -> memref<32xi32, #tpu.memory_space<vmem>>
      %dma_start3A_242 = tpu.memref_slice %arg3[%add3A_4] : memref<4096xi32, #tpu.memory_space<hbm>> -> memref<32xi32, #tpu.memory_space<hbm>>
      tpu.enqueue_dma source(%dma_start3A_242 : memref<32xi32, #tpu.memory_space<hbm>>) target(%dma_start3A_241 : memref<32xi32, #tpu.memory_space<vmem>>) target_semaphore(%run_scoped3A_234 : memref<!tpu.dma_semaphore, #tpu.memory_space<semaphore_mem>>)
      %dma_wait3A_243 = arith.constant 0 : i32
      %dma_wait3A_244 = tpu.memref_slice %arg5[%run_scoped3A, %dma_wait3A_243] : memref<2x32xi32, #tpu.memory_space<vmem>> -> memref<1x32xi32, #tpu.memory_space<vmem>>
      %dma_wait3A_245 = tpu.memref_squeeze %dma_wait3A_244 : memref<1x32xi32, #tpu.memory_space<vmem>> -> memref<32xi32, #tpu.memory_space<vmem>>
      %dma_wait3A_246 = tpu.memref_slice %arg3[%add3A_4] : memref<4096xi32, #tpu.memory_space<hbm>> -> memref<32xi32, #tpu.memory_space<hbm>>
      %dma_wait3A_247 = arith.constant 0 : i32
      %dma_wait3A_248 = tpu.memref_slice %arg5[%run_scoped3A, %dma_wait3A_247] : memref<2x32xi32, #tpu.memory_space<vmem>> -> memref<1x32xi32, #tpu.memory_space<vmem>>
      %dma_wait3A_249 = tpu.memref_squeeze %dma_wait3A_248 : memref<1x32xi32, #tpu.memory_space<vmem>> -> memref<32xi32, #tpu.memory_space<vmem>>
      %dma_wait3A_250 = tpu.memref_slice %arg3[%add3A_4] : memref<4096xi32, #tpu.memory_space<hbm>> -> memref<32xi32, #tpu.memory_space<hbm>>
      tpu.wait_dma2 semaphore(%run_scoped3A_234 : memref<!tpu.dma_semaphore, #tpu.memory_space<semaphore_mem>>) src(%dma_wait3A_250 : memref<32xi32, #tpu.memory_space<hbm>>) dst(%dma_wait3A_249 : memref<32xi32, #tpu.memory_space<vmem>>)
      tpu.yield
    }) : () -> ()
    %dma_start3A = arith.constant 0 : i32
    %dma_start3A_5 = arith.constant 0 : i32
    %dma_start3A_6 = arith.constant 0 : i32
    %dma_start3A_7 = arith.constant 0 : i32
    %dma_start3A_8 = tpu.memref_slice %arg6[%dma_start3A_5, %dma_start3A_6, %dma_start3A_7] : memref<2x32x1024xf32, #tpu.memory_space<vmem>> -> memref<1x32x1024xf32, #tpu.memory_space<vmem>>
    %dma_start3A_9 = tpu.memref_squeeze %dma_start3A_8 : memref<1x32x1024xf32, #tpu.memory_space<vmem>> -> memref<32x1024xf32, #tpu.memory_space<vmem>>
    %dma_start3A_10 = arith.constant 0 : i32
    %dma_start3A_11 = tpu.memref_slice %arg5[%dma_start3A, %dma_start3A_10] : memref<2x32xi32, #tpu.memory_space<vmem>> -> memref<1x32xi32, #tpu.memory_space<vmem>>
    %dma_start3A_12 = tpu.memref_squeeze %dma_start3A_11 : memref<1x32xi32, #tpu.memory_space<vmem>> -> memref<32xi32, #tpu.memory_space<vmem>>
    %dma_start3A_13 = arith.constant 0 : i32
    %dma_start3A_14 = arith.constant 0 : i32
    %dma_start3A_15 = tpu.memref_slice %arg2[%dma_start3A_13, %dma_start3A_14] : memref<4096x1024xf32, #tpu.memory_space<hbm>> -> memref<4096x1024xf32, #tpu.memory_space<hbm>>
    tpu.enqueue_indirect_dma source(%dma_start3A_15 : memref<4096x1024xf32, #tpu.memory_space<hbm>>) target(%dma_start3A_9 : memref<32x1024xf32, #tpu.memory_space<vmem>>) offsets(%dma_start3A_12 : memref<32xi32, #tpu.memory_space<vmem>>) semaphore(%arg7 : memref<!tpu.dma_semaphore, #tpu.memory_space<semaphore_mem>>)
    %mul3A_16 = arith.constant 128 : i32
    %mul3A_17 = arith.muli %add3A, %mul3A_16 : i32
    %add3A_18 = arith.constant 32 : i32
    %add3A_19 = arith.addi %mul3A_17, %add3A_18 : i32
    %run_scoped3A_20 = arith.constant 1 : i32
    "tpu.region"() ({
      %run_scoped3A_234 = tpu.sem_alloc : memref<!tpu.dma_semaphore, #tpu.memory_space<semaphore_mem>>
      %dma_start3A_235 = arith.constant 0 : i32
      %dma_start3A_236 = tpu.memref_slice %arg5[%run_scoped3A_20, %dma_start3A_235] : memref<2x32xi32, #tpu.memory_space<vmem>> -> memref<1x32xi32, #tpu.memory_space<vmem>>
      %dma_start3A_237 = tpu.memref_squeeze %dma_start3A_236 : memref<1x32xi32, #tpu.memory_space<vmem>> -> memref<32xi32, #tpu.memory_space<vmem>>
      %dma_start3A_238 = tpu.memref_slice %arg3[%add3A_19] : memref<4096xi32, #tpu.memory_space<hbm>> -> memref<32xi32, #tpu.memory_space<hbm>>
      %dma_start3A_239 = arith.constant 0 : i32
      %dma_start3A_240 = tpu.memref_slice %arg5[%run_scoped3A_20, %dma_start3A_239] : memref<2x32xi32, #tpu.memory_space<vmem>> -> memref<1x32xi32, #tpu.memory_space<vmem>>
      %dma_start3A_241 = tpu.memref_squeeze %dma_start3A_240 : memref<1x32xi32, #tpu.memory_space<vmem>> -> memref<32xi32, #tpu.memory_space<vmem>>
      %dma_start3A_242 = tpu.memref_slice %arg3[%add3A_19] : memref<4096xi32, #tpu.memory_space<hbm>> -> memref<32xi32, #tpu.memory_space<hbm>>
      tpu.enqueue_dma source(%dma_start3A_242 : memref<32xi32, #tpu.memory_space<hbm>>) target(%dma_start3A_241 : memref<32xi32, #tpu.memory_space<vmem>>) target_semaphore(%run_scoped3A_234 : memref<!tpu.dma_semaphore, #tpu.memory_space<semaphore_mem>>)
      %dma_wait3A_243 = arith.constant 0 : i32
      %dma_wait3A_244 = tpu.memref_slice %arg5[%run_scoped3A_20, %dma_wait3A_243] : memref<2x32xi32, #tpu.memory_space<vmem>> -> memref<1x32xi32, #tpu.memory_space<vmem>>
      %dma_wait3A_245 = tpu.memref_squeeze %dma_wait3A_244 : memref<1x32xi32, #tpu.memory_space<vmem>> -> memref<32xi32, #tpu.memory_space<vmem>>
      %dma_wait3A_246 = tpu.memref_slice %arg3[%add3A_19] : memref<4096xi32, #tpu.memory_space<hbm>> -> memref<32xi32, #tpu.memory_space<hbm>>
      %dma_wait3A_247 = arith.constant 0 : i32
      %dma_wait3A_248 = tpu.memref_slice %arg5[%run_scoped3A_20, %dma_wait3A_247] : memref<2x32xi32, #tpu.memory_space<vmem>> -> memref<1x32xi32, #tpu.memory_space<vmem>>
      %dma_wait3A_249 = tpu.memref_squeeze %dma_wait3A_248 : memref<1x32xi32, #tpu.memory_space<vmem>> -> memref<32xi32, #tpu.memory_space<vmem>>
      %dma_wait3A_250 = tpu.memref_slice %arg3[%add3A_19] : memref<4096xi32, #tpu.memory_space<hbm>> -> memref<32xi32, #tpu.memory_space<hbm>>
      tpu.wait_dma2 semaphore(%run_scoped3A_234 : memref<!tpu.dma_semaphore, #tpu.memory_space<semaphore_mem>>) src(%dma_wait3A_250 : memref<32xi32, #tpu.memory_space<hbm>>) dst(%dma_wait3A_249 : memref<32xi32, #tpu.memory_space<vmem>>)
      tpu.yield
    }) : () -> ()
    %dma_start3A_21 = arith.constant 1 : i32
    %dma_start3A_22 = arith.constant 1 : i32
    %dma_start3A_23 = arith.constant 0 : i32
    %dma_start3A_24 = arith.constant 0 : i32
    %dma_start3A_25 = tpu.memref_slice %arg6[%dma_start3A_22, %dma_start3A_23, %dma_start3A_24] : memref<2x32x1024xf32, #tpu.memory_space<vmem>> -> memref<1x32x1024xf32, #tpu.memory_space<vmem>>
    %dma_start3A_26 = tpu.memref_squeeze %dma_start3A_25 : memref<1x32x1024xf32, #tpu.memory_space<vmem>> -> memref<32x1024xf32, #tpu.memory_space<vmem>>
    %dma_start3A_27 = arith.constant 0 : i32
    %dma_start3A_28 = tpu.memref_slice %arg5[%dma_start3A_21, %dma_start3A_27] : memref<2x32xi32, #tpu.memory_space<vmem>> -> memref<1x32xi32, #tpu.memory_space<vmem>>
    %dma_start3A_29 = tpu.memref_squeeze %dma_start3A_28 : memref<1x32xi32, #tpu.memory_space<vmem>> -> memref<32xi32, #tpu.memory_space<vmem>>
    %dma_start3A_30 = arith.constant 0 : i32
    %dma_start3A_31 = arith.constant 0 : i32
    %dma_start3A_32 = tpu.memref_slice %arg2[%dma_start3A_30, %dma_start3A_31] : memref<4096x1024xf32, #tpu.memory_space<hbm>> -> memref<4096x1024xf32, #tpu.memory_space<hbm>>
    tpu.enqueue_indirect_dma source(%dma_start3A_32 : memref<4096x1024xf32, #tpu.memory_space<hbm>>) target(%dma_start3A_26 : memref<32x1024xf32, #tpu.memory_space<vmem>>) offsets(%dma_start3A_29 : memref<32xi32, #tpu.memory_space<vmem>>) semaphore(%arg8 : memref<!tpu.dma_semaphore, #tpu.memory_space<semaphore_mem>>)
    %dma_wait3A = arith.constant 0 : i32
    %dma_wait3A_33 = arith.constant 0 : i32
    %dma_wait3A_34 = arith.constant 0 : i32
    %dma_wait3A_35 = arith.constant 0 : i32
    %dma_wait3A_36 = tpu.memref_slice %arg6[%dma_wait3A_33, %dma_wait3A_34, %dma_wait3A_35] : memref<2x32x1024xf32, #tpu.memory_space<vmem>> -> memref<1x32x1024xf32, #tpu.memory_space<vmem>>
    %dma_wait3A_37 = tpu.memref_squeeze %dma_wait3A_36 : memref<1x32x1024xf32, #tpu.memory_space<vmem>> -> memref<32x1024xf32, #tpu.memory_space<vmem>>
    %dma_wait3A_38 = arith.constant 0 : i32
    %dma_wait3A_39 = tpu.memref_slice %arg5[%dma_wait3A, %dma_wait3A_38] : memref<2x32xi32, #tpu.memory_space<vmem>> -> memref<1x32xi32, #tpu.memory_space<vmem>>
    %dma_wait3A_40 = tpu.memref_squeeze %dma_wait3A_39 : memref<1x32xi32, #tpu.memory_space<vmem>> -> memref<32xi32, #tpu.memory_space<vmem>>
    %dma_wait3A_41 = arith.constant 0 : i32
    %dma_wait3A_42 = arith.constant 0 : i32
    %dma_wait3A_43 = tpu.memref_slice %arg2[%dma_wait3A_41, %dma_wait3A_42] : memref<4096x1024xf32, #tpu.memory_space<hbm>> -> memref<4096x1024xf32, #tpu.memory_space<hbm>>
    tpu.wait_indirect_dma semaphore(%arg7 : memref<!tpu.dma_semaphore, #tpu.memory_space<semaphore_mem>>) src(%dma_wait3A_43 : memref<4096x1024xf32, #tpu.memory_space<hbm>>) dst(%dma_wait3A_37 : memref<32x1024xf32, #tpu.memory_space<vmem>>)
    %mul3A_44 = arith.constant 128 : i32
    %mul3A_45 = arith.muli %add3A, %mul3A_44 : i32
    %add3A_46 = arith.constant 0 : i32
    %add3A_47 = arith.addi %mul3A_45, %add3A_46 : i32
    %dma_start3A_48 = arith.constant 0 : i32
    %dma_start3A_49 = arith.constant 0 : i32
    %dma_start3A_50 = arith.constant 0 : i32
    %dma_start3A_51 = tpu.memref_slice %arg6[%dma_start3A_48, %dma_start3A_49, %dma_start3A_50] : memref<2x32x1024xf32, #tpu.memory_space<vmem>> -> memref<1x32x1024xf32, #tpu.memory_space<vmem>>
    %dma_start3A_52 = tpu.memref_squeeze %dma_start3A_51 : memref<1x32x1024xf32, #tpu.memory_space<vmem>> -> memref<32x1024xf32, #tpu.memory_space<vmem>>
    %dma_start3A_53 = arith.constant 0 : i32
    %dma_start3A_54 = tpu.memref_slice %arg4[%add3A_47, %dma_start3A_53] : memref<4096x1024xf32, #tpu.memory_space<hbm>> -> memref<32x1024xf32, #tpu.memory_space<hbm>>
    %dma_start3A_55 = arith.constant 0 : i32
    %dma_start3A_56 = tpu.memref_slice %arg4[%add3A_47, %dma_start3A_55] : memref<4096x1024xf32, #tpu.memory_space<hbm>> -> memref<32x1024xf32, #tpu.memory_space<hbm>>
    %dma_start3A_57 = arith.constant 0 : i32
    %dma_start3A_58 = arith.constant 0 : i32
    %dma_start3A_59 = tpu.memref_slice %arg6[%dma_start3A_48, %dma_start3A_57, %dma_start3A_58] : memref<2x32x1024xf32, #tpu.memory_space<vmem>> -> memref<1x32x1024xf32, #tpu.memory_space<vmem>>
    %dma_start3A_60 = tpu.memref_squeeze %dma_start3A_59 : memref<1x32x1024xf32, #tpu.memory_space<vmem>> -> memref<32x1024xf32, #tpu.memory_space<vmem>>
    tpu.enqueue_dma source(%dma_start3A_60 : memref<32x1024xf32, #tpu.memory_space<vmem>>) target(%dma_start3A_56 : memref<32x1024xf32, #tpu.memory_space<hbm>>) target_semaphore(%arg9 : memref<!tpu.dma_semaphore, #tpu.memory_space<semaphore_mem>>)
    %dma_wait3A_61 = arith.constant 0 : i32
    %dma_wait3A_62 = arith.constant 0 : i32
    %dma_wait3A_63 = arith.constant 0 : i32
    %dma_wait3A_64 = tpu.memref_slice %arg6[%dma_wait3A_61, %dma_wait3A_62, %dma_wait3A_63] : memref<2x32x1024xf32, #tpu.memory_space<vmem>> -> memref<1x32x1024xf32, #tpu.memory_space<vmem>>
    %dma_wait3A_65 = tpu.memref_squeeze %dma_wait3A_64 : memref<1x32x1024xf32, #tpu.memory_space<vmem>> -> memref<32x1024xf32, #tpu.memory_space<vmem>>
    %dma_wait3A_66 = arith.constant 0 : i32
    %dma_wait3A_67 = tpu.memref_slice %arg4[%add3A_47, %dma_wait3A_66] : memref<4096x1024xf32, #tpu.memory_space<hbm>> -> memref<32x1024xf32, #tpu.memory_space<hbm>>
    %dma_wait3A_68 = arith.constant 0 : i32
    %dma_wait3A_69 = tpu.memref_slice %arg4[%add3A_47, %dma_wait3A_68] : memref<4096x1024xf32, #tpu.memory_space<hbm>> -> memref<32x1024xf32, #tpu.memory_space<hbm>>
    %dma_wait3A_70 = arith.constant 0 : i32
    %dma_wait3A_71 = arith.constant 0 : i32
    %dma_wait3A_72 = tpu.memref_slice %arg6[%dma_wait3A_61, %dma_wait3A_70, %dma_wait3A_71] : memref<2x32x1024xf32, #tpu.memory_space<vmem>> -> memref<1x32x1024xf32, #tpu.memory_space<vmem>>
    %dma_wait3A_73 = tpu.memref_squeeze %dma_wait3A_72 : memref<1x32x1024xf32, #tpu.memory_space<vmem>> -> memref<32x1024xf32, #tpu.memory_space<vmem>>
    tpu.wait_dma2 semaphore(%arg9 : memref<!tpu.dma_semaphore, #tpu.memory_space<semaphore_mem>>) src(%dma_wait3A_73 : memref<32x1024xf32, #tpu.memory_space<vmem>>) dst(%dma_wait3A_69 : memref<32x1024xf32, #tpu.memory_space<hbm>>)
    %mul3A_74 = arith.constant 128 : i32
    %mul3A_75 = arith.muli %add3A, %mul3A_74 : i32
    %add3A_76 = arith.constant 64 : i32
    %add3A_77 = arith.addi %mul3A_75, %add3A_76 : i32
    %run_scoped3A_78 = arith.constant 0 : i32
    "tpu.region"() ({
      %run_scoped3A_234 = tpu.sem_alloc : memref<!tpu.dma_semaphore, #tpu.memory_space<semaphore_mem>>
      %dma_start3A_235 = arith.constant 0 : i32
      %dma_start3A_236 = tpu.memref_slice %arg5[%run_scoped3A_78, %dma_start3A_235] : memref<2x32xi32, #tpu.memory_space<vmem>> -> memref<1x32xi32, #tpu.memory_space<vmem>>
      %dma_start3A_237 = tpu.memref_squeeze %dma_start3A_236 : memref<1x32xi32, #tpu.memory_space<vmem>> -> memref<32xi32, #tpu.memory_space<vmem>>
      %dma_start3A_238 = tpu.memref_slice %arg3[%add3A_77] : memref<4096xi32, #tpu.memory_space<hbm>> -> memref<32xi32, #tpu.memory_space<hbm>>
      %dma_start3A_239 = arith.constant 0 : i32
      %dma_start3A_240 = tpu.memref_slice %arg5[%run_scoped3A_78, %dma_start3A_239] : memref<2x32xi32, #tpu.memory_space<vmem>> -> memref<1x32xi32, #tpu.memory_space<vmem>>
      %dma_start3A_241 = tpu.memref_squeeze %dma_start3A_240 : memref<1x32xi32, #tpu.memory_space<vmem>> -> memref<32xi32, #tpu.memory_space<vmem>>
      %dma_start3A_242 = tpu.memref_slice %arg3[%add3A_77] : memref<4096xi32, #tpu.memory_space<hbm>> -> memref<32xi32, #tpu.memory_space<hbm>>
      tpu.enqueue_dma source(%dma_start3A_242 : memref<32xi32, #tpu.memory_space<hbm>>) target(%dma_start3A_241 : memref<32xi32, #tpu.memory_space<vmem>>) target_semaphore(%run_scoped3A_234 : memref<!tpu.dma_semaphore, #tpu.memory_space<semaphore_mem>>)
      %dma_wait3A_243 = arith.constant 0 : i32
      %dma_wait3A_244 = tpu.memref_slice %arg5[%run_scoped3A_78, %dma_wait3A_243] : memref<2x32xi32, #tpu.memory_space<vmem>> -> memref<1x32xi32, #tpu.memory_space<vmem>>
      %dma_wait3A_245 = tpu.memref_squeeze %dma_wait3A_244 : memref<1x32xi32, #tpu.memory_space<vmem>> -> memref<32xi32, #tpu.memory_space<vmem>>
      %dma_wait3A_246 = tpu.memref_slice %arg3[%add3A_77] : memref<4096xi32, #tpu.memory_space<hbm>> -> memref<32xi32, #tpu.memory_space<hbm>>
      %dma_wait3A_247 = arith.constant 0 : i32
      %dma_wait3A_248 = tpu.memref_slice %arg5[%run_scoped3A_78, %dma_wait3A_247] : memref<2x32xi32, #tpu.memory_space<vmem>> -> memref<1x32xi32, #tpu.memory_space<vmem>>
      %dma_wait3A_249 = tpu.memref_squeeze %dma_wait3A_248 : memref<1x32xi32, #tpu.memory_space<vmem>> -> memref<32xi32, #tpu.memory_space<vmem>>
      %dma_wait3A_250 = tpu.memref_slice %arg3[%add3A_77] : memref<4096xi32, #tpu.memory_space<hbm>> -> memref<32xi32, #tpu.memory_space<hbm>>
      tpu.wait_dma2 semaphore(%run_scoped3A_234 : memref<!tpu.dma_semaphore, #tpu.memory_space<semaphore_mem>>) src(%dma_wait3A_250 : memref<32xi32, #tpu.memory_space<hbm>>) dst(%dma_wait3A_249 : memref<32xi32, #tpu.memory_space<vmem>>)
      tpu.yield
    }) : () -> ()
    %dma_start3A_79 = arith.constant 0 : i32
    %dma_start3A_80 = arith.constant 0 : i32
    %dma_start3A_81 = arith.constant 0 : i32
    %dma_start3A_82 = arith.constant 0 : i32
    %dma_start3A_83 = tpu.memref_slice %arg6[%dma_start3A_80, %dma_start3A_81, %dma_start3A_82] : memref<2x32x1024xf32, #tpu.memory_space<vmem>> -> memref<1x32x1024xf32, #tpu.memory_space<vmem>>
    %dma_start3A_84 = tpu.memref_squeeze %dma_start3A_83 : memref<1x32x1024xf32, #tpu.memory_space<vmem>> -> memref<32x1024xf32, #tpu.memory_space<vmem>>
    %dma_start3A_85 = arith.constant 0 : i32
    %dma_start3A_86 = tpu.memref_slice %arg5[%dma_start3A_79, %dma_start3A_85] : memref<2x32xi32, #tpu.memory_space<vmem>> -> memref<1x32xi32, #tpu.memory_space<vmem>>
    %dma_start3A_87 = tpu.memref_squeeze %dma_start3A_86 : memref<1x32xi32, #tpu.memory_space<vmem>> -> memref<32xi32, #tpu.memory_space<vmem>>
    %dma_start3A_88 = arith.constant 0 : i32
    %dma_start3A_89 = arith.constant 0 : i32
    %dma_start3A_90 = tpu.memref_slice %arg2[%dma_start3A_88, %dma_start3A_89] : memref<4096x1024xf32, #tpu.memory_space<hbm>> -> memref<4096x1024xf32, #tpu.memory_space<hbm>>
    tpu.enqueue_indirect_dma source(%dma_start3A_90 : memref<4096x1024xf32, #tpu.memory_space<hbm>>) target(%dma_start3A_84 : memref<32x1024xf32, #tpu.memory_space<vmem>>) offsets(%dma_start3A_87 : memref<32xi32, #tpu.memory_space<vmem>>) semaphore(%arg7 : memref<!tpu.dma_semaphore, #tpu.memory_space<semaphore_mem>>)
    %dma_wait3A_91 = arith.constant 1 : i32
    %dma_wait3A_92 = arith.constant 1 : i32
    %dma_wait3A_93 = arith.constant 0 : i32
    %dma_wait3A_94 = arith.constant 0 : i32
    %dma_wait3A_95 = tpu.memref_slice %arg6[%dma_wait3A_92, %dma_wait3A_93, %dma_wait3A_94] : memref<2x32x1024xf32, #tpu.memory_space<vmem>> -> memref<1x32x1024xf32, #tpu.memory_space<vmem>>
    %dma_wait3A_96 = tpu.memref_squeeze %dma_wait3A_95 : memref<1x32x1024xf32, #tpu.memory_space<vmem>> -> memref<32x1024xf32, #tpu.memory_space<vmem>>
    %dma_wait3A_97 = arith.constant 0 : i32
    %dma_wait3A_98 = tpu.memref_slice %arg5[%dma_wait3A_91, %dma_wait3A_97] : memref<2x32xi32, #tpu.memory_space<vmem>> -> memref<1x32xi32, #tpu.memory_space<vmem>>
    %dma_wait3A_99 = tpu.memref_squeeze %dma_wait3A_98 : memref<1x32xi32, #tpu.memory_space<vmem>> -> memref<32xi32, #tpu.memory_space<vmem>>
    %dma_wait3A_100 = arith.constant 0 : i32
    %dma_wait3A_101 = arith.constant 0 : i32
    %dma_wait3A_102 = tpu.memref_slice %arg2[%dma_wait3A_100, %dma_wait3A_101] : memref<4096x1024xf32, #tpu.memory_space<hbm>> -> memref<4096x1024xf32, #tpu.memory_space<hbm>>
    tpu.wait_indirect_dma semaphore(%arg8 : memref<!tpu.dma_semaphore, #tpu.memory_space<semaphore_mem>>) src(%dma_wait3A_102 : memref<4096x1024xf32, #tpu.memory_space<hbm>>) dst(%dma_wait3A_96 : memref<32x1024xf32, #tpu.memory_space<vmem>>)
    %mul3A_103 = arith.constant 128 : i32
    %mul3A_104 = arith.muli %add3A, %mul3A_103 : i32
    %add3A_105 = arith.constant 32 : i32
    %add3A_106 = arith.addi %mul3A_104, %add3A_105 : i32
    %dma_start3A_107 = arith.constant 1 : i32
    %dma_start3A_108 = arith.constant 0 : i32
    %dma_start3A_109 = arith.constant 0 : i32
    %dma_start3A_110 = tpu.memref_slice %arg6[%dma_start3A_107, %dma_start3A_108, %dma_start3A_109] : memref<2x32x1024xf32, #tpu.memory_space<vmem>> -> memref<1x32x1024xf32, #tpu.memory_space<vmem>>
    %dma_start3A_111 = tpu.memref_squeeze %dma_start3A_110 : memref<1x32x1024xf32, #tpu.memory_space<vmem>> -> memref<32x1024xf32, #tpu.memory_space<vmem>>
    %dma_start3A_112 = arith.constant 0 : i32
    %dma_start3A_113 = tpu.memref_slice %arg4[%add3A_106, %dma_start3A_112] : memref<4096x1024xf32, #tpu.memory_space<hbm>> -> memref<32x1024xf32, #tpu.memory_space<hbm>>
    %dma_start3A_114 = arith.constant 0 : i32
    %dma_start3A_115 = tpu.memref_slice %arg4[%add3A_106, %dma_start3A_114] : memref<4096x1024xf32, #tpu.memory_space<hbm>> -> memref<32x1024xf32, #tpu.memory_space<hbm>>
    %dma_start3A_116 = arith.constant 0 : i32
    %dma_start3A_117 = arith.constant 0 : i32
    %dma_start3A_118 = tpu.memref_slice %arg6[%dma_start3A_107, %dma_start3A_116, %dma_start3A_117] : memref<2x32x1024xf32, #tpu.memory_space<vmem>> -> memref<1x32x1024xf32, #tpu.memory_space<vmem>>
    %dma_start3A_119 = tpu.memref_squeeze %dma_start3A_118 : memref<1x32x1024xf32, #tpu.memory_space<vmem>> -> memref<32x1024xf32, #tpu.memory_space<vmem>>
    tpu.enqueue_dma source(%dma_start3A_119 : memref<32x1024xf32, #tpu.memory_space<vmem>>) target(%dma_start3A_115 : memref<32x1024xf32, #tpu.memory_space<hbm>>) target_semaphore(%arg10 : memref<!tpu.dma_semaphore, #tpu.memory_space<semaphore_mem>>)
    %dma_wait3A_120 = arith.constant 1 : i32
    %dma_wait3A_121 = arith.constant 0 : i32
    %dma_wait3A_122 = arith.constant 0 : i32
    %dma_wait3A_123 = tpu.memref_slice %arg6[%dma_wait3A_120, %dma_wait3A_121, %dma_wait3A_122] : memref<2x32x1024xf32, #tpu.memory_space<vmem>> -> memref<1x32x1024xf32, #tpu.memory_space<vmem>>
    %dma_wait3A_124 = tpu.memref_squeeze %dma_wait3A_123 : memref<1x32x1024xf32, #tpu.memory_space<vmem>> -> memref<32x1024xf32, #tpu.memory_space<vmem>>
    %dma_wait3A_125 = arith.constant 0 : i32
    %dma_wait3A_126 = tpu.memref_slice %arg4[%add3A_106, %dma_wait3A_125] : memref<4096x1024xf32, #tpu.memory_space<hbm>> -> memref<32x1024xf32, #tpu.memory_space<hbm>>
    %dma_wait3A_127 = arith.constant 0 : i32
    %dma_wait3A_128 = tpu.memref_slice %arg4[%add3A_106, %dma_wait3A_127] : memref<4096x1024xf32, #tpu.memory_space<hbm>> -> memref<32x1024xf32, #tpu.memory_space<hbm>>
    %dma_wait3A_129 = arith.constant 0 : i32
    %dma_wait3A_130 = arith.constant 0 : i32
    %dma_wait3A_131 = tpu.memref_slice %arg6[%dma_wait3A_120, %dma_wait3A_129, %dma_wait3A_130] : memref<2x32x1024xf32, #tpu.memory_space<vmem>> -> memref<1x32x1024xf32, #tpu.memory_space<vmem>>
    %dma_wait3A_132 = tpu.memref_squeeze %dma_wait3A_131 : memref<1x32x1024xf32, #tpu.memory_space<vmem>> -> memref<32x1024xf32, #tpu.memory_space<vmem>>
    tpu.wait_dma2 semaphore(%arg10 : memref<!tpu.dma_semaphore, #tpu.memory_space<semaphore_mem>>) src(%dma_wait3A_132 : memref<32x1024xf32, #tpu.memory_space<vmem>>) dst(%dma_wait3A_128 : memref<32x1024xf32, #tpu.memory_space<hbm>>)
    %mul3A_133 = arith.constant 128 : i32
    %mul3A_134 = arith.muli %add3A, %mul3A_133 : i32
    %add3A_135 = arith.constant 96 : i32
    %add3A_136 = arith.addi %mul3A_134, %add3A_135 : i32
    %run_scoped3A_137 = arith.constant 1 : i32
    "tpu.region"() ({
      %run_scoped3A_234 = tpu.sem_alloc : memref<!tpu.dma_semaphore, #tpu.memory_space<semaphore_mem>>
      %dma_start3A_235 = arith.constant 0 : i32
      %dma_start3A_236 = tpu.memref_slice %arg5[%run_scoped3A_137, %dma_start3A_235] : memref<2x32xi32, #tpu.memory_space<vmem>> -> memref<1x32xi32, #tpu.memory_space<vmem>>
      %dma_start3A_237 = tpu.memref_squeeze %dma_start3A_236 : memref<1x32xi32, #tpu.memory_space<vmem>> -> memref<32xi32, #tpu.memory_space<vmem>>
      %dma_start3A_238 = tpu.memref_slice %arg3[%add3A_136] : memref<4096xi32, #tpu.memory_space<hbm>> -> memref<32xi32, #tpu.memory_space<hbm>>
      %dma_start3A_239 = arith.constant 0 : i32
      %dma_start3A_240 = tpu.memref_slice %arg5[%run_scoped3A_137, %dma_start3A_239] : memref<2x32xi32, #tpu.memory_space<vmem>> -> memref<1x32xi32, #tpu.memory_space<vmem>>
      %dma_start3A_241 = tpu.memref_squeeze %dma_start3A_240 : memref<1x32xi32, #tpu.memory_space<vmem>> -> memref<32xi32, #tpu.memory_space<vmem>>
      %dma_start3A_242 = tpu.memref_slice %arg3[%add3A_136] : memref<4096xi32, #tpu.memory_space<hbm>> -> memref<32xi32, #tpu.memory_space<hbm>>
      tpu.enqueue_dma source(%dma_start3A_242 : memref<32xi32, #tpu.memory_space<hbm>>) target(%dma_start3A_241 : memref<32xi32, #tpu.memory_space<vmem>>) target_semaphore(%run_scoped3A_234 : memref<!tpu.dma_semaphore, #tpu.memory_space<semaphore_mem>>)
      %dma_wait3A_243 = arith.constant 0 : i32
      %dma_wait3A_244 = tpu.memref_slice %arg5[%run_scoped3A_137, %dma_wait3A_243] : memref<2x32xi32, #tpu.memory_space<vmem>> -> memref<1x32xi32, #tpu.memory_space<vmem>>
      %dma_wait3A_245 = tpu.memref_squeeze %dma_wait3A_244 : memref<1x32xi32, #tpu.memory_space<vmem>> -> memref<32xi32, #tpu.memory_space<vmem>>
      %dma_wait3A_246 = tpu.memref_slice %arg3[%add3A_136] : memref<4096xi32, #tpu.memory_space<hbm>> -> memref<32xi32, #tpu.memory_space<hbm>>
      %dma_wait3A_247 = arith.constant 0 : i32
      %dma_wait3A_248 = tpu.memref_slice %arg5[%run_scoped3A_137, %dma_wait3A_247] : memref<2x32xi32, #tpu.memory_space<vmem>> -> memref<1x32xi32, #tpu.memory_space<vmem>>
      %dma_wait3A_249 = tpu.memref_squeeze %dma_wait3A_248 : memref<1x32xi32, #tpu.memory_space<vmem>> -> memref<32xi32, #tpu.memory_space<vmem>>
      %dma_wait3A_250 = tpu.memref_slice %arg3[%add3A_136] : memref<4096xi32, #tpu.memory_space<hbm>> -> memref<32xi32, #tpu.memory_space<hbm>>
      tpu.wait_dma2 semaphore(%run_scoped3A_234 : memref<!tpu.dma_semaphore, #tpu.memory_space<semaphore_mem>>) src(%dma_wait3A_250 : memref<32xi32, #tpu.memory_space<hbm>>) dst(%dma_wait3A_249 : memref<32xi32, #tpu.memory_space<vmem>>)
      tpu.yield
    }) : () -> ()
    %dma_start3A_138 = arith.constant 1 : i32
    %dma_start3A_139 = arith.constant 1 : i32
    %dma_start3A_140 = arith.constant 0 : i32
    %dma_start3A_141 = arith.constant 0 : i32
    %dma_start3A_142 = tpu.memref_slice %arg6[%dma_start3A_139, %dma_start3A_140, %dma_start3A_141] : memref<2x32x1024xf32, #tpu.memory_space<vmem>> -> memref<1x32x1024xf32, #tpu.memory_space<vmem>>
    %dma_start3A_143 = tpu.memref_squeeze %dma_start3A_142 : memref<1x32x1024xf32, #tpu.memory_space<vmem>> -> memref<32x1024xf32, #tpu.memory_space<vmem>>
    %dma_start3A_144 = arith.constant 0 : i32
    %dma_start3A_145 = tpu.memref_slice %arg5[%dma_start3A_138, %dma_start3A_144] : memref<2x32xi32, #tpu.memory_space<vmem>> -> memref<1x32xi32, #tpu.memory_space<vmem>>
    %dma_start3A_146 = tpu.memref_squeeze %dma_start3A_145 : memref<1x32xi32, #tpu.memory_space<vmem>> -> memref<32xi32, #tpu.memory_space<vmem>>
    %dma_start3A_147 = arith.constant 0 : i32
    %dma_start3A_148 = arith.constant 0 : i32
    %dma_start3A_149 = tpu.memref_slice %arg2[%dma_start3A_147, %dma_start3A_148] : memref<4096x1024xf32, #tpu.memory_space<hbm>> -> memref<4096x1024xf32, #tpu.memory_space<hbm>>
    tpu.enqueue_indirect_dma source(%dma_start3A_149 : memref<4096x1024xf32, #tpu.memory_space<hbm>>) target(%dma_start3A_143 : memref<32x1024xf32, #tpu.memory_space<vmem>>) offsets(%dma_start3A_146 : memref<32xi32, #tpu.memory_space<vmem>>) semaphore(%arg8 : memref<!tpu.dma_semaphore, #tpu.memory_space<semaphore_mem>>)
    %dma_wait3A_150 = arith.constant 0 : i32
    %dma_wait3A_151 = arith.constant 0 : i32
    %dma_wait3A_152 = arith.constant 0 : i32
    %dma_wait3A_153 = arith.constant 0 : i32
    %dma_wait3A_154 = tpu.memref_slice %arg6[%dma_wait3A_151, %dma_wait3A_152, %dma_wait3A_153] : memref<2x32x1024xf32, #tpu.memory_space<vmem>> -> memref<1x32x1024xf32, #tpu.memory_space<vmem>>
    %dma_wait3A_155 = tpu.memref_squeeze %dma_wait3A_154 : memref<1x32x1024xf32, #tpu.memory_space<vmem>> -> memref<32x1024xf32, #tpu.memory_space<vmem>>
    %dma_wait3A_156 = arith.constant 0 : i32
    %dma_wait3A_157 = tpu.memref_slice %arg5[%dma_wait3A_150, %dma_wait3A_156] : memref<2x32xi32, #tpu.memory_space<vmem>> -> memref<1x32xi32, #tpu.memory_space<vmem>>
    %dma_wait3A_158 = tpu.memref_squeeze %dma_wait3A_157 : memref<1x32xi32, #tpu.memory_space<vmem>> -> memref<32xi32, #tpu.memory_space<vmem>>
    %dma_wait3A_159 = arith.constant 0 : i32
    %dma_wait3A_160 = arith.constant 0 : i32
    %dma_wait3A_161 = tpu.memref_slice %arg2[%dma_wait3A_159, %dma_wait3A_160] : memref<4096x1024xf32, #tpu.memory_space<hbm>> -> memref<4096x1024xf32, #tpu.memory_space<hbm>>
    tpu.wait_indirect_dma semaphore(%arg7 : memref<!tpu.dma_semaphore, #tpu.memory_space<semaphore_mem>>) src(%dma_wait3A_161 : memref<4096x1024xf32, #tpu.memory_space<hbm>>) dst(%dma_wait3A_155 : memref<32x1024xf32, #tpu.memory_space<vmem>>)
    %mul3A_162 = arith.constant 128 : i32
    %mul3A_163 = arith.muli %add3A, %mul3A_162 : i32
    %add3A_164 = arith.constant 64 : i32
    %add3A_165 = arith.addi %mul3A_163, %add3A_164 : i32
    %dma_start3A_166 = arith.constant 0 : i32
    %dma_start3A_167 = arith.constant 0 : i32
    %dma_start3A_168 = arith.constant 0 : i32
    %dma_start3A_169 = tpu.memref_slice %arg6[%dma_start3A_166, %dma_start3A_167, %dma_start3A_168] : memref<2x32x1024xf32, #tpu.memory_space<vmem>> -> memref<1x32x1024xf32, #tpu.memory_space<vmem>>
    %dma_start3A_170 = tpu.memref_squeeze %dma_start3A_169 : memref<1x32x1024xf32, #tpu.memory_space<vmem>> -> memref<32x1024xf32, #tpu.memory_space<vmem>>
    %dma_start3A_171 = arith.constant 0 : i32
    %dma_start3A_172 = tpu.memref_slice %arg4[%add3A_165, %dma_start3A_171] : memref<4096x1024xf32, #tpu.memory_space<hbm>> -> memref<32x1024xf32, #tpu.memory_space<hbm>>
    %dma_start3A_173 = arith.constant 0 : i32
    %dma_start3A_174 = tpu.memref_slice %arg4[%add3A_165, %dma_start3A_173] : memref<4096x1024xf32, #tpu.memory_space<hbm>> -> memref<32x1024xf32, #tpu.memory_space<hbm>>
    %dma_start3A_175 = arith.constant 0 : i32
    %dma_start3A_176 = arith.constant 0 : i32
    %dma_start3A_177 = tpu.memref_slice %arg6[%dma_start3A_166, %dma_start3A_175, %dma_start3A_176] : memref<2x32x1024xf32, #tpu.memory_space<vmem>> -> memref<1x32x1024xf32, #tpu.memory_space<vmem>>
    %dma_start3A_178 = tpu.memref_squeeze %dma_start3A_177 : memref<1x32x1024xf32, #tpu.memory_space<vmem>> -> memref<32x1024xf32, #tpu.memory_space<vmem>>
    tpu.enqueue_dma source(%dma_start3A_178 : memref<32x1024xf32, #tpu.memory_space<vmem>>) target(%dma_start3A_174 : memref<32x1024xf32, #tpu.memory_space<hbm>>) target_semaphore(%arg9 : memref<!tpu.dma_semaphore, #tpu.memory_space<semaphore_mem>>)
    %dma_wait3A_179 = arith.constant 1 : i32
    %dma_wait3A_180 = arith.constant 1 : i32
    %dma_wait3A_181 = arith.constant 0 : i32
    %dma_wait3A_182 = arith.constant 0 : i32
    %dma_wait3A_183 = tpu.memref_slice %arg6[%dma_wait3A_180, %dma_wait3A_181, %dma_wait3A_182] : memref<2x32x1024xf32, #tpu.memory_space<vmem>> -> memref<1x32x1024xf32, #tpu.memory_space<vmem>>
    %dma_wait3A_184 = tpu.memref_squeeze %dma_wait3A_183 : memref<1x32x1024xf32, #tpu.memory_space<vmem>> -> memref<32x1024xf32, #tpu.memory_space<vmem>>
    %dma_wait3A_185 = arith.constant 0 : i32
    %dma_wait3A_186 = tpu.memref_slice %arg5[%dma_wait3A_179, %dma_wait3A_185] : memref<2x32xi32, #tpu.memory_space<vmem>> -> memref<1x32xi32, #tpu.memory_space<vmem>>
    %dma_wait3A_187 = tpu.memref_squeeze %dma_wait3A_186 : memref<1x32xi32, #tpu.memory_space<vmem>> -> memref<32xi32, #tpu.memory_space<vmem>>
    %dma_wait3A_188 = arith.constant 0 : i32
    %dma_wait3A_189 = arith.constant 0 : i32
    %dma_wait3A_190 = tpu.memref_slice %arg2[%dma_wait3A_188, %dma_wait3A_189] : memref<4096x1024xf32, #tpu.memory_space<hbm>> -> memref<4096x1024xf32, #tpu.memory_space<hbm>>
    tpu.wait_indirect_dma semaphore(%arg8 : memref<!tpu.dma_semaphore, #tpu.memory_space<semaphore_mem>>) src(%dma_wait3A_190 : memref<4096x1024xf32, #tpu.memory_space<hbm>>) dst(%dma_wait3A_184 : memref<32x1024xf32, #tpu.memory_space<vmem>>)
    %mul3A_191 = arith.constant 128 : i32
    %mul3A_192 = arith.muli %add3A, %mul3A_191 : i32
    %add3A_193 = arith.constant 96 : i32
    %add3A_194 = arith.addi %mul3A_192, %add3A_193 : i32
    %dma_start3A_195 = arith.constant 1 : i32
    %dma_start3A_196 = arith.constant 0 : i32
    %dma_start3A_197 = arith.constant 0 : i32
    %dma_start3A_198 = tpu.memref_slice %arg6[%dma_start3A_195, %dma_start3A_196, %dma_start3A_197] : memref<2x32x1024xf32, #tpu.memory_space<vmem>> -> memref<1x32x1024xf32, #tpu.memory_space<vmem>>
    %dma_start3A_199 = tpu.memref_squeeze %dma_start3A_198 : memref<1x32x1024xf32, #tpu.memory_space<vmem>> -> memref<32x1024xf32, #tpu.memory_space<vmem>>
    %dma_start3A_200 = arith.constant 0 : i32
    %dma_start3A_201 = tpu.memref_slice %arg4[%add3A_194, %dma_start3A_200] : memref<4096x1024xf32, #tpu.memory_space<hbm>> -> memref<32x1024xf32, #tpu.memory_space<hbm>>
    %dma_start3A_202 = arith.constant 0 : i32
    %dma_start3A_203 = tpu.memref_slice %arg4[%add3A_194, %dma_start3A_202] : memref<4096x1024xf32, #tpu.memory_space<hbm>> -> memref<32x1024xf32, #tpu.memory_space<hbm>>
    %dma_start3A_204 = arith.constant 0 : i32
    %dma_start3A_205 = arith.constant 0 : i32
    %dma_start3A_206 = tpu.memref_slice %arg6[%dma_start3A_195, %dma_start3A_204, %dma_start3A_205] : memref<2x32x1024xf32, #tpu.memory_space<vmem>> -> memref<1x32x1024xf32, #tpu.memory_space<vmem>>
    %dma_start3A_207 = tpu.memref_squeeze %dma_start3A_206 : memref<1x32x1024xf32, #tpu.memory_space<vmem>> -> memref<32x1024xf32, #tpu.memory_space<vmem>>
    tpu.enqueue_dma source(%dma_start3A_207 : memref<32x1024xf32, #tpu.memory_space<vmem>>) target(%dma_start3A_203 : memref<32x1024xf32, #tpu.memory_space<hbm>>) target_semaphore(%arg10 : memref<!tpu.dma_semaphore, #tpu.memory_space<semaphore_mem>>)
    %dma_wait3A_208 = arith.constant 0 : i32
    %dma_wait3A_209 = arith.constant 0 : i32
    %dma_wait3A_210 = arith.constant 0 : i32
    %dma_wait3A_211 = tpu.memref_slice %arg6[%dma_wait3A_208, %dma_wait3A_209, %dma_wait3A_210] : memref<2x32x1024xf32, #tpu.memory_space<vmem>> -> memref<1x32x1024xf32, #tpu.memory_space<vmem>>
    %dma_wait3A_212 = tpu.memref_squeeze %dma_wait3A_211 : memref<1x32x1024xf32, #tpu.memory_space<vmem>> -> memref<32x1024xf32, #tpu.memory_space<vmem>>
    %dma_wait3A_213 = arith.constant 0 : i32
    %dma_wait3A_214 = tpu.memref_slice %arg4[%add3A_165, %dma_wait3A_213] : memref<4096x1024xf32, #tpu.memory_space<hbm>> -> memref<32x1024xf32, #tpu.memory_space<hbm>>
    %dma_wait3A_215 = arith.constant 0 : i32
    %dma_wait3A_216 = tpu.memref_slice %arg4[%add3A_165, %dma_wait3A_215] : memref<4096x1024xf32, #tpu.memory_space<hbm>> -> memref<32x1024xf32, #tpu.memory_space<hbm>>
    %dma_wait3A_217 = arith.constant 0 : i32
    %dma_wait3A_218 = arith.constant 0 : i32
    %dma_wait3A_219 = tpu.memref_slice %arg6[%dma_wait3A_208, %dma_wait3A_217, %dma_wait3A_218] : memref<2x32x1024xf32, #tpu.memory_space<vmem>> -> memref<1x32x1024xf32, #tpu.memory_space<vmem>>
    %dma_wait3A_220 = tpu.memref_squeeze %dma_wait3A_219 : memref<1x32x1024xf32, #tpu.memory_space<vmem>> -> memref<32x1024xf32, #tpu.memory_space<vmem>>
    tpu.wait_dma2 semaphore(%arg9 : memref<!tpu.dma_semaphore, #tpu.memory_space<semaphore_mem>>) src(%dma_wait3A_220 : memref<32x1024xf32, #tpu.memory_space<vmem>>) dst(%dma_wait3A_216 : memref<32x1024xf32, #tpu.memory_space<hbm>>)
    %dma_wait3A_221 = arith.constant 1 : i32
    %dma_wait3A_222 = arith.constant 0 : i32
    %dma_wait3A_223 = arith.constant 0 : i32
    %dma_wait3A_224 = tpu.memref_slice %arg6[%dma_wait3A_221, %dma_wait3A_222, %dma_wait3A_223] : memref<2x32x1024xf32, #tpu.memory_space<vmem>> -> memref<1x32x1024xf32, #tpu.memory_space<vmem>>
    %dma_wait3A_225 = tpu.memref_squeeze %dma_wait3A_224 : memref<1x32x1024xf32, #tpu.memory_space<vmem>> -> memref<32x1024xf32, #tpu.memory_space<vmem>>
    %dma_wait3A_226 = arith.constant 0 : i32
    %dma_wait3A_227 = tpu.memref_slice %arg4[%add3A_194, %dma_wait3A_226] : memref<4096x1024xf32, #tpu.memory_space<hbm>> -> memref<32x1024xf32, #tpu.memory_space<hbm>>
    %dma_wait3A_228 = arith.constant 0 : i32
    %dma_wait3A_229 = tpu.memref_slice %arg4[%add3A_194, %dma_wait3A_228] : memref<4096x1024xf32, #tpu.memory_space<hbm>> -> memref<32x1024xf32, #tpu.memory_space<hbm>>
    %dma_wait3A_230 = arith.constant 0 : i32
    %dma_wait3A_231 = arith.constant 0 : i32
    %dma_wait3A_232 = tpu.memref_slice %arg6[%dma_wait3A_221, %dma_wait3A_230, %dma_wait3A_231] : memref<2x32x1024xf32, #tpu.memory_space<vmem>> -> memref<1x32x1024xf32, #tpu.memory_space<vmem>>
    %dma_wait3A_233 = tpu.memref_squeeze %dma_wait3A_232 : memref<1x32x1024xf32, #tpu.memory_space<vmem>> -> memref<32x1024xf32, #tpu.memory_space<vmem>>
    tpu.wait_dma2 semaphore(%arg10 : memref<!tpu.dma_semaphore, #tpu.memory_space<semaphore_mem>>) src(%dma_wait3A_233 : memref<32x1024xf32, #tpu.memory_space<vmem>>) dst(%dma_wait3A_229 : memref<32x1024xf32, #tpu.memory_space<hbm>>)
    return
  }
}

#map = affine_map<(d0, d1) -> (0, 0)>
#map1 = affine_map<(d0, d1) -> (0)>
module attributes {stable_mosaic.version = 14 : i64} {
  func.func @body(%arg0: i32, %arg1: i32, %arg2: memref<4096x1024xf32, #tpu.memory_space<hbm>>, %arg3: memref<4096xi32, #tpu.memory_space<hbm>>, %arg4: memref<4096x1024xf32, #tpu.memory_space<hbm>>, %arg5: memref<2x32xi32, #tpu.memory_space<vmem>>, %arg6: memref<2x32x1024xf32, #tpu.memory_space<vmem>>, %arg7: memref<!tpu.dma_semaphore, #tpu.memory_space<semaphore_mem>>, %arg8: memref<!tpu.dma_semaphore, #tpu.memory_space<semaphore_mem>>, %arg9: memref<!tpu.dma_semaphore, #tpu.memory_space<semaphore_mem>>, %arg10: memref<!tpu.dma_semaphore, #tpu.memory_space<semaphore_mem>>) attributes {dimension_semantics = [#tpu.dimension_semantics<core_parallel>, #tpu.dimension_semantics<subcore_parallel>], iteration_bounds = array<i64: 2, 16>, scalar_prefetch = 0 : i64, scratch_operands = 6 : i64, tpu.core_type = #tpu.core_type<sc_vector_subcore>, window_params = [{transform_indices = #map}, {transform_indices = #map1}, {transform_indices = #map}]} {
    %mul3A = arith.constant 2 : i32
    %mul3A_0 = arith.muli %arg1, %mul3A : i32
    %add3A = arith.addi %mul3A_0, %arg0 : i32
    %mul3A_1 = arith.constant 128 : i32
    %mul3A_2 = arith.muli %add3A, %mul3A_1 : i32
    %add3A_3 = arith.constant 0 : i32
    %add3A_4 = arith.addi %mul3A_2, %add3A_3 : i32
    %run_scoped3A = arith.constant 0 : i32
    "tpu.region"() ({
      %run_scoped3A_234 = tpu.sem_alloc : memref<!tpu.dma_semaphore, #tpu.memory_space<semaphore_mem>>
      %dma_start3A_235 = arith.constant 0 : i32
      %dma_start3A_236 = tpu.memref_slice %arg5[%run_scoped3A, %dma_start3A_235] : memref<2x32xi32, #tpu.memory_space<vmem>> -> memref<1x32xi32, #tpu.memory_space<vmem>>
      %dma_start3A_237 = tpu.memref_squeeze %dma_start3A_236 : memref<1x32xi32, #tpu.memory_space<vmem>> -> memref<32xi32, #tpu.memory_space<vmem>>
      %dma_start3A_238 = tpu.memref_slice %arg3[%add3A_4] : memref<4096xi32, #tpu.memory_space<hbm>> -> memref<32xi32, #tpu.memory_space<hbm>>
      %dma_start3A_239 = arith.constant 0 : i32
      %dma_start3A_240 = tpu.memref_slice %arg5[%run_scoped3A, %dma_start3A_239] : memref<2x32xi32, #tpu.memory_space<vmem>> -> memref<1x32xi32, #tpu.memory_space<vmem>>
      %dma_start3A_241 = tpu.memref_squeeze %dma_start3A_240 : memref<1x32xi32, #tpu.memory_space<vmem>> -> memref<32xi32, #tpu.memory_space<vmem>>
      %dma_start3A_242 = tpu.memref_slice %arg3[%add3A_4] : memref<4096xi32, #tpu.memory_space<hbm>> -> memref<32xi32, #tpu.memory_space<hbm>>
      tpu.enqueue_dma source(%dma_start3A_242 : memref<32xi32, #tpu.memory_space<hbm>>) target(%dma_start3A_241 : memref<32xi32, #tpu.memory_space<vmem>>) target_semaphore(%run_scoped3A_234 : memref<!tpu.dma_semaphore, #tpu.memory_space<semaphore_mem>>)
      %dma_wait3A_243 = arith.constant 0 : i32
      %dma_wait3A_244 = tpu.memref_slice %arg5[%run_scoped3A, %dma_wait3A_243] : memref<2x32xi32, #tpu.memory_space<vmem>> -> memref<1x32xi32, #tpu.memory_space<vmem>>
      %dma_wait3A_245 = tpu.memref_squeeze %dma_wait3A_244 : memref<1x32xi32, #tpu.memory_space<vmem>> -> memref<32xi32, #tpu.memory_space<vmem>>
      %dma_wait3A_246 = tpu.memref_slice %arg3[%add3A_4] : memref<4096xi32, #tpu.memory_space<hbm>> -> memref<32xi32, #tpu.memory_space<hbm>>
      %dma_wait3A_247 = arith.constant 0 : i32
      %dma_wait3A_248 = tpu.memref_slice %arg5[%run_scoped3A, %dma_wait3A_247] : memref<2x32xi32, #tpu.memory_space<vmem>> -> memref<1x32xi32, #tpu.memory_space<vmem>>
      %dma_wait3A_249 = tpu.memref_squeeze %dma_wait3A_248 : memref<1x32xi32, #tpu.memory_space<vmem>> -> memref<32xi32, #tpu.memory_space<vmem>>
      %dma_wait3A_250 = tpu.memref_slice %arg3[%add3A_4] : memref<4096xi32, #tpu.memory_space<hbm>> -> memref<32xi32, #tpu.memory_space<hbm>>
      tpu.wait_dma2 semaphore(%run_scoped3A_234 : memref<!tpu.dma_semaphore, #tpu.memory_space<semaphore_mem>>) src(%dma_wait3A_250 : memref<32xi32, #tpu.memory_space<hbm>>) dst(%dma_wait3A_249 : memref<32xi32, #tpu.memory_space<vmem>>)
      tpu.yield
    }) : () -> ()
    %dma_start3A = arith.constant 0 : i32
    %dma_start3A_5 = arith.constant 0 : i32
    %dma_start3A_6 = arith.constant 0 : i32
    %dma_start3A_7 = arith.constant 0 : i32
    %dma_start3A_8 = tpu.memref_slice %arg6[%dma_start3A_5, %dma_start3A_6, %dma_start3A_7] : memref<2x32x1024xf32, #tpu.memory_space<vmem>> -> memref<1x32x1024xf32, #tpu.memory_space<vmem>>
    %dma_start3A_9 = tpu.memref_squeeze %dma_start3A_8 : memref<1x32x1024xf32, #tpu.memory_space<vmem>> -> memref<32x1024xf32, #tpu.memory_space<vmem>>
    %dma_start3A_10 = arith.constant 0 : i32
    %dma_start3A_11 = tpu.memref_slice %arg5[%dma_start3A, %dma_start3A_10] : memref<2x32xi32, #tpu.memory_space<vmem>> -> memref<1x32xi32, #tpu.memory_space<vmem>>
    %dma_start3A_12 = tpu.memref_squeeze %dma_start3A_11 : memref<1x32xi32, #tpu.memory_space<vmem>> -> memref<32xi32, #tpu.memory_space<vmem>>
    %dma_start3A_13 = arith.constant 0 : i32
    %dma_start3A_14 = arith.constant 0 : i32
    %dma_start3A_15 = tpu.memref_slice %arg2[%dma_start3A_13, %dma_start3A_14] : memref<4096x1024xf32, #tpu.memory_space<hbm>> -> memref<4096x1024xf32, #tpu.memory_space<hbm>>
    tpu.enqueue_indirect_dma source(%dma_start3A_15 : memref<4096x1024xf32, #tpu.memory_space<hbm>>) target(%dma_start3A_9 : memref<32x1024xf32, #tpu.memory_space<vmem>>) offsets(%dma_start3A_12 : memref<32xi32, #tpu.memory_space<vmem>>) semaphore(%arg7 : memref<!tpu.dma_semaphore, #tpu.memory_space<semaphore_mem>>)
    %mul3A_16 = arith.constant 128 : i32
    %mul3A_17 = arith.muli %add3A, %mul3A_16 : i32
    %add3A_18 = arith.constant 32 : i32
    %add3A_19 = arith.addi %mul3A_17, %add3A_18 : i32
    %run_scoped3A_20 = arith.constant 1 : i32
    "tpu.region"() ({
      %run_scoped3A_234 = tpu.sem_alloc : memref<!tpu.dma_semaphore, #tpu.memory_space<semaphore_mem>>
      %dma_start3A_235 = arith.constant 0 : i32
      %dma_start3A_236 = tpu.memref_slice %arg5[%run_scoped3A_20, %dma_start3A_235] : memref<2x32xi32, #tpu.memory_space<vmem>> -> memref<1x32xi32, #tpu.memory_space<vmem>>
      %dma_start3A_237 = tpu.memref_squeeze %dma_start3A_236 : memref<1x32xi32, #tpu.memory_space<vmem>> -> memref<32xi32, #tpu.memory_space<vmem>>
      %dma_start3A_238 = tpu.memref_slice %arg3[%add3A_19] : memref<4096xi32, #tpu.memory_space<hbm>> -> memref<32xi32, #tpu.memory_space<hbm>>
      %dma_start3A_239 = arith.constant 0 : i32
      %dma_start3A_240 = tpu.memref_slice %arg5[%run_scoped3A_20, %dma_start3A_239] : memref<2x32xi32, #tpu.memory_space<vmem>> -> memref<1x32xi32, #tpu.memory_space<vmem>>
      %dma_start3A_241 = tpu.memref_squeeze %dma_start3A_240 : memref<1x32xi32, #tpu.memory_space<vmem>> -> memref<32xi32, #tpu.memory_space<vmem>>
      %dma_start3A_242 = tpu.memref_slice %arg3[%add3A_19] : memref<4096xi32, #tpu.memory_space<hbm>> -> memref<32xi32, #tpu.memory_space<hbm>>
      tpu.enqueue_dma source(%dma_start3A_242 : memref<32xi32, #tpu.memory_space<hbm>>) target(%dma_start3A_241 : memref<32xi32, #tpu.memory_space<vmem>>) target_semaphore(%run_scoped3A_234 : memref<!tpu.dma_semaphore, #tpu.memory_space<semaphore_mem>>)
      %dma_wait3A_243 = arith.constant 0 : i32
      %dma_wait3A_244 = tpu.memref_slice %arg5[%run_scoped3A_20, %dma_wait3A_243] : memref<2x32xi32, #tpu.memory_space<vmem>> -> memref<1x32xi32, #tpu.memory_space<vmem>>
      %dma_wait3A_245 = tpu.memref_squeeze %dma_wait3A_244 : memref<1x32xi32, #tpu.memory_space<vmem>> -> memref<32xi32, #tpu.memory_space<vmem>>
      %dma_wait3A_246 = tpu.memref_slice %arg3[%add3A_19] : memref<4096xi32, #tpu.memory_space<hbm>> -> memref<32xi32, #tpu.memory_space<hbm>>
      %dma_wait3A_247 = arith.constant 0 : i32
      %dma_wait3A_248 = tpu.memref_slice %arg5[%run_scoped3A_20, %dma_wait3A_247] : memref<2x32xi32, #tpu.memory_space<vmem>> -> memref<1x32xi32, #tpu.memory_space<vmem>>
      %dma_wait3A_249 = tpu.memref_squeeze %dma_wait3A_248 : memref<1x32xi32, #tpu.memory_space<vmem>> -> memref<32xi32, #tpu.memory_space<vmem>>
      %dma_wait3A_250 = tpu.memref_slice %arg3[%add3A_19] : memref<4096xi32, #tpu.memory_space<hbm>> -> memref<32xi32, #tpu.memory_space<hbm>>
      tpu.wait_dma2 semaphore(%run_scoped3A_234 : memref<!tpu.dma_semaphore, #tpu.memory_space<semaphore_mem>>) src(%dma_wait3A_250 : memref<32xi32, #tpu.memory_space<hbm>>) dst(%dma_wait3A_249 : memref<32xi32, #tpu.memory_space<vmem>>)
      tpu.yield
    }) : () -> ()
    %dma_start3A_21 = arith.constant 1 : i32
    %dma_start3A_22 = arith.constant 1 : i32
    %dma_start3A_23 = arith.constant 0 : i32
    %dma_start3A_24 = arith.constant 0 : i32
    %dma_start3A_25 = tpu.memref_slice %arg6[%dma_start3A_22, %dma_start3A_23, %dma_start3A_24] : memref<2x32x1024xf32, #tpu.memory_space<vmem>> -> memref<1x32x1024xf32, #tpu.memory_space<vmem>>
    %dma_start3A_26 = tpu.memref_squeeze %dma_start3A_25 : memref<1x32x1024xf32, #tpu.memory_space<vmem>> -> memref<32x1024xf32, #tpu.memory_space<vmem>>
    %dma_start3A_27 = arith.constant 0 : i32
    %dma_start3A_28 = tpu.memref_slice %arg5[%dma_start3A_21, %dma_start3A_27] : memref<2x32xi32, #tpu.memory_space<vmem>> -> memref<1x32xi32, #tpu.memory_space<vmem>>
    %dma_start3A_29 = tpu.memref_squeeze %dma_start3A_28 : memref<1x32xi32, #tpu.memory_space<vmem>> -> memref<32xi32, #tpu.memory_space<vmem>>
    %dma_start3A_30 = arith.constant 0 : i32
    %dma_start3A_31 = arith.constant 0 : i32
    %dma_start3A_32 = tpu.memref_slice %arg2[%dma_start3A_30, %dma_start3A_31] : memref<4096x1024xf32, #tpu.memory_space<hbm>> -> memref<4096x1024xf32, #tpu.memory_space<hbm>>
    tpu.enqueue_indirect_dma source(%dma_start3A_32 : memref<4096x1024xf32, #tpu.memory_space<hbm>>) target(%dma_start3A_26 : memref<32x1024xf32, #tpu.memory_space<vmem>>) offsets(%dma_start3A_29 : memref<32xi32, #tpu.memory_space<vmem>>) semaphore(%arg8 : memref<!tpu.dma_semaphore, #tpu.memory_space<semaphore_mem>>)
    %dma_wait3A = arith.constant 0 : i32
    %dma_wait3A_33 = arith.constant 0 : i32
    %dma_wait3A_34 = arith.constant 0 : i32
    %dma_wait3A_35 = arith.constant 0 : i32
    %dma_wait3A_36 = tpu.memref_slice %arg6[%dma_wait3A_33, %dma_wait3A_34, %dma_wait3A_35] : memref<2x32x1024xf32, #tpu.memory_space<vmem>> -> memref<1x32x1024xf32, #tpu.memory_space<vmem>>
    %dma_wait3A_37 = tpu.memref_squeeze %dma_wait3A_36 : memref<1x32x1024xf32, #tpu.memory_space<vmem>> -> memref<32x1024xf32, #tpu.memory_space<vmem>>
    %dma_wait3A_38 = arith.constant 0 : i32
    %dma_wait3A_39 = tpu.memref_slice %arg5[%dma_wait3A, %dma_wait3A_38] : memref<2x32xi32, #tpu.memory_space<vmem>> -> memref<1x32xi32, #tpu.memory_space<vmem>>
    %dma_wait3A_40 = tpu.memref_squeeze %dma_wait3A_39 : memref<1x32xi32, #tpu.memory_space<vmem>> -> memref<32xi32, #tpu.memory_space<vmem>>
    %dma_wait3A_41 = arith.constant 0 : i32
    %dma_wait3A_42 = arith.constant 0 : i32
    %dma_wait3A_43 = tpu.memref_slice %arg2[%dma_wait3A_41, %dma_wait3A_42] : memref<4096x1024xf32, #tpu.memory_space<hbm>> -> memref<4096x1024xf32, #tpu.memory_space<hbm>>
    tpu.wait_indirect_dma semaphore(%arg7 : memref<!tpu.dma_semaphore, #tpu.memory_space<semaphore_mem>>) src(%dma_wait3A_43 : memref<4096x1024xf32, #tpu.memory_space<hbm>>) dst(%dma_wait3A_37 : memref<32x1024xf32, #tpu.memory_space<vmem>>)
    %mul3A_44 = arith.constant 128 : i32
    %mul3A_45 = arith.muli %add3A, %mul3A_44 : i32
    %add3A_46 = arith.constant 0 : i32
    %add3A_47 = arith.addi %mul3A_45, %add3A_46 : i32
    %dma_start3A_48 = arith.constant 0 : i32
    %dma_start3A_49 = arith.constant 0 : i32
    %dma_start3A_50 = arith.constant 0 : i32
    %dma_start3A_51 = tpu.memref_slice %arg6[%dma_start3A_48, %dma_start3A_49, %dma_start3A_50] : memref<2x32x1024xf32, #tpu.memory_space<vmem>> -> memref<1x32x1024xf32, #tpu.memory_space<vmem>>
    %dma_start3A_52 = tpu.memref_squeeze %dma_start3A_51 : memref<1x32x1024xf32, #tpu.memory_space<vmem>> -> memref<32x1024xf32, #tpu.memory_space<vmem>>
    %dma_start3A_53 = arith.constant 0 : i32
    %dma_start3A_54 = tpu.memref_slice %arg4[%add3A_47, %dma_start3A_53] : memref<4096x1024xf32, #tpu.memory_space<hbm>> -> memref<32x1024xf32, #tpu.memory_space<hbm>>
    %dma_start3A_55 = arith.constant 0 : i32
    %dma_start3A_56 = tpu.memref_slice %arg4[%add3A_47, %dma_start3A_55] : memref<4096x1024xf32, #tpu.memory_space<hbm>> -> memref<32x1024xf32, #tpu.memory_space<hbm>>
    %dma_start3A_57 = arith.constant 0 : i32
    %dma_start3A_58 = arith.constant 0 : i32
    %dma_start3A_59 = tpu.memref_slice %arg6[%dma_start3A_48, %dma_start3A_57, %dma_start3A_58] : memref<2x32x1024xf32, #tpu.memory_space<vmem>> -> memref<1x32x1024xf32, #tpu.memory_space<vmem>>
    %dma_start3A_60 = tpu.memref_squeeze %dma_start3A_59 : memref<1x32x1024xf32, #tpu.memory_space<vmem>> -> memref<32x1024xf32, #tpu.memory_space<vmem>>
    tpu.enqueue_dma source(%dma_start3A_60 : memref<32x1024xf32, #tpu.memory_space<vmem>>) target(%dma_start3A_56 : memref<32x1024xf32, #tpu.memory_space<hbm>>) target_semaphore(%arg9 : memref<!tpu.dma_semaphore, #tpu.memory_space<semaphore_mem>>)
    %dma_wait3A_61 = arith.constant 0 : i32
    %dma_wait3A_62 = arith.constant 0 : i32
    %dma_wait3A_63 = arith.constant 0 : i32
    %dma_wait3A_64 = tpu.memref_slice %arg6[%dma_wait3A_61, %dma_wait3A_62, %dma_wait3A_63] : memref<2x32x1024xf32, #tpu.memory_space<vmem>> -> memref<1x32x1024xf32, #tpu.memory_space<vmem>>
    %dma_wait3A_65 = tpu.memref_squeeze %dma_wait3A_64 : memref<1x32x1024xf32, #tpu.memory_space<vmem>> -> memref<32x1024xf32, #tpu.memory_space<vmem>>
    %dma_wait3A_66 = arith.constant 0 : i32
    %dma_wait3A_67 = tpu.memref_slice %arg4[%add3A_47, %dma_wait3A_66] : memref<4096x1024xf32, #tpu.memory_space<hbm>> -> memref<32x1024xf32, #tpu.memory_space<hbm>>
    %dma_wait3A_68 = arith.constant 0 : i32
    %dma_wait3A_69 = tpu.memref_slice %arg4[%add3A_47, %dma_wait3A_68] : memref<4096x1024xf32, #tpu.memory_space<hbm>> -> memref<32x1024xf32, #tpu.memory_space<hbm>>
    %dma_wait3A_70 = arith.constant 0 : i32
    %dma_wait3A_71 = arith.constant 0 : i32
    %dma_wait3A_72 = tpu.memref_slice %arg6[%dma_wait3A_61, %dma_wait3A_70, %dma_wait3A_71] : memref<2x32x1024xf32, #tpu.memory_space<vmem>> -> memref<1x32x1024xf32, #tpu.memory_space<vmem>>
    %dma_wait3A_73 = tpu.memref_squeeze %dma_wait3A_72 : memref<1x32x1024xf32, #tpu.memory_space<vmem>> -> memref<32x1024xf32, #tpu.memory_space<vmem>>
    tpu.wait_dma2 semaphore(%arg9 : memref<!tpu.dma_semaphore, #tpu.memory_space<semaphore_mem>>) src(%dma_wait3A_73 : memref<32x1024xf32, #tpu.memory_space<vmem>>) dst(%dma_wait3A_69 : memref<32x1024xf32, #tpu.memory_space<hbm>>)
    %mul3A_74 = arith.constant 128 : i32
    %mul3A_75 = arith.muli %add3A, %mul3A_74 : i32
    %add3A_76 = arith.constant 64 : i32
    %add3A_77 = arith.addi %mul3A_75, %add3A_76 : i32
    %run_scoped3A_78 = arith.constant 0 : i32
    "tpu.region"() ({
      %run_scoped3A_234 = tpu.sem_alloc : memref<!tpu.dma_semaphore, #tpu.memory_space<semaphore_mem>>
      %dma_start3A_235 = arith.constant 0 : i32
      %dma_start3A_236 = tpu.memref_slice %arg5[%run_scoped3A_78, %dma_start3A_235] : memref<2x32xi32, #tpu.memory_space<vmem>> -> memref<1x32xi32, #tpu.memory_space<vmem>>
      %dma_start3A_237 = tpu.memref_squeeze %dma_start3A_236 : memref<1x32xi32, #tpu.memory_space<vmem>> -> memref<32xi32, #tpu.memory_space<vmem>>
      %dma_start3A_238 = tpu.memref_slice %arg3[%add3A_77] : memref<4096xi32, #tpu.memory_space<hbm>> -> memref<32xi32, #tpu.memory_space<hbm>>
      %dma_start3A_239 = arith.constant 0 : i32
      %dma_start3A_240 = tpu.memref_slice %arg5[%run_scoped3A_78, %dma_start3A_239] : memref<2x32xi32, #tpu.memory_space<vmem>> -> memref<1x32xi32, #tpu.memory_space<vmem>>
      %dma_start3A_241 = tpu.memref_squeeze %dma_start3A_240 : memref<1x32xi32, #tpu.memory_space<vmem>> -> memref<32xi32, #tpu.memory_space<vmem>>
      %dma_start3A_242 = tpu.memref_slice %arg3[%add3A_77] : memref<4096xi32, #tpu.memory_space<hbm>> -> memref<32xi32, #tpu.memory_space<hbm>>
      tpu.enqueue_dma source(%dma_start3A_242 : memref<32xi32, #tpu.memory_space<hbm>>) target(%dma_start3A_241 : memref<32xi32, #tpu.memory_space<vmem>>) target_semaphore(%run_scoped3A_234 : memref<!tpu.dma_semaphore, #tpu.memory_space<semaphore_mem>>)
      %dma_wait3A_243 = arith.constant 0 : i32
      %dma_wait3A_244 = tpu.memref_slice %arg5[%run_scoped3A_78, %dma_wait3A_243] : memref<2x32xi32, #tpu.memory_space<vmem>> -> memref<1x32xi32, #tpu.memory_space<vmem>>
      %dma_wait3A_245 = tpu.memref_squeeze %dma_wait3A_244 : memref<1x32xi32, #tpu.memory_space<vmem>> -> memref<32xi32, #tpu.memory_space<vmem>>
      %dma_wait3A_246 = tpu.memref_slice %arg3[%add3A_77] : memref<4096xi32, #tpu.memory_space<hbm>> -> memref<32xi32, #tpu.memory_space<hbm>>
      %dma_wait3A_247 = arith.constant 0 : i32
      %dma_wait3A_248 = tpu.memref_slice %arg5[%run_scoped3A_78, %dma_wait3A_247] : memref<2x32xi32, #tpu.memory_space<vmem>> -> memref<1x32xi32, #tpu.memory_space<vmem>>
      %dma_wait3A_249 = tpu.memref_squeeze %dma_wait3A_248 : memref<1x32xi32, #tpu.memory_space<vmem>> -> memref<32xi32, #tpu.memory_space<vmem>>
      %dma_wait3A_250 = tpu.memref_slice %arg3[%add3A_77] : memref<4096xi32, #tpu.memory_space<hbm>> -> memref<32xi32, #tpu.memory_space<hbm>>
      tpu.wait_dma2 semaphore(%run_scoped3A_234 : memref<!tpu.dma_semaphore, #tpu.memory_space<semaphore_mem>>) src(%dma_wait3A_250 : memref<32xi32, #tpu.memory_space<hbm>>) dst(%dma_wait3A_249 : memref<32xi32, #tpu.memory_space<vmem>>)
      tpu.yield
    }) : () -> ()
    %dma_start3A_79 = arith.constant 0 : i32
    %dma_start3A_80 = arith.constant 0 : i32
    %dma_start3A_81 = arith.constant 0 : i32
    %dma_start3A_82 = arith.constant 0 : i32
    %dma_start3A_83 = tpu.memref_slice %arg6[%dma_start3A_80, %dma_start3A_81, %dma_start3A_82] : memref<2x32x1024xf32, #tpu.memory_space<vmem>> -> memref<1x32x1024xf32, #tpu.memory_space<vmem>>
    %dma_start3A_84 = tpu.memref_squeeze %dma_start3A_83 : memref<1x32x1024xf32, #tpu.memory_space<vmem>> -> memref<32x1024xf32, #tpu.memory_space<vmem>>
    %dma_start3A_85 = arith.constant 0 : i32
    %dma_start3A_86 = tpu.memref_slice %arg5[%dma_start3A_79, %dma_start3A_85] : memref<2x32xi32, #tpu.memory_space<vmem>> -> memref<1x32xi32, #tpu.memory_space<vmem>>
    %dma_start3A_87 = tpu.memref_squeeze %dma_start3A_86 : memref<1x32xi32, #tpu.memory_space<vmem>> -> memref<32xi32, #tpu.memory_space<vmem>>
    %dma_start3A_88 = arith.constant 0 : i32
    %dma_start3A_89 = arith.constant 0 : i32
    %dma_start3A_90 = tpu.memref_slice %arg2[%dma_start3A_88, %dma_start3A_89] : memref<4096x1024xf32, #tpu.memory_space<hbm>> -> memref<4096x1024xf32, #tpu.memory_space<hbm>>
    tpu.enqueue_indirect_dma source(%dma_start3A_90 : memref<4096x1024xf32, #tpu.memory_space<hbm>>) target(%dma_start3A_84 : memref<32x1024xf32, #tpu.memory_space<vmem>>) offsets(%dma_start3A_87 : memref<32xi32, #tpu.memory_space<vmem>>) semaphore(%arg7 : memref<!tpu.dma_semaphore, #tpu.memory_space<semaphore_mem>>)
    %dma_wait3A_91 = arith.constant 1 : i32
    %dma_wait3A_92 = arith.constant 1 : i32
    %dma_wait3A_93 = arith.constant 0 : i32
    %dma_wait3A_94 = arith.constant 0 : i32
    %dma_wait3A_95 = tpu.memref_slice %arg6[%dma_wait3A_92, %dma_wait3A_93, %dma_wait3A_94] : memref<2x32x1024xf32, #tpu.memory_space<vmem>> -> memref<1x32x1024xf32, #tpu.memory_space<vmem>>
    %dma_wait3A_96 = tpu.memref_squeeze %dma_wait3A_95 : memref<1x32x1024xf32, #tpu.memory_space<vmem>> -> memref<32x1024xf32, #tpu.memory_space<vmem>>
    %dma_wait3A_97 = arith.constant 0 : i32
    %dma_wait3A_98 = tpu.memref_slice %arg5[%dma_wait3A_91, %dma_wait3A_97] : memref<2x32xi32, #tpu.memory_space<vmem>> -> memref<1x32xi32, #tpu.memory_space<vmem>>
    %dma_wait3A_99 = tpu.memref_squeeze %dma_wait3A_98 : memref<1x32xi32, #tpu.memory_space<vmem>> -> memref<32xi32, #tpu.memory_space<vmem>>
    %dma_wait3A_100 = arith.constant 0 : i32
    %dma_wait3A_101 = arith.constant 0 : i32
    %dma_wait3A_102 = tpu.memref_slice %arg2[%dma_wait3A_100, %dma_wait3A_101] : memref<4096x1024xf32, #tpu.memory_space<hbm>> -> memref<4096x1024xf32, #tpu.memory_space<hbm>>
    tpu.wait_indirect_dma semaphore(%arg8 : memref<!tpu.dma_semaphore, #tpu.memory_space<semaphore_mem>>) src(%dma_wait3A_102 : memref<4096x1024xf32, #tpu.memory_space<hbm>>) dst(%dma_wait3A_96 : memref<32x1024xf32, #tpu.memory_space<vmem>>)
    %mul3A_103 = arith.constant 128 : i32
    %mul3A_104 = arith.muli %add3A, %mul3A_103 : i32
    %add3A_105 = arith.constant 32 : i32
    %add3A_106 = arith.addi %mul3A_104, %add3A_105 : i32
    %dma_start3A_107 = arith.constant 1 : i32
    %dma_start3A_108 = arith.constant 0 : i32
    %dma_start3A_109 = arith.constant 0 : i32
    %dma_start3A_110 = tpu.memref_slice %arg6[%dma_start3A_107, %dma_start3A_108, %dma_start3A_109] : memref<2x32x1024xf32, #tpu.memory_space<vmem>> -> memref<1x32x1024xf32, #tpu.memory_space<vmem>>
    %dma_start3A_111 = tpu.memref_squeeze %dma_start3A_110 : memref<1x32x1024xf32, #tpu.memory_space<vmem>> -> memref<32x1024xf32, #tpu.memory_space<vmem>>
    %dma_start3A_112 = arith.constant 0 : i32
    %dma_start3A_113 = tpu.memref_slice %arg4[%add3A_106, %dma_start3A_112] : memref<4096x1024xf32, #tpu.memory_space<hbm>> -> memref<32x1024xf32, #tpu.memory_space<hbm>>
    %dma_start3A_114 = arith.constant 0 : i32
    %dma_start3A_115 = tpu.memref_slice %arg4[%add3A_106, %dma_start3A_114] : memref<4096x1024xf32, #tpu.memory_space<hbm>> -> memref<32x1024xf32, #tpu.memory_space<hbm>>
    %dma_start3A_116 = arith.constant 0 : i32
    %dma_start3A_117 = arith.constant 0 : i32
    %dma_start3A_118 = tpu.memref_slice %arg6[%dma_start3A_107, %dma_start3A_116, %dma_start3A_117] : memref<2x32x1024xf32, #tpu.memory_space<vmem>> -> memref<1x32x1024xf32, #tpu.memory_space<vmem>>
    %dma_start3A_119 = tpu.memref_squeeze %dma_start3A_118 : memref<1x32x1024xf32, #tpu.memory_space<vmem>> -> memref<32x1024xf32, #tpu.memory_space<vmem>>
    tpu.enqueue_dma source(%dma_start3A_119 : memref<32x1024xf32, #tpu.memory_space<vmem>>) target(%dma_start3A_115 : memref<32x1024xf32, #tpu.memory_space<hbm>>) target_semaphore(%arg10 : memref<!tpu.dma_semaphore, #tpu.memory_space<semaphore_mem>>)
    %dma_wait3A_120 = arith.constant 1 : i32
    %dma_wait3A_121 = arith.constant 0 : i32
    %dma_wait3A_122 = arith.constant 0 : i32
    %dma_wait3A_123 = tpu.memref_slice %arg6[%dma_wait3A_120, %dma_wait3A_121, %dma_wait3A_122] : memref<2x32x1024xf32, #tpu.memory_space<vmem>> -> memref<1x32x1024xf32, #tpu.memory_space<vmem>>
    %dma_wait3A_124 = tpu.memref_squeeze %dma_wait3A_123 : memref<1x32x1024xf32, #tpu.memory_space<vmem>> -> memref<32x1024xf32, #tpu.memory_space<vmem>>
    %dma_wait3A_125 = arith.constant 0 : i32
    %dma_wait3A_126 = tpu.memref_slice %arg4[%add3A_106, %dma_wait3A_125] : memref<4096x1024xf32, #tpu.memory_space<hbm>> -> memref<32x1024xf32, #tpu.memory_space<hbm>>
    %dma_wait3A_127 = arith.constant 0 : i32
    %dma_wait3A_128 = tpu.memref_slice %arg4[%add3A_106, %dma_wait3A_127] : memref<4096x1024xf32, #tpu.memory_space<hbm>> -> memref<32x1024xf32, #tpu.memory_space<hbm>>
    %dma_wait3A_129 = arith.constant 0 : i32
    %dma_wait3A_130 = arith.constant 0 : i32
    %dma_wait3A_131 = tpu.memref_slice %arg6[%dma_wait3A_120, %dma_wait3A_129, %dma_wait3A_130] : memref<2x32x1024xf32, #tpu.memory_space<vmem>> -> memref<1x32x1024xf32, #tpu.memory_space<vmem>>
    %dma_wait3A_132 = tpu.memref_squeeze %dma_wait3A_131 : memref<1x32x1024xf32, #tpu.memory_space<vmem>> -> memref<32x1024xf32, #tpu.memory_space<vmem>>
    tpu.wait_dma2 semaphore(%arg10 : memref<!tpu.dma_semaphore, #tpu.memory_space<semaphore_mem>>) src(%dma_wait3A_132 : memref<32x1024xf32, #tpu.memory_space<vmem>>) dst(%dma_wait3A_128 : memref<32x1024xf32, #tpu.memory_space<hbm>>)
    %mul3A_133 = arith.constant 128 : i32
    %mul3A_134 = arith.muli %add3A, %mul3A_133 : i32
    %add3A_135 = arith.constant 96 : i32
    %add3A_136 = arith.addi %mul3A_134, %add3A_135 : i32
    %run_scoped3A_137 = arith.constant 1 : i32
    "tpu.region"() ({
      %run_scoped3A_234 = tpu.sem_alloc : memref<!tpu.dma_semaphore, #tpu.memory_space<semaphore_mem>>
      %dma_start3A_235 = arith.constant 0 : i32
      %dma_start3A_236 = tpu.memref_slice %arg5[%run_scoped3A_137, %dma_start3A_235] : memref<2x32xi32, #tpu.memory_space<vmem>> -> memref<1x32xi32, #tpu.memory_space<vmem>>
      %dma_start3A_237 = tpu.memref_squeeze %dma_start3A_236 : memref<1x32xi32, #tpu.memory_space<vmem>> -> memref<32xi32, #tpu.memory_space<vmem>>
      %dma_start3A_238 = tpu.memref_slice %arg3[%add3A_136] : memref<4096xi32, #tpu.memory_space<hbm>> -> memref<32xi32, #tpu.memory_space<hbm>>
      %dma_start3A_239 = arith.constant 0 : i32
      %dma_start3A_240 = tpu.memref_slice %arg5[%run_scoped3A_137, %dma_start3A_239] : memref<2x32xi32, #tpu.memory_space<vmem>> -> memref<1x32xi32, #tpu.memory_space<vmem>>
      %dma_start3A_241 = tpu.memref_squeeze %dma_start3A_240 : memref<1x32xi32, #tpu.memory_space<vmem>> -> memref<32xi32, #tpu.memory_space<vmem>>
      %dma_start3A_242 = tpu.memref_slice %arg3[%add3A_136] : memref<4096xi32, #tpu.memory_space<hbm>> -> memref<32xi32, #tpu.memory_space<hbm>>
      tpu.enqueue_dma source(%dma_start3A_242 : memref<32xi32, #tpu.memory_space<hbm>>) target(%dma_start3A_241 : memref<32xi32, #tpu.memory_space<vmem>>) target_semaphore(%run_scoped3A_234 : memref<!tpu.dma_semaphore, #tpu.memory_space<semaphore_mem>>)
      %dma_wait3A_243 = arith.constant 0 : i32
      %dma_wait3A_244 = tpu.memref_slice %arg5[%run_scoped3A_137, %dma_wait3A_243] : memref<2x32xi32, #tpu.memory_space<vmem>> -> memref<1x32xi32, #tpu.memory_space<vmem>>
      %dma_wait3A_245 = tpu.memref_squeeze %dma_wait3A_244 : memref<1x32xi32, #tpu.memory_space<vmem>> -> memref<32xi32, #tpu.memory_space<vmem>>
      %dma_wait3A_246 = tpu.memref_slice %arg3[%add3A_136] : memref<4096xi32, #tpu.memory_space<hbm>> -> memref<32xi32, #tpu.memory_space<hbm>>
      %dma_wait3A_247 = arith.constant 0 : i32
      %dma_wait3A_248 = tpu.memref_slice %arg5[%run_scoped3A_137, %dma_wait3A_247] : memref<2x32xi32, #tpu.memory_space<vmem>> -> memref<1x32xi32, #tpu.memory_space<vmem>>
      %dma_wait3A_249 = tpu.memref_squeeze %dma_wait3A_248 : memref<1x32xi32, #tpu.memory_space<vmem>> -> memref<32xi32, #tpu.memory_space<vmem>>
      %dma_wait3A_250 = tpu.memref_slice %arg3[%add3A_136] : memref<4096xi32, #tpu.memory_space<hbm>> -> memref<32xi32, #tpu.memory_space<hbm>>
      tpu.wait_dma2 semaphore(%run_scoped3A_234 : memref<!tpu.dma_semaphore, #tpu.memory_space<semaphore_mem>>) src(%dma_wait3A_250 : memref<32xi32, #tpu.memory_space<hbm>>) dst(%dma_wait3A_249 : memref<32xi32, #tpu.memory_space<vmem>>)
      tpu.yield
    }) : () -> ()
    %dma_start3A_138 = arith.constant 1 : i32
    %dma_start3A_139 = arith.constant 1 : i32
    %dma_start3A_140 = arith.constant 0 : i32
    %dma_start3A_141 = arith.constant 0 : i32
    %dma_start3A_142 = tpu.memref_slice %arg6[%dma_start3A_139, %dma_start3A_140, %dma_start3A_141] : memref<2x32x1024xf32, #tpu.memory_space<vmem>> -> memref<1x32x1024xf32, #tpu.memory_space<vmem>>
    %dma_start3A_143 = tpu.memref_squeeze %dma_start3A_142 : memref<1x32x1024xf32, #tpu.memory_space<vmem>> -> memref<32x1024xf32, #tpu.memory_space<vmem>>
    %dma_start3A_144 = arith.constant 0 : i32
    %dma_start3A_145 = tpu.memref_slice %arg5[%dma_start3A_138, %dma_start3A_144] : memref<2x32xi32, #tpu.memory_space<vmem>> -> memref<1x32xi32, #tpu.memory_space<vmem>>
    %dma_start3A_146 = tpu.memref_squeeze %dma_start3A_145 : memref<1x32xi32, #tpu.memory_space<vmem>> -> memref<32xi32, #tpu.memory_space<vmem>>
    %dma_start3A_147 = arith.constant 0 : i32
    %dma_start3A_148 = arith.constant 0 : i32
    %dma_start3A_149 = tpu.memref_slice %arg2[%dma_start3A_147, %dma_start3A_148] : memref<4096x1024xf32, #tpu.memory_space<hbm>> -> memref<4096x1024xf32, #tpu.memory_space<hbm>>
    tpu.enqueue_indirect_dma source(%dma_start3A_149 : memref<4096x1024xf32, #tpu.memory_space<hbm>>) target(%dma_start3A_143 : memref<32x1024xf32, #tpu.memory_space<vmem>>) offsets(%dma_start3A_146 : memref<32xi32, #tpu.memory_space<vmem>>) semaphore(%arg8 : memref<!tpu.dma_semaphore, #tpu.memory_space<semaphore_mem>>)
    %dma_wait3A_150 = arith.constant 0 : i32
    %dma_wait3A_151 = arith.constant 0 : i32
    %dma_wait3A_152 = arith.constant 0 : i32
    %dma_wait3A_153 = arith.constant 0 : i32
    %dma_wait3A_154 = tpu.memref_slice %arg6[%dma_wait3A_151, %dma_wait3A_152, %dma_wait3A_153] : memref<2x32x1024xf32, #tpu.memory_space<vmem>> -> memref<1x32x1024xf32, #tpu.memory_space<vmem>>
    %dma_wait3A_155 = tpu.memref_squeeze %dma_wait3A_154 : memref<1x32x1024xf32, #tpu.memory_space<vmem>> -> memref<32x1024xf32, #tpu.memory_space<vmem>>
    %dma_wait3A_156 = arith.constant 0 : i32
    %dma_wait3A_157 = tpu.memref_slice %arg5[%dma_wait3A_150, %dma_wait3A_156] : memref<2x32xi32, #tpu.memory_space<vmem>> -> memref<1x32xi32, #tpu.memory_space<vmem>>
    %dma_wait3A_158 = tpu.memref_squeeze %dma_wait3A_157 : memref<1x32xi32, #tpu.memory_space<vmem>> -> memref<32xi32, #tpu.memory_space<vmem>>
    %dma_wait3A_159 = arith.constant 0 : i32
    %dma_wait3A_160 = arith.constant 0 : i32
    %dma_wait3A_161 = tpu.memref_slice %arg2[%dma_wait3A_159, %dma_wait3A_160] : memref<4096x1024xf32, #tpu.memory_space<hbm>> -> memref<4096x1024xf32, #tpu.memory_space<hbm>>
    tpu.wait_indirect_dma semaphore(%arg7 : memref<!tpu.dma_semaphore, #tpu.memory_space<semaphore_mem>>) src(%dma_wait3A_161 : memref<4096x1024xf32, #tpu.memory_space<hbm>>) dst(%dma_wait3A_155 : memref<32x1024xf32, #tpu.memory_space<vmem>>)
    %mul3A_162 = arith.constant 128 : i32
    %mul3A_163 = arith.muli %add3A, %mul3A_162 : i32
    %add3A_164 = arith.constant 64 : i32
    %add3A_165 = arith.addi %mul3A_163, %add3A_164 : i32
    %dma_start3A_166 = arith.constant 0 : i32
    %dma_start3A_167 = arith.constant 0 : i32
    %dma_start3A_168 = arith.constant 0 : i32
    %dma_start3A_169 = tpu.memref_slice %arg6[%dma_start3A_166, %dma_start3A_167, %dma_start3A_168] : memref<2x32x1024xf32, #tpu.memory_space<vmem>> -> memref<1x32x1024xf32, #tpu.memory_space<vmem>>
    %dma_start3A_170 = tpu.memref_squeeze %dma_start3A_169 : memref<1x32x1024xf32, #tpu.memory_space<vmem>> -> memref<32x1024xf32, #tpu.memory_space<vmem>>
    %dma_start3A_171 = arith.constant 0 : i32
    %dma_start3A_172 = tpu.memref_slice %arg4[%add3A_165, %dma_start3A_171] : memref<4096x1024xf32, #tpu.memory_space<hbm>> -> memref<32x1024xf32, #tpu.memory_space<hbm>>
    %dma_start3A_173 = arith.constant 0 : i32
    %dma_start3A_174 = tpu.memref_slice %arg4[%add3A_165, %dma_start3A_173] : memref<4096x1024xf32, #tpu.memory_space<hbm>> -> memref<32x1024xf32, #tpu.memory_space<hbm>>
    %dma_start3A_175 = arith.constant 0 : i32
    %dma_start3A_176 = arith.constant 0 : i32
    %dma_start3A_177 = tpu.memref_slice %arg6[%dma_start3A_166, %dma_start3A_175, %dma_start3A_176] : memref<2x32x1024xf32, #tpu.memory_space<vmem>> -> memref<1x32x1024xf32, #tpu.memory_space<vmem>>
    %dma_start3A_178 = tpu.memref_squeeze %dma_start3A_177 : memref<1x32x1024xf32, #tpu.memory_space<vmem>> -> memref<32x1024xf32, #tpu.memory_space<vmem>>
    tpu.enqueue_dma source(%dma_start3A_178 : memref<32x1024xf32, #tpu.memory_space<vmem>>) target(%dma_start3A_174 : memref<32x1024xf32, #tpu.memory_space<hbm>>) target_semaphore(%arg9 : memref<!tpu.dma_semaphore, #tpu.memory_space<semaphore_mem>>)
    %dma_wait3A_179 = arith.constant 1 : i32
    %dma_wait3A_180 = arith.constant 1 : i32
    %dma_wait3A_181 = arith.constant 0 : i32
    %dma_wait3A_182 = arith.constant 0 : i32
    %dma_wait3A_183 = tpu.memref_slice %arg6[%dma_wait3A_180, %dma_wait3A_181, %dma_wait3A_182] : memref<2x32x1024xf32, #tpu.memory_space<vmem>> -> memref<1x32x1024xf32, #tpu.memory_space<vmem>>
    %dma_wait3A_184 = tpu.memref_squeeze %dma_wait3A_183 : memref<1x32x1024xf32, #tpu.memory_space<vmem>> -> memref<32x1024xf32, #tpu.memory_space<vmem>>
    %dma_wait3A_185 = arith.constant 0 : i32
    %dma_wait3A_186 = tpu.memref_slice %arg5[%dma_wait3A_179, %dma_wait3A_185] : memref<2x32xi32, #tpu.memory_space<vmem>> -> memref<1x32xi32, #tpu.memory_space<vmem>>
    %dma_wait3A_187 = tpu.memref_squeeze %dma_wait3A_186 : memref<1x32xi32, #tpu.memory_space<vmem>> -> memref<32xi32, #tpu.memory_space<vmem>>
    %dma_wait3A_188 = arith.constant 0 : i32
    %dma_wait3A_189 = arith.constant 0 : i32
    %dma_wait3A_190 = tpu.memref_slice %arg2[%dma_wait3A_188, %dma_wait3A_189] : memref<4096x1024xf32, #tpu.memory_space<hbm>> -> memref<4096x1024xf32, #tpu.memory_space<hbm>>
    tpu.wait_indirect_dma semaphore(%arg8 : memref<!tpu.dma_semaphore, #tpu.memory_space<semaphore_mem>>) src(%dma_wait3A_190 : memref<4096x1024xf32, #tpu.memory_space<hbm>>) dst(%dma_wait3A_184 : memref<32x1024xf32, #tpu.memory_space<vmem>>)
    %mul3A_191 = arith.constant 128 : i32
    %mul3A_192 = arith.muli %add3A, %mul3A_191 : i32
    %add3A_193 = arith.constant 96 : i32
    %add3A_194 = arith.addi %mul3A_192, %add3A_193 : i32
    %dma_start3A_195 = arith.constant 1 : i32
    %dma_start3A_196 = arith.constant 0 : i32
    %dma_start3A_197 = arith.constant 0 : i32
    %dma_start3A_198 = tpu.memref_slice %arg6[%dma_start3A_195, %dma_start3A_196, %dma_start3A_197] : memref<2x32x1024xf32, #tpu.memory_space<vmem>> -> memref<1x32x1024xf32, #tpu.memory_space<vmem>>
    %dma_start3A_199 = tpu.memref_squeeze %dma_start3A_198 : memref<1x32x1024xf32, #tpu.memory_space<vmem>> -> memref<32x1024xf32, #tpu.memory_space<vmem>>
    %dma_start3A_200 = arith.constant 0 : i32
    %dma_start3A_201 = tpu.memref_slice %arg4[%add3A_194, %dma_start3A_200] : memref<4096x1024xf32, #tpu.memory_space<hbm>> -> memref<32x1024xf32, #tpu.memory_space<hbm>>
    %dma_start3A_202 = arith.constant 0 : i32
    %dma_start3A_203 = tpu.memref_slice %arg4[%add3A_194, %dma_start3A_202] : memref<4096x1024xf32, #tpu.memory_space<hbm>> -> memref<32x1024xf32, #tpu.memory_space<hbm>>
    %dma_start3A_204 = arith.constant 0 : i32
    %dma_start3A_205 = arith.constant 0 : i32
    %dma_start3A_206 = tpu.memref_slice %arg6[%dma_start3A_195, %dma_start3A_204, %dma_start3A_205] : memref<2x32x1024xf32, #tpu.memory_space<vmem>> -> memref<1x32x1024xf32, #tpu.memory_space<vmem>>
    %dma_start3A_207 = tpu.memref_squeeze %dma_start3A_206 : memref<1x32x1024xf32, #tpu.memory_space<vmem>> -> memref<32x1024xf32, #tpu.memory_space<vmem>>
    tpu.enqueue_dma source(%dma_start3A_207 : memref<32x1024xf32, #tpu.memory_space<vmem>>) target(%dma_start3A_203 : memref<32x1024xf32, #tpu.memory_space<hbm>>) target_semaphore(%arg10 : memref<!tpu.dma_semaphore, #tpu.memory_space<semaphore_mem>>)
    %dma_wait3A_208 = arith.constant 0 : i32
    %dma_wait3A_209 = arith.constant 0 : i32
    %dma_wait3A_210 = arith.constant 0 : i32
    %dma_wait3A_211 = tpu.memref_slice %arg6[%dma_wait3A_208, %dma_wait3A_209, %dma_wait3A_210] : memref<2x32x1024xf32, #tpu.memory_space<vmem>> -> memref<1x32x1024xf32, #tpu.memory_space<vmem>>
    %dma_wait3A_212 = tpu.memref_squeeze %dma_wait3A_211 : memref<1x32x1024xf32, #tpu.memory_space<vmem>> -> memref<32x1024xf32, #tpu.memory_space<vmem>>
    %dma_wait3A_213 = arith.constant 0 : i32
    %dma_wait3A_214 = tpu.memref_slice %arg4[%add3A_165, %dma_wait3A_213] : memref<4096x1024xf32, #tpu.memory_space<hbm>> -> memref<32x1024xf32, #tpu.memory_space<hbm>>
    %dma_wait3A_215 = arith.constant 0 : i32
    %dma_wait3A_216 = tpu.memref_slice %arg4[%add3A_165, %dma_wait3A_215] : memref<4096x1024xf32, #tpu.memory_space<hbm>> -> memref<32x1024xf32, #tpu.memory_space<hbm>>
    %dma_wait3A_217 = arith.constant 0 : i32
    %dma_wait3A_218 = arith.constant 0 : i32
    %dma_wait3A_219 = tpu.memref_slice %arg6[%dma_wait3A_208, %dma_wait3A_217, %dma_wait3A_218] : memref<2x32x1024xf32, #tpu.memory_space<vmem>> -> memref<1x32x1024xf32, #tpu.memory_space<vmem>>
    %dma_wait3A_220 = tpu.memref_squeeze %dma_wait3A_219 : memref<1x32x1024xf32, #tpu.memory_space<vmem>> -> memref<32x1024xf32, #tpu.memory_space<vmem>>
    tpu.wait_dma2 semaphore(%arg9 : memref<!tpu.dma_semaphore, #tpu.memory_space<semaphore_mem>>) src(%dma_wait3A_220 : memref<32x1024xf32, #tpu.memory_space<vmem>>) dst(%dma_wait3A_216 : memref<32x1024xf32, #tpu.memory_space<hbm>>)
    %dma_wait3A_221 = arith.constant 1 : i32
    %dma_wait3A_222 = arith.constant 0 : i32
    %dma_wait3A_223 = arith.constant 0 : i32
    %dma_wait3A_224 = tpu.memref_slice %arg6[%dma_wait3A_221, %dma_wait3A_222, %dma_wait3A_223] : memref<2x32x1024xf32, #tpu.memory_space<vmem>> -> memref<1x32x1024xf32, #tpu.memory_space<vmem>>
    %dma_wait3A_225 = tpu.memref_squeeze %dma_wait3A_224 : memref<1x32x1024xf32, #tpu.memory_space<vmem>> -> memref<32x1024xf32, #tpu.memory_space<vmem>>
    %dma_wait3A_226 = arith.constant 0 : i32
    %dma_wait3A_227 = tpu.memref_slice %arg4[%add3A_194, %dma_wait3A_226] : memref<4096x1024xf32, #tpu.memory_space<hbm>> -> memref<32x1024xf32, #tpu.memory_space<hbm>>
    %dma_wait3A_228 = arith.constant 0 : i32
    %dma_wait3A_229 = tpu.memref_slice %arg4[%add3A_194, %dma_wait3A_228] : memref<4096x1024xf32, #tpu.memory_space<hbm>> -> memref<32x1024xf32, #tpu.memory_space<hbm>>
    %dma_wait3A_230 = arith.constant 0 : i32
    %dma_wait3A_231 = arith.constant 0 : i32
    %dma_wait3A_232 = tpu.memref_slice %arg6[%dma_wait3A_221, %dma_wait3A_230, %dma_wait3A_231] : memref<2x32x1024xf32, #tpu.memory_space<vmem>> -> memref<1x32x1024xf32, #tpu.memory_space<vmem>>
    %dma_wait3A_233 = tpu.memref_squeeze %dma_wait3A_232 : memref<1x32x1024xf32, #tpu.memory_space<vmem>> -> memref<32x1024xf32, #tpu.memory_space<vmem>>
    tpu.wait_dma2 semaphore(%arg10 : memref<!tpu.dma_semaphore, #tpu.memory_space<semaphore_mem>>) src(%dma_wait3A_233 : memref<32x1024xf32, #tpu.memory_space<vmem>>) dst(%dma_wait3A_229 : memref<32x1024xf32, #tpu.memory_space<hbm>>)
    return
  }
}

#map = affine_map<(d0, d1) -> (0, 0)>
#map1 = affine_map<(d0, d1) -> (0)>
module attributes {stable_mosaic.version = 14 : i64} {
  func.func @body(%arg0: i32, %arg1: i32, %arg2: memref<4096x1024xf32, #tpu.memory_space<hbm>>, %arg3: memref<4096xi32, #tpu.memory_space<hbm>>, %arg4: memref<4096x1024xf32, #tpu.memory_space<hbm>>, %arg5: memref<2x32xi32, #tpu.memory_space<vmem>>, %arg6: memref<2x32x1024xf32, #tpu.memory_space<vmem>>, %arg7: memref<!tpu.dma_semaphore, #tpu.memory_space<semaphore_mem>>, %arg8: memref<!tpu.dma_semaphore, #tpu.memory_space<semaphore_mem>>, %arg9: memref<!tpu.dma_semaphore, #tpu.memory_space<semaphore_mem>>, %arg10: memref<!tpu.dma_semaphore, #tpu.memory_space<semaphore_mem>>) attributes {dimension_semantics = [#tpu.dimension_semantics<core_parallel>, #tpu.dimension_semantics<subcore_parallel>], iteration_bounds = array<i64: 2, 16>, scalar_prefetch = 0 : i64, scratch_operands = 6 : i64, tpu.core_type = #tpu.core_type<sc_vector_subcore>, window_params = [{transform_indices = #map}, {transform_indices = #map1}, {transform_indices = #map}]} {
    %mul3A = arith.constant 2 : i32
    %mul3A_0 = arith.muli %arg1, %mul3A : i32
    %add3A = arith.addi %mul3A_0, %arg0 : i32
    %mul3A_1 = arith.constant 128 : i32
    %mul3A_2 = arith.muli %add3A, %mul3A_1 : i32
    %add3A_3 = arith.constant 0 : i32
    %add3A_4 = arith.addi %mul3A_2, %add3A_3 : i32
    %run_scoped3A = arith.constant 0 : i32
    "tpu.region"() ({
      %run_scoped3A_234 = tpu.sem_alloc : memref<!tpu.dma_semaphore, #tpu.memory_space<semaphore_mem>>
      %dma_start3A_235 = arith.constant 0 : i32
      %dma_start3A_236 = tpu.memref_slice %arg5[%run_scoped3A, %dma_start3A_235] : memref<2x32xi32, #tpu.memory_space<vmem>> -> memref<1x32xi32, #tpu.memory_space<vmem>>
      %dma_start3A_237 = tpu.memref_squeeze %dma_start3A_236 : memref<1x32xi32, #tpu.memory_space<vmem>> -> memref<32xi32, #tpu.memory_space<vmem>>
      %dma_start3A_238 = tpu.memref_slice %arg3[%add3A_4] : memref<4096xi32, #tpu.memory_space<hbm>> -> memref<32xi32, #tpu.memory_space<hbm>>
      %dma_start3A_239 = arith.constant 0 : i32
      %dma_start3A_240 = tpu.memref_slice %arg5[%run_scoped3A, %dma_start3A_239] : memref<2x32xi32, #tpu.memory_space<vmem>> -> memref<1x32xi32, #tpu.memory_space<vmem>>
      %dma_start3A_241 = tpu.memref_squeeze %dma_start3A_240 : memref<1x32xi32, #tpu.memory_space<vmem>> -> memref<32xi32, #tpu.memory_space<vmem>>
      %dma_start3A_242 = tpu.memref_slice %arg3[%add3A_4] : memref<4096xi32, #tpu.memory_space<hbm>> -> memref<32xi32, #tpu.memory_space<hbm>>
      tpu.enqueue_dma source(%dma_start3A_242 : memref<32xi32, #tpu.memory_space<hbm>>) target(%dma_start3A_241 : memref<32xi32, #tpu.memory_space<vmem>>) target_semaphore(%run_scoped3A_234 : memref<!tpu.dma_semaphore, #tpu.memory_space<semaphore_mem>>)
      %dma_wait3A_243 = arith.constant 0 : i32
      %dma_wait3A_244 = tpu.memref_slice %arg5[%run_scoped3A, %dma_wait3A_243] : memref<2x32xi32, #tpu.memory_space<vmem>> -> memref<1x32xi32, #tpu.memory_space<vmem>>
      %dma_wait3A_245 = tpu.memref_squeeze %dma_wait3A_244 : memref<1x32xi32, #tpu.memory_space<vmem>> -> memref<32xi32, #tpu.memory_space<vmem>>
      %dma_wait3A_246 = tpu.memref_slice %arg3[%add3A_4] : memref<4096xi32, #tpu.memory_space<hbm>> -> memref<32xi32, #tpu.memory_space<hbm>>
      %dma_wait3A_247 = arith.constant 0 : i32
      %dma_wait3A_248 = tpu.memref_slice %arg5[%run_scoped3A, %dma_wait3A_247] : memref<2x32xi32, #tpu.memory_space<vmem>> -> memref<1x32xi32, #tpu.memory_space<vmem>>
      %dma_wait3A_249 = tpu.memref_squeeze %dma_wait3A_248 : memref<1x32xi32, #tpu.memory_space<vmem>> -> memref<32xi32, #tpu.memory_space<vmem>>
      %dma_wait3A_250 = tpu.memref_slice %arg3[%add3A_4] : memref<4096xi32, #tpu.memory_space<hbm>> -> memref<32xi32, #tpu.memory_space<hbm>>
      tpu.wait_dma2 semaphore(%run_scoped3A_234 : memref<!tpu.dma_semaphore, #tpu.memory_space<semaphore_mem>>) src(%dma_wait3A_250 : memref<32xi32, #tpu.memory_space<hbm>>) dst(%dma_wait3A_249 : memref<32xi32, #tpu.memory_space<vmem>>)
      tpu.yield
    }) : () -> ()
    %dma_start3A = arith.constant 0 : i32
    %dma_start3A_5 = arith.constant 0 : i32
    %dma_start3A_6 = arith.constant 0 : i32
    %dma_start3A_7 = arith.constant 0 : i32
    %dma_start3A_8 = tpu.memref_slice %arg6[%dma_start3A_5, %dma_start3A_6, %dma_start3A_7] : memref<2x32x1024xf32, #tpu.memory_space<vmem>> -> memref<1x32x1024xf32, #tpu.memory_space<vmem>>
    %dma_start3A_9 = tpu.memref_squeeze %dma_start3A_8 : memref<1x32x1024xf32, #tpu.memory_space<vmem>> -> memref<32x1024xf32, #tpu.memory_space<vmem>>
    %dma_start3A_10 = arith.constant 0 : i32
    %dma_start3A_11 = tpu.memref_slice %arg5[%dma_start3A, %dma_start3A_10] : memref<2x32xi32, #tpu.memory_space<vmem>> -> memref<1x32xi32, #tpu.memory_space<vmem>>
    %dma_start3A_12 = tpu.memref_squeeze %dma_start3A_11 : memref<1x32xi32, #tpu.memory_space<vmem>> -> memref<32xi32, #tpu.memory_space<vmem>>
    %dma_start3A_13 = arith.constant 0 : i32
    %dma_start3A_14 = arith.constant 0 : i32
    %dma_start3A_15 = tpu.memref_slice %arg2[%dma_start3A_13, %dma_start3A_14] : memref<4096x1024xf32, #tpu.memory_space<hbm>> -> memref<4096x1024xf32, #tpu.memory_space<hbm>>
    tpu.enqueue_indirect_dma source(%dma_start3A_15 : memref<4096x1024xf32, #tpu.memory_space<hbm>>) target(%dma_start3A_9 : memref<32x1024xf32, #tpu.memory_space<vmem>>) offsets(%dma_start3A_12 : memref<32xi32, #tpu.memory_space<vmem>>) semaphore(%arg7 : memref<!tpu.dma_semaphore, #tpu.memory_space<semaphore_mem>>)
    %mul3A_16 = arith.constant 128 : i32
    %mul3A_17 = arith.muli %add3A, %mul3A_16 : i32
    %add3A_18 = arith.constant 32 : i32
    %add3A_19 = arith.addi %mul3A_17, %add3A_18 : i32
    %run_scoped3A_20 = arith.constant 1 : i32
    "tpu.region"() ({
      %run_scoped3A_234 = tpu.sem_alloc : memref<!tpu.dma_semaphore, #tpu.memory_space<semaphore_mem>>
      %dma_start3A_235 = arith.constant 0 : i32
      %dma_start3A_236 = tpu.memref_slice %arg5[%run_scoped3A_20, %dma_start3A_235] : memref<2x32xi32, #tpu.memory_space<vmem>> -> memref<1x32xi32, #tpu.memory_space<vmem>>
      %dma_start3A_237 = tpu.memref_squeeze %dma_start3A_236 : memref<1x32xi32, #tpu.memory_space<vmem>> -> memref<32xi32, #tpu.memory_space<vmem>>
      %dma_start3A_238 = tpu.memref_slice %arg3[%add3A_19] : memref<4096xi32, #tpu.memory_space<hbm>> -> memref<32xi32, #tpu.memory_space<hbm>>
      %dma_start3A_239 = arith.constant 0 : i32
      %dma_start3A_240 = tpu.memref_slice %arg5[%run_scoped3A_20, %dma_start3A_239] : memref<2x32xi32, #tpu.memory_space<vmem>> -> memref<1x32xi32, #tpu.memory_space<vmem>>
      %dma_start3A_241 = tpu.memref_squeeze %dma_start3A_240 : memref<1x32xi32, #tpu.memory_space<vmem>> -> memref<32xi32, #tpu.memory_space<vmem>>
      %dma_start3A_242 = tpu.memref_slice %arg3[%add3A_19] : memref<4096xi32, #tpu.memory_space<hbm>> -> memref<32xi32, #tpu.memory_space<hbm>>
      tpu.enqueue_dma source(%dma_start3A_242 : memref<32xi32, #tpu.memory_space<hbm>>) target(%dma_start3A_241 : memref<32xi32, #tpu.memory_space<vmem>>) target_semaphore(%run_scoped3A_234 : memref<!tpu.dma_semaphore, #tpu.memory_space<semaphore_mem>>)
      %dma_wait3A_243 = arith.constant 0 : i32
      %dma_wait3A_244 = tpu.memref_slice %arg5[%run_scoped3A_20, %dma_wait3A_243] : memref<2x32xi32, #tpu.memory_space<vmem>> -> memref<1x32xi32, #tpu.memory_space<vmem>>
      %dma_wait3A_245 = tpu.memref_squeeze %dma_wait3A_244 : memref<1x32xi32, #tpu.memory_space<vmem>> -> memref<32xi32, #tpu.memory_space<vmem>>
      %dma_wait3A_246 = tpu.memref_slice %arg3[%add3A_19] : memref<4096xi32, #tpu.memory_space<hbm>> -> memref<32xi32, #tpu.memory_space<hbm>>
      %dma_wait3A_247 = arith.constant 0 : i32
      %dma_wait3A_248 = tpu.memref_slice %arg5[%run_scoped3A_20, %dma_wait3A_247] : memref<2x32xi32, #tpu.memory_space<vmem>> -> memref<1x32xi32, #tpu.memory_space<vmem>>
      %dma_wait3A_249 = tpu.memref_squeeze %dma_wait3A_248 : memref<1x32xi32, #tpu.memory_space<vmem>> -> memref<32xi32, #tpu.memory_space<vmem>>
      %dma_wait3A_250 = tpu.memref_slice %arg3[%add3A_19] : memref<4096xi32, #tpu.memory_space<hbm>> -> memref<32xi32, #tpu.memory_space<hbm>>
      tpu.wait_dma2 semaphore(%run_scoped3A_234 : memref<!tpu.dma_semaphore, #tpu.memory_space<semaphore_mem>>) src(%dma_wait3A_250 : memref<32xi32, #tpu.memory_space<hbm>>) dst(%dma_wait3A_249 : memref<32xi32, #tpu.memory_space<vmem>>)
      tpu.yield
    }) : () -> ()
    %dma_start3A_21 = arith.constant 1 : i32
    %dma_start3A_22 = arith.constant 1 : i32
    %dma_start3A_23 = arith.constant 0 : i32
    %dma_start3A_24 = arith.constant 0 : i32
    %dma_start3A_25 = tpu.memref_slice %arg6[%dma_start3A_22, %dma_start3A_23, %dma_start3A_24] : memref<2x32x1024xf32, #tpu.memory_space<vmem>> -> memref<1x32x1024xf32, #tpu.memory_space<vmem>>
    %dma_start3A_26 = tpu.memref_squeeze %dma_start3A_25 : memref<1x32x1024xf32, #tpu.memory_space<vmem>> -> memref<32x1024xf32, #tpu.memory_space<vmem>>
    %dma_start3A_27 = arith.constant 0 : i32
    %dma_start3A_28 = tpu.memref_slice %arg5[%dma_start3A_21, %dma_start3A_27] : memref<2x32xi32, #tpu.memory_space<vmem>> -> memref<1x32xi32, #tpu.memory_space<vmem>>
    %dma_start3A_29 = tpu.memref_squeeze %dma_start3A_28 : memref<1x32xi32, #tpu.memory_space<vmem>> -> memref<32xi32, #tpu.memory_space<vmem>>
    %dma_start3A_30 = arith.constant 0 : i32
    %dma_start3A_31 = arith.constant 0 : i32
    %dma_start3A_32 = tpu.memref_slice %arg2[%dma_start3A_30, %dma_start3A_31] : memref<4096x1024xf32, #tpu.memory_space<hbm>> -> memref<4096x1024xf32, #tpu.memory_space<hbm>>
    tpu.enqueue_indirect_dma source(%dma_start3A_32 : memref<4096x1024xf32, #tpu.memory_space<hbm>>) target(%dma_start3A_26 : memref<32x1024xf32, #tpu.memory_space<vmem>>) offsets(%dma_start3A_29 : memref<32xi32, #tpu.memory_space<vmem>>) semaphore(%arg8 : memref<!tpu.dma_semaphore, #tpu.memory_space<semaphore_mem>>)
    %dma_wait3A = arith.constant 0 : i32
    %dma_wait3A_33 = arith.constant 0 : i32
    %dma_wait3A_34 = arith.constant 0 : i32
    %dma_wait3A_35 = arith.constant 0 : i32
    %dma_wait3A_36 = tpu.memref_slice %arg6[%dma_wait3A_33, %dma_wait3A_34, %dma_wait3A_35] : memref<2x32x1024xf32, #tpu.memory_space<vmem>> -> memref<1x32x1024xf32, #tpu.memory_space<vmem>>
    %dma_wait3A_37 = tpu.memref_squeeze %dma_wait3A_36 : memref<1x32x1024xf32, #tpu.memory_space<vmem>> -> memref<32x1024xf32, #tpu.memory_space<vmem>>
    %dma_wait3A_38 = arith.constant 0 : i32
    %dma_wait3A_39 = tpu.memref_slice %arg5[%dma_wait3A, %dma_wait3A_38] : memref<2x32xi32, #tpu.memory_space<vmem>> -> memref<1x32xi32, #tpu.memory_space<vmem>>
    %dma_wait3A_40 = tpu.memref_squeeze %dma_wait3A_39 : memref<1x32xi32, #tpu.memory_space<vmem>> -> memref<32xi32, #tpu.memory_space<vmem>>
    %dma_wait3A_41 = arith.constant 0 : i32
    %dma_wait3A_42 = arith.constant 0 : i32
    %dma_wait3A_43 = tpu.memref_slice %arg2[%dma_wait3A_41, %dma_wait3A_42] : memref<4096x1024xf32, #tpu.memory_space<hbm>> -> memref<4096x1024xf32, #tpu.memory_space<hbm>>
    tpu.wait_indirect_dma semaphore(%arg7 : memref<!tpu.dma_semaphore, #tpu.memory_space<semaphore_mem>>) src(%dma_wait3A_43 : memref<4096x1024xf32, #tpu.memory_space<hbm>>) dst(%dma_wait3A_37 : memref<32x1024xf32, #tpu.memory_space<vmem>>)
    %mul3A_44 = arith.constant 128 : i32
    %mul3A_45 = arith.muli %add3A, %mul3A_44 : i32
    %add3A_46 = arith.constant 0 : i32
    %add3A_47 = arith.addi %mul3A_45, %add3A_46 : i32
    %dma_start3A_48 = arith.constant 0 : i32
    %dma_start3A_49 = arith.constant 0 : i32
    %dma_start3A_50 = arith.constant 0 : i32
    %dma_start3A_51 = tpu.memref_slice %arg6[%dma_start3A_48, %dma_start3A_49, %dma_start3A_50] : memref<2x32x1024xf32, #tpu.memory_space<vmem>> -> memref<1x32x1024xf32, #tpu.memory_space<vmem>>
    %dma_start3A_52 = tpu.memref_squeeze %dma_start3A_51 : memref<1x32x1024xf32, #tpu.memory_space<vmem>> -> memref<32x1024xf32, #tpu.memory_space<vmem>>
    %dma_start3A_53 = arith.constant 0 : i32
    %dma_start3A_54 = tpu.memref_slice %arg4[%add3A_47, %dma_start3A_53] : memref<4096x1024xf32, #tpu.memory_space<hbm>> -> memref<32x1024xf32, #tpu.memory_space<hbm>>
    %dma_start3A_55 = arith.constant 0 : i32
    %dma_start3A_56 = tpu.memref_slice %arg4[%add3A_47, %dma_start3A_55] : memref<4096x1024xf32, #tpu.memory_space<hbm>> -> memref<32x1024xf32, #tpu.memory_space<hbm>>
    %dma_start3A_57 = arith.constant 0 : i32
    %dma_start3A_58 = arith.constant 0 : i32
    %dma_start3A_59 = tpu.memref_slice %arg6[%dma_start3A_48, %dma_start3A_57, %dma_start3A_58] : memref<2x32x1024xf32, #tpu.memory_space<vmem>> -> memref<1x32x1024xf32, #tpu.memory_space<vmem>>
    %dma_start3A_60 = tpu.memref_squeeze %dma_start3A_59 : memref<1x32x1024xf32, #tpu.memory_space<vmem>> -> memref<32x1024xf32, #tpu.memory_space<vmem>>
    tpu.enqueue_dma source(%dma_start3A_60 : memref<32x1024xf32, #tpu.memory_space<vmem>>) target(%dma_start3A_56 : memref<32x1024xf32, #tpu.memory_space<hbm>>) target_semaphore(%arg9 : memref<!tpu.dma_semaphore, #tpu.memory_space<semaphore_mem>>)
    %dma_wait3A_61 = arith.constant 0 : i32
    %dma_wait3A_62 = arith.constant 0 : i32
    %dma_wait3A_63 = arith.constant 0 : i32
    %dma_wait3A_64 = tpu.memref_slice %arg6[%dma_wait3A_61, %dma_wait3A_62, %dma_wait3A_63] : memref<2x32x1024xf32, #tpu.memory_space<vmem>> -> memref<1x32x1024xf32, #tpu.memory_space<vmem>>
    %dma_wait3A_65 = tpu.memref_squeeze %dma_wait3A_64 : memref<1x32x1024xf32, #tpu.memory_space<vmem>> -> memref<32x1024xf32, #tpu.memory_space<vmem>>
    %dma_wait3A_66 = arith.constant 0 : i32
    %dma_wait3A_67 = tpu.memref_slice %arg4[%add3A_47, %dma_wait3A_66] : memref<4096x1024xf32, #tpu.memory_space<hbm>> -> memref<32x1024xf32, #tpu.memory_space<hbm>>
    %dma_wait3A_68 = arith.constant 0 : i32
    %dma_wait3A_69 = tpu.memref_slice %arg4[%add3A_47, %dma_wait3A_68] : memref<4096x1024xf32, #tpu.memory_space<hbm>> -> memref<32x1024xf32, #tpu.memory_space<hbm>>
    %dma_wait3A_70 = arith.constant 0 : i32
    %dma_wait3A_71 = arith.constant 0 : i32
    %dma_wait3A_72 = tpu.memref_slice %arg6[%dma_wait3A_61, %dma_wait3A_70, %dma_wait3A_71] : memref<2x32x1024xf32, #tpu.memory_space<vmem>> -> memref<1x32x1024xf32, #tpu.memory_space<vmem>>
    %dma_wait3A_73 = tpu.memref_squeeze %dma_wait3A_72 : memref<1x32x1024xf32, #tpu.memory_space<vmem>> -> memref<32x1024xf32, #tpu.memory_space<vmem>>
    tpu.wait_dma2 semaphore(%arg9 : memref<!tpu.dma_semaphore, #tpu.memory_space<semaphore_mem>>) src(%dma_wait3A_73 : memref<32x1024xf32, #tpu.memory_space<vmem>>) dst(%dma_wait3A_69 : memref<32x1024xf32, #tpu.memory_space<hbm>>)
    %mul3A_74 = arith.constant 128 : i32
    %mul3A_75 = arith.muli %add3A, %mul3A_74 : i32
    %add3A_76 = arith.constant 64 : i32
    %add3A_77 = arith.addi %mul3A_75, %add3A_76 : i32
    %run_scoped3A_78 = arith.constant 0 : i32
    "tpu.region"() ({
      %run_scoped3A_234 = tpu.sem_alloc : memref<!tpu.dma_semaphore, #tpu.memory_space<semaphore_mem>>
      %dma_start3A_235 = arith.constant 0 : i32
      %dma_start3A_236 = tpu.memref_slice %arg5[%run_scoped3A_78, %dma_start3A_235] : memref<2x32xi32, #tpu.memory_space<vmem>> -> memref<1x32xi32, #tpu.memory_space<vmem>>
      %dma_start3A_237 = tpu.memref_squeeze %dma_start3A_236 : memref<1x32xi32, #tpu.memory_space<vmem>> -> memref<32xi32, #tpu.memory_space<vmem>>
      %dma_start3A_238 = tpu.memref_slice %arg3[%add3A_77] : memref<4096xi32, #tpu.memory_space<hbm>> -> memref<32xi32, #tpu.memory_space<hbm>>
      %dma_start3A_239 = arith.constant 0 : i32
      %dma_start3A_240 = tpu.memref_slice %arg5[%run_scoped3A_78, %dma_start3A_239] : memref<2x32xi32, #tpu.memory_space<vmem>> -> memref<1x32xi32, #tpu.memory_space<vmem>>
      %dma_start3A_241 = tpu.memref_squeeze %dma_start3A_240 : memref<1x32xi32, #tpu.memory_space<vmem>> -> memref<32xi32, #tpu.memory_space<vmem>>
      %dma_start3A_242 = tpu.memref_slice %arg3[%add3A_77] : memref<4096xi32, #tpu.memory_space<hbm>> -> memref<32xi32, #tpu.memory_space<hbm>>
      tpu.enqueue_dma source(%dma_start3A_242 : memref<32xi32, #tpu.memory_space<hbm>>) target(%dma_start3A_241 : memref<32xi32, #tpu.memory_space<vmem>>) target_semaphore(%run_scoped3A_234 : memref<!tpu.dma_semaphore, #tpu.memory_space<semaphore_mem>>)
      %dma_wait3A_243 = arith.constant 0 : i32
      %dma_wait3A_244 = tpu.memref_slice %arg5[%run_scoped3A_78, %dma_wait3A_243] : memref<2x32xi32, #tpu.memory_space<vmem>> -> memref<1x32xi32, #tpu.memory_space<vmem>>
      %dma_wait3A_245 = tpu.memref_squeeze %dma_wait3A_244 : memref<1x32xi32, #tpu.memory_space<vmem>> -> memref<32xi32, #tpu.memory_space<vmem>>
      %dma_wait3A_246 = tpu.memref_slice %arg3[%add3A_77] : memref<4096xi32, #tpu.memory_space<hbm>> -> memref<32xi32, #tpu.memory_space<hbm>>
      %dma_wait3A_247 = arith.constant 0 : i32
      %dma_wait3A_248 = tpu.memref_slice %arg5[%run_scoped3A_78, %dma_wait3A_247] : memref<2x32xi32, #tpu.memory_space<vmem>> -> memref<1x32xi32, #tpu.memory_space<vmem>>
      %dma_wait3A_249 = tpu.memref_squeeze %dma_wait3A_248 : memref<1x32xi32, #tpu.memory_space<vmem>> -> memref<32xi32, #tpu.memory_space<vmem>>
      %dma_wait3A_250 = tpu.memref_slice %arg3[%add3A_77] : memref<4096xi32, #tpu.memory_space<hbm>> -> memref<32xi32, #tpu.memory_space<hbm>>
      tpu.wait_dma2 semaphore(%run_scoped3A_234 : memref<!tpu.dma_semaphore, #tpu.memory_space<semaphore_mem>>) src(%dma_wait3A_250 : memref<32xi32, #tpu.memory_space<hbm>>) dst(%dma_wait3A_249 : memref<32xi32, #tpu.memory_space<vmem>>)
      tpu.yield
    }) : () -> ()
    %dma_start3A_79 = arith.constant 0 : i32
    %dma_start3A_80 = arith.constant 0 : i32
    %dma_start3A_81 = arith.constant 0 : i32
    %dma_start3A_82 = arith.constant 0 : i32
    %dma_start3A_83 = tpu.memref_slice %arg6[%dma_start3A_80, %dma_start3A_81, %dma_start3A_82] : memref<2x32x1024xf32, #tpu.memory_space<vmem>> -> memref<1x32x1024xf32, #tpu.memory_space<vmem>>
    %dma_start3A_84 = tpu.memref_squeeze %dma_start3A_83 : memref<1x32x1024xf32, #tpu.memory_space<vmem>> -> memref<32x1024xf32, #tpu.memory_space<vmem>>
    %dma_start3A_85 = arith.constant 0 : i32
    %dma_start3A_86 = tpu.memref_slice %arg5[%dma_start3A_79, %dma_start3A_85] : memref<2x32xi32, #tpu.memory_space<vmem>> -> memref<1x32xi32, #tpu.memory_space<vmem>>
    %dma_start3A_87 = tpu.memref_squeeze %dma_start3A_86 : memref<1x32xi32, #tpu.memory_space<vmem>> -> memref<32xi32, #tpu.memory_space<vmem>>
    %dma_start3A_88 = arith.constant 0 : i32
    %dma_start3A_89 = arith.constant 0 : i32
    %dma_start3A_90 = tpu.memref_slice %arg2[%dma_start3A_88, %dma_start3A_89] : memref<4096x1024xf32, #tpu.memory_space<hbm>> -> memref<4096x1024xf32, #tpu.memory_space<hbm>>
    tpu.enqueue_indirect_dma source(%dma_start3A_90 : memref<4096x1024xf32, #tpu.memory_space<hbm>>) target(%dma_start3A_84 : memref<32x1024xf32, #tpu.memory_space<vmem>>) offsets(%dma_start3A_87 : memref<32xi32, #tpu.memory_space<vmem>>) semaphore(%arg7 : memref<!tpu.dma_semaphore, #tpu.memory_space<semaphore_mem>>)
    %dma_wait3A_91 = arith.constant 1 : i32
    %dma_wait3A_92 = arith.constant 1 : i32
    %dma_wait3A_93 = arith.constant 0 : i32
    %dma_wait3A_94 = arith.constant 0 : i32
    %dma_wait3A_95 = tpu.memref_slice %arg6[%dma_wait3A_92, %dma_wait3A_93, %dma_wait3A_94] : memref<2x32x1024xf32, #tpu.memory_space<vmem>> -> memref<1x32x1024xf32, #tpu.memory_space<vmem>>
    %dma_wait3A_96 = tpu.memref_squeeze %dma_wait3A_95 : memref<1x32x1024xf32, #tpu.memory_space<vmem>> -> memref<32x1024xf32, #tpu.memory_space<vmem>>
    %dma_wait3A_97 = arith.constant 0 : i32
    %dma_wait3A_98 = tpu.memref_slice %arg5[%dma_wait3A_91, %dma_wait3A_97] : memref<2x32xi32, #tpu.memory_space<vmem>> -> memref<1x32xi32, #tpu.memory_space<vmem>>
    %dma_wait3A_99 = tpu.memref_squeeze %dma_wait3A_98 : memref<1x32xi32, #tpu.memory_space<vmem>> -> memref<32xi32, #tpu.memory_space<vmem>>
    %dma_wait3A_100 = arith.constant 0 : i32
    %dma_wait3A_101 = arith.constant 0 : i32
    %dma_wait3A_102 = tpu.memref_slice %arg2[%dma_wait3A_100, %dma_wait3A_101] : memref<4096x1024xf32, #tpu.memory_space<hbm>> -> memref<4096x1024xf32, #tpu.memory_space<hbm>>
    tpu.wait_indirect_dma semaphore(%arg8 : memref<!tpu.dma_semaphore, #tpu.memory_space<semaphore_mem>>) src(%dma_wait3A_102 : memref<4096x1024xf32, #tpu.memory_space<hbm>>) dst(%dma_wait3A_96 : memref<32x1024xf32, #tpu.memory_space<vmem>>)
    %mul3A_103 = arith.constant 128 : i32
    %mul3A_104 = arith.muli %add3A, %mul3A_103 : i32
    %add3A_105 = arith.constant 32 : i32
    %add3A_106 = arith.addi %mul3A_104, %add3A_105 : i32
    %dma_start3A_107 = arith.constant 1 : i32
    %dma_start3A_108 = arith.constant 0 : i32
    %dma_start3A_109 = arith.constant 0 : i32
    %dma_start3A_110 = tpu.memref_slice %arg6[%dma_start3A_107, %dma_start3A_108, %dma_start3A_109] : memref<2x32x1024xf32, #tpu.memory_space<vmem>> -> memref<1x32x1024xf32, #tpu.memory_space<vmem>>
    %dma_start3A_111 = tpu.memref_squeeze %dma_start3A_110 : memref<1x32x1024xf32, #tpu.memory_space<vmem>> -> memref<32x1024xf32, #tpu.memory_space<vmem>>
    %dma_start3A_112 = arith.constant 0 : i32
    %dma_start3A_113 = tpu.memref_slice %arg4[%add3A_106, %dma_start3A_112] : memref<4096x1024xf32, #tpu.memory_space<hbm>> -> memref<32x1024xf32, #tpu.memory_space<hbm>>
    %dma_start3A_114 = arith.constant 0 : i32
    %dma_start3A_115 = tpu.memref_slice %arg4[%add3A_106, %dma_start3A_114] : memref<4096x1024xf32, #tpu.memory_space<hbm>> -> memref<32x1024xf32, #tpu.memory_space<hbm>>
    %dma_start3A_116 = arith.constant 0 : i32
    %dma_start3A_117 = arith.constant 0 : i32
    %dma_start3A_118 = tpu.memref_slice %arg6[%dma_start3A_107, %dma_start3A_116, %dma_start3A_117] : memref<2x32x1024xf32, #tpu.memory_space<vmem>> -> memref<1x32x1024xf32, #tpu.memory_space<vmem>>
    %dma_start3A_119 = tpu.memref_squeeze %dma_start3A_118 : memref<1x32x1024xf32, #tpu.memory_space<vmem>> -> memref<32x1024xf32, #tpu.memory_space<vmem>>
    tpu.enqueue_dma source(%dma_start3A_119 : memref<32x1024xf32, #tpu.memory_space<vmem>>) target(%dma_start3A_115 : memref<32x1024xf32, #tpu.memory_space<hbm>>) target_semaphore(%arg10 : memref<!tpu.dma_semaphore, #tpu.memory_space<semaphore_mem>>)
    %dma_wait3A_120 = arith.constant 1 : i32
    %dma_wait3A_121 = arith.constant 0 : i32
    %dma_wait3A_122 = arith.constant 0 : i32
    %dma_wait3A_123 = tpu.memref_slice %arg6[%dma_wait3A_120, %dma_wait3A_121, %dma_wait3A_122] : memref<2x32x1024xf32, #tpu.memory_space<vmem>> -> memref<1x32x1024xf32, #tpu.memory_space<vmem>>
    %dma_wait3A_124 = tpu.memref_squeeze %dma_wait3A_123 : memref<1x32x1024xf32, #tpu.memory_space<vmem>> -> memref<32x1024xf32, #tpu.memory_space<vmem>>
    %dma_wait3A_125 = arith.constant 0 : i32
    %dma_wait3A_126 = tpu.memref_slice %arg4[%add3A_106, %dma_wait3A_125] : memref<4096x1024xf32, #tpu.memory_space<hbm>> -> memref<32x1024xf32, #tpu.memory_space<hbm>>
    %dma_wait3A_127 = arith.constant 0 : i32
    %dma_wait3A_128 = tpu.memref_slice %arg4[%add3A_106, %dma_wait3A_127] : memref<4096x1024xf32, #tpu.memory_space<hbm>> -> memref<32x1024xf32, #tpu.memory_space<hbm>>
    %dma_wait3A_129 = arith.constant 0 : i32
    %dma_wait3A_130 = arith.constant 0 : i32
    %dma_wait3A_131 = tpu.memref_slice %arg6[%dma_wait3A_120, %dma_wait3A_129, %dma_wait3A_130] : memref<2x32x1024xf32, #tpu.memory_space<vmem>> -> memref<1x32x1024xf32, #tpu.memory_space<vmem>>
    %dma_wait3A_132 = tpu.memref_squeeze %dma_wait3A_131 : memref<1x32x1024xf32, #tpu.memory_space<vmem>> -> memref<32x1024xf32, #tpu.memory_space<vmem>>
    tpu.wait_dma2 semaphore(%arg10 : memref<!tpu.dma_semaphore, #tpu.memory_space<semaphore_mem>>) src(%dma_wait3A_132 : memref<32x1024xf32, #tpu.memory_space<vmem>>) dst(%dma_wait3A_128 : memref<32x1024xf32, #tpu.memory_space<hbm>>)
    %mul3A_133 = arith.constant 128 : i32
    %mul3A_134 = arith.muli %add3A, %mul3A_133 : i32
    %add3A_135 = arith.constant 96 : i32
    %add3A_136 = arith.addi %mul3A_134, %add3A_135 : i32
    %run_scoped3A_137 = arith.constant 1 : i32
    "tpu.region"() ({
      %run_scoped3A_234 = tpu.sem_alloc : memref<!tpu.dma_semaphore, #tpu.memory_space<semaphore_mem>>
      %dma_start3A_235 = arith.constant 0 : i32
      %dma_start3A_236 = tpu.memref_slice %arg5[%run_scoped3A_137, %dma_start3A_235] : memref<2x32xi32, #tpu.memory_space<vmem>> -> memref<1x32xi32, #tpu.memory_space<vmem>>
      %dma_start3A_237 = tpu.memref_squeeze %dma_start3A_236 : memref<1x32xi32, #tpu.memory_space<vmem>> -> memref<32xi32, #tpu.memory_space<vmem>>
      %dma_start3A_238 = tpu.memref_slice %arg3[%add3A_136] : memref<4096xi32, #tpu.memory_space<hbm>> -> memref<32xi32, #tpu.memory_space<hbm>>
      %dma_start3A_239 = arith.constant 0 : i32
      %dma_start3A_240 = tpu.memref_slice %arg5[%run_scoped3A_137, %dma_start3A_239] : memref<2x32xi32, #tpu.memory_space<vmem>> -> memref<1x32xi32, #tpu.memory_space<vmem>>
      %dma_start3A_241 = tpu.memref_squeeze %dma_start3A_240 : memref<1x32xi32, #tpu.memory_space<vmem>> -> memref<32xi32, #tpu.memory_space<vmem>>
      %dma_start3A_242 = tpu.memref_slice %arg3[%add3A_136] : memref<4096xi32, #tpu.memory_space<hbm>> -> memref<32xi32, #tpu.memory_space<hbm>>
      tpu.enqueue_dma source(%dma_start3A_242 : memref<32xi32, #tpu.memory_space<hbm>>) target(%dma_start3A_241 : memref<32xi32, #tpu.memory_space<vmem>>) target_semaphore(%run_scoped3A_234 : memref<!tpu.dma_semaphore, #tpu.memory_space<semaphore_mem>>)
      %dma_wait3A_243 = arith.constant 0 : i32
      %dma_wait3A_244 = tpu.memref_slice %arg5[%run_scoped3A_137, %dma_wait3A_243] : memref<2x32xi32, #tpu.memory_space<vmem>> -> memref<1x32xi32, #tpu.memory_space<vmem>>
      %dma_wait3A_245 = tpu.memref_squeeze %dma_wait3A_244 : memref<1x32xi32, #tpu.memory_space<vmem>> -> memref<32xi32, #tpu.memory_space<vmem>>
      %dma_wait3A_246 = tpu.memref_slice %arg3[%add3A_136] : memref<4096xi32, #tpu.memory_space<hbm>> -> memref<32xi32, #tpu.memory_space<hbm>>
      %dma_wait3A_247 = arith.constant 0 : i32
      %dma_wait3A_248 = tpu.memref_slice %arg5[%run_scoped3A_137, %dma_wait3A_247] : memref<2x32xi32, #tpu.memory_space<vmem>> -> memref<1x32xi32, #tpu.memory_space<vmem>>
      %dma_wait3A_249 = tpu.memref_squeeze %dma_wait3A_248 : memref<1x32xi32, #tpu.memory_space<vmem>> -> memref<32xi32, #tpu.memory_space<vmem>>
      %dma_wait3A_250 = tpu.memref_slice %arg3[%add3A_136] : memref<4096xi32, #tpu.memory_space<hbm>> -> memref<32xi32, #tpu.memory_space<hbm>>
      tpu.wait_dma2 semaphore(%run_scoped3A_234 : memref<!tpu.dma_semaphore, #tpu.memory_space<semaphore_mem>>) src(%dma_wait3A_250 : memref<32xi32, #tpu.memory_space<hbm>>) dst(%dma_wait3A_249 : memref<32xi32, #tpu.memory_space<vmem>>)
      tpu.yield
    }) : () -> ()
    %dma_start3A_138 = arith.constant 1 : i32
    %dma_start3A_139 = arith.constant 1 : i32
    %dma_start3A_140 = arith.constant 0 : i32
    %dma_start3A_141 = arith.constant 0 : i32
    %dma_start3A_142 = tpu.memref_slice %arg6[%dma_start3A_139, %dma_start3A_140, %dma_start3A_141] : memref<2x32x1024xf32, #tpu.memory_space<vmem>> -> memref<1x32x1024xf32, #tpu.memory_space<vmem>>
    %dma_start3A_143 = tpu.memref_squeeze %dma_start3A_142 : memref<1x32x1024xf32, #tpu.memory_space<vmem>> -> memref<32x1024xf32, #tpu.memory_space<vmem>>
    %dma_start3A_144 = arith.constant 0 : i32
    %dma_start3A_145 = tpu.memref_slice %arg5[%dma_start3A_138, %dma_start3A_144] : memref<2x32xi32, #tpu.memory_space<vmem>> -> memref<1x32xi32, #tpu.memory_space<vmem>>
    %dma_start3A_146 = tpu.memref_squeeze %dma_start3A_145 : memref<1x32xi32, #tpu.memory_space<vmem>> -> memref<32xi32, #tpu.memory_space<vmem>>
    %dma_start3A_147 = arith.constant 0 : i32
    %dma_start3A_148 = arith.constant 0 : i32
    %dma_start3A_149 = tpu.memref_slice %arg2[%dma_start3A_147, %dma_start3A_148] : memref<4096x1024xf32, #tpu.memory_space<hbm>> -> memref<4096x1024xf32, #tpu.memory_space<hbm>>
    tpu.enqueue_indirect_dma source(%dma_start3A_149 : memref<4096x1024xf32, #tpu.memory_space<hbm>>) target(%dma_start3A_143 : memref<32x1024xf32, #tpu.memory_space<vmem>>) offsets(%dma_start3A_146 : memref<32xi32, #tpu.memory_space<vmem>>) semaphore(%arg8 : memref<!tpu.dma_semaphore, #tpu.memory_space<semaphore_mem>>)
    %dma_wait3A_150 = arith.constant 0 : i32
    %dma_wait3A_151 = arith.constant 0 : i32
    %dma_wait3A_152 = arith.constant 0 : i32
    %dma_wait3A_153 = arith.constant 0 : i32
    %dma_wait3A_154 = tpu.memref_slice %arg6[%dma_wait3A_151, %dma_wait3A_152, %dma_wait3A_153] : memref<2x32x1024xf32, #tpu.memory_space<vmem>> -> memref<1x32x1024xf32, #tpu.memory_space<vmem>>
    %dma_wait3A_155 = tpu.memref_squeeze %dma_wait3A_154 : memref<1x32x1024xf32, #tpu.memory_space<vmem>> -> memref<32x1024xf32, #tpu.memory_space<vmem>>
    %dma_wait3A_156 = arith.constant 0 : i32
    %dma_wait3A_157 = tpu.memref_slice %arg5[%dma_wait3A_150, %dma_wait3A_156] : memref<2x32xi32, #tpu.memory_space<vmem>> -> memref<1x32xi32, #tpu.memory_space<vmem>>
    %dma_wait3A_158 = tpu.memref_squeeze %dma_wait3A_157 : memref<1x32xi32, #tpu.memory_space<vmem>> -> memref<32xi32, #tpu.memory_space<vmem>>
    %dma_wait3A_159 = arith.constant 0 : i32
    %dma_wait3A_160 = arith.constant 0 : i32
    %dma_wait3A_161 = tpu.memref_slice %arg2[%dma_wait3A_159, %dma_wait3A_160] : memref<4096x1024xf32, #tpu.memory_space<hbm>> -> memref<4096x1024xf32, #tpu.memory_space<hbm>>
    tpu.wait_indirect_dma semaphore(%arg7 : memref<!tpu.dma_semaphore, #tpu.memory_space<semaphore_mem>>) src(%dma_wait3A_161 : memref<4096x1024xf32, #tpu.memory_space<hbm>>) dst(%dma_wait3A_155 : memref<32x1024xf32, #tpu.memory_space<vmem>>)
    %mul3A_162 = arith.constant 128 : i32
    %mul3A_163 = arith.muli %add3A, %mul3A_162 : i32
    %add3A_164 = arith.constant 64 : i32
    %add3A_165 = arith.addi %mul3A_163, %add3A_164 : i32
    %dma_start3A_166 = arith.constant 0 : i32
    %dma_start3A_167 = arith.constant 0 : i32
    %dma_start3A_168 = arith.constant 0 : i32
    %dma_start3A_169 = tpu.memref_slice %arg6[%dma_start3A_166, %dma_start3A_167, %dma_start3A_168] : memref<2x32x1024xf32, #tpu.memory_space<vmem>> -> memref<1x32x1024xf32, #tpu.memory_space<vmem>>
    %dma_start3A_170 = tpu.memref_squeeze %dma_start3A_169 : memref<1x32x1024xf32, #tpu.memory_space<vmem>> -> memref<32x1024xf32, #tpu.memory_space<vmem>>
    %dma_start3A_171 = arith.constant 0 : i32
    %dma_start3A_172 = tpu.memref_slice %arg4[%add3A_165, %dma_start3A_171] : memref<4096x1024xf32, #tpu.memory_space<hbm>> -> memref<32x1024xf32, #tpu.memory_space<hbm>>
    %dma_start3A_173 = arith.constant 0 : i32
    %dma_start3A_174 = tpu.memref_slice %arg4[%add3A_165, %dma_start3A_173] : memref<4096x1024xf32, #tpu.memory_space<hbm>> -> memref<32x1024xf32, #tpu.memory_space<hbm>>
    %dma_start3A_175 = arith.constant 0 : i32
    %dma_start3A_176 = arith.constant 0 : i32
    %dma_start3A_177 = tpu.memref_slice %arg6[%dma_start3A_166, %dma_start3A_175, %dma_start3A_176] : memref<2x32x1024xf32, #tpu.memory_space<vmem>> -> memref<1x32x1024xf32, #tpu.memory_space<vmem>>
    %dma_start3A_178 = tpu.memref_squeeze %dma_start3A_177 : memref<1x32x1024xf32, #tpu.memory_space<vmem>> -> memref<32x1024xf32, #tpu.memory_space<vmem>>
    tpu.enqueue_dma source(%dma_start3A_178 : memref<32x1024xf32, #tpu.memory_space<vmem>>) target(%dma_start3A_174 : memref<32x1024xf32, #tpu.memory_space<hbm>>) target_semaphore(%arg9 : memref<!tpu.dma_semaphore, #tpu.memory_space<semaphore_mem>>)
    %dma_wait3A_179 = arith.constant 1 : i32
    %dma_wait3A_180 = arith.constant 1 : i32
    %dma_wait3A_181 = arith.constant 0 : i32
    %dma_wait3A_182 = arith.constant 0 : i32
    %dma_wait3A_183 = tpu.memref_slice %arg6[%dma_wait3A_180, %dma_wait3A_181, %dma_wait3A_182] : memref<2x32x1024xf32, #tpu.memory_space<vmem>> -> memref<1x32x1024xf32, #tpu.memory_space<vmem>>
    %dma_wait3A_184 = tpu.memref_squeeze %dma_wait3A_183 : memref<1x32x1024xf32, #tpu.memory_space<vmem>> -> memref<32x1024xf32, #tpu.memory_space<vmem>>
    %dma_wait3A_185 = arith.constant 0 : i32
    %dma_wait3A_186 = tpu.memref_slice %arg5[%dma_wait3A_179, %dma_wait3A_185] : memref<2x32xi32, #tpu.memory_space<vmem>> -> memref<1x32xi32, #tpu.memory_space<vmem>>
    %dma_wait3A_187 = tpu.memref_squeeze %dma_wait3A_186 : memref<1x32xi32, #tpu.memory_space<vmem>> -> memref<32xi32, #tpu.memory_space<vmem>>
    %dma_wait3A_188 = arith.constant 0 : i32
    %dma_wait3A_189 = arith.constant 0 : i32
    %dma_wait3A_190 = tpu.memref_slice %arg2[%dma_wait3A_188, %dma_wait3A_189] : memref<4096x1024xf32, #tpu.memory_space<hbm>> -> memref<4096x1024xf32, #tpu.memory_space<hbm>>
    tpu.wait_indirect_dma semaphore(%arg8 : memref<!tpu.dma_semaphore, #tpu.memory_space<semaphore_mem>>) src(%dma_wait3A_190 : memref<4096x1024xf32, #tpu.memory_space<hbm>>) dst(%dma_wait3A_184 : memref<32x1024xf32, #tpu.memory_space<vmem>>)
    %mul3A_191 = arith.constant 128 : i32
    %mul3A_192 = arith.muli %add3A, %mul3A_191 : i32
    %add3A_193 = arith.constant 96 : i32
    %add3A_194 = arith.addi %mul3A_192, %add3A_193 : i32
    %dma_start3A_195 = arith.constant 1 : i32
    %dma_start3A_196 = arith.constant 0 : i32
    %dma_start3A_197 = arith.constant 0 : i32
    %dma_start3A_198 = tpu.memref_slice %arg6[%dma_start3A_195, %dma_start3A_196, %dma_start3A_197] : memref<2x32x1024xf32, #tpu.memory_space<vmem>> -> memref<1x32x1024xf32, #tpu.memory_space<vmem>>
    %dma_start3A_199 = tpu.memref_squeeze %dma_start3A_198 : memref<1x32x1024xf32, #tpu.memory_space<vmem>> -> memref<32x1024xf32, #tpu.memory_space<vmem>>
    %dma_start3A_200 = arith.constant 0 : i32
    %dma_start3A_201 = tpu.memref_slice %arg4[%add3A_194, %dma_start3A_200] : memref<4096x1024xf32, #tpu.memory_space<hbm>> -> memref<32x1024xf32, #tpu.memory_space<hbm>>
    %dma_start3A_202 = arith.constant 0 : i32
    %dma_start3A_203 = tpu.memref_slice %arg4[%add3A_194, %dma_start3A_202] : memref<4096x1024xf32, #tpu.memory_space<hbm>> -> memref<32x1024xf32, #tpu.memory_space<hbm>>
    %dma_start3A_204 = arith.constant 0 : i32
    %dma_start3A_205 = arith.constant 0 : i32
    %dma_start3A_206 = tpu.memref_slice %arg6[%dma_start3A_195, %dma_start3A_204, %dma_start3A_205] : memref<2x32x1024xf32, #tpu.memory_space<vmem>> -> memref<1x32x1024xf32, #tpu.memory_space<vmem>>
    %dma_start3A_207 = tpu.memref_squeeze %dma_start3A_206 : memref<1x32x1024xf32, #tpu.memory_space<vmem>> -> memref<32x1024xf32, #tpu.memory_space<vmem>>
    tpu.enqueue_dma source(%dma_start3A_207 : memref<32x1024xf32, #tpu.memory_space<vmem>>) target(%dma_start3A_203 : memref<32x1024xf32, #tpu.memory_space<hbm>>) target_semaphore(%arg10 : memref<!tpu.dma_semaphore, #tpu.memory_space<semaphore_mem>>)
    %dma_wait3A_208 = arith.constant 0 : i32
    %dma_wait3A_209 = arith.constant 0 : i32
    %dma_wait3A_210 = arith.constant 0 : i32
    %dma_wait3A_211 = tpu.memref_slice %arg6[%dma_wait3A_208, %dma_wait3A_209, %dma_wait3A_210] : memref<2x32x1024xf32, #tpu.memory_space<vmem>> -> memref<1x32x1024xf32, #tpu.memory_space<vmem>>
    %dma_wait3A_212 = tpu.memref_squeeze %dma_wait3A_211 : memref<1x32x1024xf32, #tpu.memory_space<vmem>> -> memref<32x1024xf32, #tpu.memory_space<vmem>>
    %dma_wait3A_213 = arith.constant 0 : i32
    %dma_wait3A_214 = tpu.memref_slice %arg4[%add3A_165, %dma_wait3A_213] : memref<4096x1024xf32, #tpu.memory_space<hbm>> -> memref<32x1024xf32, #tpu.memory_space<hbm>>
    %dma_wait3A_215 = arith.constant 0 : i32
    %dma_wait3A_216 = tpu.memref_slice %arg4[%add3A_165, %dma_wait3A_215] : memref<4096x1024xf32, #tpu.memory_space<hbm>> -> memref<32x1024xf32, #tpu.memory_space<hbm>>
    %dma_wait3A_217 = arith.constant 0 : i32
    %dma_wait3A_218 = arith.constant 0 : i32
    %dma_wait3A_219 = tpu.memref_slice %arg6[%dma_wait3A_208, %dma_wait3A_217, %dma_wait3A_218] : memref<2x32x1024xf32, #tpu.memory_space<vmem>> -> memref<1x32x1024xf32, #tpu.memory_space<vmem>>
    %dma_wait3A_220 = tpu.memref_squeeze %dma_wait3A_219 : memref<1x32x1024xf32, #tpu.memory_space<vmem>> -> memref<32x1024xf32, #tpu.memory_space<vmem>>
    tpu.wait_dma2 semaphore(%arg9 : memref<!tpu.dma_semaphore, #tpu.memory_space<semaphore_mem>>) src(%dma_wait3A_220 : memref<32x1024xf32, #tpu.memory_space<vmem>>) dst(%dma_wait3A_216 : memref<32x1024xf32, #tpu.memory_space<hbm>>)
    %dma_wait3A_221 = arith.constant 1 : i32
    %dma_wait3A_222 = arith.constant 0 : i32
    %dma_wait3A_223 = arith.constant 0 : i32
    %dma_wait3A_224 = tpu.memref_slice %arg6[%dma_wait3A_221, %dma_wait3A_222, %dma_wait3A_223] : memref<2x32x1024xf32, #tpu.memory_space<vmem>> -> memref<1x32x1024xf32, #tpu.memory_space<vmem>>
    %dma_wait3A_225 = tpu.memref_squeeze %dma_wait3A_224 : memref<1x32x1024xf32, #tpu.memory_space<vmem>> -> memref<32x1024xf32, #tpu.memory_space<vmem>>
    %dma_wait3A_226 = arith.constant 0 : i32
    %dma_wait3A_227 = tpu.memref_slice %arg4[%add3A_194, %dma_wait3A_226] : memref<4096x1024xf32, #tpu.memory_space<hbm>> -> memref<32x1024xf32, #tpu.memory_space<hbm>>
    %dma_wait3A_228 = arith.constant 0 : i32
    %dma_wait3A_229 = tpu.memref_slice %arg4[%add3A_194, %dma_wait3A_228] : memref<4096x1024xf32, #tpu.memory_space<hbm>> -> memref<32x1024xf32, #tpu.memory_space<hbm>>
    %dma_wait3A_230 = arith.constant 0 : i32
    %dma_wait3A_231 = arith.constant 0 : i32
    %dma_wait3A_232 = tpu.memref_slice %arg6[%dma_wait3A_221, %dma_wait3A_230, %dma_wait3A_231] : memref<2x32x1024xf32, #tpu.memory_space<vmem>> -> memref<1x32x1024xf32, #tpu.memory_space<vmem>>
    %dma_wait3A_233 = tpu.memref_squeeze %dma_wait3A_232 : memref<1x32x1024xf32, #tpu.memory_space<vmem>> -> memref<32x1024xf32, #tpu.memory_space<vmem>>
    tpu.wait_dma2 semaphore(%arg10 : memref<!tpu.dma_semaphore, #tpu.memory_space<semaphore_mem>>) src(%dma_wait3A_233 : memref<32x1024xf32, #tpu.memory_space<vmem>>) dst(%dma_wait3A_229 : memref<32x1024xf32, #tpu.memory_space<hbm>>)
    return
  }
}

#map = affine_map<(d0, d1) -> (0, 0)>
#map1 = affine_map<(d0, d1) -> (0)>
module attributes {stable_mosaic.version = 14 : i64} {
  func.func @body(%arg0: i32, %arg1: i32, %arg2: memref<32000x1024xf32, #tpu.memory_space<hbm>>, %arg3: memref<4096xi32, #tpu.memory_space<hbm>>, %arg4: memref<4096x1024xf32, #tpu.memory_space<hbm>>, %arg5: memref<2x32xi32, #tpu.memory_space<vmem>>, %arg6: memref<2x32x1024xf32, #tpu.memory_space<vmem>>, %arg7: memref<!tpu.dma_semaphore, #tpu.memory_space<semaphore_mem>>, %arg8: memref<!tpu.dma_semaphore, #tpu.memory_space<semaphore_mem>>, %arg9: memref<!tpu.dma_semaphore, #tpu.memory_space<semaphore_mem>>, %arg10: memref<!tpu.dma_semaphore, #tpu.memory_space<semaphore_mem>>) attributes {dimension_semantics = [#tpu.dimension_semantics<core_parallel>, #tpu.dimension_semantics<subcore_parallel>], iteration_bounds = array<i64: 2, 16>, scalar_prefetch = 0 : i64, scratch_operands = 6 : i64, tpu.core_type = #tpu.core_type<sc_vector_subcore>, window_params = [{transform_indices = #map}, {transform_indices = #map1}, {transform_indices = #map}]} {
    %mul3A = arith.constant 2 : i32
    %mul3A_0 = arith.muli %arg1, %mul3A : i32
    %add3A = arith.addi %mul3A_0, %arg0 : i32
    %mul3A_1 = arith.constant 128 : i32
    %mul3A_2 = arith.muli %add3A, %mul3A_1 : i32
    %add3A_3 = arith.constant 0 : i32
    %add3A_4 = arith.addi %mul3A_2, %add3A_3 : i32
    %run_scoped3A = arith.constant 0 : i32
    "tpu.region"() ({
      %run_scoped3A_234 = tpu.sem_alloc : memref<!tpu.dma_semaphore, #tpu.memory_space<semaphore_mem>>
      %dma_start3A_235 = arith.constant 0 : i32
      %dma_start3A_236 = tpu.memref_slice %arg5[%run_scoped3A, %dma_start3A_235] : memref<2x32xi32, #tpu.memory_space<vmem>> -> memref<1x32xi32, #tpu.memory_space<vmem>>
      %dma_start3A_237 = tpu.memref_squeeze %dma_start3A_236 : memref<1x32xi32, #tpu.memory_space<vmem>> -> memref<32xi32, #tpu.memory_space<vmem>>
      %dma_start3A_238 = tpu.memref_slice %arg3[%add3A_4] : memref<4096xi32, #tpu.memory_space<hbm>> -> memref<32xi32, #tpu.memory_space<hbm>>
      %dma_start3A_239 = arith.constant 0 : i32
      %dma_start3A_240 = tpu.memref_slice %arg5[%run_scoped3A, %dma_start3A_239] : memref<2x32xi32, #tpu.memory_space<vmem>> -> memref<1x32xi32, #tpu.memory_space<vmem>>
      %dma_start3A_241 = tpu.memref_squeeze %dma_start3A_240 : memref<1x32xi32, #tpu.memory_space<vmem>> -> memref<32xi32, #tpu.memory_space<vmem>>
      %dma_start3A_242 = tpu.memref_slice %arg3[%add3A_4] : memref<4096xi32, #tpu.memory_space<hbm>> -> memref<32xi32, #tpu.memory_space<hbm>>
      tpu.enqueue_dma source(%dma_start3A_242 : memref<32xi32, #tpu.memory_space<hbm>>) target(%dma_start3A_241 : memref<32xi32, #tpu.memory_space<vmem>>) target_semaphore(%run_scoped3A_234 : memref<!tpu.dma_semaphore, #tpu.memory_space<semaphore_mem>>)
      %dma_wait3A_243 = arith.constant 0 : i32
      %dma_wait3A_244 = tpu.memref_slice %arg5[%run_scoped3A, %dma_wait3A_243] : memref<2x32xi32, #tpu.memory_space<vmem>> -> memref<1x32xi32, #tpu.memory_space<vmem>>
      %dma_wait3A_245 = tpu.memref_squeeze %dma_wait3A_244 : memref<1x32xi32, #tpu.memory_space<vmem>> -> memref<32xi32, #tpu.memory_space<vmem>>
      %dma_wait3A_246 = tpu.memref_slice %arg3[%add3A_4] : memref<4096xi32, #tpu.memory_space<hbm>> -> memref<32xi32, #tpu.memory_space<hbm>>
      %dma_wait3A_247 = arith.constant 0 : i32
      %dma_wait3A_248 = tpu.memref_slice %arg5[%run_scoped3A, %dma_wait3A_247] : memref<2x32xi32, #tpu.memory_space<vmem>> -> memref<1x32xi32, #tpu.memory_space<vmem>>
      %dma_wait3A_249 = tpu.memref_squeeze %dma_wait3A_248 : memref<1x32xi32, #tpu.memory_space<vmem>> -> memref<32xi32, #tpu.memory_space<vmem>>
      %dma_wait3A_250 = tpu.memref_slice %arg3[%add3A_4] : memref<4096xi32, #tpu.memory_space<hbm>> -> memref<32xi32, #tpu.memory_space<hbm>>
      tpu.wait_dma2 semaphore(%run_scoped3A_234 : memref<!tpu.dma_semaphore, #tpu.memory_space<semaphore_mem>>) src(%dma_wait3A_250 : memref<32xi32, #tpu.memory_space<hbm>>) dst(%dma_wait3A_249 : memref<32xi32, #tpu.memory_space<vmem>>)
      tpu.yield
    }) : () -> ()
    %dma_start3A = arith.constant 0 : i32
    %dma_start3A_5 = arith.constant 0 : i32
    %dma_start3A_6 = arith.constant 0 : i32
    %dma_start3A_7 = arith.constant 0 : i32
    %dma_start3A_8 = tpu.memref_slice %arg6[%dma_start3A_5, %dma_start3A_6, %dma_start3A_7] : memref<2x32x1024xf32, #tpu.memory_space<vmem>> -> memref<1x32x1024xf32, #tpu.memory_space<vmem>>
    %dma_start3A_9 = tpu.memref_squeeze %dma_start3A_8 : memref<1x32x1024xf32, #tpu.memory_space<vmem>> -> memref<32x1024xf32, #tpu.memory_space<vmem>>
    %dma_start3A_10 = arith.constant 0 : i32
    %dma_start3A_11 = tpu.memref_slice %arg5[%dma_start3A, %dma_start3A_10] : memref<2x32xi32, #tpu.memory_space<vmem>> -> memref<1x32xi32, #tpu.memory_space<vmem>>
    %dma_start3A_12 = tpu.memref_squeeze %dma_start3A_11 : memref<1x32xi32, #tpu.memory_space<vmem>> -> memref<32xi32, #tpu.memory_space<vmem>>
    %dma_start3A_13 = arith.constant 0 : i32
    %dma_start3A_14 = arith.constant 0 : i32
    %dma_start3A_15 = tpu.memref_slice %arg2[%dma_start3A_13, %dma_start3A_14] : memref<32000x1024xf32, #tpu.memory_space<hbm>> -> memref<32000x1024xf32, #tpu.memory_space<hbm>>
    tpu.enqueue_indirect_dma source(%dma_start3A_15 : memref<32000x1024xf32, #tpu.memory_space<hbm>>) target(%dma_start3A_9 : memref<32x1024xf32, #tpu.memory_space<vmem>>) offsets(%dma_start3A_12 : memref<32xi32, #tpu.memory_space<vmem>>) semaphore(%arg7 : memref<!tpu.dma_semaphore, #tpu.memory_space<semaphore_mem>>)
    %mul3A_16 = arith.constant 128 : i32
    %mul3A_17 = arith.muli %add3A, %mul3A_16 : i32
    %add3A_18 = arith.constant 32 : i32
    %add3A_19 = arith.addi %mul3A_17, %add3A_18 : i32
    %run_scoped3A_20 = arith.constant 1 : i32
    "tpu.region"() ({
      %run_scoped3A_234 = tpu.sem_alloc : memref<!tpu.dma_semaphore, #tpu.memory_space<semaphore_mem>>
      %dma_start3A_235 = arith.constant 0 : i32
      %dma_start3A_236 = tpu.memref_slice %arg5[%run_scoped3A_20, %dma_start3A_235] : memref<2x32xi32, #tpu.memory_space<vmem>> -> memref<1x32xi32, #tpu.memory_space<vmem>>
      %dma_start3A_237 = tpu.memref_squeeze %dma_start3A_236 : memref<1x32xi32, #tpu.memory_space<vmem>> -> memref<32xi32, #tpu.memory_space<vmem>>
      %dma_start3A_238 = tpu.memref_slice %arg3[%add3A_19] : memref<4096xi32, #tpu.memory_space<hbm>> -> memref<32xi32, #tpu.memory_space<hbm>>
      %dma_start3A_239 = arith.constant 0 : i32
      %dma_start3A_240 = tpu.memref_slice %arg5[%run_scoped3A_20, %dma_start3A_239] : memref<2x32xi32, #tpu.memory_space<vmem>> -> memref<1x32xi32, #tpu.memory_space<vmem>>
      %dma_start3A_241 = tpu.memref_squeeze %dma_start3A_240 : memref<1x32xi32, #tpu.memory_space<vmem>> -> memref<32xi32, #tpu.memory_space<vmem>>
      %dma_start3A_242 = tpu.memref_slice %arg3[%add3A_19] : memref<4096xi32, #tpu.memory_space<hbm>> -> memref<32xi32, #tpu.memory_space<hbm>>
      tpu.enqueue_dma source(%dma_start3A_242 : memref<32xi32, #tpu.memory_space<hbm>>) target(%dma_start3A_241 : memref<32xi32, #tpu.memory_space<vmem>>) target_semaphore(%run_scoped3A_234 : memref<!tpu.dma_semaphore, #tpu.memory_space<semaphore_mem>>)
      %dma_wait3A_243 = arith.constant 0 : i32
      %dma_wait3A_244 = tpu.memref_slice %arg5[%run_scoped3A_20, %dma_wait3A_243] : memref<2x32xi32, #tpu.memory_space<vmem>> -> memref<1x32xi32, #tpu.memory_space<vmem>>
      %dma_wait3A_245 = tpu.memref_squeeze %dma_wait3A_244 : memref<1x32xi32, #tpu.memory_space<vmem>> -> memref<32xi32, #tpu.memory_space<vmem>>
      %dma_wait3A_246 = tpu.memref_slice %arg3[%add3A_19] : memref<4096xi32, #tpu.memory_space<hbm>> -> memref<32xi32, #tpu.memory_space<hbm>>
      %dma_wait3A_247 = arith.constant 0 : i32
      %dma_wait3A_248 = tpu.memref_slice %arg5[%run_scoped3A_20, %dma_wait3A_247] : memref<2x32xi32, #tpu.memory_space<vmem>> -> memref<1x32xi32, #tpu.memory_space<vmem>>
      %dma_wait3A_249 = tpu.memref_squeeze %dma_wait3A_248 : memref<1x32xi32, #tpu.memory_space<vmem>> -> memref<32xi32, #tpu.memory_space<vmem>>
      %dma_wait3A_250 = tpu.memref_slice %arg3[%add3A_19] : memref<4096xi32, #tpu.memory_space<hbm>> -> memref<32xi32, #tpu.memory_space<hbm>>
      tpu.wait_dma2 semaphore(%run_scoped3A_234 : memref<!tpu.dma_semaphore, #tpu.memory_space<semaphore_mem>>) src(%dma_wait3A_250 : memref<32xi32, #tpu.memory_space<hbm>>) dst(%dma_wait3A_249 : memref<32xi32, #tpu.memory_space<vmem>>)
      tpu.yield
    }) : () -> ()
    %dma_start3A_21 = arith.constant 1 : i32
    %dma_start3A_22 = arith.constant 1 : i32
    %dma_start3A_23 = arith.constant 0 : i32
    %dma_start3A_24 = arith.constant 0 : i32
    %dma_start3A_25 = tpu.memref_slice %arg6[%dma_start3A_22, %dma_start3A_23, %dma_start3A_24] : memref<2x32x1024xf32, #tpu.memory_space<vmem>> -> memref<1x32x1024xf32, #tpu.memory_space<vmem>>
    %dma_start3A_26 = tpu.memref_squeeze %dma_start3A_25 : memref<1x32x1024xf32, #tpu.memory_space<vmem>> -> memref<32x1024xf32, #tpu.memory_space<vmem>>
    %dma_start3A_27 = arith.constant 0 : i32
    %dma_start3A_28 = tpu.memref_slice %arg5[%dma_start3A_21, %dma_start3A_27] : memref<2x32xi32, #tpu.memory_space<vmem>> -> memref<1x32xi32, #tpu.memory_space<vmem>>
    %dma_start3A_29 = tpu.memref_squeeze %dma_start3A_28 : memref<1x32xi32, #tpu.memory_space<vmem>> -> memref<32xi32, #tpu.memory_space<vmem>>
    %dma_start3A_30 = arith.constant 0 : i32
    %dma_start3A_31 = arith.constant 0 : i32
    %dma_start3A_32 = tpu.memref_slice %arg2[%dma_start3A_30, %dma_start3A_31] : memref<32000x1024xf32, #tpu.memory_space<hbm>> -> memref<32000x1024xf32, #tpu.memory_space<hbm>>
    tpu.enqueue_indirect_dma source(%dma_start3A_32 : memref<32000x1024xf32, #tpu.memory_space<hbm>>) target(%dma_start3A_26 : memref<32x1024xf32, #tpu.memory_space<vmem>>) offsets(%dma_start3A_29 : memref<32xi32, #tpu.memory_space<vmem>>) semaphore(%arg8 : memref<!tpu.dma_semaphore, #tpu.memory_space<semaphore_mem>>)
    %dma_wait3A = arith.constant 0 : i32
    %dma_wait3A_33 = arith.constant 0 : i32
    %dma_wait3A_34 = arith.constant 0 : i32
    %dma_wait3A_35 = arith.constant 0 : i32
    %dma_wait3A_36 = tpu.memref_slice %arg6[%dma_wait3A_33, %dma_wait3A_34, %dma_wait3A_35] : memref<2x32x1024xf32, #tpu.memory_space<vmem>> -> memref<1x32x1024xf32, #tpu.memory_space<vmem>>
    %dma_wait3A_37 = tpu.memref_squeeze %dma_wait3A_36 : memref<1x32x1024xf32, #tpu.memory_space<vmem>> -> memref<32x1024xf32, #tpu.memory_space<vmem>>
    %dma_wait3A_38 = arith.constant 0 : i32
    %dma_wait3A_39 = tpu.memref_slice %arg5[%dma_wait3A, %dma_wait3A_38] : memref<2x32xi32, #tpu.memory_space<vmem>> -> memref<1x32xi32, #tpu.memory_space<vmem>>
    %dma_wait3A_40 = tpu.memref_squeeze %dma_wait3A_39 : memref<1x32xi32, #tpu.memory_space<vmem>> -> memref<32xi32, #tpu.memory_space<vmem>>
    %dma_wait3A_41 = arith.constant 0 : i32
    %dma_wait3A_42 = arith.constant 0 : i32
    %dma_wait3A_43 = tpu.memref_slice %arg2[%dma_wait3A_41, %dma_wait3A_42] : memref<32000x1024xf32, #tpu.memory_space<hbm>> -> memref<32000x1024xf32, #tpu.memory_space<hbm>>
    tpu.wait_indirect_dma semaphore(%arg7 : memref<!tpu.dma_semaphore, #tpu.memory_space<semaphore_mem>>) src(%dma_wait3A_43 : memref<32000x1024xf32, #tpu.memory_space<hbm>>) dst(%dma_wait3A_37 : memref<32x1024xf32, #tpu.memory_space<vmem>>)
    %mul3A_44 = arith.constant 128 : i32
    %mul3A_45 = arith.muli %add3A, %mul3A_44 : i32
    %add3A_46 = arith.constant 0 : i32
    %add3A_47 = arith.addi %mul3A_45, %add3A_46 : i32
    %dma_start3A_48 = arith.constant 0 : i32
    %dma_start3A_49 = arith.constant 0 : i32
    %dma_start3A_50 = arith.constant 0 : i32
    %dma_start3A_51 = tpu.memref_slice %arg6[%dma_start3A_48, %dma_start3A_49, %dma_start3A_50] : memref<2x32x1024xf32, #tpu.memory_space<vmem>> -> memref<1x32x1024xf32, #tpu.memory_space<vmem>>
    %dma_start3A_52 = tpu.memref_squeeze %dma_start3A_51 : memref<1x32x1024xf32, #tpu.memory_space<vmem>> -> memref<32x1024xf32, #tpu.memory_space<vmem>>
    %dma_start3A_53 = arith.constant 0 : i32
    %dma_start3A_54 = tpu.memref_slice %arg4[%add3A_47, %dma_start3A_53] : memref<4096x1024xf32, #tpu.memory_space<hbm>> -> memref<32x1024xf32, #tpu.memory_space<hbm>>
    %dma_start3A_55 = arith.constant 0 : i32
    %dma_start3A_56 = tpu.memref_slice %arg4[%add3A_47, %dma_start3A_55] : memref<4096x1024xf32, #tpu.memory_space<hbm>> -> memref<32x1024xf32, #tpu.memory_space<hbm>>
    %dma_start3A_57 = arith.constant 0 : i32
    %dma_start3A_58 = arith.constant 0 : i32
    %dma_start3A_59 = tpu.memref_slice %arg6[%dma_start3A_48, %dma_start3A_57, %dma_start3A_58] : memref<2x32x1024xf32, #tpu.memory_space<vmem>> -> memref<1x32x1024xf32, #tpu.memory_space<vmem>>
    %dma_start3A_60 = tpu.memref_squeeze %dma_start3A_59 : memref<1x32x1024xf32, #tpu.memory_space<vmem>> -> memref<32x1024xf32, #tpu.memory_space<vmem>>
    tpu.enqueue_dma source(%dma_start3A_60 : memref<32x1024xf32, #tpu.memory_space<vmem>>) target(%dma_start3A_56 : memref<32x1024xf32, #tpu.memory_space<hbm>>) target_semaphore(%arg9 : memref<!tpu.dma_semaphore, #tpu.memory_space<semaphore_mem>>)
    %dma_wait3A_61 = arith.constant 0 : i32
    %dma_wait3A_62 = arith.constant 0 : i32
    %dma_wait3A_63 = arith.constant 0 : i32
    %dma_wait3A_64 = tpu.memref_slice %arg6[%dma_wait3A_61, %dma_wait3A_62, %dma_wait3A_63] : memref<2x32x1024xf32, #tpu.memory_space<vmem>> -> memref<1x32x1024xf32, #tpu.memory_space<vmem>>
    %dma_wait3A_65 = tpu.memref_squeeze %dma_wait3A_64 : memref<1x32x1024xf32, #tpu.memory_space<vmem>> -> memref<32x1024xf32, #tpu.memory_space<vmem>>
    %dma_wait3A_66 = arith.constant 0 : i32
    %dma_wait3A_67 = tpu.memref_slice %arg4[%add3A_47, %dma_wait3A_66] : memref<4096x1024xf32, #tpu.memory_space<hbm>> -> memref<32x1024xf32, #tpu.memory_space<hbm>>
    %dma_wait3A_68 = arith.constant 0 : i32
    %dma_wait3A_69 = tpu.memref_slice %arg4[%add3A_47, %dma_wait3A_68] : memref<4096x1024xf32, #tpu.memory_space<hbm>> -> memref<32x1024xf32, #tpu.memory_space<hbm>>
    %dma_wait3A_70 = arith.constant 0 : i32
    %dma_wait3A_71 = arith.constant 0 : i32
    %dma_wait3A_72 = tpu.memref_slice %arg6[%dma_wait3A_61, %dma_wait3A_70, %dma_wait3A_71] : memref<2x32x1024xf32, #tpu.memory_space<vmem>> -> memref<1x32x1024xf32, #tpu.memory_space<vmem>>
    %dma_wait3A_73 = tpu.memref_squeeze %dma_wait3A_72 : memref<1x32x1024xf32, #tpu.memory_space<vmem>> -> memref<32x1024xf32, #tpu.memory_space<vmem>>
    tpu.wait_dma2 semaphore(%arg9 : memref<!tpu.dma_semaphore, #tpu.memory_space<semaphore_mem>>) src(%dma_wait3A_73 : memref<32x1024xf32, #tpu.memory_space<vmem>>) dst(%dma_wait3A_69 : memref<32x1024xf32, #tpu.memory_space<hbm>>)
    %mul3A_74 = arith.constant 128 : i32
    %mul3A_75 = arith.muli %add3A, %mul3A_74 : i32
    %add3A_76 = arith.constant 64 : i32
    %add3A_77 = arith.addi %mul3A_75, %add3A_76 : i32
    %run_scoped3A_78 = arith.constant 0 : i32
    "tpu.region"() ({
      %run_scoped3A_234 = tpu.sem_alloc : memref<!tpu.dma_semaphore, #tpu.memory_space<semaphore_mem>>
      %dma_start3A_235 = arith.constant 0 : i32
      %dma_start3A_236 = tpu.memref_slice %arg5[%run_scoped3A_78, %dma_start3A_235] : memref<2x32xi32, #tpu.memory_space<vmem>> -> memref<1x32xi32, #tpu.memory_space<vmem>>
      %dma_start3A_237 = tpu.memref_squeeze %dma_start3A_236 : memref<1x32xi32, #tpu.memory_space<vmem>> -> memref<32xi32, #tpu.memory_space<vmem>>
      %dma_start3A_238 = tpu.memref_slice %arg3[%add3A_77] : memref<4096xi32, #tpu.memory_space<hbm>> -> memref<32xi32, #tpu.memory_space<hbm>>
      %dma_start3A_239 = arith.constant 0 : i32
      %dma_start3A_240 = tpu.memref_slice %arg5[%run_scoped3A_78, %dma_start3A_239] : memref<2x32xi32, #tpu.memory_space<vmem>> -> memref<1x32xi32, #tpu.memory_space<vmem>>
      %dma_start3A_241 = tpu.memref_squeeze %dma_start3A_240 : memref<1x32xi32, #tpu.memory_space<vmem>> -> memref<32xi32, #tpu.memory_space<vmem>>
      %dma_start3A_242 = tpu.memref_slice %arg3[%add3A_77] : memref<4096xi32, #tpu.memory_space<hbm>> -> memref<32xi32, #tpu.memory_space<hbm>>
      tpu.enqueue_dma source(%dma_start3A_242 : memref<32xi32, #tpu.memory_space<hbm>>) target(%dma_start3A_241 : memref<32xi32, #tpu.memory_space<vmem>>) target_semaphore(%run_scoped3A_234 : memref<!tpu.dma_semaphore, #tpu.memory_space<semaphore_mem>>)
      %dma_wait3A_243 = arith.constant 0 : i32
      %dma_wait3A_244 = tpu.memref_slice %arg5[%run_scoped3A_78, %dma_wait3A_243] : memref<2x32xi32, #tpu.memory_space<vmem>> -> memref<1x32xi32, #tpu.memory_space<vmem>>
      %dma_wait3A_245 = tpu.memref_squeeze %dma_wait3A_244 : memref<1x32xi32, #tpu.memory_space<vmem>> -> memref<32xi32, #tpu.memory_space<vmem>>
      %dma_wait3A_246 = tpu.memref_slice %arg3[%add3A_77] : memref<4096xi32, #tpu.memory_space<hbm>> -> memref<32xi32, #tpu.memory_space<hbm>>
      %dma_wait3A_247 = arith.constant 0 : i32
      %dma_wait3A_248 = tpu.memref_slice %arg5[%run_scoped3A_78, %dma_wait3A_247] : memref<2x32xi32, #tpu.memory_space<vmem>> -> memref<1x32xi32, #tpu.memory_space<vmem>>
      %dma_wait3A_249 = tpu.memref_squeeze %dma_wait3A_248 : memref<1x32xi32, #tpu.memory_space<vmem>> -> memref<32xi32, #tpu.memory_space<vmem>>
      %dma_wait3A_250 = tpu.memref_slice %arg3[%add3A_77] : memref<4096xi32, #tpu.memory_space<hbm>> -> memref<32xi32, #tpu.memory_space<hbm>>
      tpu.wait_dma2 semaphore(%run_scoped3A_234 : memref<!tpu.dma_semaphore, #tpu.memory_space<semaphore_mem>>) src(%dma_wait3A_250 : memref<32xi32, #tpu.memory_space<hbm>>) dst(%dma_wait3A_249 : memref<32xi32, #tpu.memory_space<vmem>>)
      tpu.yield
    }) : () -> ()
    %dma_start3A_79 = arith.constant 0 : i32
    %dma_start3A_80 = arith.constant 0 : i32
    %dma_start3A_81 = arith.constant 0 : i32
    %dma_start3A_82 = arith.constant 0 : i32
    %dma_start3A_83 = tpu.memref_slice %arg6[%dma_start3A_80, %dma_start3A_81, %dma_start3A_82] : memref<2x32x1024xf32, #tpu.memory_space<vmem>> -> memref<1x32x1024xf32, #tpu.memory_space<vmem>>
    %dma_start3A_84 = tpu.memref_squeeze %dma_start3A_83 : memref<1x32x1024xf32, #tpu.memory_space<vmem>> -> memref<32x1024xf32, #tpu.memory_space<vmem>>
    %dma_start3A_85 = arith.constant 0 : i32
    %dma_start3A_86 = tpu.memref_slice %arg5[%dma_start3A_79, %dma_start3A_85] : memref<2x32xi32, #tpu.memory_space<vmem>> -> memref<1x32xi32, #tpu.memory_space<vmem>>
    %dma_start3A_87 = tpu.memref_squeeze %dma_start3A_86 : memref<1x32xi32, #tpu.memory_space<vmem>> -> memref<32xi32, #tpu.memory_space<vmem>>
    %dma_start3A_88 = arith.constant 0 : i32
    %dma_start3A_89 = arith.constant 0 : i32
    %dma_start3A_90 = tpu.memref_slice %arg2[%dma_start3A_88, %dma_start3A_89] : memref<32000x1024xf32, #tpu.memory_space<hbm>> -> memref<32000x1024xf32, #tpu.memory_space<hbm>>
    tpu.enqueue_indirect_dma source(%dma_start3A_90 : memref<32000x1024xf32, #tpu.memory_space<hbm>>) target(%dma_start3A_84 : memref<32x1024xf32, #tpu.memory_space<vmem>>) offsets(%dma_start3A_87 : memref<32xi32, #tpu.memory_space<vmem>>) semaphore(%arg7 : memref<!tpu.dma_semaphore, #tpu.memory_space<semaphore_mem>>)
    %dma_wait3A_91 = arith.constant 1 : i32
    %dma_wait3A_92 = arith.constant 1 : i32
    %dma_wait3A_93 = arith.constant 0 : i32
    %dma_wait3A_94 = arith.constant 0 : i32
    %dma_wait3A_95 = tpu.memref_slice %arg6[%dma_wait3A_92, %dma_wait3A_93, %dma_wait3A_94] : memref<2x32x1024xf32, #tpu.memory_space<vmem>> -> memref<1x32x1024xf32, #tpu.memory_space<vmem>>
    %dma_wait3A_96 = tpu.memref_squeeze %dma_wait3A_95 : memref<1x32x1024xf32, #tpu.memory_space<vmem>> -> memref<32x1024xf32, #tpu.memory_space<vmem>>
    %dma_wait3A_97 = arith.constant 0 : i32
    %dma_wait3A_98 = tpu.memref_slice %arg5[%dma_wait3A_91, %dma_wait3A_97] : memref<2x32xi32, #tpu.memory_space<vmem>> -> memref<1x32xi32, #tpu.memory_space<vmem>>
    %dma_wait3A_99 = tpu.memref_squeeze %dma_wait3A_98 : memref<1x32xi32, #tpu.memory_space<vmem>> -> memref<32xi32, #tpu.memory_space<vmem>>
    %dma_wait3A_100 = arith.constant 0 : i32
    %dma_wait3A_101 = arith.constant 0 : i32
    %dma_wait3A_102 = tpu.memref_slice %arg2[%dma_wait3A_100, %dma_wait3A_101] : memref<32000x1024xf32, #tpu.memory_space<hbm>> -> memref<32000x1024xf32, #tpu.memory_space<hbm>>
    tpu.wait_indirect_dma semaphore(%arg8 : memref<!tpu.dma_semaphore, #tpu.memory_space<semaphore_mem>>) src(%dma_wait3A_102 : memref<32000x1024xf32, #tpu.memory_space<hbm>>) dst(%dma_wait3A_96 : memref<32x1024xf32, #tpu.memory_space<vmem>>)
    %mul3A_103 = arith.constant 128 : i32
    %mul3A_104 = arith.muli %add3A, %mul3A_103 : i32
    %add3A_105 = arith.constant 32 : i32
    %add3A_106 = arith.addi %mul3A_104, %add3A_105 : i32
    %dma_start3A_107 = arith.constant 1 : i32
    %dma_start3A_108 = arith.constant 0 : i32
    %dma_start3A_109 = arith.constant 0 : i32
    %dma_start3A_110 = tpu.memref_slice %arg6[%dma_start3A_107, %dma_start3A_108, %dma_start3A_109] : memref<2x32x1024xf32, #tpu.memory_space<vmem>> -> memref<1x32x1024xf32, #tpu.memory_space<vmem>>
    %dma_start3A_111 = tpu.memref_squeeze %dma_start3A_110 : memref<1x32x1024xf32, #tpu.memory_space<vmem>> -> memref<32x1024xf32, #tpu.memory_space<vmem>>
    %dma_start3A_112 = arith.constant 0 : i32
    %dma_start3A_113 = tpu.memref_slice %arg4[%add3A_106, %dma_start3A_112] : memref<4096x1024xf32, #tpu.memory_space<hbm>> -> memref<32x1024xf32, #tpu.memory_space<hbm>>
    %dma_start3A_114 = arith.constant 0 : i32
    %dma_start3A_115 = tpu.memref_slice %arg4[%add3A_106, %dma_start3A_114] : memref<4096x1024xf32, #tpu.memory_space<hbm>> -> memref<32x1024xf32, #tpu.memory_space<hbm>>
    %dma_start3A_116 = arith.constant 0 : i32
    %dma_start3A_117 = arith.constant 0 : i32
    %dma_start3A_118 = tpu.memref_slice %arg6[%dma_start3A_107, %dma_start3A_116, %dma_start3A_117] : memref<2x32x1024xf32, #tpu.memory_space<vmem>> -> memref<1x32x1024xf32, #tpu.memory_space<vmem>>
    %dma_start3A_119 = tpu.memref_squeeze %dma_start3A_118 : memref<1x32x1024xf32, #tpu.memory_space<vmem>> -> memref<32x1024xf32, #tpu.memory_space<vmem>>
    tpu.enqueue_dma source(%dma_start3A_119 : memref<32x1024xf32, #tpu.memory_space<vmem>>) target(%dma_start3A_115 : memref<32x1024xf32, #tpu.memory_space<hbm>>) target_semaphore(%arg10 : memref<!tpu.dma_semaphore, #tpu.memory_space<semaphore_mem>>)
    %dma_wait3A_120 = arith.constant 1 : i32
    %dma_wait3A_121 = arith.constant 0 : i32
    %dma_wait3A_122 = arith.constant 0 : i32
    %dma_wait3A_123 = tpu.memref_slice %arg6[%dma_wait3A_120, %dma_wait3A_121, %dma_wait3A_122] : memref<2x32x1024xf32, #tpu.memory_space<vmem>> -> memref<1x32x1024xf32, #tpu.memory_space<vmem>>
    %dma_wait3A_124 = tpu.memref_squeeze %dma_wait3A_123 : memref<1x32x1024xf32, #tpu.memory_space<vmem>> -> memref<32x1024xf32, #tpu.memory_space<vmem>>
    %dma_wait3A_125 = arith.constant 0 : i32
    %dma_wait3A_126 = tpu.memref_slice %arg4[%add3A_106, %dma_wait3A_125] : memref<4096x1024xf32, #tpu.memory_space<hbm>> -> memref<32x1024xf32, #tpu.memory_space<hbm>>
    %dma_wait3A_127 = arith.constant 0 : i32
    %dma_wait3A_128 = tpu.memref_slice %arg4[%add3A_106, %dma_wait3A_127] : memref<4096x1024xf32, #tpu.memory_space<hbm>> -> memref<32x1024xf32, #tpu.memory_space<hbm>>
    %dma_wait3A_129 = arith.constant 0 : i32
    %dma_wait3A_130 = arith.constant 0 : i32
    %dma_wait3A_131 = tpu.memref_slice %arg6[%dma_wait3A_120, %dma_wait3A_129, %dma_wait3A_130] : memref<2x32x1024xf32, #tpu.memory_space<vmem>> -> memref<1x32x1024xf32, #tpu.memory_space<vmem>>
    %dma_wait3A_132 = tpu.memref_squeeze %dma_wait3A_131 : memref<1x32x1024xf32, #tpu.memory_space<vmem>> -> memref<32x1024xf32, #tpu.memory_space<vmem>>
    tpu.wait_dma2 semaphore(%arg10 : memref<!tpu.dma_semaphore, #tpu.memory_space<semaphore_mem>>) src(%dma_wait3A_132 : memref<32x1024xf32, #tpu.memory_space<vmem>>) dst(%dma_wait3A_128 : memref<32x1024xf32, #tpu.memory_space<hbm>>)
    %mul3A_133 = arith.constant 128 : i32
    %mul3A_134 = arith.muli %add3A, %mul3A_133 : i32
    %add3A_135 = arith.constant 96 : i32
    %add3A_136 = arith.addi %mul3A_134, %add3A_135 : i32
    %run_scoped3A_137 = arith.constant 1 : i32
    "tpu.region"() ({
      %run_scoped3A_234 = tpu.sem_alloc : memref<!tpu.dma_semaphore, #tpu.memory_space<semaphore_mem>>
      %dma_start3A_235 = arith.constant 0 : i32
      %dma_start3A_236 = tpu.memref_slice %arg5[%run_scoped3A_137, %dma_start3A_235] : memref<2x32xi32, #tpu.memory_space<vmem>> -> memref<1x32xi32, #tpu.memory_space<vmem>>
      %dma_start3A_237 = tpu.memref_squeeze %dma_start3A_236 : memref<1x32xi32, #tpu.memory_space<vmem>> -> memref<32xi32, #tpu.memory_space<vmem>>
      %dma_start3A_238 = tpu.memref_slice %arg3[%add3A_136] : memref<4096xi32, #tpu.memory_space<hbm>> -> memref<32xi32, #tpu.memory_space<hbm>>
      %dma_start3A_239 = arith.constant 0 : i32
      %dma_start3A_240 = tpu.memref_slice %arg5[%run_scoped3A_137, %dma_start3A_239] : memref<2x32xi32, #tpu.memory_space<vmem>> -> memref<1x32xi32, #tpu.memory_space<vmem>>
      %dma_start3A_241 = tpu.memref_squeeze %dma_start3A_240 : memref<1x32xi32, #tpu.memory_space<vmem>> -> memref<32xi32, #tpu.memory_space<vmem>>
      %dma_start3A_242 = tpu.memref_slice %arg3[%add3A_136] : memref<4096xi32, #tpu.memory_space<hbm>> -> memref<32xi32, #tpu.memory_space<hbm>>
      tpu.enqueue_dma source(%dma_start3A_242 : memref<32xi32, #tpu.memory_space<hbm>>) target(%dma_start3A_241 : memref<32xi32, #tpu.memory_space<vmem>>) target_semaphore(%run_scoped3A_234 : memref<!tpu.dma_semaphore, #tpu.memory_space<semaphore_mem>>)
      %dma_wait3A_243 = arith.constant 0 : i32
      %dma_wait3A_244 = tpu.memref_slice %arg5[%run_scoped3A_137, %dma_wait3A_243] : memref<2x32xi32, #tpu.memory_space<vmem>> -> memref<1x32xi32, #tpu.memory_space<vmem>>
      %dma_wait3A_245 = tpu.memref_squeeze %dma_wait3A_244 : memref<1x32xi32, #tpu.memory_space<vmem>> -> memref<32xi32, #tpu.memory_space<vmem>>
      %dma_wait3A_246 = tpu.memref_slice %arg3[%add3A_136] : memref<4096xi32, #tpu.memory_space<hbm>> -> memref<32xi32, #tpu.memory_space<hbm>>
      %dma_wait3A_247 = arith.constant 0 : i32
      %dma_wait3A_248 = tpu.memref_slice %arg5[%run_scoped3A_137, %dma_wait3A_247] : memref<2x32xi32, #tpu.memory_space<vmem>> -> memref<1x32xi32, #tpu.memory_space<vmem>>
      %dma_wait3A_249 = tpu.memref_squeeze %dma_wait3A_248 : memref<1x32xi32, #tpu.memory_space<vmem>> -> memref<32xi32, #tpu.memory_space<vmem>>
      %dma_wait3A_250 = tpu.memref_slice %arg3[%add3A_136] : memref<4096xi32, #tpu.memory_space<hbm>> -> memref<32xi32, #tpu.memory_space<hbm>>
      tpu.wait_dma2 semaphore(%run_scoped3A_234 : memref<!tpu.dma_semaphore, #tpu.memory_space<semaphore_mem>>) src(%dma_wait3A_250 : memref<32xi32, #tpu.memory_space<hbm>>) dst(%dma_wait3A_249 : memref<32xi32, #tpu.memory_space<vmem>>)
      tpu.yield
    }) : () -> ()
    %dma_start3A_138 = arith.constant 1 : i32
    %dma_start3A_139 = arith.constant 1 : i32
    %dma_start3A_140 = arith.constant 0 : i32
    %dma_start3A_141 = arith.constant 0 : i32
    %dma_start3A_142 = tpu.memref_slice %arg6[%dma_start3A_139, %dma_start3A_140, %dma_start3A_141] : memref<2x32x1024xf32, #tpu.memory_space<vmem>> -> memref<1x32x1024xf32, #tpu.memory_space<vmem>>
    %dma_start3A_143 = tpu.memref_squeeze %dma_start3A_142 : memref<1x32x1024xf32, #tpu.memory_space<vmem>> -> memref<32x1024xf32, #tpu.memory_space<vmem>>
    %dma_start3A_144 = arith.constant 0 : i32
    %dma_start3A_145 = tpu.memref_slice %arg5[%dma_start3A_138, %dma_start3A_144] : memref<2x32xi32, #tpu.memory_space<vmem>> -> memref<1x32xi32, #tpu.memory_space<vmem>>
    %dma_start3A_146 = tpu.memref_squeeze %dma_start3A_145 : memref<1x32xi32, #tpu.memory_space<vmem>> -> memref<32xi32, #tpu.memory_space<vmem>>
    %dma_start3A_147 = arith.constant 0 : i32
    %dma_start3A_148 = arith.constant 0 : i32
    %dma_start3A_149 = tpu.memref_slice %arg2[%dma_start3A_147, %dma_start3A_148] : memref<32000x1024xf32, #tpu.memory_space<hbm>> -> memref<32000x1024xf32, #tpu.memory_space<hbm>>
    tpu.enqueue_indirect_dma source(%dma_start3A_149 : memref<32000x1024xf32, #tpu.memory_space<hbm>>) target(%dma_start3A_143 : memref<32x1024xf32, #tpu.memory_space<vmem>>) offsets(%dma_start3A_146 : memref<32xi32, #tpu.memory_space<vmem>>) semaphore(%arg8 : memref<!tpu.dma_semaphore, #tpu.memory_space<semaphore_mem>>)
    %dma_wait3A_150 = arith.constant 0 : i32
    %dma_wait3A_151 = arith.constant 0 : i32
    %dma_wait3A_152 = arith.constant 0 : i32
    %dma_wait3A_153 = arith.constant 0 : i32
    %dma_wait3A_154 = tpu.memref_slice %arg6[%dma_wait3A_151, %dma_wait3A_152, %dma_wait3A_153] : memref<2x32x1024xf32, #tpu.memory_space<vmem>> -> memref<1x32x1024xf32, #tpu.memory_space<vmem>>
    %dma_wait3A_155 = tpu.memref_squeeze %dma_wait3A_154 : memref<1x32x1024xf32, #tpu.memory_space<vmem>> -> memref<32x1024xf32, #tpu.memory_space<vmem>>
    %dma_wait3A_156 = arith.constant 0 : i32
    %dma_wait3A_157 = tpu.memref_slice %arg5[%dma_wait3A_150, %dma_wait3A_156] : memref<2x32xi32, #tpu.memory_space<vmem>> -> memref<1x32xi32, #tpu.memory_space<vmem>>
    %dma_wait3A_158 = tpu.memref_squeeze %dma_wait3A_157 : memref<1x32xi32, #tpu.memory_space<vmem>> -> memref<32xi32, #tpu.memory_space<vmem>>
    %dma_wait3A_159 = arith.constant 0 : i32
    %dma_wait3A_160 = arith.constant 0 : i32
    %dma_wait3A_161 = tpu.memref_slice %arg2[%dma_wait3A_159, %dma_wait3A_160] : memref<32000x1024xf32, #tpu.memory_space<hbm>> -> memref<32000x1024xf32, #tpu.memory_space<hbm>>
    tpu.wait_indirect_dma semaphore(%arg7 : memref<!tpu.dma_semaphore, #tpu.memory_space<semaphore_mem>>) src(%dma_wait3A_161 : memref<32000x1024xf32, #tpu.memory_space<hbm>>) dst(%dma_wait3A_155 : memref<32x1024xf32, #tpu.memory_space<vmem>>)
    %mul3A_162 = arith.constant 128 : i32
    %mul3A_163 = arith.muli %add3A, %mul3A_162 : i32
    %add3A_164 = arith.constant 64 : i32
    %add3A_165 = arith.addi %mul3A_163, %add3A_164 : i32
    %dma_start3A_166 = arith.constant 0 : i32
    %dma_start3A_167 = arith.constant 0 : i32
    %dma_start3A_168 = arith.constant 0 : i32
    %dma_start3A_169 = tpu.memref_slice %arg6[%dma_start3A_166, %dma_start3A_167, %dma_start3A_168] : memref<2x32x1024xf32, #tpu.memory_space<vmem>> -> memref<1x32x1024xf32, #tpu.memory_space<vmem>>
    %dma_start3A_170 = tpu.memref_squeeze %dma_start3A_169 : memref<1x32x1024xf32, #tpu.memory_space<vmem>> -> memref<32x1024xf32, #tpu.memory_space<vmem>>
    %dma_start3A_171 = arith.constant 0 : i32
    %dma_start3A_172 = tpu.memref_slice %arg4[%add3A_165, %dma_start3A_171] : memref<4096x1024xf32, #tpu.memory_space<hbm>> -> memref<32x1024xf32, #tpu.memory_space<hbm>>
    %dma_start3A_173 = arith.constant 0 : i32
    %dma_start3A_174 = tpu.memref_slice %arg4[%add3A_165, %dma_start3A_173] : memref<4096x1024xf32, #tpu.memory_space<hbm>> -> memref<32x1024xf32, #tpu.memory_space<hbm>>
    %dma_start3A_175 = arith.constant 0 : i32
    %dma_start3A_176 = arith.constant 0 : i32
    %dma_start3A_177 = tpu.memref_slice %arg6[%dma_start3A_166, %dma_start3A_175, %dma_start3A_176] : memref<2x32x1024xf32, #tpu.memory_space<vmem>> -> memref<1x32x1024xf32, #tpu.memory_space<vmem>>
    %dma_start3A_178 = tpu.memref_squeeze %dma_start3A_177 : memref<1x32x1024xf32, #tpu.memory_space<vmem>> -> memref<32x1024xf32, #tpu.memory_space<vmem>>
    tpu.enqueue_dma source(%dma_start3A_178 : memref<32x1024xf32, #tpu.memory_space<vmem>>) target(%dma_start3A_174 : memref<32x1024xf32, #tpu.memory_space<hbm>>) target_semaphore(%arg9 : memref<!tpu.dma_semaphore, #tpu.memory_space<semaphore_mem>>)
    %dma_wait3A_179 = arith.constant 1 : i32
    %dma_wait3A_180 = arith.constant 1 : i32
    %dma_wait3A_181 = arith.constant 0 : i32
    %dma_wait3A_182 = arith.constant 0 : i32
    %dma_wait3A_183 = tpu.memref_slice %arg6[%dma_wait3A_180, %dma_wait3A_181, %dma_wait3A_182] : memref<2x32x1024xf32, #tpu.memory_space<vmem>> -> memref<1x32x1024xf32, #tpu.memory_space<vmem>>
    %dma_wait3A_184 = tpu.memref_squeeze %dma_wait3A_183 : memref<1x32x1024xf32, #tpu.memory_space<vmem>> -> memref<32x1024xf32, #tpu.memory_space<vmem>>
    %dma_wait3A_185 = arith.constant 0 : i32
    %dma_wait3A_186 = tpu.memref_slice %arg5[%dma_wait3A_179, %dma_wait3A_185] : memref<2x32xi32, #tpu.memory_space<vmem>> -> memref<1x32xi32, #tpu.memory_space<vmem>>
    %dma_wait3A_187 = tpu.memref_squeeze %dma_wait3A_186 : memref<1x32xi32, #tpu.memory_space<vmem>> -> memref<32xi32, #tpu.memory_space<vmem>>
    %dma_wait3A_188 = arith.constant 0 : i32
    %dma_wait3A_189 = arith.constant 0 : i32
    %dma_wait3A_190 = tpu.memref_slice %arg2[%dma_wait3A_188, %dma_wait3A_189] : memref<32000x1024xf32, #tpu.memory_space<hbm>> -> memref<32000x1024xf32, #tpu.memory_space<hbm>>
    tpu.wait_indirect_dma semaphore(%arg8 : memref<!tpu.dma_semaphore, #tpu.memory_space<semaphore_mem>>) src(%dma_wait3A_190 : memref<32000x1024xf32, #tpu.memory_space<hbm>>) dst(%dma_wait3A_184 : memref<32x1024xf32, #tpu.memory_space<vmem>>)
    %mul3A_191 = arith.constant 128 : i32
    %mul3A_192 = arith.muli %add3A, %mul3A_191 : i32
    %add3A_193 = arith.constant 96 : i32
    %add3A_194 = arith.addi %mul3A_192, %add3A_193 : i32
    %dma_start3A_195 = arith.constant 1 : i32
    %dma_start3A_196 = arith.constant 0 : i32
    %dma_start3A_197 = arith.constant 0 : i32
    %dma_start3A_198 = tpu.memref_slice %arg6[%dma_start3A_195, %dma_start3A_196, %dma_start3A_197] : memref<2x32x1024xf32, #tpu.memory_space<vmem>> -> memref<1x32x1024xf32, #tpu.memory_space<vmem>>
    %dma_start3A_199 = tpu.memref_squeeze %dma_start3A_198 : memref<1x32x1024xf32, #tpu.memory_space<vmem>> -> memref<32x1024xf32, #tpu.memory_space<vmem>>
    %dma_start3A_200 = arith.constant 0 : i32
    %dma_start3A_201 = tpu.memref_slice %arg4[%add3A_194, %dma_start3A_200] : memref<4096x1024xf32, #tpu.memory_space<hbm>> -> memref<32x1024xf32, #tpu.memory_space<hbm>>
    %dma_start3A_202 = arith.constant 0 : i32
    %dma_start3A_203 = tpu.memref_slice %arg4[%add3A_194, %dma_start3A_202] : memref<4096x1024xf32, #tpu.memory_space<hbm>> -> memref<32x1024xf32, #tpu.memory_space<hbm>>
    %dma_start3A_204 = arith.constant 0 : i32
    %dma_start3A_205 = arith.constant 0 : i32
    %dma_start3A_206 = tpu.memref_slice %arg6[%dma_start3A_195, %dma_start3A_204, %dma_start3A_205] : memref<2x32x1024xf32, #tpu.memory_space<vmem>> -> memref<1x32x1024xf32, #tpu.memory_space<vmem>>
    %dma_start3A_207 = tpu.memref_squeeze %dma_start3A_206 : memref<1x32x1024xf32, #tpu.memory_space<vmem>> -> memref<32x1024xf32, #tpu.memory_space<vmem>>
    tpu.enqueue_dma source(%dma_start3A_207 : memref<32x1024xf32, #tpu.memory_space<vmem>>) target(%dma_start3A_203 : memref<32x1024xf32, #tpu.memory_space<hbm>>) target_semaphore(%arg10 : memref<!tpu.dma_semaphore, #tpu.memory_space<semaphore_mem>>)
    %dma_wait3A_208 = arith.constant 0 : i32
    %dma_wait3A_209 = arith.constant 0 : i32
    %dma_wait3A_210 = arith.constant 0 : i32
    %dma_wait3A_211 = tpu.memref_slice %arg6[%dma_wait3A_208, %dma_wait3A_209, %dma_wait3A_210] : memref<2x32x1024xf32, #tpu.memory_space<vmem>> -> memref<1x32x1024xf32, #tpu.memory_space<vmem>>
    %dma_wait3A_212 = tpu.memref_squeeze %dma_wait3A_211 : memref<1x32x1024xf32, #tpu.memory_space<vmem>> -> memref<32x1024xf32, #tpu.memory_space<vmem>>
    %dma_wait3A_213 = arith.constant 0 : i32
    %dma_wait3A_214 = tpu.memref_slice %arg4[%add3A_165, %dma_wait3A_213] : memref<4096x1024xf32, #tpu.memory_space<hbm>> -> memref<32x1024xf32, #tpu.memory_space<hbm>>
    %dma_wait3A_215 = arith.constant 0 : i32
    %dma_wait3A_216 = tpu.memref_slice %arg4[%add3A_165, %dma_wait3A_215] : memref<4096x1024xf32, #tpu.memory_space<hbm>> -> memref<32x1024xf32, #tpu.memory_space<hbm>>
    %dma_wait3A_217 = arith.constant 0 : i32
    %dma_wait3A_218 = arith.constant 0 : i32
    %dma_wait3A_219 = tpu.memref_slice %arg6[%dma_wait3A_208, %dma_wait3A_217, %dma_wait3A_218] : memref<2x32x1024xf32, #tpu.memory_space<vmem>> -> memref<1x32x1024xf32, #tpu.memory_space<vmem>>
    %dma_wait3A_220 = tpu.memref_squeeze %dma_wait3A_219 : memref<1x32x1024xf32, #tpu.memory_space<vmem>> -> memref<32x1024xf32, #tpu.memory_space<vmem>>
    tpu.wait_dma2 semaphore(%arg9 : memref<!tpu.dma_semaphore, #tpu.memory_space<semaphore_mem>>) src(%dma_wait3A_220 : memref<32x1024xf32, #tpu.memory_space<vmem>>) dst(%dma_wait3A_216 : memref<32x1024xf32, #tpu.memory_space<hbm>>)
    %dma_wait3A_221 = arith.constant 1 : i32
    %dma_wait3A_222 = arith.constant 0 : i32
    %dma_wait3A_223 = arith.constant 0 : i32
    %dma_wait3A_224 = tpu.memref_slice %arg6[%dma_wait3A_221, %dma_wait3A_222, %dma_wait3A_223] : memref<2x32x1024xf32, #tpu.memory_space<vmem>> -> memref<1x32x1024xf32, #tpu.memory_space<vmem>>
    %dma_wait3A_225 = tpu.memref_squeeze %dma_wait3A_224 : memref<1x32x1024xf32, #tpu.memory_space<vmem>> -> memref<32x1024xf32, #tpu.memory_space<vmem>>
    %dma_wait3A_226 = arith.constant 0 : i32
    %dma_wait3A_227 = tpu.memref_slice %arg4[%add3A_194, %dma_wait3A_226] : memref<4096x1024xf32, #tpu.memory_space<hbm>> -> memref<32x1024xf32, #tpu.memory_space<hbm>>
    %dma_wait3A_228 = arith.constant 0 : i32
    %dma_wait3A_229 = tpu.memref_slice %arg4[%add3A_194, %dma_wait3A_228] : memref<4096x1024xf32, #tpu.memory_space<hbm>> -> memref<32x1024xf32, #tpu.memory_space<hbm>>
    %dma_wait3A_230 = arith.constant 0 : i32
    %dma_wait3A_231 = arith.constant 0 : i32
    %dma_wait3A_232 = tpu.memref_slice %arg6[%dma_wait3A_221, %dma_wait3A_230, %dma_wait3A_231] : memref<2x32x1024xf32, #tpu.memory_space<vmem>> -> memref<1x32x1024xf32, #tpu.memory_space<vmem>>
    %dma_wait3A_233 = tpu.memref_squeeze %dma_wait3A_232 : memref<1x32x1024xf32, #tpu.memory_space<vmem>> -> memref<32x1024xf32, #tpu.memory_space<vmem>>
    tpu.wait_dma2 semaphore(%arg10 : memref<!tpu.dma_semaphore, #tpu.memory_space<semaphore_mem>>) src(%dma_wait3A_233 : memref<32x1024xf32, #tpu.memory_space<vmem>>) dst(%dma_wait3A_229 : memref<32x1024xf32, #tpu.memory_space<hbm>>)
    return
  }
}

#map = affine_map<(d0, d1) -> (0, 0)>
#map1 = affine_map<(d0, d1) -> (0)>
module attributes {stable_mosaic.version = 14 : i64} {
  func.func @body(%arg0: i32, %arg1: i32, %arg2: memref<4096x1024xf32, #tpu.memory_space<hbm>>, %arg3: memref<4096xi32, #tpu.memory_space<hbm>>, %arg4: memref<4096x1024xf32, #tpu.memory_space<hbm>>, %arg5: memref<2x32xi32, #tpu.memory_space<vmem>>, %arg6: memref<2x32x1024xf32, #tpu.memory_space<vmem>>, %arg7: memref<!tpu.dma_semaphore, #tpu.memory_space<semaphore_mem>>, %arg8: memref<!tpu.dma_semaphore, #tpu.memory_space<semaphore_mem>>, %arg9: memref<!tpu.dma_semaphore, #tpu.memory_space<semaphore_mem>>, %arg10: memref<!tpu.dma_semaphore, #tpu.memory_space<semaphore_mem>>) attributes {dimension_semantics = [#tpu.dimension_semantics<core_parallel>, #tpu.dimension_semantics<subcore_parallel>], iteration_bounds = array<i64: 2, 16>, scalar_prefetch = 0 : i64, scratch_operands = 6 : i64, tpu.core_type = #tpu.core_type<sc_vector_subcore>, window_params = [{transform_indices = #map}, {transform_indices = #map1}, {transform_indices = #map}]} {
    %mul3A = arith.constant 2 : i32
    %mul3A_0 = arith.muli %arg1, %mul3A : i32
    %add3A = arith.addi %mul3A_0, %arg0 : i32
    %mul3A_1 = arith.constant 128 : i32
    %mul3A_2 = arith.muli %add3A, %mul3A_1 : i32
    %add3A_3 = arith.constant 0 : i32
    %add3A_4 = arith.addi %mul3A_2, %add3A_3 : i32
    %run_scoped3A = arith.constant 0 : i32
    "tpu.region"() ({
      %run_scoped3A_234 = tpu.sem_alloc : memref<!tpu.dma_semaphore, #tpu.memory_space<semaphore_mem>>
      %dma_start3A_235 = arith.constant 0 : i32
      %dma_start3A_236 = tpu.memref_slice %arg5[%run_scoped3A, %dma_start3A_235] : memref<2x32xi32, #tpu.memory_space<vmem>> -> memref<1x32xi32, #tpu.memory_space<vmem>>
      %dma_start3A_237 = tpu.memref_squeeze %dma_start3A_236 : memref<1x32xi32, #tpu.memory_space<vmem>> -> memref<32xi32, #tpu.memory_space<vmem>>
      %dma_start3A_238 = tpu.memref_slice %arg3[%add3A_4] : memref<4096xi32, #tpu.memory_space<hbm>> -> memref<32xi32, #tpu.memory_space<hbm>>
      %dma_start3A_239 = arith.constant 0 : i32
      %dma_start3A_240 = tpu.memref_slice %arg5[%run_scoped3A, %dma_start3A_239] : memref<2x32xi32, #tpu.memory_space<vmem>> -> memref<1x32xi32, #tpu.memory_space<vmem>>
      %dma_start3A_241 = tpu.memref_squeeze %dma_start3A_240 : memref<1x32xi32, #tpu.memory_space<vmem>> -> memref<32xi32, #tpu.memory_space<vmem>>
      %dma_start3A_242 = tpu.memref_slice %arg3[%add3A_4] : memref<4096xi32, #tpu.memory_space<hbm>> -> memref<32xi32, #tpu.memory_space<hbm>>
      tpu.enqueue_dma source(%dma_start3A_242 : memref<32xi32, #tpu.memory_space<hbm>>) target(%dma_start3A_241 : memref<32xi32, #tpu.memory_space<vmem>>) target_semaphore(%run_scoped3A_234 : memref<!tpu.dma_semaphore, #tpu.memory_space<semaphore_mem>>)
      %dma_wait3A_243 = arith.constant 0 : i32
      %dma_wait3A_244 = tpu.memref_slice %arg5[%run_scoped3A, %dma_wait3A_243] : memref<2x32xi32, #tpu.memory_space<vmem>> -> memref<1x32xi32, #tpu.memory_space<vmem>>
      %dma_wait3A_245 = tpu.memref_squeeze %dma_wait3A_244 : memref<1x32xi32, #tpu.memory_space<vmem>> -> memref<32xi32, #tpu.memory_space<vmem>>
      %dma_wait3A_246 = tpu.memref_slice %arg3[%add3A_4] : memref<4096xi32, #tpu.memory_space<hbm>> -> memref<32xi32, #tpu.memory_space<hbm>>
      %dma_wait3A_247 = arith.constant 0 : i32
      %dma_wait3A_248 = tpu.memref_slice %arg5[%run_scoped3A, %dma_wait3A_247] : memref<2x32xi32, #tpu.memory_space<vmem>> -> memref<1x32xi32, #tpu.memory_space<vmem>>
      %dma_wait3A_249 = tpu.memref_squeeze %dma_wait3A_248 : memref<1x32xi32, #tpu.memory_space<vmem>> -> memref<32xi32, #tpu.memory_space<vmem>>
      %dma_wait3A_250 = tpu.memref_slice %arg3[%add3A_4] : memref<4096xi32, #tpu.memory_space<hbm>> -> memref<32xi32, #tpu.memory_space<hbm>>
      tpu.wait_dma2 semaphore(%run_scoped3A_234 : memref<!tpu.dma_semaphore, #tpu.memory_space<semaphore_mem>>) src(%dma_wait3A_250 : memref<32xi32, #tpu.memory_space<hbm>>) dst(%dma_wait3A_249 : memref<32xi32, #tpu.memory_space<vmem>>)
      tpu.yield
    }) : () -> ()
    %dma_start3A = arith.constant 0 : i32
    %dma_start3A_5 = arith.constant 0 : i32
    %dma_start3A_6 = arith.constant 0 : i32
    %dma_start3A_7 = arith.constant 0 : i32
    %dma_start3A_8 = tpu.memref_slice %arg6[%dma_start3A_5, %dma_start3A_6, %dma_start3A_7] : memref<2x32x1024xf32, #tpu.memory_space<vmem>> -> memref<1x32x1024xf32, #tpu.memory_space<vmem>>
    %dma_start3A_9 = tpu.memref_squeeze %dma_start3A_8 : memref<1x32x1024xf32, #tpu.memory_space<vmem>> -> memref<32x1024xf32, #tpu.memory_space<vmem>>
    %dma_start3A_10 = arith.constant 0 : i32
    %dma_start3A_11 = tpu.memref_slice %arg5[%dma_start3A, %dma_start3A_10] : memref<2x32xi32, #tpu.memory_space<vmem>> -> memref<1x32xi32, #tpu.memory_space<vmem>>
    %dma_start3A_12 = tpu.memref_squeeze %dma_start3A_11 : memref<1x32xi32, #tpu.memory_space<vmem>> -> memref<32xi32, #tpu.memory_space<vmem>>
    %dma_start3A_13 = arith.constant 0 : i32
    %dma_start3A_14 = arith.constant 0 : i32
    %dma_start3A_15 = tpu.memref_slice %arg2[%dma_start3A_13, %dma_start3A_14] : memref<4096x1024xf32, #tpu.memory_space<hbm>> -> memref<4096x1024xf32, #tpu.memory_space<hbm>>
    tpu.enqueue_indirect_dma source(%dma_start3A_15 : memref<4096x1024xf32, #tpu.memory_space<hbm>>) target(%dma_start3A_9 : memref<32x1024xf32, #tpu.memory_space<vmem>>) offsets(%dma_start3A_12 : memref<32xi32, #tpu.memory_space<vmem>>) semaphore(%arg7 : memref<!tpu.dma_semaphore, #tpu.memory_space<semaphore_mem>>)
    %mul3A_16 = arith.constant 128 : i32
    %mul3A_17 = arith.muli %add3A, %mul3A_16 : i32
    %add3A_18 = arith.constant 32 : i32
    %add3A_19 = arith.addi %mul3A_17, %add3A_18 : i32
    %run_scoped3A_20 = arith.constant 1 : i32
    "tpu.region"() ({
      %run_scoped3A_234 = tpu.sem_alloc : memref<!tpu.dma_semaphore, #tpu.memory_space<semaphore_mem>>
      %dma_start3A_235 = arith.constant 0 : i32
      %dma_start3A_236 = tpu.memref_slice %arg5[%run_scoped3A_20, %dma_start3A_235] : memref<2x32xi32, #tpu.memory_space<vmem>> -> memref<1x32xi32, #tpu.memory_space<vmem>>
      %dma_start3A_237 = tpu.memref_squeeze %dma_start3A_236 : memref<1x32xi32, #tpu.memory_space<vmem>> -> memref<32xi32, #tpu.memory_space<vmem>>
      %dma_start3A_238 = tpu.memref_slice %arg3[%add3A_19] : memref<4096xi32, #tpu.memory_space<hbm>> -> memref<32xi32, #tpu.memory_space<hbm>>
      %dma_start3A_239 = arith.constant 0 : i32
      %dma_start3A_240 = tpu.memref_slice %arg5[%run_scoped3A_20, %dma_start3A_239] : memref<2x32xi32, #tpu.memory_space<vmem>> -> memref<1x32xi32, #tpu.memory_space<vmem>>
      %dma_start3A_241 = tpu.memref_squeeze %dma_start3A_240 : memref<1x32xi32, #tpu.memory_space<vmem>> -> memref<32xi32, #tpu.memory_space<vmem>>
      %dma_start3A_242 = tpu.memref_slice %arg3[%add3A_19] : memref<4096xi32, #tpu.memory_space<hbm>> -> memref<32xi32, #tpu.memory_space<hbm>>
      tpu.enqueue_dma source(%dma_start3A_242 : memref<32xi32, #tpu.memory_space<hbm>>) target(%dma_start3A_241 : memref<32xi32, #tpu.memory_space<vmem>>) target_semaphore(%run_scoped3A_234 : memref<!tpu.dma_semaphore, #tpu.memory_space<semaphore_mem>>)
      %dma_wait3A_243 = arith.constant 0 : i32
      %dma_wait3A_244 = tpu.memref_slice %arg5[%run_scoped3A_20, %dma_wait3A_243] : memref<2x32xi32, #tpu.memory_space<vmem>> -> memref<1x32xi32, #tpu.memory_space<vmem>>
      %dma_wait3A_245 = tpu.memref_squeeze %dma_wait3A_244 : memref<1x32xi32, #tpu.memory_space<vmem>> -> memref<32xi32, #tpu.memory_space<vmem>>
      %dma_wait3A_246 = tpu.memref_slice %arg3[%add3A_19] : memref<4096xi32, #tpu.memory_space<hbm>> -> memref<32xi32, #tpu.memory_space<hbm>>
      %dma_wait3A_247 = arith.constant 0 : i32
      %dma_wait3A_248 = tpu.memref_slice %arg5[%run_scoped3A_20, %dma_wait3A_247] : memref<2x32xi32, #tpu.memory_space<vmem>> -> memref<1x32xi32, #tpu.memory_space<vmem>>
      %dma_wait3A_249 = tpu.memref_squeeze %dma_wait3A_248 : memref<1x32xi32, #tpu.memory_space<vmem>> -> memref<32xi32, #tpu.memory_space<vmem>>
      %dma_wait3A_250 = tpu.memref_slice %arg3[%add3A_19] : memref<4096xi32, #tpu.memory_space<hbm>> -> memref<32xi32, #tpu.memory_space<hbm>>
      tpu.wait_dma2 semaphore(%run_scoped3A_234 : memref<!tpu.dma_semaphore, #tpu.memory_space<semaphore_mem>>) src(%dma_wait3A_250 : memref<32xi32, #tpu.memory_space<hbm>>) dst(%dma_wait3A_249 : memref<32xi32, #tpu.memory_space<vmem>>)
      tpu.yield
    }) : () -> ()
    %dma_start3A_21 = arith.constant 1 : i32
    %dma_start3A_22 = arith.constant 1 : i32
    %dma_start3A_23 = arith.constant 0 : i32
    %dma_start3A_24 = arith.constant 0 : i32
    %dma_start3A_25 = tpu.memref_slice %arg6[%dma_start3A_22, %dma_start3A_23, %dma_start3A_24] : memref<2x32x1024xf32, #tpu.memory_space<vmem>> -> memref<1x32x1024xf32, #tpu.memory_space<vmem>>
    %dma_start3A_26 = tpu.memref_squeeze %dma_start3A_25 : memref<1x32x1024xf32, #tpu.memory_space<vmem>> -> memref<32x1024xf32, #tpu.memory_space<vmem>>
    %dma_start3A_27 = arith.constant 0 : i32
    %dma_start3A_28 = tpu.memref_slice %arg5[%dma_start3A_21, %dma_start3A_27] : memref<2x32xi32, #tpu.memory_space<vmem>> -> memref<1x32xi32, #tpu.memory_space<vmem>>
    %dma_start3A_29 = tpu.memref_squeeze %dma_start3A_28 : memref<1x32xi32, #tpu.memory_space<vmem>> -> memref<32xi32, #tpu.memory_space<vmem>>
    %dma_start3A_30 = arith.constant 0 : i32
    %dma_start3A_31 = arith.constant 0 : i32
    %dma_start3A_32 = tpu.memref_slice %arg2[%dma_start3A_30, %dma_start3A_31] : memref<4096x1024xf32, #tpu.memory_space<hbm>> -> memref<4096x1024xf32, #tpu.memory_space<hbm>>
    tpu.enqueue_indirect_dma source(%dma_start3A_32 : memref<4096x1024xf32, #tpu.memory_space<hbm>>) target(%dma_start3A_26 : memref<32x1024xf32, #tpu.memory_space<vmem>>) offsets(%dma_start3A_29 : memref<32xi32, #tpu.memory_space<vmem>>) semaphore(%arg8 : memref<!tpu.dma_semaphore, #tpu.memory_space<semaphore_mem>>)
    %dma_wait3A = arith.constant 0 : i32
    %dma_wait3A_33 = arith.constant 0 : i32
    %dma_wait3A_34 = arith.constant 0 : i32
    %dma_wait3A_35 = arith.constant 0 : i32
    %dma_wait3A_36 = tpu.memref_slice %arg6[%dma_wait3A_33, %dma_wait3A_34, %dma_wait3A_35] : memref<2x32x1024xf32, #tpu.memory_space<vmem>> -> memref<1x32x1024xf32, #tpu.memory_space<vmem>>
    %dma_wait3A_37 = tpu.memref_squeeze %dma_wait3A_36 : memref<1x32x1024xf32, #tpu.memory_space<vmem>> -> memref<32x1024xf32, #tpu.memory_space<vmem>>
    %dma_wait3A_38 = arith.constant 0 : i32
    %dma_wait3A_39 = tpu.memref_slice %arg5[%dma_wait3A, %dma_wait3A_38] : memref<2x32xi32, #tpu.memory_space<vmem>> -> memref<1x32xi32, #tpu.memory_space<vmem>>
    %dma_wait3A_40 = tpu.memref_squeeze %dma_wait3A_39 : memref<1x32xi32, #tpu.memory_space<vmem>> -> memref<32xi32, #tpu.memory_space<vmem>>
    %dma_wait3A_41 = arith.constant 0 : i32
    %dma_wait3A_42 = arith.constant 0 : i32
    %dma_wait3A_43 = tpu.memref_slice %arg2[%dma_wait3A_41, %dma_wait3A_42] : memref<4096x1024xf32, #tpu.memory_space<hbm>> -> memref<4096x1024xf32, #tpu.memory_space<hbm>>
    tpu.wait_indirect_dma semaphore(%arg7 : memref<!tpu.dma_semaphore, #tpu.memory_space<semaphore_mem>>) src(%dma_wait3A_43 : memref<4096x1024xf32, #tpu.memory_space<hbm>>) dst(%dma_wait3A_37 : memref<32x1024xf32, #tpu.memory_space<vmem>>)
    %mul3A_44 = arith.constant 128 : i32
    %mul3A_45 = arith.muli %add3A, %mul3A_44 : i32
    %add3A_46 = arith.constant 0 : i32
    %add3A_47 = arith.addi %mul3A_45, %add3A_46 : i32
    %dma_start3A_48 = arith.constant 0 : i32
    %dma_start3A_49 = arith.constant 0 : i32
    %dma_start3A_50 = arith.constant 0 : i32
    %dma_start3A_51 = tpu.memref_slice %arg6[%dma_start3A_48, %dma_start3A_49, %dma_start3A_50] : memref<2x32x1024xf32, #tpu.memory_space<vmem>> -> memref<1x32x1024xf32, #tpu.memory_space<vmem>>
    %dma_start3A_52 = tpu.memref_squeeze %dma_start3A_51 : memref<1x32x1024xf32, #tpu.memory_space<vmem>> -> memref<32x1024xf32, #tpu.memory_space<vmem>>
    %dma_start3A_53 = arith.constant 0 : i32
    %dma_start3A_54 = tpu.memref_slice %arg4[%add3A_47, %dma_start3A_53] : memref<4096x1024xf32, #tpu.memory_space<hbm>> -> memref<32x1024xf32, #tpu.memory_space<hbm>>
    %dma_start3A_55 = arith.constant 0 : i32
    %dma_start3A_56 = tpu.memref_slice %arg4[%add3A_47, %dma_start3A_55] : memref<4096x1024xf32, #tpu.memory_space<hbm>> -> memref<32x1024xf32, #tpu.memory_space<hbm>>
    %dma_start3A_57 = arith.constant 0 : i32
    %dma_start3A_58 = arith.constant 0 : i32
    %dma_start3A_59 = tpu.memref_slice %arg6[%dma_start3A_48, %dma_start3A_57, %dma_start3A_58] : memref<2x32x1024xf32, #tpu.memory_space<vmem>> -> memref<1x32x1024xf32, #tpu.memory_space<vmem>>
    %dma_start3A_60 = tpu.memref_squeeze %dma_start3A_59 : memref<1x32x1024xf32, #tpu.memory_space<vmem>> -> memref<32x1024xf32, #tpu.memory_space<vmem>>
    tpu.enqueue_dma source(%dma_start3A_60 : memref<32x1024xf32, #tpu.memory_space<vmem>>) target(%dma_start3A_56 : memref<32x1024xf32, #tpu.memory_space<hbm>>) target_semaphore(%arg9 : memref<!tpu.dma_semaphore, #tpu.memory_space<semaphore_mem>>)
    %dma_wait3A_61 = arith.constant 0 : i32
    %dma_wait3A_62 = arith.constant 0 : i32
    %dma_wait3A_63 = arith.constant 0 : i32
    %dma_wait3A_64 = tpu.memref_slice %arg6[%dma_wait3A_61, %dma_wait3A_62, %dma_wait3A_63] : memref<2x32x1024xf32, #tpu.memory_space<vmem>> -> memref<1x32x1024xf32, #tpu.memory_space<vmem>>
    %dma_wait3A_65 = tpu.memref_squeeze %dma_wait3A_64 : memref<1x32x1024xf32, #tpu.memory_space<vmem>> -> memref<32x1024xf32, #tpu.memory_space<vmem>>
    %dma_wait3A_66 = arith.constant 0 : i32
    %dma_wait3A_67 = tpu.memref_slice %arg4[%add3A_47, %dma_wait3A_66] : memref<4096x1024xf32, #tpu.memory_space<hbm>> -> memref<32x1024xf32, #tpu.memory_space<hbm>>
    %dma_wait3A_68 = arith.constant 0 : i32
    %dma_wait3A_69 = tpu.memref_slice %arg4[%add3A_47, %dma_wait3A_68] : memref<4096x1024xf32, #tpu.memory_space<hbm>> -> memref<32x1024xf32, #tpu.memory_space<hbm>>
    %dma_wait3A_70 = arith.constant 0 : i32
    %dma_wait3A_71 = arith.constant 0 : i32
    %dma_wait3A_72 = tpu.memref_slice %arg6[%dma_wait3A_61, %dma_wait3A_70, %dma_wait3A_71] : memref<2x32x1024xf32, #tpu.memory_space<vmem>> -> memref<1x32x1024xf32, #tpu.memory_space<vmem>>
    %dma_wait3A_73 = tpu.memref_squeeze %dma_wait3A_72 : memref<1x32x1024xf32, #tpu.memory_space<vmem>> -> memref<32x1024xf32, #tpu.memory_space<vmem>>
    tpu.wait_dma2 semaphore(%arg9 : memref<!tpu.dma_semaphore, #tpu.memory_space<semaphore_mem>>) src(%dma_wait3A_73 : memref<32x1024xf32, #tpu.memory_space<vmem>>) dst(%dma_wait3A_69 : memref<32x1024xf32, #tpu.memory_space<hbm>>)
    %mul3A_74 = arith.constant 128 : i32
    %mul3A_75 = arith.muli %add3A, %mul3A_74 : i32
    %add3A_76 = arith.constant 64 : i32
    %add3A_77 = arith.addi %mul3A_75, %add3A_76 : i32
    %run_scoped3A_78 = arith.constant 0 : i32
    "tpu.region"() ({
      %run_scoped3A_234 = tpu.sem_alloc : memref<!tpu.dma_semaphore, #tpu.memory_space<semaphore_mem>>
      %dma_start3A_235 = arith.constant 0 : i32
      %dma_start3A_236 = tpu.memref_slice %arg5[%run_scoped3A_78, %dma_start3A_235] : memref<2x32xi32, #tpu.memory_space<vmem>> -> memref<1x32xi32, #tpu.memory_space<vmem>>
      %dma_start3A_237 = tpu.memref_squeeze %dma_start3A_236 : memref<1x32xi32, #tpu.memory_space<vmem>> -> memref<32xi32, #tpu.memory_space<vmem>>
      %dma_start3A_238 = tpu.memref_slice %arg3[%add3A_77] : memref<4096xi32, #tpu.memory_space<hbm>> -> memref<32xi32, #tpu.memory_space<hbm>>
      %dma_start3A_239 = arith.constant 0 : i32
      %dma_start3A_240 = tpu.memref_slice %arg5[%run_scoped3A_78, %dma_start3A_239] : memref<2x32xi32, #tpu.memory_space<vmem>> -> memref<1x32xi32, #tpu.memory_space<vmem>>
      %dma_start3A_241 = tpu.memref_squeeze %dma_start3A_240 : memref<1x32xi32, #tpu.memory_space<vmem>> -> memref<32xi32, #tpu.memory_space<vmem>>
      %dma_start3A_242 = tpu.memref_slice %arg3[%add3A_77] : memref<4096xi32, #tpu.memory_space<hbm>> -> memref<32xi32, #tpu.memory_space<hbm>>
      tpu.enqueue_dma source(%dma_start3A_242 : memref<32xi32, #tpu.memory_space<hbm>>) target(%dma_start3A_241 : memref<32xi32, #tpu.memory_space<vmem>>) target_semaphore(%run_scoped3A_234 : memref<!tpu.dma_semaphore, #tpu.memory_space<semaphore_mem>>)
      %dma_wait3A_243 = arith.constant 0 : i32
      %dma_wait3A_244 = tpu.memref_slice %arg5[%run_scoped3A_78, %dma_wait3A_243] : memref<2x32xi32, #tpu.memory_space<vmem>> -> memref<1x32xi32, #tpu.memory_space<vmem>>
      %dma_wait3A_245 = tpu.memref_squeeze %dma_wait3A_244 : memref<1x32xi32, #tpu.memory_space<vmem>> -> memref<32xi32, #tpu.memory_space<vmem>>
      %dma_wait3A_246 = tpu.memref_slice %arg3[%add3A_77] : memref<4096xi32, #tpu.memory_space<hbm>> -> memref<32xi32, #tpu.memory_space<hbm>>
      %dma_wait3A_247 = arith.constant 0 : i32
      %dma_wait3A_248 = tpu.memref_slice %arg5[%run_scoped3A_78, %dma_wait3A_247] : memref<2x32xi32, #tpu.memory_space<vmem>> -> memref<1x32xi32, #tpu.memory_space<vmem>>
      %dma_wait3A_249 = tpu.memref_squeeze %dma_wait3A_248 : memref<1x32xi32, #tpu.memory_space<vmem>> -> memref<32xi32, #tpu.memory_space<vmem>>
      %dma_wait3A_250 = tpu.memref_slice %arg3[%add3A_77] : memref<4096xi32, #tpu.memory_space<hbm>> -> memref<32xi32, #tpu.memory_space<hbm>>
      tpu.wait_dma2 semaphore(%run_scoped3A_234 : memref<!tpu.dma_semaphore, #tpu.memory_space<semaphore_mem>>) src(%dma_wait3A_250 : memref<32xi32, #tpu.memory_space<hbm>>) dst(%dma_wait3A_249 : memref<32xi32, #tpu.memory_space<vmem>>)
      tpu.yield
    }) : () -> ()
    %dma_start3A_79 = arith.constant 0 : i32
    %dma_start3A_80 = arith.constant 0 : i32
    %dma_start3A_81 = arith.constant 0 : i32
    %dma_start3A_82 = arith.constant 0 : i32
    %dma_start3A_83 = tpu.memref_slice %arg6[%dma_start3A_80, %dma_start3A_81, %dma_start3A_82] : memref<2x32x1024xf32, #tpu.memory_space<vmem>> -> memref<1x32x1024xf32, #tpu.memory_space<vmem>>
    %dma_start3A_84 = tpu.memref_squeeze %dma_start3A_83 : memref<1x32x1024xf32, #tpu.memory_space<vmem>> -> memref<32x1024xf32, #tpu.memory_space<vmem>>
    %dma_start3A_85 = arith.constant 0 : i32
    %dma_start3A_86 = tpu.memref_slice %arg5[%dma_start3A_79, %dma_start3A_85] : memref<2x32xi32, #tpu.memory_space<vmem>> -> memref<1x32xi32, #tpu.memory_space<vmem>>
    %dma_start3A_87 = tpu.memref_squeeze %dma_start3A_86 : memref<1x32xi32, #tpu.memory_space<vmem>> -> memref<32xi32, #tpu.memory_space<vmem>>
    %dma_start3A_88 = arith.constant 0 : i32
    %dma_start3A_89 = arith.constant 0 : i32
    %dma_start3A_90 = tpu.memref_slice %arg2[%dma_start3A_88, %dma_start3A_89] : memref<4096x1024xf32, #tpu.memory_space<hbm>> -> memref<4096x1024xf32, #tpu.memory_space<hbm>>
    tpu.enqueue_indirect_dma source(%dma_start3A_90 : memref<4096x1024xf32, #tpu.memory_space<hbm>>) target(%dma_start3A_84 : memref<32x1024xf32, #tpu.memory_space<vmem>>) offsets(%dma_start3A_87 : memref<32xi32, #tpu.memory_space<vmem>>) semaphore(%arg7 : memref<!tpu.dma_semaphore, #tpu.memory_space<semaphore_mem>>)
    %dma_wait3A_91 = arith.constant 1 : i32
    %dma_wait3A_92 = arith.constant 1 : i32
    %dma_wait3A_93 = arith.constant 0 : i32
    %dma_wait3A_94 = arith.constant 0 : i32
    %dma_wait3A_95 = tpu.memref_slice %arg6[%dma_wait3A_92, %dma_wait3A_93, %dma_wait3A_94] : memref<2x32x1024xf32, #tpu.memory_space<vmem>> -> memref<1x32x1024xf32, #tpu.memory_space<vmem>>
    %dma_wait3A_96 = tpu.memref_squeeze %dma_wait3A_95 : memref<1x32x1024xf32, #tpu.memory_space<vmem>> -> memref<32x1024xf32, #tpu.memory_space<vmem>>
    %dma_wait3A_97 = arith.constant 0 : i32
    %dma_wait3A_98 = tpu.memref_slice %arg5[%dma_wait3A_91, %dma_wait3A_97] : memref<2x32xi32, #tpu.memory_space<vmem>> -> memref<1x32xi32, #tpu.memory_space<vmem>>
    %dma_wait3A_99 = tpu.memref_squeeze %dma_wait3A_98 : memref<1x32xi32, #tpu.memory_space<vmem>> -> memref<32xi32, #tpu.memory_space<vmem>>
    %dma_wait3A_100 = arith.constant 0 : i32
    %dma_wait3A_101 = arith.constant 0 : i32
    %dma_wait3A_102 = tpu.memref_slice %arg2[%dma_wait3A_100, %dma_wait3A_101] : memref<4096x1024xf32, #tpu.memory_space<hbm>> -> memref<4096x1024xf32, #tpu.memory_space<hbm>>
    tpu.wait_indirect_dma semaphore(%arg8 : memref<!tpu.dma_semaphore, #tpu.memory_space<semaphore_mem>>) src(%dma_wait3A_102 : memref<4096x1024xf32, #tpu.memory_space<hbm>>) dst(%dma_wait3A_96 : memref<32x1024xf32, #tpu.memory_space<vmem>>)
    %mul3A_103 = arith.constant 128 : i32
    %mul3A_104 = arith.muli %add3A, %mul3A_103 : i32
    %add3A_105 = arith.constant 32 : i32
    %add3A_106 = arith.addi %mul3A_104, %add3A_105 : i32
    %dma_start3A_107 = arith.constant 1 : i32
    %dma_start3A_108 = arith.constant 0 : i32
    %dma_start3A_109 = arith.constant 0 : i32
    %dma_start3A_110 = tpu.memref_slice %arg6[%dma_start3A_107, %dma_start3A_108, %dma_start3A_109] : memref<2x32x1024xf32, #tpu.memory_space<vmem>> -> memref<1x32x1024xf32, #tpu.memory_space<vmem>>
    %dma_start3A_111 = tpu.memref_squeeze %dma_start3A_110 : memref<1x32x1024xf32, #tpu.memory_space<vmem>> -> memref<32x1024xf32, #tpu.memory_space<vmem>>
    %dma_start3A_112 = arith.constant 0 : i32
    %dma_start3A_113 = tpu.memref_slice %arg4[%add3A_106, %dma_start3A_112] : memref<4096x1024xf32, #tpu.memory_space<hbm>> -> memref<32x1024xf32, #tpu.memory_space<hbm>>
    %dma_start3A_114 = arith.constant 0 : i32
    %dma_start3A_115 = tpu.memref_slice %arg4[%add3A_106, %dma_start3A_114] : memref<4096x1024xf32, #tpu.memory_space<hbm>> -> memref<32x1024xf32, #tpu.memory_space<hbm>>
    %dma_start3A_116 = arith.constant 0 : i32
    %dma_start3A_117 = arith.constant 0 : i32
    %dma_start3A_118 = tpu.memref_slice %arg6[%dma_start3A_107, %dma_start3A_116, %dma_start3A_117] : memref<2x32x1024xf32, #tpu.memory_space<vmem>> -> memref<1x32x1024xf32, #tpu.memory_space<vmem>>
    %dma_start3A_119 = tpu.memref_squeeze %dma_start3A_118 : memref<1x32x1024xf32, #tpu.memory_space<vmem>> -> memref<32x1024xf32, #tpu.memory_space<vmem>>
    tpu.enqueue_dma source(%dma_start3A_119 : memref<32x1024xf32, #tpu.memory_space<vmem>>) target(%dma_start3A_115 : memref<32x1024xf32, #tpu.memory_space<hbm>>) target_semaphore(%arg10 : memref<!tpu.dma_semaphore, #tpu.memory_space<semaphore_mem>>)
    %dma_wait3A_120 = arith.constant 1 : i32
    %dma_wait3A_121 = arith.constant 0 : i32
    %dma_wait3A_122 = arith.constant 0 : i32
    %dma_wait3A_123 = tpu.memref_slice %arg6[%dma_wait3A_120, %dma_wait3A_121, %dma_wait3A_122] : memref<2x32x1024xf32, #tpu.memory_space<vmem>> -> memref<1x32x1024xf32, #tpu.memory_space<vmem>>
    %dma_wait3A_124 = tpu.memref_squeeze %dma_wait3A_123 : memref<1x32x1024xf32, #tpu.memory_space<vmem>> -> memref<32x1024xf32, #tpu.memory_space<vmem>>
    %dma_wait3A_125 = arith.constant 0 : i32
    %dma_wait3A_126 = tpu.memref_slice %arg4[%add3A_106, %dma_wait3A_125] : memref<4096x1024xf32, #tpu.memory_space<hbm>> -> memref<32x1024xf32, #tpu.memory_space<hbm>>
    %dma_wait3A_127 = arith.constant 0 : i32
    %dma_wait3A_128 = tpu.memref_slice %arg4[%add3A_106, %dma_wait3A_127] : memref<4096x1024xf32, #tpu.memory_space<hbm>> -> memref<32x1024xf32, #tpu.memory_space<hbm>>
    %dma_wait3A_129 = arith.constant 0 : i32
    %dma_wait3A_130 = arith.constant 0 : i32
    %dma_wait3A_131 = tpu.memref_slice %arg6[%dma_wait3A_120, %dma_wait3A_129, %dma_wait3A_130] : memref<2x32x1024xf32, #tpu.memory_space<vmem>> -> memref<1x32x1024xf32, #tpu.memory_space<vmem>>
    %dma_wait3A_132 = tpu.memref_squeeze %dma_wait3A_131 : memref<1x32x1024xf32, #tpu.memory_space<vmem>> -> memref<32x1024xf32, #tpu.memory_space<vmem>>
    tpu.wait_dma2 semaphore(%arg10 : memref<!tpu.dma_semaphore, #tpu.memory_space<semaphore_mem>>) src(%dma_wait3A_132 : memref<32x1024xf32, #tpu.memory_space<vmem>>) dst(%dma_wait3A_128 : memref<32x1024xf32, #tpu.memory_space<hbm>>)
    %mul3A_133 = arith.constant 128 : i32
    %mul3A_134 = arith.muli %add3A, %mul3A_133 : i32
    %add3A_135 = arith.constant 96 : i32
    %add3A_136 = arith.addi %mul3A_134, %add3A_135 : i32
    %run_scoped3A_137 = arith.constant 1 : i32
    "tpu.region"() ({
      %run_scoped3A_234 = tpu.sem_alloc : memref<!tpu.dma_semaphore, #tpu.memory_space<semaphore_mem>>
      %dma_start3A_235 = arith.constant 0 : i32
      %dma_start3A_236 = tpu.memref_slice %arg5[%run_scoped3A_137, %dma_start3A_235] : memref<2x32xi32, #tpu.memory_space<vmem>> -> memref<1x32xi32, #tpu.memory_space<vmem>>
      %dma_start3A_237 = tpu.memref_squeeze %dma_start3A_236 : memref<1x32xi32, #tpu.memory_space<vmem>> -> memref<32xi32, #tpu.memory_space<vmem>>
      %dma_start3A_238 = tpu.memref_slice %arg3[%add3A_136] : memref<4096xi32, #tpu.memory_space<hbm>> -> memref<32xi32, #tpu.memory_space<hbm>>
      %dma_start3A_239 = arith.constant 0 : i32
      %dma_start3A_240 = tpu.memref_slice %arg5[%run_scoped3A_137, %dma_start3A_239] : memref<2x32xi32, #tpu.memory_space<vmem>> -> memref<1x32xi32, #tpu.memory_space<vmem>>
      %dma_start3A_241 = tpu.memref_squeeze %dma_start3A_240 : memref<1x32xi32, #tpu.memory_space<vmem>> -> memref<32xi32, #tpu.memory_space<vmem>>
      %dma_start3A_242 = tpu.memref_slice %arg3[%add3A_136] : memref<4096xi32, #tpu.memory_space<hbm>> -> memref<32xi32, #tpu.memory_space<hbm>>
      tpu.enqueue_dma source(%dma_start3A_242 : memref<32xi32, #tpu.memory_space<hbm>>) target(%dma_start3A_241 : memref<32xi32, #tpu.memory_space<vmem>>) target_semaphore(%run_scoped3A_234 : memref<!tpu.dma_semaphore, #tpu.memory_space<semaphore_mem>>)
      %dma_wait3A_243 = arith.constant 0 : i32
      %dma_wait3A_244 = tpu.memref_slice %arg5[%run_scoped3A_137, %dma_wait3A_243] : memref<2x32xi32, #tpu.memory_space<vmem>> -> memref<1x32xi32, #tpu.memory_space<vmem>>
      %dma_wait3A_245 = tpu.memref_squeeze %dma_wait3A_244 : memref<1x32xi32, #tpu.memory_space<vmem>> -> memref<32xi32, #tpu.memory_space<vmem>>
      %dma_wait3A_246 = tpu.memref_slice %arg3[%add3A_136] : memref<4096xi32, #tpu.memory_space<hbm>> -> memref<32xi32, #tpu.memory_space<hbm>>
      %dma_wait3A_247 = arith.constant 0 : i32
      %dma_wait3A_248 = tpu.memref_slice %arg5[%run_scoped3A_137, %dma_wait3A_247] : memref<2x32xi32, #tpu.memory_space<vmem>> -> memref<1x32xi32, #tpu.memory_space<vmem>>
      %dma_wait3A_249 = tpu.memref_squeeze %dma_wait3A_248 : memref<1x32xi32, #tpu.memory_space<vmem>> -> memref<32xi32, #tpu.memory_space<vmem>>
      %dma_wait3A_250 = tpu.memref_slice %arg3[%add3A_136] : memref<4096xi32, #tpu.memory_space<hbm>> -> memref<32xi32, #tpu.memory_space<hbm>>
      tpu.wait_dma2 semaphore(%run_scoped3A_234 : memref<!tpu.dma_semaphore, #tpu.memory_space<semaphore_mem>>) src(%dma_wait3A_250 : memref<32xi32, #tpu.memory_space<hbm>>) dst(%dma_wait3A_249 : memref<32xi32, #tpu.memory_space<vmem>>)
      tpu.yield
    }) : () -> ()
    %dma_start3A_138 = arith.constant 1 : i32
    %dma_start3A_139 = arith.constant 1 : i32
    %dma_start3A_140 = arith.constant 0 : i32
    %dma_start3A_141 = arith.constant 0 : i32
    %dma_start3A_142 = tpu.memref_slice %arg6[%dma_start3A_139, %dma_start3A_140, %dma_start3A_141] : memref<2x32x1024xf32, #tpu.memory_space<vmem>> -> memref<1x32x1024xf32, #tpu.memory_space<vmem>>
    %dma_start3A_143 = tpu.memref_squeeze %dma_start3A_142 : memref<1x32x1024xf32, #tpu.memory_space<vmem>> -> memref<32x1024xf32, #tpu.memory_space<vmem>>
    %dma_start3A_144 = arith.constant 0 : i32
    %dma_start3A_145 = tpu.memref_slice %arg5[%dma_start3A_138, %dma_start3A_144] : memref<2x32xi32, #tpu.memory_space<vmem>> -> memref<1x32xi32, #tpu.memory_space<vmem>>
    %dma_start3A_146 = tpu.memref_squeeze %dma_start3A_145 : memref<1x32xi32, #tpu.memory_space<vmem>> -> memref<32xi32, #tpu.memory_space<vmem>>
    %dma_start3A_147 = arith.constant 0 : i32
    %dma_start3A_148 = arith.constant 0 : i32
    %dma_start3A_149 = tpu.memref_slice %arg2[%dma_start3A_147, %dma_start3A_148] : memref<4096x1024xf32, #tpu.memory_space<hbm>> -> memref<4096x1024xf32, #tpu.memory_space<hbm>>
    tpu.enqueue_indirect_dma source(%dma_start3A_149 : memref<4096x1024xf32, #tpu.memory_space<hbm>>) target(%dma_start3A_143 : memref<32x1024xf32, #tpu.memory_space<vmem>>) offsets(%dma_start3A_146 : memref<32xi32, #tpu.memory_space<vmem>>) semaphore(%arg8 : memref<!tpu.dma_semaphore, #tpu.memory_space<semaphore_mem>>)
    %dma_wait3A_150 = arith.constant 0 : i32
    %dma_wait3A_151 = arith.constant 0 : i32
    %dma_wait3A_152 = arith.constant 0 : i32
    %dma_wait3A_153 = arith.constant 0 : i32
    %dma_wait3A_154 = tpu.memref_slice %arg6[%dma_wait3A_151, %dma_wait3A_152, %dma_wait3A_153] : memref<2x32x1024xf32, #tpu.memory_space<vmem>> -> memref<1x32x1024xf32, #tpu.memory_space<vmem>>
    %dma_wait3A_155 = tpu.memref_squeeze %dma_wait3A_154 : memref<1x32x1024xf32, #tpu.memory_space<vmem>> -> memref<32x1024xf32, #tpu.memory_space<vmem>>
    %dma_wait3A_156 = arith.constant 0 : i32
    %dma_wait3A_157 = tpu.memref_slice %arg5[%dma_wait3A_150, %dma_wait3A_156] : memref<2x32xi32, #tpu.memory_space<vmem>> -> memref<1x32xi32, #tpu.memory_space<vmem>>
    %dma_wait3A_158 = tpu.memref_squeeze %dma_wait3A_157 : memref<1x32xi32, #tpu.memory_space<vmem>> -> memref<32xi32, #tpu.memory_space<vmem>>
    %dma_wait3A_159 = arith.constant 0 : i32
    %dma_wait3A_160 = arith.constant 0 : i32
    %dma_wait3A_161 = tpu.memref_slice %arg2[%dma_wait3A_159, %dma_wait3A_160] : memref<4096x1024xf32, #tpu.memory_space<hbm>> -> memref<4096x1024xf32, #tpu.memory_space<hbm>>
    tpu.wait_indirect_dma semaphore(%arg7 : memref<!tpu.dma_semaphore, #tpu.memory_space<semaphore_mem>>) src(%dma_wait3A_161 : memref<4096x1024xf32, #tpu.memory_space<hbm>>) dst(%dma_wait3A_155 : memref<32x1024xf32, #tpu.memory_space<vmem>>)
    %mul3A_162 = arith.constant 128 : i32
    %mul3A_163 = arith.muli %add3A, %mul3A_162 : i32
    %add3A_164 = arith.constant 64 : i32
    %add3A_165 = arith.addi %mul3A_163, %add3A_164 : i32
    %dma_start3A_166 = arith.constant 0 : i32
    %dma_start3A_167 = arith.constant 0 : i32
    %dma_start3A_168 = arith.constant 0 : i32
    %dma_start3A_169 = tpu.memref_slice %arg6[%dma_start3A_166, %dma_start3A_167, %dma_start3A_168] : memref<2x32x1024xf32, #tpu.memory_space<vmem>> -> memref<1x32x1024xf32, #tpu.memory_space<vmem>>
    %dma_start3A_170 = tpu.memref_squeeze %dma_start3A_169 : memref<1x32x1024xf32, #tpu.memory_space<vmem>> -> memref<32x1024xf32, #tpu.memory_space<vmem>>
    %dma_start3A_171 = arith.constant 0 : i32
    %dma_start3A_172 = tpu.memref_slice %arg4[%add3A_165, %dma_start3A_171] : memref<4096x1024xf32, #tpu.memory_space<hbm>> -> memref<32x1024xf32, #tpu.memory_space<hbm>>
    %dma_start3A_173 = arith.constant 0 : i32
    %dma_start3A_174 = tpu.memref_slice %arg4[%add3A_165, %dma_start3A_173] : memref<4096x1024xf32, #tpu.memory_space<hbm>> -> memref<32x1024xf32, #tpu.memory_space<hbm>>
    %dma_start3A_175 = arith.constant 0 : i32
    %dma_start3A_176 = arith.constant 0 : i32
    %dma_start3A_177 = tpu.memref_slice %arg6[%dma_start3A_166, %dma_start3A_175, %dma_start3A_176] : memref<2x32x1024xf32, #tpu.memory_space<vmem>> -> memref<1x32x1024xf32, #tpu.memory_space<vmem>>
    %dma_start3A_178 = tpu.memref_squeeze %dma_start3A_177 : memref<1x32x1024xf32, #tpu.memory_space<vmem>> -> memref<32x1024xf32, #tpu.memory_space<vmem>>
    tpu.enqueue_dma source(%dma_start3A_178 : memref<32x1024xf32, #tpu.memory_space<vmem>>) target(%dma_start3A_174 : memref<32x1024xf32, #tpu.memory_space<hbm>>) target_semaphore(%arg9 : memref<!tpu.dma_semaphore, #tpu.memory_space<semaphore_mem>>)
    %dma_wait3A_179 = arith.constant 1 : i32
    %dma_wait3A_180 = arith.constant 1 : i32
    %dma_wait3A_181 = arith.constant 0 : i32
    %dma_wait3A_182 = arith.constant 0 : i32
    %dma_wait3A_183 = tpu.memref_slice %arg6[%dma_wait3A_180, %dma_wait3A_181, %dma_wait3A_182] : memref<2x32x1024xf32, #tpu.memory_space<vmem>> -> memref<1x32x1024xf32, #tpu.memory_space<vmem>>
    %dma_wait3A_184 = tpu.memref_squeeze %dma_wait3A_183 : memref<1x32x1024xf32, #tpu.memory_space<vmem>> -> memref<32x1024xf32, #tpu.memory_space<vmem>>
    %dma_wait3A_185 = arith.constant 0 : i32
    %dma_wait3A_186 = tpu.memref_slice %arg5[%dma_wait3A_179, %dma_wait3A_185] : memref<2x32xi32, #tpu.memory_space<vmem>> -> memref<1x32xi32, #tpu.memory_space<vmem>>
    %dma_wait3A_187 = tpu.memref_squeeze %dma_wait3A_186 : memref<1x32xi32, #tpu.memory_space<vmem>> -> memref<32xi32, #tpu.memory_space<vmem>>
    %dma_wait3A_188 = arith.constant 0 : i32
    %dma_wait3A_189 = arith.constant 0 : i32
    %dma_wait3A_190 = tpu.memref_slice %arg2[%dma_wait3A_188, %dma_wait3A_189] : memref<4096x1024xf32, #tpu.memory_space<hbm>> -> memref<4096x1024xf32, #tpu.memory_space<hbm>>
    tpu.wait_indirect_dma semaphore(%arg8 : memref<!tpu.dma_semaphore, #tpu.memory_space<semaphore_mem>>) src(%dma_wait3A_190 : memref<4096x1024xf32, #tpu.memory_space<hbm>>) dst(%dma_wait3A_184 : memref<32x1024xf32, #tpu.memory_space<vmem>>)
    %mul3A_191 = arith.constant 128 : i32
    %mul3A_192 = arith.muli %add3A, %mul3A_191 : i32
    %add3A_193 = arith.constant 96 : i32
    %add3A_194 = arith.addi %mul3A_192, %add3A_193 : i32
    %dma_start3A_195 = arith.constant 1 : i32
    %dma_start3A_196 = arith.constant 0 : i32
    %dma_start3A_197 = arith.constant 0 : i32
    %dma_start3A_198 = tpu.memref_slice %arg6[%dma_start3A_195, %dma_start3A_196, %dma_start3A_197] : memref<2x32x1024xf32, #tpu.memory_space<vmem>> -> memref<1x32x1024xf32, #tpu.memory_space<vmem>>
    %dma_start3A_199 = tpu.memref_squeeze %dma_start3A_198 : memref<1x32x1024xf32, #tpu.memory_space<vmem>> -> memref<32x1024xf32, #tpu.memory_space<vmem>>
    %dma_start3A_200 = arith.constant 0 : i32
    %dma_start3A_201 = tpu.memref_slice %arg4[%add3A_194, %dma_start3A_200] : memref<4096x1024xf32, #tpu.memory_space<hbm>> -> memref<32x1024xf32, #tpu.memory_space<hbm>>
    %dma_start3A_202 = arith.constant 0 : i32
    %dma_start3A_203 = tpu.memref_slice %arg4[%add3A_194, %dma_start3A_202] : memref<4096x1024xf32, #tpu.memory_space<hbm>> -> memref<32x1024xf32, #tpu.memory_space<hbm>>
    %dma_start3A_204 = arith.constant 0 : i32
    %dma_start3A_205 = arith.constant 0 : i32
    %dma_start3A_206 = tpu.memref_slice %arg6[%dma_start3A_195, %dma_start3A_204, %dma_start3A_205] : memref<2x32x1024xf32, #tpu.memory_space<vmem>> -> memref<1x32x1024xf32, #tpu.memory_space<vmem>>
    %dma_start3A_207 = tpu.memref_squeeze %dma_start3A_206 : memref<1x32x1024xf32, #tpu.memory_space<vmem>> -> memref<32x1024xf32, #tpu.memory_space<vmem>>
    tpu.enqueue_dma source(%dma_start3A_207 : memref<32x1024xf32, #tpu.memory_space<vmem>>) target(%dma_start3A_203 : memref<32x1024xf32, #tpu.memory_space<hbm>>) target_semaphore(%arg10 : memref<!tpu.dma_semaphore, #tpu.memory_space<semaphore_mem>>)
    %dma_wait3A_208 = arith.constant 0 : i32
    %dma_wait3A_209 = arith.constant 0 : i32
    %dma_wait3A_210 = arith.constant 0 : i32
    %dma_wait3A_211 = tpu.memref_slice %arg6[%dma_wait3A_208, %dma_wait3A_209, %dma_wait3A_210] : memref<2x32x1024xf32, #tpu.memory_space<vmem>> -> memref<1x32x1024xf32, #tpu.memory_space<vmem>>
    %dma_wait3A_212 = tpu.memref_squeeze %dma_wait3A_211 : memref<1x32x1024xf32, #tpu.memory_space<vmem>> -> memref<32x1024xf32, #tpu.memory_space<vmem>>
    %dma_wait3A_213 = arith.constant 0 : i32
    %dma_wait3A_214 = tpu.memref_slice %arg4[%add3A_165, %dma_wait3A_213] : memref<4096x1024xf32, #tpu.memory_space<hbm>> -> memref<32x1024xf32, #tpu.memory_space<hbm>>
    %dma_wait3A_215 = arith.constant 0 : i32
    %dma_wait3A_216 = tpu.memref_slice %arg4[%add3A_165, %dma_wait3A_215] : memref<4096x1024xf32, #tpu.memory_space<hbm>> -> memref<32x1024xf32, #tpu.memory_space<hbm>>
    %dma_wait3A_217 = arith.constant 0 : i32
    %dma_wait3A_218 = arith.constant 0 : i32
    %dma_wait3A_219 = tpu.memref_slice %arg6[%dma_wait3A_208, %dma_wait3A_217, %dma_wait3A_218] : memref<2x32x1024xf32, #tpu.memory_space<vmem>> -> memref<1x32x1024xf32, #tpu.memory_space<vmem>>
    %dma_wait3A_220 = tpu.memref_squeeze %dma_wait3A_219 : memref<1x32x1024xf32, #tpu.memory_space<vmem>> -> memref<32x1024xf32, #tpu.memory_space<vmem>>
    tpu.wait_dma2 semaphore(%arg9 : memref<!tpu.dma_semaphore, #tpu.memory_space<semaphore_mem>>) src(%dma_wait3A_220 : memref<32x1024xf32, #tpu.memory_space<vmem>>) dst(%dma_wait3A_216 : memref<32x1024xf32, #tpu.memory_space<hbm>>)
    %dma_wait3A_221 = arith.constant 1 : i32
    %dma_wait3A_222 = arith.constant 0 : i32
    %dma_wait3A_223 = arith.constant 0 : i32
    %dma_wait3A_224 = tpu.memref_slice %arg6[%dma_wait3A_221, %dma_wait3A_222, %dma_wait3A_223] : memref<2x32x1024xf32, #tpu.memory_space<vmem>> -> memref<1x32x1024xf32, #tpu.memory_space<vmem>>
    %dma_wait3A_225 = tpu.memref_squeeze %dma_wait3A_224 : memref<1x32x1024xf32, #tpu.memory_space<vmem>> -> memref<32x1024xf32, #tpu.memory_space<vmem>>
    %dma_wait3A_226 = arith.constant 0 : i32
    %dma_wait3A_227 = tpu.memref_slice %arg4[%add3A_194, %dma_wait3A_226] : memref<4096x1024xf32, #tpu.memory_space<hbm>> -> memref<32x1024xf32, #tpu.memory_space<hbm>>
    %dma_wait3A_228 = arith.constant 0 : i32
    %dma_wait3A_229 = tpu.memref_slice %arg4[%add3A_194, %dma_wait3A_228] : memref<4096x1024xf32, #tpu.memory_space<hbm>> -> memref<32x1024xf32, #tpu.memory_space<hbm>>
    %dma_wait3A_230 = arith.constant 0 : i32
    %dma_wait3A_231 = arith.constant 0 : i32
    %dma_wait3A_232 = tpu.memref_slice %arg6[%dma_wait3A_221, %dma_wait3A_230, %dma_wait3A_231] : memref<2x32x1024xf32, #tpu.memory_space<vmem>> -> memref<1x32x1024xf32, #tpu.memory_space<vmem>>
    %dma_wait3A_233 = tpu.memref_squeeze %dma_wait3A_232 : memref<1x32x1024xf32, #tpu.memory_space<vmem>> -> memref<32x1024xf32, #tpu.memory_space<vmem>>
    tpu.wait_dma2 semaphore(%arg10 : memref<!tpu.dma_semaphore, #tpu.memory_space<semaphore_mem>>) src(%dma_wait3A_233 : memref<32x1024xf32, #tpu.memory_space<vmem>>) dst(%dma_wait3A_229 : memref<32x1024xf32, #tpu.memory_space<hbm>>)
    return
  }
}

module attributes {stable_mosaic.version = 14 : i64} {
  func.func @body(%arg0: i32, %arg1: memref<512x1024xf32, #tpu.memory_space<vmem>>, %arg2: memref<512x1024xf32, #tpu.memory_space<vmem>>, %arg3: memref<1x1024x1024xf32, #tpu.memory_space<vmem>>, %arg4: memref<1x1024x1024xf32, #tpu.memory_space<vmem>>, %arg5: memref<1x1024x1024xf32, #tpu.memory_space<vmem>>, %arg6: memref<1x1x1024xf32, #tpu.memory_space<vmem>>, %arg7: memref<1x1x1024xf32, #tpu.memory_space<vmem>>, %arg8: memref<1x1x1024xf32, #tpu.memory_space<vmem>>, %arg9: memref<512x3072xf32, #tpu.memory_space<vmem>>, %arg10: memref<512x1024xf32, #tpu.memory_space<vmem>>) attributes {dimension_semantics = [#tpu.dimension_semantics<arbitrary>], iteration_bounds = array<i64: 8>, scalar_prefetch = 0 : i64, scratch_operands = 0 : i64, tpu.core_type = #tpu.core_type<tc>, window_params = [{transform_indices = @transform_0, window_bounds = array<i64: 512, 1024>}, {transform_indices = @transform_1, window_bounds = array<i64: 512, 1024>}, {transform_indices = @transform_2, window_bounds = array<i64: 1, 1024, 1024>}, {transform_indices = @transform_3, window_bounds = array<i64: 1, 1024, 1024>}, {transform_indices = @transform_4, window_bounds = array<i64: 1, 1024, 1024>}, {transform_indices = @transform_5, window_bounds = array<i64: 1, 1, 1024>}, {transform_indices = @transform_6, window_bounds = array<i64: 1, 1, 1024>}, {transform_indices = @transform_7, window_bounds = array<i64: 1, 1, 1024>}, {transform_indices = @transform_8, window_bounds = array<i64: 512, 3072>}, {transform_indices = @transform_9, window_bounds = array<i64: 512, 1024>}]} {
    %get3A = arith.constant 0 : index
    %get3A_0 = arith.constant 0 : index
    %get3A_1 = vector.load %arg1[%get3A, %get3A_0] : memref<512x1024xf32, #tpu.memory_space<vmem>>, vector<512x1024xf32>
    %get3A_2 = arith.constant 0 : index
    %get3A_3 = arith.constant 0 : index
    %get3A_4 = vector.load %arg2[%get3A_2, %get3A_3] : memref<512x1024xf32, #tpu.memory_space<vmem>>, vector<512x1024xf32>
    %add3A = arith.addf %get3A_1, %get3A_4 : vector<512x1024xf32>
    %swap3A = arith.constant 0 : index
    %swap3A_5 = arith.constant 0 : index
    %swap3A_6 = vector.load %arg10[%swap3A, %swap3A_5] : memref<512x1024xf32, #tpu.memory_space<vmem>>, vector<512x1024xf32>
    tpu.vector_store %arg10[%swap3A, %swap3A_5], %add3A {strides = array<i32>} : memref<512x1024xf32, #tpu.memory_space<vmem>>, vector<512x1024xf32>,
    %get3A_7 = arith.constant 0 : index
    %get3A_8 = arith.constant 0 : index
    %get3A_9 = arith.constant 0 : index
    %get3A_10 = vector.load %arg3[%get3A_7, %get3A_8, %get3A_9] : memref<1x1024x1024xf32, #tpu.memory_space<vmem>>, vector<1x1024x1024xf32>
    %get3A_11 = vector.shape_cast %get3A_10 : vector<1x1024x1024xf32> to vector<1024x1024xf32>
    %dot_general3A = arith.constant dense<0.000000e+00> : vector<512x1024xf32>
    %dot_general3A_12 = tpu.matmul %add3A, %get3A_11, %dot_general3A {dimension_numbers = #tpu.dot_dimension_numbers<[1], [0], [0], [1], [0, 0, 1, 1], [], []>, transpose_lhs_hint = false} : vector<512x1024xf32>, vector<1024x1024xf32>, vector<512x1024xf32> -> vector<512x1024xf32>
    %get3A_13 = arith.constant 0 : index
    %get3A_14 = arith.constant 0 : index
    %get3A_15 = arith.constant 0 : index
    %get3A_16 = vector.load %arg6[%get3A_13, %get3A_14, %get3A_15] : memref<1x1x1024xf32, #tpu.memory_space<vmem>>, vector<1x1x1024xf32>
    %get3A_17 = vector.shape_cast %get3A_16 : vector<1x1x1024xf32> to vector<1x1024xf32>
    %add3A_18 = vector.broadcast %get3A_17 : vector<1x1024xf32> to vector<512x1024xf32>
    %add3A_19 = arith.addf %dot_general3A_12, %add3A_18 : vector<512x1024xf32>
    %swap3A_20 = arith.constant 0 : index
    %swap3A_21 = arith.constant 0 : index
    %swap3A_22 = vector.load %arg9[%swap3A_20, %swap3A_21] : memref<512x3072xf32, #tpu.memory_space<vmem>>, vector<512x1024xf32>
    tpu.vector_store %arg9[%swap3A_20, %swap3A_21], %add3A_19 {strides = array<i32>} : memref<512x3072xf32, #tpu.memory_space<vmem>>, vector<512x1024xf32>,
    %get3A_23 = arith.constant 0 : index
    %get3A_24 = arith.constant 0 : index
    %get3A_25 = arith.constant 0 : index
    %get3A_26 = vector.load %arg4[%get3A_23, %get3A_24, %get3A_25] : memref<1x1024x1024xf32, #tpu.memory_space<vmem>>, vector<1x1024x1024xf32>
    %get3A_27 = vector.shape_cast %get3A_26 : vector<1x1024x1024xf32> to vector<1024x1024xf32>
    %dot_general3A_28 = arith.constant dense<0.000000e+00> : vector<512x1024xf32>
    %dot_general3A_29 = tpu.matmul %add3A, %get3A_27, %dot_general3A_28 {dimension_numbers = #tpu.dot_dimension_numbers<[1], [0], [0], [1], [0, 0, 1, 1], [], []>, transpose_lhs_hint = false} : vector<512x1024xf32>, vector<1024x1024xf32>, vector<512x1024xf32> -> vector<512x1024xf32>
    %get3A_30 = arith.constant 0 : index
    %get3A_31 = arith.constant 0 : index
    %get3A_32 = arith.constant 0 : index
    %get3A_33 = vector.load %arg7[%get3A_30, %get3A_31, %get3A_32] : memref<1x1x1024xf32, #tpu.memory_space<vmem>>, vector<1x1x1024xf32>
    %get3A_34 = vector.shape_cast %get3A_33 : vector<1x1x1024xf32> to vector<1x1024xf32>
    %add3A_35 = vector.broadcast %get3A_34 : vector<1x1024xf32> to vector<512x1024xf32>
    %add3A_36 = arith.addf %dot_general3A_29, %add3A_35 : vector<512x1024xf32>
    %swap3A_37 = arith.constant 0 : index
    %swap3A_38 = arith.constant 1024 : index
    %swap3A_39 = vector.load %arg9[%swap3A_37, %swap3A_38] : memref<512x3072xf32, #tpu.memory_space<vmem>>, vector<512x1024xf32>
    tpu.vector_store %arg9[%swap3A_37, %swap3A_38], %add3A_36 {strides = array<i32>} : memref<512x3072xf32, #tpu.memory_space<vmem>>, vector<512x1024xf32>,
    %get3A_40 = arith.constant 0 : index
    %get3A_41 = arith.constant 0 : index
    %get3A_42 = arith.constant 0 : index
    %get3A_43 = vector.load %arg5[%get3A_40, %get3A_41, %get3A_42] : memref<1x1024x1024xf32, #tpu.memory_space<vmem>>, vector<1x1024x1024xf32>
    %get3A_44 = vector.shape_cast %get3A_43 : vector<1x1024x1024xf32> to vector<1024x1024xf32>
    %dot_general3A_45 = arith.constant dense<0.000000e+00> : vector<512x1024xf32>
    %dot_general3A_46 = tpu.matmul %add3A, %get3A_44, %dot_general3A_45 {dimension_numbers = #tpu.dot_dimension_numbers<[1], [0], [0], [1], [0, 0, 1, 1], [], []>, transpose_lhs_hint = false} : vector<512x1024xf32>, vector<1024x1024xf32>, vector<512x1024xf32> -> vector<512x1024xf32>
    %get3A_47 = arith.constant 0 : index
    %get3A_48 = arith.constant 0 : index
    %get3A_49 = arith.constant 0 : index
    %get3A_50 = vector.load %arg8[%get3A_47, %get3A_48, %get3A_49] : memref<1x1x1024xf32, #tpu.memory_space<vmem>>, vector<1x1x1024xf32>
    %get3A_51 = vector.shape_cast %get3A_50 : vector<1x1x1024xf32> to vector<1x1024xf32>
    %add3A_52 = vector.broadcast %get3A_51 : vector<1x1024xf32> to vector<512x1024xf32>
    %add3A_53 = arith.addf %dot_general3A_46, %add3A_52 : vector<512x1024xf32>
    %swap3A_54 = arith.constant 0 : index
    %swap3A_55 = arith.constant 2048 : index
    %swap3A_56 = vector.load %arg9[%swap3A_54, %swap3A_55] : memref<512x3072xf32, #tpu.memory_space<vmem>>, vector<512x1024xf32>
    tpu.vector_store %arg9[%swap3A_54, %swap3A_55], %add3A_53 {strides = array<i32>} : memref<512x3072xf32, #tpu.memory_space<vmem>>, vector<512x1024xf32>,
    return
  }
  func.func @transform_0(%arg0: i32) -> (i32, i32) {
    %c0_i32 = arith.constant 0 : i32
    %c0_i32_0 = arith.constant 0 : i32
    return %arg0, %c0_i32 : i32, i32
  }
  func.func @transform_1(%arg0: i32) -> (i32, i32) {
    %jit3A = arith.constant 4 : i32
    %eq3A = arith.constant 0 : i32
    %eq3A_0 = arith.cmpi eq, %jit3A, %eq3A : i32
    %jit3A_1 = arith.constant 1 : i32
    %select_n3A = arith.select %eq3A_0, %jit3A_1, %jit3A : i32
    %rem3A = arith.remsi %arg0, %select_n3A : i32
    %ne3A = arith.constant 0 : i32
    %ne3A_2 = arith.cmpi ne, %rem3A, %ne3A : i32
    %lt3A = arith.constant 0 : i32
    %lt3A_3 = arith.cmpi slt, %rem3A, %lt3A : i32
    %lt3A_4 = arith.constant 0 : i32
    %lt3A_5 = arith.cmpi slt, %select_n3A, %lt3A_4 : i32
    %ne3A_6 = arith.xori %lt3A_3, %lt3A_5 : i1
    %and3A = arith.andi %ne3A_6, %ne3A_2 : i1
    %add3A = arith.addi %rem3A, %select_n3A : i32
    %select_n3A_7 = arith.select %and3A, %add3A, %rem3A : i32
    %c0_i32 = arith.constant 0 : i32
    %c0_i32_8 = arith.constant 0 : i32
    return %select_n3A_7, %c0_i32 : i32, i32
  }
  func.func @transform_2(%arg0: i32) -> (i32, i32, i32) {
    %c0_i32 = arith.constant 0 : i32
    %c0_i32_0 = arith.constant 0 : i32
    %c0_i32_1 = arith.constant 0 : i32
    %c0_i32_2 = arith.constant 0 : i32
    return %c0_i32, %c0_i32_0, %c0_i32_1 : i32, i32, i32
  }
  func.func @transform_3(%arg0: i32) -> (i32, i32, i32) {
    %c0_i32 = arith.constant 0 : i32
    %c0_i32_0 = arith.constant 0 : i32
    %c0_i32_1 = arith.constant 0 : i32
    %c0_i32_2 = arith.constant 0 : i32
    return %c0_i32, %c0_i32_0, %c0_i32_1 : i32, i32, i32
  }
  func.func @transform_4(%arg0: i32) -> (i32, i32, i32) {
    %c0_i32 = arith.constant 0 : i32
    %c0_i32_0 = arith.constant 0 : i32
    %c0_i32_1 = arith.constant 0 : i32
    %c0_i32_2 = arith.constant 0 : i32
    return %c0_i32, %c0_i32_0, %c0_i32_1 : i32, i32, i32
  }
  func.func @transform_5(%arg0: i32) -> (i32, i32, i32) {
    %c0_i32 = arith.constant 0 : i32
    %c0_i32_0 = arith.constant 0 : i32
    %c0_i32_1 = arith.constant 0 : i32
    %c0_i32_2 = arith.constant 0 : i32
    return %c0_i32, %c0_i32_0, %c0_i32_1 : i32, i32, i32
  }
  func.func @transform_6(%arg0: i32) -> (i32, i32, i32) {
    %c0_i32 = arith.constant 0 : i32
    %c0_i32_0 = arith.constant 0 : i32
    %c0_i32_1 = arith.constant 0 : i32
    %c0_i32_2 = arith.constant 0 : i32
    return %c0_i32, %c0_i32_0, %c0_i32_1 : i32, i32, i32
  }
  func.func @transform_7(%arg0: i32) -> (i32, i32, i32) {
    %c0_i32 = arith.constant 0 : i32
    %c0_i32_0 = arith.constant 0 : i32
    %c0_i32_1 = arith.constant 0 : i32
    %c0_i32_2 = arith.constant 0 : i32
    return %c0_i32, %c0_i32_0, %c0_i32_1 : i32, i32, i32
  }
  func.func @transform_8(%arg0: i32) -> (i32, i32) {
    %c0_i32 = arith.constant 0 : i32
    %c0_i32_0 = arith.constant 0 : i32
    return %arg0, %c0_i32 : i32, i32
  }
  func.func @transform_9(%arg0: i32) -> (i32, i32) {
    %c0_i32 = arith.constant 0 : i32
    %c0_i32_0 = arith.constant 0 : i32
    return %arg0, %c0_i32 : i32, i32
  }
}

module attributes {stable_mosaic.version = 14 : i64} {
  func.func @body(%arg0: i32, %arg1: i32, %arg2: memref<512x128xf32, #tpu.memory_space<vmem>>, %arg3: memref<2048x128xf32, #tpu.memory_space<vmem>>, %arg4: memref<2048x128xf32, #tpu.memory_space<vmem>>, %arg5: memref<512x128xf32, #tpu.memory_space<vmem>>) attributes {dimension_semantics = [#tpu.dimension_semantics<arbitrary>, #tpu.dimension_semantics<arbitrary>], iteration_bounds = array<i64: 16, 4>, scalar_prefetch = 0 : i64, scratch_operands = 0 : i64, tpu.core_type = #tpu.core_type<tc>, window_params = [{transform_indices = @transform_0, window_bounds = array<i64: 512, 128>}, {transform_indices = @transform_1, window_bounds = array<i64: 2048, 128>}, {transform_indices = @transform_2, window_bounds = array<i64: 2048, 128>}, {transform_indices = @transform_3, window_bounds = array<i64: 512, 128>}]} {
    %get3A = arith.constant 0 : index
    %get3A_0 = arith.constant 0 : index
    %get3A_1 = vector.load %arg2[%get3A, %get3A_0] : memref<512x128xf32, #tpu.memory_space<vmem>>, vector<512x128xf32>
    %mul3A = arith.constant 1.250000e-01 : f32
    %mul3A_2 = vector.broadcast %mul3A : f32 to vector<512x128xf32>
    %mul3A_3 = arith.mulf %get3A_1, %mul3A_2 : vector<512x128xf32>
    %get3A_4 = arith.constant 0 : index
    %get3A_5 = arith.constant 0 : index
    %get3A_6 = vector.load %arg3[%get3A_4, %get3A_5] : memref<2048x128xf32, #tpu.memory_space<vmem>>, vector<2048x128xf32>
    %get3A_7 = arith.constant 0 : index
    %get3A_8 = arith.constant 0 : index
    %get3A_9 = vector.load %arg4[%get3A_7, %get3A_8] : memref<2048x128xf32, #tpu.memory_space<vmem>>, vector<2048x128xf32>
    %broadcast_in_dim3A = arith.constant 1.000000e+00 : f32
    %broadcast_in_dim3A_10 = vector.broadcast %broadcast_in_dim3A : f32 to vector<2048x1xf32>
    %slice3A = vector.extract_strided_slice %mul3A_3 {offsets = [0, 0], sizes = [512, 64], strides = [1, 1]} : vector<512x128xf32> to vector<512x64xf32>
    %slice3A_11 = vector.extract_strided_slice %get3A_6 {offsets = [0, 0], sizes = [2048, 64], strides = [1, 1]} : vector<2048x128xf32> to vector<2048x64xf32>
    %dot_general3A = arith.constant dense<0.000000e+00> : vector<512x2048xf32>
    %dot_general3A_12 = tpu.matmul %slice3A, %slice3A_11, %dot_general3A {dimension_numbers = #tpu.dot_dimension_numbers<[1], [1], [0], [0], [0, 0, 1, 0], [], []>, transpose_lhs_hint = false} : vector<512x64xf32>, vector<2048x64xf32>, vector<512x2048xf32> -> vector<512x2048xf32>
    %exp3A = math.exp %dot_general3A_12 : vector<512x2048xf32>
    %slice3A_13 = vector.extract_strided_slice %get3A_9 {offsets = [0, 0], sizes = [2048, 64], strides = [1, 1]} : vector<2048x128xf32> to vector<2048x64xf32>
    %dot_general3A_14 = arith.constant dense<0.000000e+00> : vector<512x64xf32>
    %dot_general3A_15 = tpu.matmul %exp3A, %slice3A_13, %dot_general3A_14 {dimension_numbers = #tpu.dot_dimension_numbers<[1], [0], [0], [1], [0, 0, 1, 1], [], []>, transpose_lhs_hint = false} : vector<512x2048xf32>, vector<2048x64xf32>, vector<512x64xf32> -> vector<512x64xf32>
    %dot_general3A_16 = arith.constant dense<0.000000e+00> : vector<512x1xf32>
    %dot_general3A_17 = tpu.matmul %exp3A, %broadcast_in_dim3A_10, %dot_general3A_16 {dimension_numbers = #tpu.dot_dimension_numbers<[1], [0], [0], [1], [0, 0, 1, 1], [], []>, transpose_lhs_hint = false} : vector<512x2048xf32>, vector<2048x1xf32>, vector<512x1xf32> -> vector<512x1xf32>
    %div3A = vector.broadcast %dot_general3A_17 : vector<512x1xf32> to vector<512x64xf32>
    %div3A_18 = arith.divf %dot_general3A_15, %div3A : vector<512x64xf32>
    %swap3A = arith.constant 0 : index
    %swap3A_19 = arith.constant 0 : index
    %swap3A_20 = vector.load %arg5[%swap3A, %swap3A_19] : memref<512x128xf32, #tpu.memory_space<vmem>>, vector<512x64xf32>
    tpu.vector_store %arg5[%swap3A, %swap3A_19], %div3A_18 {strides = array<i32>} : memref<512x128xf32, #tpu.memory_space<vmem>>, vector<512x64xf32>,
    %slice3A_21 = vector.extract_strided_slice %mul3A_3 {offsets = [0, 64], sizes = [512, 64], strides = [1, 1]} : vector<512x128xf32> to vector<512x64xf32>
    %slice3A_22 = vector.extract_strided_slice %get3A_6 {offsets = [0, 64], sizes = [2048, 64], strides = [1, 1]} : vector<2048x128xf32> to vector<2048x64xf32>
    %dot_general3A_23 = arith.constant dense<0.000000e+00> : vector<512x2048xf32>
    %dot_general3A_24 = tpu.matmul %slice3A_21, %slice3A_22, %dot_general3A_23 {dimension_numbers = #tpu.dot_dimension_numbers<[1], [1], [0], [0], [0, 0, 1, 0], [], []>, transpose_lhs_hint = false} : vector<512x64xf32>, vector<2048x64xf32>, vector<512x2048xf32> -> vector<512x2048xf32>
    %exp3A_25 = math.exp %dot_general3A_24 : vector<512x2048xf32>
    %slice3A_26 = vector.extract_strided_slice %get3A_9 {offsets = [0, 64], sizes = [2048, 64], strides = [1, 1]} : vector<2048x128xf32> to vector<2048x64xf32>
    %dot_general3A_27 = arith.constant dense<0.000000e+00> : vector<512x64xf32>
    %dot_general3A_28 = tpu.matmul %exp3A_25, %slice3A_26, %dot_general3A_27 {dimension_numbers = #tpu.dot_dimension_numbers<[1], [0], [0], [1], [0, 0, 1, 1], [], []>, transpose_lhs_hint = false} : vector<512x2048xf32>, vector<2048x64xf32>, vector<512x64xf32> -> vector<512x64xf32>
    %dot_general3A_29 = arith.constant dense<0.000000e+00> : vector<512x1xf32>
    %dot_general3A_30 = tpu.matmul %exp3A_25, %broadcast_in_dim3A_10, %dot_general3A_29 {dimension_numbers = #tpu.dot_dimension_numbers<[1], [0], [0], [1], [0, 0, 1, 1], [], []>, transpose_lhs_hint = false} : vector<512x2048xf32>, vector<2048x1xf32>, vector<512x1xf32> -> vector<512x1xf32>
    %div3A_31 = vector.broadcast %dot_general3A_30 : vector<512x1xf32> to vector<512x64xf32>
    %div3A_32 = arith.divf %dot_general3A_28, %div3A_31 : vector<512x64xf32>
    %swap3A_33 = arith.constant 0 : index
    %swap3A_34 = arith.constant 64 : index
    %swap3A_35 = vector.load %arg5[%swap3A_33, %swap3A_34] : memref<512x128xf32, #tpu.memory_space<vmem>>, vector<512x64xf32>
    tpu.vector_store %arg5[%swap3A_33, %swap3A_34], %div3A_32 {strides = array<i32>} : memref<512x128xf32, #tpu.memory_space<vmem>>, vector<512x64xf32>,
    return
  }
  func.func @transform_0(%arg0: i32, %arg1: i32) -> (i32, i32) {
    %jit3A = arith.constant 8 : i32
    %div3A = arith.divsi %arg0, %jit3A : i32
    %sign3A = arith.constant 0 : i32
    %sign3A_0 = arith.cmpi sgt, %arg0, %sign3A : i32
    %sign3A_1 = arith.extui %sign3A_0 : i1 to i32
    %sign3A_2 = arith.constant 0 : i32
    %sign3A_3 = arith.cmpi slt, %arg0, %sign3A_2 : i32
    %sign3A_4 = arith.extui %sign3A_3 : i1 to i32
    %sign3A_5 = arith.subi %sign3A_1, %sign3A_4 : i32
    %sign3A_6 = arith.constant 0 : i32
    %sign3A_7 = arith.cmpi sgt, %jit3A, %sign3A_6 : i32
    %sign3A_8 = arith.extui %sign3A_7 : i1 to i32
    %sign3A_9 = arith.constant 0 : i32
    %sign3A_10 = arith.cmpi slt, %jit3A, %sign3A_9 : i32
    %sign3A_11 = arith.extui %sign3A_10 : i1 to i32
    %sign3A_12 = arith.subi %sign3A_8, %sign3A_11 : i32
    %ne3A = arith.cmpi ne, %sign3A_5, %sign3A_12 : i32
    %rem3A = arith.remsi %arg0, %jit3A : i32
    %ne3A_13 = arith.constant 0 : i32
    %ne3A_14 = arith.cmpi ne, %rem3A, %ne3A_13 : i32
    %and3A = arith.andi %ne3A, %ne3A_14 : i1
    %sub3A = arith.constant 1 : i32
    %sub3A_15 = arith.subi %div3A, %sub3A : i32
    %select_n3A = arith.select %and3A, %sub3A_15, %div3A : i32
    %mul3A = arith.constant 4 : i32
    %mul3A_16 = arith.muli %select_n3A, %mul3A : i32
    %add3A = arith.addi %mul3A_16, %arg1 : i32
    %jit3A_17 = arith.constant 8 : i32
    %eq3A = arith.constant 0 : i32
    %eq3A_18 = arith.cmpi eq, %jit3A_17, %eq3A : i32
    %jit3A_19 = arith.constant 1 : i32
    %select_n3A_20 = arith.select %eq3A_18, %jit3A_19, %jit3A_17 : i32
    %rem3A_21 = arith.remsi %arg0, %select_n3A_20 : i32
    %ne3A_22 = arith.constant 0 : i32
    %ne3A_23 = arith.cmpi ne, %rem3A_21, %ne3A_22 : i32
    %lt3A = arith.constant 0 : i32
    %lt3A_24 = arith.cmpi slt, %rem3A_21, %lt3A : i32
    %lt3A_25 = arith.constant 0 : i32
    %lt3A_26 = arith.cmpi slt, %select_n3A_20, %lt3A_25 : i32
    %ne3A_27 = arith.xori %lt3A_24, %lt3A_26 : i1
    %and3A_28 = arith.andi %ne3A_27, %ne3A_23 : i1
    %add3A_29 = arith.addi %rem3A_21, %select_n3A_20 : i32
    %select_n3A_30 = arith.select %and3A_28, %add3A_29, %rem3A_21 : i32
    %c0_i32 = arith.constant 0 : i32
    return %add3A, %select_n3A_30 : i32, i32
  }
  func.func @transform_1(%arg0: i32, %arg1: i32) -> (i32, i32) {
    %jit3A = arith.constant 8 : i32
    %div3A = arith.divsi %arg0, %jit3A : i32
    %sign3A = arith.constant 0 : i32
    %sign3A_0 = arith.cmpi sgt, %arg0, %sign3A : i32
    %sign3A_1 = arith.extui %sign3A_0 : i1 to i32
    %sign3A_2 = arith.constant 0 : i32
    %sign3A_3 = arith.cmpi slt, %arg0, %sign3A_2 : i32
    %sign3A_4 = arith.extui %sign3A_3 : i1 to i32
    %sign3A_5 = arith.subi %sign3A_1, %sign3A_4 : i32
    %sign3A_6 = arith.constant 0 : i32
    %sign3A_7 = arith.cmpi sgt, %jit3A, %sign3A_6 : i32
    %sign3A_8 = arith.extui %sign3A_7 : i1 to i32
    %sign3A_9 = arith.constant 0 : i32
    %sign3A_10 = arith.cmpi slt, %jit3A, %sign3A_9 : i32
    %sign3A_11 = arith.extui %sign3A_10 : i1 to i32
    %sign3A_12 = arith.subi %sign3A_8, %sign3A_11 : i32
    %ne3A = arith.cmpi ne, %sign3A_5, %sign3A_12 : i32
    %rem3A = arith.remsi %arg0, %jit3A : i32
    %ne3A_13 = arith.constant 0 : i32
    %ne3A_14 = arith.cmpi ne, %rem3A, %ne3A_13 : i32
    %and3A = arith.andi %ne3A, %ne3A_14 : i1
    %sub3A = arith.constant 1 : i32
    %sub3A_15 = arith.subi %div3A, %sub3A : i32
    %select_n3A = arith.select %and3A, %sub3A_15, %div3A : i32
    %jit3A_16 = arith.constant 8 : i32
    %eq3A = arith.constant 0 : i32
    %eq3A_17 = arith.cmpi eq, %jit3A_16, %eq3A : i32
    %jit3A_18 = arith.constant 1 : i32
    %select_n3A_19 = arith.select %eq3A_17, %jit3A_18, %jit3A_16 : i32
    %rem3A_20 = arith.remsi %arg0, %select_n3A_19 : i32
    %ne3A_21 = arith.constant 0 : i32
    %ne3A_22 = arith.cmpi ne, %rem3A_20, %ne3A_21 : i32
    %lt3A = arith.constant 0 : i32
    %lt3A_23 = arith.cmpi slt, %rem3A_20, %lt3A : i32
    %lt3A_24 = arith.constant 0 : i32
    %lt3A_25 = arith.cmpi slt, %select_n3A_19, %lt3A_24 : i32
    %ne3A_26 = arith.xori %lt3A_23, %lt3A_25 : i1
    %and3A_27 = arith.andi %ne3A_26, %ne3A_22 : i1
    %add3A = arith.addi %rem3A_20, %select_n3A_19 : i32
    %select_n3A_28 = arith.select %and3A_27, %add3A, %rem3A_20 : i32
    %add3A_29 = arith.constant 8 : i32
    %add3A_30 = arith.addi %add3A_29, %select_n3A_28 : i32
    %c0_i32 = arith.constant 0 : i32
    return %select_n3A, %add3A_30 : i32, i32
  }
  func.func @transform_2(%arg0: i32, %arg1: i32) -> (i32, i32) {
    %jit3A = arith.constant 8 : i32
    %div3A = arith.divsi %arg0, %jit3A : i32
    %sign3A = arith.constant 0 : i32
    %sign3A_0 = arith.cmpi sgt, %arg0, %sign3A : i32
    %sign3A_1 = arith.extui %sign3A_0 : i1 to i32
    %sign3A_2 = arith.constant 0 : i32
    %sign3A_3 = arith.cmpi slt, %arg0, %sign3A_2 : i32
    %sign3A_4 = arith.extui %sign3A_3 : i1 to i32
    %sign3A_5 = arith.subi %sign3A_1, %sign3A_4 : i32
    %sign3A_6 = arith.constant 0 : i32
    %sign3A_7 = arith.cmpi sgt, %jit3A, %sign3A_6 : i32
    %sign3A_8 = arith.extui %sign3A_7 : i1 to i32
    %sign3A_9 = arith.constant 0 : i32
    %sign3A_10 = arith.cmpi slt, %jit3A, %sign3A_9 : i32
    %sign3A_11 = arith.extui %sign3A_10 : i1 to i32
    %sign3A_12 = arith.subi %sign3A_8, %sign3A_11 : i32
    %ne3A = arith.cmpi ne, %sign3A_5, %sign3A_12 : i32
    %rem3A = arith.remsi %arg0, %jit3A : i32
    %ne3A_13 = arith.constant 0 : i32
    %ne3A_14 = arith.cmpi ne, %rem3A, %ne3A_13 : i32
    %and3A = arith.andi %ne3A, %ne3A_14 : i1
    %sub3A = arith.constant 1 : i32
    %sub3A_15 = arith.subi %div3A, %sub3A : i32
    %select_n3A = arith.select %and3A, %sub3A_15, %div3A : i32
    %jit3A_16 = arith.constant 8 : i32
    %eq3A = arith.constant 0 : i32
    %eq3A_17 = arith.cmpi eq, %jit3A_16, %eq3A : i32
    %jit3A_18 = arith.constant 1 : i32
    %select_n3A_19 = arith.select %eq3A_17, %jit3A_18, %jit3A_16 : i32
    %rem3A_20 = arith.remsi %arg0, %select_n3A_19 : i32
    %ne3A_21 = arith.constant 0 : i32
    %ne3A_22 = arith.cmpi ne, %rem3A_20, %ne3A_21 : i32
    %lt3A = arith.constant 0 : i32
    %lt3A_23 = arith.cmpi slt, %rem3A_20, %lt3A : i32
    %lt3A_24 = arith.constant 0 : i32
    %lt3A_25 = arith.cmpi slt, %select_n3A_19, %lt3A_24 : i32
    %ne3A_26 = arith.xori %lt3A_23, %lt3A_25 : i1
    %and3A_27 = arith.andi %ne3A_26, %ne3A_22 : i1
    %add3A = arith.addi %rem3A_20, %select_n3A_19 : i32
    %select_n3A_28 = arith.select %and3A_27, %add3A, %rem3A_20 : i32
    %add3A_29 = arith.constant 16 : i32
    %add3A_30 = arith.addi %add3A_29, %select_n3A_28 : i32
    %c0_i32 = arith.constant 0 : i32
    return %select_n3A, %add3A_30 : i32, i32
  }
  func.func @transform_3(%arg0: i32, %arg1: i32) -> (i32, i32) {
    %jit3A = arith.constant 8 : i32
    %div3A = arith.divsi %arg0, %jit3A : i32
    %sign3A = arith.constant 0 : i32
    %sign3A_0 = arith.cmpi sgt, %arg0, %sign3A : i32
    %sign3A_1 = arith.extui %sign3A_0 : i1 to i32
    %sign3A_2 = arith.constant 0 : i32
    %sign3A_3 = arith.cmpi slt, %arg0, %sign3A_2 : i32
    %sign3A_4 = arith.extui %sign3A_3 : i1 to i32
    %sign3A_5 = arith.subi %sign3A_1, %sign3A_4 : i32
    %sign3A_6 = arith.constant 0 : i32
    %sign3A_7 = arith.cmpi sgt, %jit3A, %sign3A_6 : i32
    %sign3A_8 = arith.extui %sign3A_7 : i1 to i32
    %sign3A_9 = arith.constant 0 : i32
    %sign3A_10 = arith.cmpi slt, %jit3A, %sign3A_9 : i32
    %sign3A_11 = arith.extui %sign3A_10 : i1 to i32
    %sign3A_12 = arith.subi %sign3A_8, %sign3A_11 : i32
    %ne3A = arith.cmpi ne, %sign3A_5, %sign3A_12 : i32
    %rem3A = arith.remsi %arg0, %jit3A : i32
    %ne3A_13 = arith.constant 0 : i32
    %ne3A_14 = arith.cmpi ne, %rem3A, %ne3A_13 : i32
    %and3A = arith.andi %ne3A, %ne3A_14 : i1
    %sub3A = arith.constant 1 : i32
    %sub3A_15 = arith.subi %div3A, %sub3A : i32
    %select_n3A = arith.select %and3A, %sub3A_15, %div3A : i32
    %mul3A = arith.constant 4 : i32
    %mul3A_16 = arith.muli %select_n3A, %mul3A : i32
    %add3A = arith.addi %mul3A_16, %arg1 : i32
    %jit3A_17 = arith.constant 8 : i32
    %eq3A = arith.constant 0 : i32
    %eq3A_18 = arith.cmpi eq, %jit3A_17, %eq3A : i32
    %jit3A_19 = arith.constant 1 : i32
    %select_n3A_20 = arith.select %eq3A_18, %jit3A_19, %jit3A_17 : i32
    %rem3A_21 = arith.remsi %arg0, %select_n3A_20 : i32
    %ne3A_22 = arith.constant 0 : i32
    %ne3A_23 = arith.cmpi ne, %rem3A_21, %ne3A_22 : i32
    %lt3A = arith.constant 0 : i32
    %lt3A_24 = arith.cmpi slt, %rem3A_21, %lt3A : i32
    %lt3A_25 = arith.constant 0 : i32
    %lt3A_26 = arith.cmpi slt, %select_n3A_20, %lt3A_25 : i32
    %ne3A_27 = arith.xori %lt3A_24, %lt3A_26 : i1
    %and3A_28 = arith.andi %ne3A_27, %ne3A_23 : i1
    %add3A_29 = arith.addi %rem3A_21, %select_n3A_20 : i32
    %select_n3A_30 = arith.select %and3A_28, %add3A_29, %rem3A_21 : i32
    %c0_i32 = arith.constant 0 : i32
    return %add3A, %select_n3A_30 : i32, i32
  }
}

module attributes {stable_mosaic.version = 14 : i64} {
  func.func @body(%arg0: i32, %arg1: memref<512x1024xf32, #tpu.memory_space<vmem>>, %arg2: memref<512x1024xf32, #tpu.memory_space<vmem>>, %arg3: memref<1x1024x1024xf32, #tpu.memory_space<vmem>>, %arg4: memref<1x1x1024xf32, #tpu.memory_space<vmem>>, %arg5: memref<1x1x1024xf32, #tpu.memory_space<vmem>>, %arg6: memref<1x1x1024xf32, #tpu.memory_space<vmem>>, %arg7: memref<1x1024x8xf32, #tpu.memory_space<vmem>>, %arg8: memref<512x1024xf32, #tpu.memory_space<vmem>>, %arg9: memref<512x8xf32, #tpu.memory_space<vmem>>) attributes {dimension_semantics = [#tpu.dimension_semantics<arbitrary>], iteration_bounds = array<i64: 8>, scalar_prefetch = 0 : i64, scratch_operands = 0 : i64, tpu.core_type = #tpu.core_type<tc>, window_params = [{transform_indices = @transform_0, window_bounds = array<i64: 512, 1024>}, {transform_indices = @transform_1, window_bounds = array<i64: 512, 1024>}, {transform_indices = @transform_2, window_bounds = array<i64: 1, 1024, 1024>}, {transform_indices = @transform_3, window_bounds = array<i64: 1, 1, 1024>}, {transform_indices = @transform_4, window_bounds = array<i64: 1, 1, 1024>}, {transform_indices = @transform_5, window_bounds = array<i64: 1, 1, 1024>}, {transform_indices = @transform_6, window_bounds = array<i64: 1, 1024, 8>}, {transform_indices = @transform_7, window_bounds = array<i64: 512, 1024>}, {transform_indices = @transform_8, window_bounds = array<i64: 512, 8>}]} {
    %get3A = arith.constant 0 : index
    %get3A_0 = arith.constant 0 : index
    %get3A_1 = vector.load %arg1[%get3A, %get3A_0] : memref<512x1024xf32, #tpu.memory_space<vmem>>, vector<512x1024xf32>
    %get3A_2 = arith.constant 0 : index
    %get3A_3 = arith.constant 0 : index
    %get3A_4 = arith.constant 0 : index
    %get3A_5 = vector.load %arg3[%get3A_2, %get3A_3, %get3A_4] : memref<1x1024x1024xf32, #tpu.memory_space<vmem>>, vector<1x1024x1024xf32>
    %get3A_6 = vector.shape_cast %get3A_5 : vector<1x1024x1024xf32> to vector<1024x1024xf32>
    %dot_general3A = arith.constant dense<0.000000e+00> : vector<512x1024xf32>
    %dot_general3A_7 = tpu.matmul %get3A_1, %get3A_6, %dot_general3A {dimension_numbers = #tpu.dot_dimension_numbers<[1], [0], [0], [1], [0, 0, 1, 1], [], []>, transpose_lhs_hint = false} : vector<512x1024xf32>, vector<1024x1024xf32>, vector<512x1024xf32> -> vector<512x1024xf32>
    %get3A_8 = arith.constant 0 : index
    %get3A_9 = arith.constant 0 : index
    %get3A_10 = arith.constant 0 : index
    %get3A_11 = vector.load %arg4[%get3A_8, %get3A_9, %get3A_10] : memref<1x1x1024xf32, #tpu.memory_space<vmem>>, vector<1x1x1024xf32>
    %get3A_12 = vector.shape_cast %get3A_11 : vector<1x1x1024xf32> to vector<1x1024xf32>
    %add3A = vector.broadcast %get3A_12 : vector<1x1024xf32> to vector<512x1024xf32>
    %add3A_13 = arith.addf %dot_general3A_7, %add3A : vector<512x1024xf32>
    %get3A_14 = arith.constant 0 : index
    %get3A_15 = arith.constant 0 : index
    %get3A_16 = vector.load %arg2[%get3A_14, %get3A_15] : memref<512x1024xf32, #tpu.memory_space<vmem>>, vector<512x1024xf32>
    %add3A_17 = arith.addf %add3A_13, %get3A_16 : vector<512x1024xf32>
    %reduce_sum3A = arith.constant dense<0.000000e+00> : vector<512xf32>
    %reduce_sum3A_18 = vector.multi_reduction <add>, %add3A_17, %reduce_sum3A [1] : vector<512x1024xf32> to vector<512xf32>
    %broadcast_in_dim3A = vector.shape_cast %reduce_sum3A_18 : vector<512xf32> to vector<512x1xf32>
    %div3A = arith.constant 1.024000e+03 : f32
    %div3A_19 = vector.broadcast %div3A : f32 to vector<512x1xf32>
    %div3A_20 = arith.divf %broadcast_in_dim3A, %div3A_19 : vector<512x1xf32>
    %sub3A = vector.broadcast %div3A_20 : vector<512x1xf32> to vector<512x1024xf32>
    %sub3A_21 = arith.subf %add3A_17, %sub3A : vector<512x1024xf32>
    %integer_pow3A = arith.mulf %sub3A_21, %sub3A_21 : vector<512x1024xf32>
    %reduce_sum3A_22 = arith.constant dense<0.000000e+00> : vector<512xf32>
    %reduce_sum3A_23 = vector.multi_reduction <add>, %integer_pow3A, %reduce_sum3A_22 [1] : vector<512x1024xf32> to vector<512xf32>
    %broadcast_in_dim3A_24 = vector.shape_cast %reduce_sum3A_23 : vector<512xf32> to vector<512x1xf32>
    %div3A_25 = arith.constant 1.024000e+03 : f32
    %div3A_26 = vector.broadcast %div3A_25 : f32 to vector<512x1xf32>
    %div3A_27 = arith.divf %broadcast_in_dim3A_24, %div3A_26 : vector<512x1xf32>
    %sub3A_28 = vector.broadcast %div3A_20 : vector<512x1xf32> to vector<512x1024xf32>
    %sub3A_29 = arith.subf %add3A_17, %sub3A_28 : vector<512x1024xf32>
    %add3A_30 = arith.constant 9.99999974E-6 : f32
    %add3A_31 = vector.broadcast %add3A_30 : f32 to vector<512x1xf32>
    %add3A_32 = arith.addf %div3A_27, %add3A_31 : vector<512x1xf32>
    %sqrt3A = math.sqrt %add3A_32 : vector<512x1xf32>
    %div3A_33 = vector.broadcast %sqrt3A : vector<512x1xf32> to vector<512x1024xf32>
    %div3A_34 = arith.divf %sub3A_29, %div3A_33 : vector<512x1024xf32>
    %get3A_35 = arith.constant 0 : index
    %get3A_36 = arith.constant 0 : index
    %get3A_37 = arith.constant 0 : index
    %get3A_38 = vector.load %arg5[%get3A_35, %get3A_36, %get3A_37] : memref<1x1x1024xf32, #tpu.memory_space<vmem>>, vector<1x1x1024xf32>
    %get3A_39 = vector.shape_cast %get3A_38 : vector<1x1x1024xf32> to vector<1x1024xf32>
    %mul3A = vector.broadcast %get3A_39 : vector<1x1024xf32> to vector<512x1024xf32>
    %mul3A_40 = arith.mulf %div3A_34, %mul3A : vector<512x1024xf32>
    %get3A_41 = arith.constant 0 : index
    %get3A_42 = arith.constant 0 : index
    %get3A_43 = arith.constant 0 : index
    %get3A_44 = vector.load %arg6[%get3A_41, %get3A_42, %get3A_43] : memref<1x1x1024xf32, #tpu.memory_space<vmem>>, vector<1x1x1024xf32>
    %get3A_45 = vector.shape_cast %get3A_44 : vector<1x1x1024xf32> to vector<1x1024xf32>
    %add3A_46 = vector.broadcast %get3A_45 : vector<1x1024xf32> to vector<512x1024xf32>
    %add3A_47 = arith.addf %mul3A_40, %add3A_46 : vector<512x1024xf32>
    %swap3A = arith.constant 0 : index
    %swap3A_48 = arith.constant 0 : index
    %swap3A_49 = vector.load %arg8[%swap3A, %swap3A_48] : memref<512x1024xf32, #tpu.memory_space<vmem>>, vector<512x1024xf32>
    tpu.vector_store %arg8[%swap3A, %swap3A_48], %add3A_47 {strides = array<i32>} : memref<512x1024xf32, #tpu.memory_space<vmem>>, vector<512x1024xf32>,
    %get3A_50 = arith.constant 0 : index
    %get3A_51 = arith.constant 0 : index
    %get3A_52 = arith.constant 0 : index
    %get3A_53 = vector.load %arg7[%get3A_50, %get3A_51, %get3A_52] : memref<1x1024x8xf32, #tpu.memory_space<vmem>>, vector<1x1024x8xf32>
    %get3A_54 = vector.shape_cast %get3A_53 : vector<1x1024x8xf32> to vector<1024x8xf32>
    %dot_general3A_55 = arith.constant dense<0.000000e+00> : vector<512x8xf32>
    %dot_general3A_56 = tpu.matmul %add3A_47, %get3A_54, %dot_general3A_55 {dimension_numbers = #tpu.dot_dimension_numbers<[1], [0], [0], [1], [0, 0, 1, 1], [], []>, transpose_lhs_hint = false} : vector<512x1024xf32>, vector<1024x8xf32>, vector<512x8xf32> -> vector<512x8xf32>
    %swap3A_57 = arith.constant 0 : index
    %swap3A_58 = arith.constant 0 : index
    %swap3A_59 = vector.load %arg9[%swap3A_57, %swap3A_58] : memref<512x8xf32, #tpu.memory_space<vmem>>, vector<512x8xf32>
    tpu.vector_store %arg9[%swap3A_57, %swap3A_58], %dot_general3A_56 {strides = array<i32>} : memref<512x8xf32, #tpu.memory_space<vmem>>, vector<512x8xf32>,
    return
  }
  func.func @transform_0(%arg0: i32) -> (i32, i32) {
    %c0_i32 = arith.constant 0 : i32
    %c0_i32_0 = arith.constant 0 : i32
    return %arg0, %c0_i32 : i32, i32
  }
  func.func @transform_1(%arg0: i32) -> (i32, i32) {
    %c0_i32 = arith.constant 0 : i32
    %c0_i32_0 = arith.constant 0 : i32
    return %arg0, %c0_i32 : i32, i32
  }
  func.func @transform_2(%arg0: i32) -> (i32, i32, i32) {
    %c0_i32 = arith.constant 0 : i32
    %c0_i32_0 = arith.constant 0 : i32
    %c0_i32_1 = arith.constant 0 : i32
    %c0_i32_2 = arith.constant 0 : i32
    return %c0_i32, %c0_i32_0, %c0_i32_1 : i32, i32, i32
  }
  func.func @transform_3(%arg0: i32) -> (i32, i32, i32) {
    %c0_i32 = arith.constant 0 : i32
    %c0_i32_0 = arith.constant 0 : i32
    %c0_i32_1 = arith.constant 0 : i32
    %c0_i32_2 = arith.constant 0 : i32
    return %c0_i32, %c0_i32_0, %c0_i32_1 : i32, i32, i32
  }
  func.func @transform_4(%arg0: i32) -> (i32, i32, i32) {
    %c0_i32 = arith.constant 0 : i32
    %c0_i32_0 = arith.constant 0 : i32
    %c0_i32_1 = arith.constant 0 : i32
    %c0_i32_2 = arith.constant 0 : i32
    return %c0_i32, %c0_i32_0, %c0_i32_1 : i32, i32, i32
  }
  func.func @transform_5(%arg0: i32) -> (i32, i32, i32) {
    %c0_i32 = arith.constant 0 : i32
    %c0_i32_0 = arith.constant 0 : i32
    %c0_i32_1 = arith.constant 0 : i32
    %c0_i32_2 = arith.constant 0 : i32
    return %c0_i32, %c0_i32_0, %c0_i32_1 : i32, i32, i32
  }
  func.func @transform_6(%arg0: i32) -> (i32, i32, i32) {
    %c0_i32 = arith.constant 0 : i32
    %c0_i32_0 = arith.constant 0 : i32
    %c0_i32_1 = arith.constant 0 : i32
    %c0_i32_2 = arith.constant 0 : i32
    return %c0_i32, %c0_i32_0, %c0_i32_1 : i32, i32, i32
  }
  func.func @transform_7(%arg0: i32) -> (i32, i32) {
    %c0_i32 = arith.constant 0 : i32
    %c0_i32_0 = arith.constant 0 : i32
    return %arg0, %c0_i32 : i32, i32
  }
  func.func @transform_8(%arg0: i32) -> (i32, i32) {
    %c0_i32 = arith.constant 0 : i32
    %c0_i32_0 = arith.constant 0 : i32
    return %arg0, %c0_i32 : i32, i32
  }
}

module attributes {stable_mosaic.version = 14 : i64} {
  func.func @body(%arg0: i32, %arg1: memref<512x8xf32, #tpu.memory_space<vmem>>, %arg2: memref<1x1x512xi32, #tpu.memory_space<vmem>>, %arg3: memref<1x1x512xf32, #tpu.memory_space<vmem>>, %arg4: memref<1x1xf32, #tpu.memory_space<vmem>>, %arg5: memref<8x512xi32, #tpu.memory_space<vmem>>, %arg6: memref<1x8xf32, #tpu.memory_space<vmem>>, %arg7: memref<1x8xf32, #tpu.memory_space<vmem>>, %arg8: memref<1x8xf32, #tpu.memory_space<vmem>>, %arg9: memref<8x512xf32, #tpu.memory_space<vmem>>) attributes {dimension_semantics = [#tpu.dimension_semantics<arbitrary>], iteration_bounds = array<i64: 8>, scalar_prefetch = 0 : i64, scratch_operands = 4 : i64, tpu.core_type = #tpu.core_type<tc>, window_params = [{transform_indices = @transform_0, window_bounds = array<i64: 512, 8>}, {transform_indices = @transform_1, window_bounds = array<i64: 1, 1, 512>}, {transform_indices = @transform_2, window_bounds = array<i64: 1, 1, 512>}, {pipeline_mode = #tpu.pipeline_mode<synchronous>, transform_indices = @transform_3, window_bounds = array<i64: 1, 1>}, {pipeline_mode = #tpu.pipeline_mode<synchronous>, transform_indices = @transform_4, window_bounds = array<i64: 8, 512>}]} {
    %eq3A = arith.constant 0 : i32
    %eq3A_0 = arith.cmpi eq, %arg0, %eq3A : i32
    %convert_element_type3A = arith.extui %eq3A_0 : i1 to i32
    %cond3A = arith.constant 0 : i32
    %cond3A_1 = arith.cmpi ne, %convert_element_type3A, %cond3A : i32
    scf.if %cond3A_1 {
      %broadcast_in_dim3A_129 = arith.constant 0.000000e+00 : f32
      %broadcast_in_dim3A_130 = vector.broadcast %broadcast_in_dim3A_129 : f32 to vector<1x8xf32>
      %swap3A_131 = arith.constant 0 : index
      %swap3A_132 = arith.constant 0 : index
      %swap3A_133 = vector.load %arg6[%swap3A_131, %swap3A_132] : memref<1x8xf32, #tpu.memory_space<vmem>>, vector<1x8xf32>
      tpu.vector_store %arg6[%swap3A_131, %swap3A_132], %broadcast_in_dim3A_130 {strides = array<i32>} : memref<1x8xf32, #tpu.memory_space<vmem>>, vector<1x8xf32>,
      %broadcast_in_dim3A_134 = arith.constant 0.000000e+00 : f32
      %broadcast_in_dim3A_135 = vector.broadcast %broadcast_in_dim3A_134 : f32 to vector<1x8xf32>
      %swap3A_136 = arith.constant 0 : index
      %swap3A_137 = arith.constant 0 : index
      %swap3A_138 = vector.load %arg7[%swap3A_136, %swap3A_137] : memref<1x8xf32, #tpu.memory_space<vmem>>, vector<1x8xf32>
      tpu.vector_store %arg7[%swap3A_136, %swap3A_137], %broadcast_in_dim3A_135 {strides = array<i32>} : memref<1x8xf32, #tpu.memory_space<vmem>>, vector<1x8xf32>,
      %broadcast_in_dim3A_139 = arith.constant 0.000000e+00 : f32
      %broadcast_in_dim3A_140 = vector.broadcast %broadcast_in_dim3A_139 : f32 to vector<1x8xf32>
      %swap3A_141 = arith.constant 0 : index
      %swap3A_142 = arith.constant 0 : index
      %swap3A_143 = vector.load %arg8[%swap3A_141, %swap3A_142] : memref<1x8xf32, #tpu.memory_space<vmem>>, vector<1x8xf32>
      tpu.vector_store %arg8[%swap3A_141, %swap3A_142], %broadcast_in_dim3A_140 {strides = array<i32>} : memref<1x8xf32, #tpu.memory_space<vmem>>, vector<1x8xf32>,
      %broadcast_in_dim3A_144 = arith.constant 0.000000e+00 : f32
      %broadcast_in_dim3A_145 = vector.broadcast %broadcast_in_dim3A_144 : f32 to vector<8x512xf32>
      %swap3A_146 = arith.constant 0 : index
      %swap3A_147 = arith.constant 0 : index
      %swap3A_148 = vector.load %arg9[%swap3A_146, %swap3A_147] : memref<8x512xf32, #tpu.memory_space<vmem>>, vector<8x512xf32>
      tpu.vector_store %arg9[%swap3A_146, %swap3A_147], %broadcast_in_dim3A_145 {strides = array<i32>} : memref<8x512xf32, #tpu.memory_space<vmem>>, vector<8x512xf32>,
    } else {
    }
    %get3A = arith.constant 0 : index
    %get3A_2 = arith.constant 0 : index
    %get3A_3 = vector.load %arg1[%get3A, %get3A_2] : memref<512x8xf32, #tpu.memory_space<vmem>>, vector<512x8xf32>
    %reduce_max3A = arith.constant dense<0xFF800000> : vector<512xf32>
    %reduce_max3A_4 = vector.multi_reduction <maximumf>, %get3A_3, %reduce_max3A [1] : vector<512x8xf32> to vector<512xf32>
    %broadcast_in_dim3A = vector.shape_cast %reduce_max3A_4 : vector<512xf32> to vector<512x1xf32>
    %sub3A = vector.broadcast %broadcast_in_dim3A : vector<512x1xf32> to vector<512x8xf32>
    %sub3A_5 = arith.subf %get3A_3, %sub3A : vector<512x8xf32>
    %exp3A = math.exp %sub3A_5 : vector<512x8xf32>
    %reduce_sum3A = arith.constant dense<0.000000e+00> : vector<512xf32>
    %reduce_sum3A_6 = vector.multi_reduction <add>, %exp3A, %reduce_sum3A [1] : vector<512x8xf32> to vector<512xf32>
    %broadcast_in_dim3A_7 = vector.shape_cast %reduce_sum3A_6 : vector<512xf32> to vector<512x1xf32>
    %div3A = vector.broadcast %broadcast_in_dim3A_7 : vector<512x1xf32> to vector<512x8xf32>
    %div3A_8 = arith.divf %exp3A, %div3A : vector<512x8xf32>
    %reduce_max3A_9 = arith.constant dense<0xFF800000> : vector<512xf32>
    %reduce_max3A_10 = vector.multi_reduction <maximumf>, %div3A_8, %reduce_max3A_9 [1] : vector<512x8xf32> to vector<512xf32>
    %iota3A = tpu.iota {dimensions = array<i32: 1>} : vector<512x8xi32>
    %ge3A = vector.broadcast %broadcast_in_dim3A : vector<512x1xf32> to vector<512x8xf32>
    %ge3A_11 = arith.cmpf oge, %get3A_3, %ge3A : vector<512x8xf32>
    %jit3A = arith.constant 8 : i32
    %broadcast_in_dim3A_12 = vector.broadcast %jit3A : i32 to vector<512x8xi32>
    %select_n3A = arith.select %ge3A_11, %iota3A, %broadcast_in_dim3A_12 : vector<512x8xi1>, vector<512x8xi32>
    %reduce_min3A = arith.constant dense<2147483647> : vector<512xi32>
    %reduce_min3A_13 = vector.multi_reduction <minsi>, %select_n3A, %reduce_min3A [1] : vector<512x8xi32> to vector<512xi32>
    %broadcast_in_dim3A_14 = vector.shape_cast %reduce_min3A_13 : vector<512xi32> to vector<512x1xi32>
    %eq3A_15 = vector.broadcast %broadcast_in_dim3A_14 : vector<512x1xi32> to vector<512x8xi32>
    %eq3A_16 = arith.cmpi eq, %iota3A, %eq3A_15 : vector<512x8xi32>
    %convert_element_type3A_17 = arith.extui %eq3A_16 : vector<512x8xi1> to vector<512x8xi32>
    %convert_element_type3A_18 = arith.sitofp %convert_element_type3A_17 : vector<512x8xi32> to vector<512x8xf32>
    %iota3A_19 = tpu.iota {dimensions = array<i32: 0>} : vector<512x512xi32>
    %iota3A_20 = tpu.iota {dimensions = array<i32: 1>} : vector<512x512xi32>
    %ge3A_21 = arith.cmpi sge, %iota3A_19, %iota3A_20 : vector<512x512xi32>
    %convert_element_type3A_22 = arith.extui %ge3A_21 : vector<512x512xi1> to vector<512x512xi32>
    %convert_element_type3A_23 = arith.sitofp %convert_element_type3A_22 : vector<512x512xi32> to vector<512x512xf32>
    %dot_general3A = arith.constant dense<0.000000e+00> : vector<512x8xf32>
    %dot_general3A_24 = tpu.matmul %convert_element_type3A_23, %convert_element_type3A_18, %dot_general3A {dimension_numbers = #tpu.dot_dimension_numbers<[1], [0], [0], [1], [0, 0, 1, 1], [], []>, transpose_lhs_hint = false} : vector<512x512xf32>, vector<512x8xf32>, vector<512x8xf32> -> vector<512x8xf32>
    %get3A_25 = arith.constant 0 : index
    %get3A_26 = arith.constant 0 : index
    %get3A_27 = vector.load %arg6[%get3A_25, %get3A_26] : memref<1x8xf32, #tpu.memory_space<vmem>>, vector<1x8xf32>
    %add3A = vector.broadcast %get3A_27 : vector<1x8xf32> to vector<512x8xf32>
    %add3A_28 = arith.addf %dot_general3A_24, %add3A : vector<512x8xf32>
    %mul3A = arith.mulf %add3A_28, %convert_element_type3A_18 : vector<512x8xf32>
    %reduce_sum3A_29 = arith.constant dense<0.000000e+00> : vector<512xf32>
    %reduce_sum3A_30 = vector.multi_reduction <add>, %mul3A, %reduce_sum3A_29 [1] : vector<512x8xf32> to vector<512xf32>
    %sub3A_31 = arith.constant 1.000000e+00 : f32
    %sub3A_32 = vector.broadcast %sub3A_31 : f32 to vector<512xf32>
    %sub3A_33 = arith.subf %reduce_sum3A_30, %sub3A_32 : vector<512xf32>
    %lt3A = arith.constant 5.120000e+02 : f32
    %lt3A_34 = vector.broadcast %lt3A : f32 to vector<512xf32>
    %lt3A_35 = arith.cmpf olt, %sub3A_33, %lt3A_34 : vector<512xf32>
    %jit3A_36 = arith.constant 0.000000e+00 : f32
    %broadcast_in_dim3A_37 = vector.broadcast %jit3A_36 : f32 to vector<512xf32>
    %select_n3A_38 = arith.select %lt3A_35, %reduce_max3A_10, %broadcast_in_dim3A_37 : vector<512xi1>, vector<512xf32>
    %mul3A_39 = arith.constant 512 : i32
    %mul3A_40 = vector.broadcast %mul3A_39 : i32 to vector<512xi32>
    %mul3A_41 = arith.muli %reduce_min3A_13, %mul3A_40 : vector<512xi32>
    %convert_element_type3A_42 = arith.fptosi %sub3A_33 : vector<512xf32> to vector<512xi32>
    %add3A_43 = arith.addi %mul3A_41, %convert_element_type3A_42 : vector<512xi32>
    %jit3A_44 = arith.constant 0 : i32
    %broadcast_in_dim3A_45 = vector.broadcast %jit3A_44 : i32 to vector<512xi32>
    %select_n3A_46 = arith.select %lt3A_35, %add3A_43, %broadcast_in_dim3A_45 : vector<512xi1>, vector<512xi32>
    %swap3A = arith.constant 0 : index
    %swap3A_47 = arith.constant 0 : index
    %swap3A_48 = arith.constant 0 : index
    %swap3A_49 = vector.load %arg2[%swap3A, %swap3A_47, %swap3A_48] : memref<1x1x512xi32, #tpu.memory_space<vmem>>, vector<1x1x512xi32>
    %swap3A_50 = vector.shape_cast %swap3A_49 : vector<1x1x512xi32> to vector<512xi32>
    %swap3A_51 = vector.shape_cast %select_n3A_46 : vector<512xi32> to vector<1x1x512xi32>
    tpu.vector_store %arg2[%swap3A, %swap3A_47, %swap3A_48], %swap3A_51 {strides = array<i32>} : memref<1x1x512xi32, #tpu.memory_space<vmem>>, vector<1x1x512xi32>,
    %swap3A_52 = arith.constant 0 : index
    %swap3A_53 = arith.constant 0 : index
    %swap3A_54 = arith.constant 0 : index
    %swap3A_55 = vector.load %arg3[%swap3A_52, %swap3A_53, %swap3A_54] : memref<1x1x512xf32, #tpu.memory_space<vmem>>, vector<1x1x512xf32>
    %swap3A_56 = vector.shape_cast %swap3A_55 : vector<1x1x512xf32> to vector<512xf32>
    %swap3A_57 = vector.shape_cast %select_n3A_38 : vector<512xf32> to vector<1x1x512xf32>
    tpu.vector_store %arg3[%swap3A_52, %swap3A_53, %swap3A_54], %swap3A_57 {strides = array<i32>} : memref<1x1x512xf32, #tpu.memory_space<vmem>>, vector<1x1x512xf32>,
    %iota3A_58 = tpu.iota {dimensions = array<i32: 0>} : vector<512x8xi32>
    %broadcast_in_dim3A_59 = vector.shape_cast %reduce_min3A_13 : vector<512xi32> to vector<512x1xi32>
    %eq3A_60 = vector.broadcast %broadcast_in_dim3A_59 : vector<512x1xi32> to vector<512x8xi32>
    %eq3A_61 = arith.cmpi eq, %iota3A, %eq3A_60 : vector<512x8xi32>
    %broadcast_in_dim3A_62 = vector.shape_cast %lt3A_35 : vector<512xi1> to vector<512x1xi1>
    %and3A = vector.broadcast %broadcast_in_dim3A_62 : vector<512x1xi1> to vector<512x8xi1>
    %and3A_63 = arith.andi %eq3A_61, %and3A : vector<512x8xi1>
    %convert_element_type3A_64 = arith.sitofp %iota3A_58 : vector<512x8xi32> to vector<512x8xf32>
    %mul3A_65 = arith.constant 512 : i32
    %mul3A_66 = arith.muli %arg0, %mul3A_65 : i32
    %add3A_67 = arith.constant 1 : i32
    %add3A_68 = arith.addi %mul3A_66, %add3A_67 : i32
    %convert_element_type3A_69 = arith.sitofp %add3A_68 : i32 to f32
    %add3A_70 = vector.broadcast %convert_element_type3A_69 : f32 to vector<512x8xf32>
    %add3A_71 = arith.addf %convert_element_type3A_64, %add3A_70 : vector<512x8xf32>
    %jit3A_72 = arith.constant 0.000000e+00 : f32
    %broadcast_in_dim3A_73 = vector.broadcast %jit3A_72 : f32 to vector<512x8xf32>
    %select_n3A_74 = arith.select %and3A_63, %add3A_71, %broadcast_in_dim3A_73 : vector<512x8xi1>, vector<512x8xf32>
    %iota3A_75 = tpu.iota {dimensions = array<i32: 1>} : vector<512x512xi32>
    %convert_element_type3A_76 = arith.fptosi %sub3A_33 : vector<512xf32> to vector<512xi32>
    %broadcast_in_dim3A_77 = vector.shape_cast %convert_element_type3A_76 : vector<512xi32> to vector<512x1xi32>
    %eq3A_78 = vector.broadcast %broadcast_in_dim3A_77 : vector<512x1xi32> to vector<512x512xi32>
    %eq3A_79 = arith.cmpi eq, %iota3A_75, %eq3A_78 : vector<512x512xi32>
    %broadcast_in_dim3A_80 = vector.shape_cast %lt3A_35 : vector<512xi1> to vector<512x1xi1>
    %and3A_81 = vector.broadcast %broadcast_in_dim3A_80 : vector<512x1xi1> to vector<512x512xi1>
    %and3A_82 = arith.andi %eq3A_79, %and3A_81 : vector<512x512xi1>
    %convert_element_type3A_83 = arith.extui %and3A_82 : vector<512x512xi1> to vector<512x512xi32>
    %convert_element_type3A_84 = arith.sitofp %convert_element_type3A_83 : vector<512x512xi32> to vector<512x512xf32>
    %get3A_85 = arith.constant 0 : index
    %get3A_86 = arith.constant 0 : index
    %get3A_87 = vector.load %arg9[%get3A_85, %get3A_86] : memref<8x512xf32, #tpu.memory_space<vmem>>, vector<8x512xf32>
    %dot_general3A_88 = arith.constant dense<0.000000e+00> : vector<8x512xf32>
    %dot_general3A_89 = tpu.matmul %select_n3A_74, %convert_element_type3A_84, %dot_general3A_88 {dimension_numbers = #tpu.dot_dimension_numbers<[0], [0], [1], [1], [0, 1, 1, 1], [], []>, precision = #tpu.contract_precision<fp32>, transpose_lhs_hint = false} : vector<512x8xf32>, vector<512x512xf32>, vector<8x512xf32> -> vector<8x512xf32>
    %add3A_90 = arith.addf %get3A_87, %dot_general3A_89 : vector<8x512xf32>
    %swap3A_91 = arith.constant 0 : index
    %swap3A_92 = arith.constant 0 : index
    %swap3A_93 = vector.load %arg9[%swap3A_91, %swap3A_92] : memref<8x512xf32, #tpu.memory_space<vmem>>, vector<8x512xf32>
    tpu.vector_store %arg9[%swap3A_91, %swap3A_92], %add3A_90 {strides = array<i32>} : memref<8x512xf32, #tpu.memory_space<vmem>>, vector<8x512xf32>,
    %get3A_94 = arith.constant 0 : index
    %get3A_95 = arith.constant 0 : index
    %get3A_96 = vector.load %arg6[%get3A_94, %get3A_95] : memref<1x8xf32, #tpu.memory_space<vmem>>, vector<1x8xf32>
    %reduce_sum3A_97 = arith.constant dense<0.000000e+00> : vector<8xf32>
    %reduce_sum3A_98 = vector.multi_reduction <add>, %convert_element_type3A_18, %reduce_sum3A_97 [0] : vector<512x8xf32> to vector<8xf32>
    %broadcast_in_dim3A_99 = vector.shape_cast %reduce_sum3A_98 : vector<8xf32> to vector<1x8xf32>
    %add3A_100 = arith.addf %get3A_96, %broadcast_in_dim3A_99 : vector<1x8xf32>
    %swap3A_101 = arith.constant 0 : index
    %swap3A_102 = arith.constant 0 : index
    %swap3A_103 = vector.load %arg6[%swap3A_101, %swap3A_102] : memref<1x8xf32, #tpu.memory_space<vmem>>, vector<1x8xf32>
    tpu.vector_store %arg6[%swap3A_101, %swap3A_102], %add3A_100 {strides = array<i32>} : memref<1x8xf32, #tpu.memory_space<vmem>>, vector<1x8xf32>,
    %get3A_104 = arith.constant 0 : index
    %get3A_105 = arith.constant 0 : index
    %get3A_106 = vector.load %arg7[%get3A_104, %get3A_105] : memref<1x8xf32, #tpu.memory_space<vmem>>, vector<1x8xf32>
    %reduce_sum3A_107 = arith.constant dense<0.000000e+00> : vector<8xf32>
    %reduce_sum3A_108 = vector.multi_reduction <add>, %convert_element_type3A_18, %reduce_sum3A_107 [0] : vector<512x8xf32> to vector<8xf32>
    %broadcast_in_dim3A_109 = vector.shape_cast %reduce_sum3A_108 : vector<8xf32> to vector<1x8xf32>
    %add3A_110 = arith.addf %get3A_106, %broadcast_in_dim3A_109 : vector<1x8xf32>
    %swap3A_111 = arith.constant 0 : index
    %swap3A_112 = arith.constant 0 : index
    %swap3A_113 = vector.load %arg7[%swap3A_111, %swap3A_112] : memref<1x8xf32, #tpu.memory_space<vmem>>, vector<1x8xf32>
    tpu.vector_store %arg7[%swap3A_111, %swap3A_112], %add3A_110 {strides = array<i32>} : memref<1x8xf32, #tpu.memory_space<vmem>>, vector<1x8xf32>,
    %get3A_114 = arith.constant 0 : index
    %get3A_115 = arith.constant 0 : index
    %get3A_116 = vector.load %arg8[%get3A_114, %get3A_115] : memref<1x8xf32, #tpu.memory_space<vmem>>, vector<1x8xf32>
    %reduce_sum3A_117 = arith.constant dense<0.000000e+00> : vector<8xf32>
    %reduce_sum3A_118 = vector.multi_reduction <add>, %div3A_8, %reduce_sum3A_117 [0] : vector<512x8xf32> to vector<8xf32>
    %broadcast_in_dim3A_119 = vector.shape_cast %reduce_sum3A_118 : vector<8xf32> to vector<1x8xf32>
    %add3A_120 = arith.addf %get3A_116, %broadcast_in_dim3A_119 : vector<1x8xf32>
    %swap3A_121 = arith.constant 0 : index
    %swap3A_122 = arith.constant 0 : index
    %swap3A_123 = vector.load %arg8[%swap3A_121, %swap3A_122] : memref<1x8xf32, #tpu.memory_space<vmem>>, vector<1x8xf32>
    tpu.vector_store %arg8[%swap3A_121, %swap3A_122], %add3A_120 {strides = array<i32>} : memref<1x8xf32, #tpu.memory_space<vmem>>, vector<1x8xf32>,
    %eq3A_124 = arith.constant 7 : i32
    %eq3A_125 = arith.cmpi eq, %arg0, %eq3A_124 : i32
    %convert_element_type3A_126 = arith.extui %eq3A_125 : i1 to i32
    %cond3A_127 = arith.constant 0 : i32
    %cond3A_128 = arith.cmpi ne, %convert_element_type3A_126, %cond3A_127 : i32
    scf.if %cond3A_128 {
      %get3A_129 = arith.constant 0 : index
      %get3A_130 = arith.constant 0 : index
      %get3A_131 = vector.load %arg7[%get3A_129, %get3A_130] : memref<1x8xf32, #tpu.memory_space<vmem>>, vector<1x8xf32>
      %get3A_132 = arith.constant 0 : index
      %get3A_133 = arith.constant 0 : index
      %get3A_134 = vector.load %arg8[%get3A_132, %get3A_133] : memref<1x8xf32, #tpu.memory_space<vmem>>, vector<1x8xf32>
      %mul3A_135 = arith.mulf %get3A_131, %get3A_134 : vector<1x8xf32>
      %reduce_sum3A_136 = vector.shape_cast %mul3A_135 : vector<1x8xf32> to vector<1x1x8xf32>
      %reduce_sum3A_137 = arith.constant dense<0.000000e+00> : vector<1xf32>
      %reduce_sum3A_138 = vector.multi_reduction <add>, %reduce_sum3A_136, %reduce_sum3A_137 [1, 2] : vector<1x1x8xf32> to vector<1xf32>
      %reduce_sum3A_139 = vector.shape_cast %reduce_sum3A_138 : vector<1xf32> to vector<1x1x1xf32>
      %reduce_sum3A_140 = vector.extract %reduce_sum3A_139[0, 0, 0] : f32 from vector<1x1x1xf32>
      %mul3A_141 = arith.constant 8.000000e-02 : f32
      %mul3A_142 = arith.mulf %mul3A_141, %reduce_sum3A_140 : f32
      %div3A_143 = arith.constant 0x4B800000 : f32
      %div3A_144 = arith.divf %mul3A_142, %div3A_143 : f32
      %reshape3A = vector.broadcast %div3A_144 : f32 to vector<1x1xf32>
      %swap3A_145 = arith.constant 0 : index
      %swap3A_146 = arith.constant 0 : index
      %swap3A_147 = vector.load %arg4[%swap3A_145, %swap3A_146] : memref<1x1xf32, #tpu.memory_space<vmem>>, vector<1x1xf32>
      tpu.vector_store %arg4[%swap3A_145, %swap3A_146], %reshape3A {strides = array<i32>} : memref<1x1xf32, #tpu.memory_space<vmem>>, vector<1x1xf32>,
      %get3A_148 = arith.constant 0 : index
      %get3A_149 = arith.constant 0 : index
      %get3A_150 = vector.load %arg9[%get3A_148, %get3A_149] : memref<8x512xf32, #tpu.memory_space<vmem>>, vector<8x512xf32>
      %sub3A_151 = arith.constant 1.000000e+00 : f32
      %sub3A_152 = vector.broadcast %sub3A_151 : f32 to vector<8x512xf32>
      %sub3A_153 = arith.subf %get3A_150, %sub3A_152 : vector<8x512xf32>
      %max3A = arith.constant 0.000000e+00 : f32
      %max3A_154 = vector.broadcast %max3A : f32 to vector<8x512xf32>
      %max3A_155 = arith.maximumf %sub3A_153, %max3A_154 : vector<8x512xf32>
      %convert_element_type3A_156 = arith.fptosi %max3A_155 : vector<8x512xf32> to vector<8x512xi32>
      %swap3A_157 = arith.constant 0 : index
      %swap3A_158 = arith.constant 0 : index
      %swap3A_159 = vector.load %arg5[%swap3A_157, %swap3A_158] : memref<8x512xi32, #tpu.memory_space<vmem>>, vector<8x512xi32>
      tpu.vector_store %arg5[%swap3A_157, %swap3A_158], %convert_element_type3A_156 {strides = array<i32>} : memref<8x512xi32, #tpu.memory_space<vmem>>, vector<8x512xi32>,
    } else {
    }
    return
  }
  func.func @transform_0(%arg0: i32) -> (i32, i32) {
    %c0_i32 = arith.constant 0 : i32
    %c0_i32_0 = arith.constant 0 : i32
    return %arg0, %c0_i32 : i32, i32
  }
  func.func @transform_1(%arg0: i32) -> (i32, i32, i32) {
    %c0_i32 = arith.constant 0 : i32
    %c0_i32_0 = arith.constant 0 : i32
    %c0_i32_1 = arith.constant 0 : i32
    return %arg0, %c0_i32, %c0_i32_0 : i32, i32, i32
  }
  func.func @transform_2(%arg0: i32) -> (i32, i32, i32) {
    %c0_i32 = arith.constant 0 : i32
    %c0_i32_0 = arith.constant 0 : i32
    %c0_i32_1 = arith.constant 0 : i32
    return %arg0, %c0_i32, %c0_i32_0 : i32, i32, i32
  }
  func.func @transform_3(%arg0: i32) -> (i32, i32) {
    %c0_i32 = arith.constant 0 : i32
    %c0_i32_0 = arith.constant 0 : i32
    %c0_i32_1 = arith.constant 0 : i32
    return %c0_i32, %c0_i32_0 : i32, i32
  }
  func.func @transform_4(%arg0: i32) -> (i32, i32) {
    %c0_i32 = arith.constant 0 : i32
    %c0_i32_0 = arith.constant 0 : i32
    %c0_i32_1 = arith.constant 0 : i32
    return %c0_i32, %c0_i32_0 : i32, i32
  }
}

module attributes {stable_mosaic.version = 14 : i64} {
  func.func @body(%arg0: i32, %arg1: i32, %arg2: memref<512x1024xf32, #tpu.memory_space<vmem>>, %arg3: memref<1x1024x1024xf32, #tpu.memory_space<vmem>>, %arg4: memref<1x1x1024xf32, #tpu.memory_space<vmem>>, %arg5: memref<1x1024x1024xf32, #tpu.memory_space<vmem>>, %arg6: memref<1x1x1024xf32, #tpu.memory_space<vmem>>, %arg7: memref<512x1024xf32, #tpu.memory_space<vmem>>) attributes {dimension_semantics = [#tpu.dimension_semantics<arbitrary>, #tpu.dimension_semantics<arbitrary>], iteration_bounds = array<i64: 8, 2>, scalar_prefetch = 0 : i64, scratch_operands = 0 : i64, tpu.core_type = #tpu.core_type<tc>, window_params = [{transform_indices = @transform_0, window_bounds = array<i64: 512, 1024>}, {transform_indices = @transform_1, window_bounds = array<i64: 1, 1024, 1024>}, {transform_indices = @transform_2, window_bounds = array<i64: 1, 1, 1024>}, {transform_indices = @transform_3, window_bounds = array<i64: 1, 1024, 1024>}, {transform_indices = @transform_4, window_bounds = array<i64: 1, 1, 1024>}, {transform_indices = @transform_5, window_bounds = array<i64: 512, 1024>}]} {
    %get3A = arith.constant 0 : index
    %get3A_0 = arith.constant 0 : index
    %get3A_1 = vector.load %arg2[%get3A, %get3A_0] : memref<512x1024xf32, #tpu.memory_space<vmem>>, vector<512x1024xf32>
    %get3A_2 = arith.constant 0 : index
    %get3A_3 = arith.constant 0 : index
    %get3A_4 = arith.constant 0 : index
    %get3A_5 = vector.load %arg3[%get3A_2, %get3A_3, %get3A_4] : memref<1x1024x1024xf32, #tpu.memory_space<vmem>>, vector<1x1024x1024xf32>
    %get3A_6 = vector.shape_cast %get3A_5 : vector<1x1024x1024xf32> to vector<1024x1024xf32>
    %dot_general3A = arith.constant dense<0.000000e+00> : vector<512x1024xf32>
    %dot_general3A_7 = tpu.matmul %get3A_1, %get3A_6, %dot_general3A {dimension_numbers = #tpu.dot_dimension_numbers<[1], [0], [0], [1], [0, 0, 1, 1], [], []>, transpose_lhs_hint = false} : vector<512x1024xf32>, vector<1024x1024xf32>, vector<512x1024xf32> -> vector<512x1024xf32>
    %get3A_8 = arith.constant 0 : index
    %get3A_9 = arith.constant 0 : index
    %get3A_10 = arith.constant 0 : index
    %get3A_11 = vector.load %arg4[%get3A_8, %get3A_9, %get3A_10] : memref<1x1x1024xf32, #tpu.memory_space<vmem>>, vector<1x1x1024xf32>
    %get3A_12 = vector.shape_cast %get3A_11 : vector<1x1x1024xf32> to vector<1x1024xf32>
    %add3A = vector.broadcast %get3A_12 : vector<1x1024xf32> to vector<512x1024xf32>
    %add3A_13 = arith.addf %dot_general3A_7, %add3A : vector<512x1024xf32>
    %max3A = arith.constant 0.000000e+00 : f32
    %max3A_14 = vector.broadcast %max3A : f32 to vector<512x1024xf32>
    %max3A_15 = arith.maximumf %add3A_13, %max3A_14 : vector<512x1024xf32>
    %get3A_16 = arith.constant 0 : index
    %get3A_17 = arith.constant 0 : index
    %get3A_18 = arith.constant 0 : index
    %get3A_19 = vector.load %arg5[%get3A_16, %get3A_17, %get3A_18] : memref<1x1024x1024xf32, #tpu.memory_space<vmem>>, vector<1x1024x1024xf32>
    %get3A_20 = vector.shape_cast %get3A_19 : vector<1x1024x1024xf32> to vector<1024x1024xf32>
    %dot_general3A_21 = arith.constant dense<0.000000e+00> : vector<512x1024xf32>
    %dot_general3A_22 = tpu.matmul %max3A_15, %get3A_20, %dot_general3A_21 {dimension_numbers = #tpu.dot_dimension_numbers<[1], [0], [0], [1], [0, 0, 1, 1], [], []>, transpose_lhs_hint = false} : vector<512x1024xf32>, vector<1024x1024xf32>, vector<512x1024xf32> -> vector<512x1024xf32>
    %eq3A = arith.constant 0 : i32
    %eq3A_23 = arith.cmpi eq, %arg1, %eq3A : i32
    %convert_element_type3A = arith.extui %eq3A_23 : i1 to i32
    %cond3A = arith.constant 0 : i32
    %cond3A_24 = arith.cmpi ne, %convert_element_type3A, %cond3A : i32
    scf.if %cond3A_24 {
      %get3A_29 = arith.constant 0 : index
      %get3A_30 = arith.constant 0 : index
      %get3A_31 = arith.constant 0 : index
      %get3A_32 = vector.load %arg6[%get3A_29, %get3A_30, %get3A_31] : memref<1x1x1024xf32, #tpu.memory_space<vmem>>, vector<1x1x1024xf32>
      %get3A_33 = vector.shape_cast %get3A_32 : vector<1x1x1024xf32> to vector<1x1024xf32>
      %add3A_34 = vector.broadcast %get3A_33 : vector<1x1024xf32> to vector<512x1024xf32>
      %add3A_35 = arith.addf %dot_general3A_22, %add3A_34 : vector<512x1024xf32>
      %swap3A = arith.constant 0 : index
      %swap3A_36 = arith.constant 0 : index
      %swap3A_37 = vector.load %arg7[%swap3A, %swap3A_36] : memref<512x1024xf32, #tpu.memory_space<vmem>>, vector<512x1024xf32>
      tpu.vector_store %arg7[%swap3A, %swap3A_36], %add3A_35 {strides = array<i32>} : memref<512x1024xf32, #tpu.memory_space<vmem>>, vector<512x1024xf32>,
    } else {
    }
    %gt3A = arith.constant 0 : i32
    %gt3A_25 = arith.cmpi sgt, %arg1, %gt3A : i32
    %convert_element_type3A_26 = arith.extui %gt3A_25 : i1 to i32
    %cond3A_27 = arith.constant 0 : i32
    %cond3A_28 = arith.cmpi ne, %convert_element_type3A_26, %cond3A_27 : i32
    scf.if %cond3A_28 {
      %get3A_29 = arith.constant 0 : index
      %get3A_30 = arith.constant 0 : index
      %get3A_31 = vector.load %arg7[%get3A_29, %get3A_30] : memref<512x1024xf32, #tpu.memory_space<vmem>>, vector<512x1024xf32>
      %add3A_32 = arith.addf %get3A_31, %dot_general3A_22 : vector<512x1024xf32>
      %swap3A = arith.constant 0 : index
      %swap3A_33 = arith.constant 0 : index
      %swap3A_34 = vector.load %arg7[%swap3A, %swap3A_33] : memref<512x1024xf32, #tpu.memory_space<vmem>>, vector<512x1024xf32>
      tpu.vector_store %arg7[%swap3A, %swap3A_33], %add3A_32 {strides = array<i32>} : memref<512x1024xf32, #tpu.memory_space<vmem>>, vector<512x1024xf32>,
    } else {
    }
    return
  }
  func.func @transform_0(%arg0: i32, %arg1: i32) -> (i32, i32) {
    %c0_i32 = arith.constant 0 : i32
    %c0_i32_0 = arith.constant 0 : i32
    return %arg0, %c0_i32 : i32, i32
  }
  func.func @transform_1(%arg0: i32, %arg1: i32) -> (i32, i32, i32) {
    %add3A = arith.constant 0 : i32
    %add3A_0 = arith.addi %add3A, %arg0 : i32
    %c0_i32 = arith.constant 0 : i32
    %c0_i32_1 = arith.constant 0 : i32
    return %add3A_0, %c0_i32, %arg1 : i32, i32, i32
  }
  func.func @transform_2(%arg0: i32, %arg1: i32) -> (i32, i32, i32) {
    %add3A = arith.constant 0 : i32
    %add3A_0 = arith.addi %add3A, %arg0 : i32
    %c0_i32 = arith.constant 0 : i32
    %c0_i32_1 = arith.constant 0 : i32
    return %add3A_0, %c0_i32, %arg1 : i32, i32, i32
  }
  func.func @transform_3(%arg0: i32, %arg1: i32) -> (i32, i32, i32) {
    %add3A = arith.constant 0 : i32
    %add3A_0 = arith.addi %add3A, %arg0 : i32
    %c0_i32 = arith.constant 0 : i32
    %c0_i32_1 = arith.constant 0 : i32
    return %add3A_0, %arg1, %c0_i32 : i32, i32, i32
  }
  func.func @transform_4(%arg0: i32, %arg1: i32) -> (i32, i32, i32) {
    %add3A = arith.constant 0 : i32
    %add3A_0 = arith.addi %add3A, %arg0 : i32
    %c0_i32 = arith.constant 0 : i32
    %c0_i32_1 = arith.constant 0 : i32
    %c0_i32_2 = arith.constant 0 : i32
    return %add3A_0, %c0_i32, %c0_i32_1 : i32, i32, i32
  }
  func.func @transform_5(%arg0: i32, %arg1: i32) -> (i32, i32) {
    %c0_i32 = arith.constant 0 : i32
    %c0_i32_0 = arith.constant 0 : i32
    return %arg0, %c0_i32 : i32, i32
  }
}

module attributes {stable_mosaic.version = 14 : i64} {
  func.func @body(%arg0: i32, %arg1: memref<512x1024xf32, #tpu.memory_space<vmem>>, %arg2: memref<512x1024xf32, #tpu.memory_space<vmem>>, %arg3: memref<1x512x1xf32, #tpu.memory_space<vmem>>, %arg4: memref<1x1x1024xf32, #tpu.memory_space<vmem>>, %arg5: memref<1x1x1024xf32, #tpu.memory_space<vmem>>, %arg6: memref<1x1024x1024xf32, #tpu.memory_space<vmem>>, %arg7: memref<1x1024x1024xf32, #tpu.memory_space<vmem>>, %arg8: memref<1x1024x1024xf32, #tpu.memory_space<vmem>>, %arg9: memref<1x1x1024xf32, #tpu.memory_space<vmem>>, %arg10: memref<1x1x1024xf32, #tpu.memory_space<vmem>>, %arg11: memref<1x1x1024xf32, #tpu.memory_space<vmem>>, %arg12: memref<512x3072xf32, #tpu.memory_space<vmem>>, %arg13: memref<512x1024xf32, #tpu.memory_space<vmem>>) attributes {dimension_semantics = [#tpu.dimension_semantics<arbitrary>], iteration_bounds = array<i64: 8>, scalar_prefetch = 0 : i64, scratch_operands = 0 : i64, tpu.core_type = #tpu.core_type<tc>, window_params = [{transform_indices = @transform_0, window_bounds = array<i64: 512, 1024>}, {transform_indices = @transform_1, window_bounds = array<i64: 512, 1024>}, {transform_indices = @transform_2, window_bounds = array<i64: 1, 512, 1>}, {transform_indices = @transform_3, window_bounds = array<i64: 1, 1, 1024>}, {transform_indices = @transform_4, window_bounds = array<i64: 1, 1, 1024>}, {transform_indices = @transform_5, window_bounds = array<i64: 1, 1024, 1024>}, {transform_indices = @transform_6, window_bounds = array<i64: 1, 1024, 1024>}, {transform_indices = @transform_7, window_bounds = array<i64: 1, 1024, 1024>}, {transform_indices = @transform_8, window_bounds = array<i64: 1, 1, 1024>}, {transform_indices = @transform_9, window_bounds = array<i64: 1, 1, 1024>}, {transform_indices = @transform_10, window_bounds = array<i64: 1, 1, 1024>}, {transform_indices = @transform_11, window_bounds = array<i64: 512, 3072>}, {transform_indices = @transform_12, window_bounds = array<i64: 512, 1024>}]} {
    %get3A = arith.constant 0 : index
    %get3A_0 = arith.constant 0 : index
    %get3A_1 = vector.load %arg1[%get3A, %get3A_0] : memref<512x1024xf32, #tpu.memory_space<vmem>>, vector<512x1024xf32>
    %get3A_2 = arith.constant 0 : index
    %get3A_3 = arith.constant 0 : index
    %get3A_4 = vector.load %arg2[%get3A_2, %get3A_3] : memref<512x1024xf32, #tpu.memory_space<vmem>>, vector<512x1024xf32>
    %get3A_5 = arith.constant 0 : index
    %get3A_6 = arith.constant 0 : index
    %get3A_7 = arith.constant 0 : index
    %get3A_8 = vector.load %arg3[%get3A_5, %get3A_6, %get3A_7] : memref<1x512x1xf32, #tpu.memory_space<vmem>>, vector<1x512x1xf32>
    %get3A_9 = vector.shape_cast %get3A_8 : vector<1x512x1xf32> to vector<512x1xf32>
    %mul3A = vector.broadcast %get3A_9 : vector<512x1xf32> to vector<512x1024xf32>
    %mul3A_10 = arith.mulf %get3A_4, %mul3A : vector<512x1024xf32>
    %add3A = arith.addf %get3A_1, %mul3A_10 : vector<512x1024xf32>
    %reduce_sum3A = arith.constant dense<0.000000e+00> : vector<512xf32>
    %reduce_sum3A_11 = vector.multi_reduction <add>, %add3A, %reduce_sum3A [1] : vector<512x1024xf32> to vector<512xf32>
    %broadcast_in_dim3A = vector.shape_cast %reduce_sum3A_11 : vector<512xf32> to vector<512x1xf32>
    %div3A = arith.constant 1.024000e+03 : f32
    %div3A_12 = vector.broadcast %div3A : f32 to vector<512x1xf32>
    %div3A_13 = arith.divf %broadcast_in_dim3A, %div3A_12 : vector<512x1xf32>
    %sub3A = vector.broadcast %div3A_13 : vector<512x1xf32> to vector<512x1024xf32>
    %sub3A_14 = arith.subf %add3A, %sub3A : vector<512x1024xf32>
    %integer_pow3A = arith.mulf %sub3A_14, %sub3A_14 : vector<512x1024xf32>
    %reduce_sum3A_15 = arith.constant dense<0.000000e+00> : vector<512xf32>
    %reduce_sum3A_16 = vector.multi_reduction <add>, %integer_pow3A, %reduce_sum3A_15 [1] : vector<512x1024xf32> to vector<512xf32>
    %broadcast_in_dim3A_17 = vector.shape_cast %reduce_sum3A_16 : vector<512xf32> to vector<512x1xf32>
    %div3A_18 = arith.constant 1.024000e+03 : f32
    %div3A_19 = vector.broadcast %div3A_18 : f32 to vector<512x1xf32>
    %div3A_20 = arith.divf %broadcast_in_dim3A_17, %div3A_19 : vector<512x1xf32>
    %sub3A_21 = vector.broadcast %div3A_13 : vector<512x1xf32> to vector<512x1024xf32>
    %sub3A_22 = arith.subf %add3A, %sub3A_21 : vector<512x1024xf32>
    %add3A_23 = arith.constant 9.99999974E-6 : f32
    %add3A_24 = vector.broadcast %add3A_23 : f32 to vector<512x1xf32>
    %add3A_25 = arith.addf %div3A_20, %add3A_24 : vector<512x1xf32>
    %sqrt3A = math.sqrt %add3A_25 : vector<512x1xf32>
    %div3A_26 = vector.broadcast %sqrt3A : vector<512x1xf32> to vector<512x1024xf32>
    %div3A_27 = arith.divf %sub3A_22, %div3A_26 : vector<512x1024xf32>
    %get3A_28 = arith.constant 0 : index
    %get3A_29 = arith.constant 0 : index
    %get3A_30 = arith.constant 0 : index
    %get3A_31 = vector.load %arg4[%get3A_28, %get3A_29, %get3A_30] : memref<1x1x1024xf32, #tpu.memory_space<vmem>>, vector<1x1x1024xf32>
    %get3A_32 = vector.shape_cast %get3A_31 : vector<1x1x1024xf32> to vector<1x1024xf32>
    %mul3A_33 = vector.broadcast %get3A_32 : vector<1x1024xf32> to vector<512x1024xf32>
    %mul3A_34 = arith.mulf %div3A_27, %mul3A_33 : vector<512x1024xf32>
    %get3A_35 = arith.constant 0 : index
    %get3A_36 = arith.constant 0 : index
    %get3A_37 = arith.constant 0 : index
    %get3A_38 = vector.load %arg5[%get3A_35, %get3A_36, %get3A_37] : memref<1x1x1024xf32, #tpu.memory_space<vmem>>, vector<1x1x1024xf32>
    %get3A_39 = vector.shape_cast %get3A_38 : vector<1x1x1024xf32> to vector<1x1024xf32>
    %add3A_40 = vector.broadcast %get3A_39 : vector<1x1024xf32> to vector<512x1024xf32>
    %add3A_41 = arith.addf %mul3A_34, %add3A_40 : vector<512x1024xf32>
    %swap3A = arith.constant 0 : index
    %swap3A_42 = arith.constant 0 : index
    %swap3A_43 = vector.load %arg13[%swap3A, %swap3A_42] : memref<512x1024xf32, #tpu.memory_space<vmem>>, vector<512x1024xf32>
    tpu.vector_store %arg13[%swap3A, %swap3A_42], %add3A_41 {strides = array<i32>} : memref<512x1024xf32, #tpu.memory_space<vmem>>, vector<512x1024xf32>,
    %get3A_44 = arith.constant 0 : index
    %get3A_45 = arith.constant 0 : index
    %get3A_46 = arith.constant 0 : index
    %get3A_47 = vector.load %arg6[%get3A_44, %get3A_45, %get3A_46] : memref<1x1024x1024xf32, #tpu.memory_space<vmem>>, vector<1x1024x1024xf32>
    %get3A_48 = vector.shape_cast %get3A_47 : vector<1x1024x1024xf32> to vector<1024x1024xf32>
    %dot_general3A = arith.constant dense<0.000000e+00> : vector<512x1024xf32>
    %dot_general3A_49 = tpu.matmul %add3A_41, %get3A_48, %dot_general3A {dimension_numbers = #tpu.dot_dimension_numbers<[1], [0], [0], [1], [0, 0, 1, 1], [], []>, transpose_lhs_hint = false} : vector<512x1024xf32>, vector<1024x1024xf32>, vector<512x1024xf32> -> vector<512x1024xf32>
    %get3A_50 = arith.constant 0 : index
    %get3A_51 = arith.constant 0 : index
    %get3A_52 = arith.constant 0 : index
    %get3A_53 = vector.load %arg9[%get3A_50, %get3A_51, %get3A_52] : memref<1x1x1024xf32, #tpu.memory_space<vmem>>, vector<1x1x1024xf32>
    %get3A_54 = vector.shape_cast %get3A_53 : vector<1x1x1024xf32> to vector<1x1024xf32>
    %add3A_55 = vector.broadcast %get3A_54 : vector<1x1024xf32> to vector<512x1024xf32>
    %add3A_56 = arith.addf %dot_general3A_49, %add3A_55 : vector<512x1024xf32>
    %swap3A_57 = arith.constant 0 : index
    %swap3A_58 = arith.constant 0 : index
    %swap3A_59 = vector.load %arg12[%swap3A_57, %swap3A_58] : memref<512x3072xf32, #tpu.memory_space<vmem>>, vector<512x1024xf32>
    tpu.vector_store %arg12[%swap3A_57, %swap3A_58], %add3A_56 {strides = array<i32>} : memref<512x3072xf32, #tpu.memory_space<vmem>>, vector<512x1024xf32>,
    %get3A_60 = arith.constant 0 : index
    %get3A_61 = arith.constant 0 : index
    %get3A_62 = arith.constant 0 : index
    %get3A_63 = vector.load %arg7[%get3A_60, %get3A_61, %get3A_62] : memref<1x1024x1024xf32, #tpu.memory_space<vmem>>, vector<1x1024x1024xf32>
    %get3A_64 = vector.shape_cast %get3A_63 : vector<1x1024x1024xf32> to vector<1024x1024xf32>
    %dot_general3A_65 = arith.constant dense<0.000000e+00> : vector<512x1024xf32>
    %dot_general3A_66 = tpu.matmul %add3A_41, %get3A_64, %dot_general3A_65 {dimension_numbers = #tpu.dot_dimension_numbers<[1], [0], [0], [1], [0, 0, 1, 1], [], []>, transpose_lhs_hint = false} : vector<512x1024xf32>, vector<1024x1024xf32>, vector<512x1024xf32> -> vector<512x1024xf32>
    %get3A_67 = arith.constant 0 : index
    %get3A_68 = arith.constant 0 : index
    %get3A_69 = arith.constant 0 : index
    %get3A_70 = vector.load %arg10[%get3A_67, %get3A_68, %get3A_69] : memref<1x1x1024xf32, #tpu.memory_space<vmem>>, vector<1x1x1024xf32>
    %get3A_71 = vector.shape_cast %get3A_70 : vector<1x1x1024xf32> to vector<1x1024xf32>
    %add3A_72 = vector.broadcast %get3A_71 : vector<1x1024xf32> to vector<512x1024xf32>
    %add3A_73 = arith.addf %dot_general3A_66, %add3A_72 : vector<512x1024xf32>
    %swap3A_74 = arith.constant 0 : index
    %swap3A_75 = arith.constant 1024 : index
    %swap3A_76 = vector.load %arg12[%swap3A_74, %swap3A_75] : memref<512x3072xf32, #tpu.memory_space<vmem>>, vector<512x1024xf32>
    tpu.vector_store %arg12[%swap3A_74, %swap3A_75], %add3A_73 {strides = array<i32>} : memref<512x3072xf32, #tpu.memory_space<vmem>>, vector<512x1024xf32>,
    %get3A_77 = arith.constant 0 : index
    %get3A_78 = arith.constant 0 : index
    %get3A_79 = arith.constant 0 : index
    %get3A_80 = vector.load %arg8[%get3A_77, %get3A_78, %get3A_79] : memref<1x1024x1024xf32, #tpu.memory_space<vmem>>, vector<1x1024x1024xf32>
    %get3A_81 = vector.shape_cast %get3A_80 : vector<1x1024x1024xf32> to vector<1024x1024xf32>
    %dot_general3A_82 = arith.constant dense<0.000000e+00> : vector<512x1024xf32>
    %dot_general3A_83 = tpu.matmul %add3A_41, %get3A_81, %dot_general3A_82 {dimension_numbers = #tpu.dot_dimension_numbers<[1], [0], [0], [1], [0, 0, 1, 1], [], []>, transpose_lhs_hint = false} : vector<512x1024xf32>, vector<1024x1024xf32>, vector<512x1024xf32> -> vector<512x1024xf32>
    %get3A_84 = arith.constant 0 : index
    %get3A_85 = arith.constant 0 : index
    %get3A_86 = arith.constant 0 : index
    %get3A_87 = vector.load %arg11[%get3A_84, %get3A_85, %get3A_86] : memref<1x1x1024xf32, #tpu.memory_space<vmem>>, vector<1x1x1024xf32>
    %get3A_88 = vector.shape_cast %get3A_87 : vector<1x1x1024xf32> to vector<1x1024xf32>
    %add3A_89 = vector.broadcast %get3A_88 : vector<1x1024xf32> to vector<512x1024xf32>
    %add3A_90 = arith.addf %dot_general3A_83, %add3A_89 : vector<512x1024xf32>
    %swap3A_91 = arith.constant 0 : index
    %swap3A_92 = arith.constant 2048 : index
    %swap3A_93 = vector.load %arg12[%swap3A_91, %swap3A_92] : memref<512x3072xf32, #tpu.memory_space<vmem>>, vector<512x1024xf32>
    tpu.vector_store %arg12[%swap3A_91, %swap3A_92], %add3A_90 {strides = array<i32>} : memref<512x3072xf32, #tpu.memory_space<vmem>>, vector<512x1024xf32>,
    return
  }
  func.func @transform_0(%arg0: i32) -> (i32, i32) {
    %c0_i32 = arith.constant 0 : i32
    %c0_i32_0 = arith.constant 0 : i32
    return %arg0, %c0_i32 : i32, i32
  }
  func.func @transform_1(%arg0: i32) -> (i32, i32) {
    %c0_i32 = arith.constant 0 : i32
    %c0_i32_0 = arith.constant 0 : i32
    return %arg0, %c0_i32 : i32, i32
  }
  func.func @transform_2(%arg0: i32) -> (i32, i32, i32) {
    %c0_i32 = arith.constant 0 : i32
    %c0_i32_0 = arith.constant 0 : i32
    %c0_i32_1 = arith.constant 0 : i32
    return %arg0, %c0_i32, %c0_i32_0 : i32, i32, i32
  }
  func.func @transform_3(%arg0: i32) -> (i32, i32, i32) {
    %c0_i32 = arith.constant 0 : i32
    %c0_i32_0 = arith.constant 0 : i32
    %c0_i32_1 = arith.constant 0 : i32
    %c0_i32_2 = arith.constant 0 : i32
    return %c0_i32, %c0_i32_0, %c0_i32_1 : i32, i32, i32
  }
  func.func @transform_4(%arg0: i32) -> (i32, i32, i32) {
    %c0_i32 = arith.constant 0 : i32
    %c0_i32_0 = arith.constant 0 : i32
    %c0_i32_1 = arith.constant 0 : i32
    %c0_i32_2 = arith.constant 0 : i32
    return %c0_i32, %c0_i32_0, %c0_i32_1 : i32, i32, i32
  }
  func.func @transform_5(%arg0: i32) -> (i32, i32, i32) {
    %c1_i32 = arith.constant 1 : i32
    %c0_i32 = arith.constant 0 : i32
    %c0_i32_0 = arith.constant 0 : i32
    %c0_i32_1 = arith.constant 0 : i32
    return %c1_i32, %c0_i32, %c0_i32_0 : i32, i32, i32
  }
  func.func @transform_6(%arg0: i32) -> (i32, i32, i32) {
    %c1_i32 = arith.constant 1 : i32
    %c0_i32 = arith.constant 0 : i32
    %c0_i32_0 = arith.constant 0 : i32
    %c0_i32_1 = arith.constant 0 : i32
    return %c1_i32, %c0_i32, %c0_i32_0 : i32, i32, i32
  }
  func.func @transform_7(%arg0: i32) -> (i32, i32, i32) {
    %c1_i32 = arith.constant 1 : i32
    %c0_i32 = arith.constant 0 : i32
    %c0_i32_0 = arith.constant 0 : i32
    %c0_i32_1 = arith.constant 0 : i32
    return %c1_i32, %c0_i32, %c0_i32_0 : i32, i32, i32
  }
  func.func @transform_8(%arg0: i32) -> (i32, i32, i32) {
    %c1_i32 = arith.constant 1 : i32
    %c0_i32 = arith.constant 0 : i32
    %c0_i32_0 = arith.constant 0 : i32
    %c0_i32_1 = arith.constant 0 : i32
    return %c1_i32, %c0_i32, %c0_i32_0 : i32, i32, i32
  }
  func.func @transform_9(%arg0: i32) -> (i32, i32, i32) {
    %c1_i32 = arith.constant 1 : i32
    %c0_i32 = arith.constant 0 : i32
    %c0_i32_0 = arith.constant 0 : i32
    %c0_i32_1 = arith.constant 0 : i32
    return %c1_i32, %c0_i32, %c0_i32_0 : i32, i32, i32
  }
  func.func @transform_10(%arg0: i32) -> (i32, i32, i32) {
    %c1_i32 = arith.constant 1 : i32
    %c0_i32 = arith.constant 0 : i32
    %c0_i32_0 = arith.constant 0 : i32
    %c0_i32_1 = arith.constant 0 : i32
    return %c1_i32, %c0_i32, %c0_i32_0 : i32, i32, i32
  }
  func.func @transform_11(%arg0: i32) -> (i32, i32) {
    %c0_i32 = arith.constant 0 : i32
    %c0_i32_0 = arith.constant 0 : i32
    return %arg0, %c0_i32 : i32, i32
  }
  func.func @transform_12(%arg0: i32) -> (i32, i32) {
    %c0_i32 = arith.constant 0 : i32
    %c0_i32_0 = arith.constant 0 : i32
    return %arg0, %c0_i32 : i32, i32
  }
}

module attributes {stable_mosaic.version = 14 : i64} {
  func.func @body(%arg0: i32, %arg1: memref<512x1024xf32, #tpu.memory_space<vmem>>, %arg2: memref<512x1024xf32, #tpu.memory_space<vmem>>, %arg3: memref<1x1024x1024xf32, #tpu.memory_space<vmem>>, %arg4: memref<1x1x1024xf32, #tpu.memory_space<vmem>>, %arg5: memref<1x1x1024xf32, #tpu.memory_space<vmem>>, %arg6: memref<1x1x1024xf32, #tpu.memory_space<vmem>>, %arg7: memref<1x1024x8xf32, #tpu.memory_space<vmem>>, %arg8: memref<512x1024xf32, #tpu.memory_space<vmem>>, %arg9: memref<512x8xf32, #tpu.memory_space<vmem>>) attributes {dimension_semantics = [#tpu.dimension_semantics<arbitrary>], iteration_bounds = array<i64: 8>, scalar_prefetch = 0 : i64, scratch_operands = 0 : i64, tpu.core_type = #tpu.core_type<tc>, window_params = [{transform_indices = @transform_0, window_bounds = array<i64: 512, 1024>}, {transform_indices = @transform_1, window_bounds = array<i64: 512, 1024>}, {transform_indices = @transform_2, window_bounds = array<i64: 1, 1024, 1024>}, {transform_indices = @transform_3, window_bounds = array<i64: 1, 1, 1024>}, {transform_indices = @transform_4, window_bounds = array<i64: 1, 1, 1024>}, {transform_indices = @transform_5, window_bounds = array<i64: 1, 1, 1024>}, {transform_indices = @transform_6, window_bounds = array<i64: 1, 1024, 8>}, {transform_indices = @transform_7, window_bounds = array<i64: 512, 1024>}, {transform_indices = @transform_8, window_bounds = array<i64: 512, 8>}]} {
    %get3A = arith.constant 0 : index
    %get3A_0 = arith.constant 0 : index
    %get3A_1 = vector.load %arg1[%get3A, %get3A_0] : memref<512x1024xf32, #tpu.memory_space<vmem>>, vector<512x1024xf32>
    %get3A_2 = arith.constant 0 : index
    %get3A_3 = arith.constant 0 : index
    %get3A_4 = arith.constant 0 : index
    %get3A_5 = vector.load %arg3[%get3A_2, %get3A_3, %get3A_4] : memref<1x1024x1024xf32, #tpu.memory_space<vmem>>, vector<1x1024x1024xf32>
    %get3A_6 = vector.shape_cast %get3A_5 : vector<1x1024x1024xf32> to vector<1024x1024xf32>
    %dot_general3A = arith.constant dense<0.000000e+00> : vector<512x1024xf32>
    %dot_general3A_7 = tpu.matmul %get3A_1, %get3A_6, %dot_general3A {dimension_numbers = #tpu.dot_dimension_numbers<[1], [0], [0], [1], [0, 0, 1, 1], [], []>, transpose_lhs_hint = false} : vector<512x1024xf32>, vector<1024x1024xf32>, vector<512x1024xf32> -> vector<512x1024xf32>
    %get3A_8 = arith.constant 0 : index
    %get3A_9 = arith.constant 0 : index
    %get3A_10 = arith.constant 0 : index
    %get3A_11 = vector.load %arg4[%get3A_8, %get3A_9, %get3A_10] : memref<1x1x1024xf32, #tpu.memory_space<vmem>>, vector<1x1x1024xf32>
    %get3A_12 = vector.shape_cast %get3A_11 : vector<1x1x1024xf32> to vector<1x1024xf32>
    %add3A = vector.broadcast %get3A_12 : vector<1x1024xf32> to vector<512x1024xf32>
    %add3A_13 = arith.addf %dot_general3A_7, %add3A : vector<512x1024xf32>
    %get3A_14 = arith.constant 0 : index
    %get3A_15 = arith.constant 0 : index
    %get3A_16 = vector.load %arg2[%get3A_14, %get3A_15] : memref<512x1024xf32, #tpu.memory_space<vmem>>, vector<512x1024xf32>
    %add3A_17 = arith.addf %add3A_13, %get3A_16 : vector<512x1024xf32>
    %reduce_sum3A = arith.constant dense<0.000000e+00> : vector<512xf32>
    %reduce_sum3A_18 = vector.multi_reduction <add>, %add3A_17, %reduce_sum3A [1] : vector<512x1024xf32> to vector<512xf32>
    %broadcast_in_dim3A = vector.shape_cast %reduce_sum3A_18 : vector<512xf32> to vector<512x1xf32>
    %div3A = arith.constant 1.024000e+03 : f32
    %div3A_19 = vector.broadcast %div3A : f32 to vector<512x1xf32>
    %div3A_20 = arith.divf %broadcast_in_dim3A, %div3A_19 : vector<512x1xf32>
    %sub3A = vector.broadcast %div3A_20 : vector<512x1xf32> to vector<512x1024xf32>
    %sub3A_21 = arith.subf %add3A_17, %sub3A : vector<512x1024xf32>
    %integer_pow3A = arith.mulf %sub3A_21, %sub3A_21 : vector<512x1024xf32>
    %reduce_sum3A_22 = arith.constant dense<0.000000e+00> : vector<512xf32>
    %reduce_sum3A_23 = vector.multi_reduction <add>, %integer_pow3A, %reduce_sum3A_22 [1] : vector<512x1024xf32> to vector<512xf32>
    %broadcast_in_dim3A_24 = vector.shape_cast %reduce_sum3A_23 : vector<512xf32> to vector<512x1xf32>
    %div3A_25 = arith.constant 1.024000e+03 : f32
    %div3A_26 = vector.broadcast %div3A_25 : f32 to vector<512x1xf32>
    %div3A_27 = arith.divf %broadcast_in_dim3A_24, %div3A_26 : vector<512x1xf32>
    %sub3A_28 = vector.broadcast %div3A_20 : vector<512x1xf32> to vector<512x1024xf32>
    %sub3A_29 = arith.subf %add3A_17, %sub3A_28 : vector<512x1024xf32>
    %add3A_30 = arith.constant 9.99999974E-6 : f32
    %add3A_31 = vector.broadcast %add3A_30 : f32 to vector<512x1xf32>
    %add3A_32 = arith.addf %div3A_27, %add3A_31 : vector<512x1xf32>
    %sqrt3A = math.sqrt %add3A_32 : vector<512x1xf32>
    %div3A_33 = vector.broadcast %sqrt3A : vector<512x1xf32> to vector<512x1024xf32>
    %div3A_34 = arith.divf %sub3A_29, %div3A_33 : vector<512x1024xf32>
    %get3A_35 = arith.constant 0 : index
    %get3A_36 = arith.constant 0 : index
    %get3A_37 = arith.constant 0 : index
    %get3A_38 = vector.load %arg5[%get3A_35, %get3A_36, %get3A_37] : memref<1x1x1024xf32, #tpu.memory_space<vmem>>, vector<1x1x1024xf32>
    %get3A_39 = vector.shape_cast %get3A_38 : vector<1x1x1024xf32> to vector<1x1024xf32>
    %mul3A = vector.broadcast %get3A_39 : vector<1x1024xf32> to vector<512x1024xf32>
    %mul3A_40 = arith.mulf %div3A_34, %mul3A : vector<512x1024xf32>
    %get3A_41 = arith.constant 0 : index
    %get3A_42 = arith.constant 0 : index
    %get3A_43 = arith.constant 0 : index
    %get3A_44 = vector.load %arg6[%get3A_41, %get3A_42, %get3A_43] : memref<1x1x1024xf32, #tpu.memory_space<vmem>>, vector<1x1x1024xf32>
    %get3A_45 = vector.shape_cast %get3A_44 : vector<1x1x1024xf32> to vector<1x1024xf32>
    %add3A_46 = vector.broadcast %get3A_45 : vector<1x1024xf32> to vector<512x1024xf32>
    %add3A_47 = arith.addf %mul3A_40, %add3A_46 : vector<512x1024xf32>
    %swap3A = arith.constant 0 : index
    %swap3A_48 = arith.constant 0 : index
    %swap3A_49 = vector.load %arg8[%swap3A, %swap3A_48] : memref<512x1024xf32, #tpu.memory_space<vmem>>, vector<512x1024xf32>
    tpu.vector_store %arg8[%swap3A, %swap3A_48], %add3A_47 {strides = array<i32>} : memref<512x1024xf32, #tpu.memory_space<vmem>>, vector<512x1024xf32>,
    %get3A_50 = arith.constant 0 : index
    %get3A_51 = arith.constant 0 : index
    %get3A_52 = arith.constant 0 : index
    %get3A_53 = vector.load %arg7[%get3A_50, %get3A_51, %get3A_52] : memref<1x1024x8xf32, #tpu.memory_space<vmem>>, vector<1x1024x8xf32>
    %get3A_54 = vector.shape_cast %get3A_53 : vector<1x1024x8xf32> to vector<1024x8xf32>
    %dot_general3A_55 = arith.constant dense<0.000000e+00> : vector<512x8xf32>
    %dot_general3A_56 = tpu.matmul %add3A_47, %get3A_54, %dot_general3A_55 {dimension_numbers = #tpu.dot_dimension_numbers<[1], [0], [0], [1], [0, 0, 1, 1], [], []>, transpose_lhs_hint = false} : vector<512x1024xf32>, vector<1024x8xf32>, vector<512x8xf32> -> vector<512x8xf32>
    %swap3A_57 = arith.constant 0 : index
    %swap3A_58 = arith.constant 0 : index
    %swap3A_59 = vector.load %arg9[%swap3A_57, %swap3A_58] : memref<512x8xf32, #tpu.memory_space<vmem>>, vector<512x8xf32>
    tpu.vector_store %arg9[%swap3A_57, %swap3A_58], %dot_general3A_56 {strides = array<i32>} : memref<512x8xf32, #tpu.memory_space<vmem>>, vector<512x8xf32>,
    return
  }
  func.func @transform_0(%arg0: i32) -> (i32, i32) {
    %c0_i32 = arith.constant 0 : i32
    %c0_i32_0 = arith.constant 0 : i32
    return %arg0, %c0_i32 : i32, i32
  }
  func.func @transform_1(%arg0: i32) -> (i32, i32) {
    %c0_i32 = arith.constant 0 : i32
    %c0_i32_0 = arith.constant 0 : i32
    return %arg0, %c0_i32 : i32, i32
  }
  func.func @transform_2(%arg0: i32) -> (i32, i32, i32) {
    %c1_i32 = arith.constant 1 : i32
    %c0_i32 = arith.constant 0 : i32
    %c0_i32_0 = arith.constant 0 : i32
    %c0_i32_1 = arith.constant 0 : i32
    return %c1_i32, %c0_i32, %c0_i32_0 : i32, i32, i32
  }
  func.func @transform_3(%arg0: i32) -> (i32, i32, i32) {
    %c1_i32 = arith.constant 1 : i32
    %c0_i32 = arith.constant 0 : i32
    %c0_i32_0 = arith.constant 0 : i32
    %c0_i32_1 = arith.constant 0 : i32
    return %c1_i32, %c0_i32, %c0_i32_0 : i32, i32, i32
  }
  func.func @transform_4(%arg0: i32) -> (i32, i32, i32) {
    %c1_i32 = arith.constant 1 : i32
    %c0_i32 = arith.constant 0 : i32
    %c0_i32_0 = arith.constant 0 : i32
    %c0_i32_1 = arith.constant 0 : i32
    return %c1_i32, %c0_i32, %c0_i32_0 : i32, i32, i32
  }
  func.func @transform_5(%arg0: i32) -> (i32, i32, i32) {
    %c1_i32 = arith.constant 1 : i32
    %c0_i32 = arith.constant 0 : i32
    %c0_i32_0 = arith.constant 0 : i32
    %c0_i32_1 = arith.constant 0 : i32
    return %c1_i32, %c0_i32, %c0_i32_0 : i32, i32, i32
  }
  func.func @transform_6(%arg0: i32) -> (i32, i32, i32) {
    %c1_i32 = arith.constant 1 : i32
    %c0_i32 = arith.constant 0 : i32
    %c0_i32_0 = arith.constant 0 : i32
    %c0_i32_1 = arith.constant 0 : i32
    return %c1_i32, %c0_i32, %c0_i32_0 : i32, i32, i32
  }
  func.func @transform_7(%arg0: i32) -> (i32, i32) {
    %c0_i32 = arith.constant 0 : i32
    %c0_i32_0 = arith.constant 0 : i32
    return %arg0, %c0_i32 : i32, i32
  }
  func.func @transform_8(%arg0: i32) -> (i32, i32) {
    %c0_i32 = arith.constant 0 : i32
    %c0_i32_0 = arith.constant 0 : i32
    return %arg0, %c0_i32 : i32, i32
  }
}

module attributes {stable_mosaic.version = 14 : i64} {
  func.func @body(%arg0: i32, %arg1: i32, %arg2: memref<512x1024xf32, #tpu.memory_space<vmem>>, %arg3: memref<1x1024x1024xf32, #tpu.memory_space<vmem>>, %arg4: memref<1x1x1024xf32, #tpu.memory_space<vmem>>, %arg5: memref<1x1024x1024xf32, #tpu.memory_space<vmem>>, %arg6: memref<1x1x1024xf32, #tpu.memory_space<vmem>>, %arg7: memref<512x1024xf32, #tpu.memory_space<vmem>>) attributes {dimension_semantics = [#tpu.dimension_semantics<arbitrary>, #tpu.dimension_semantics<arbitrary>], iteration_bounds = array<i64: 8, 2>, scalar_prefetch = 0 : i64, scratch_operands = 0 : i64, tpu.core_type = #tpu.core_type<tc>, window_params = [{transform_indices = @transform_0, window_bounds = array<i64: 512, 1024>}, {transform_indices = @transform_1, window_bounds = array<i64: 1, 1024, 1024>}, {transform_indices = @transform_2, window_bounds = array<i64: 1, 1, 1024>}, {transform_indices = @transform_3, window_bounds = array<i64: 1, 1024, 1024>}, {transform_indices = @transform_4, window_bounds = array<i64: 1, 1, 1024>}, {transform_indices = @transform_5, window_bounds = array<i64: 512, 1024>}]} {
    %get3A = arith.constant 0 : index
    %get3A_0 = arith.constant 0 : index
    %get3A_1 = vector.load %arg2[%get3A, %get3A_0] : memref<512x1024xf32, #tpu.memory_space<vmem>>, vector<512x1024xf32>
    %get3A_2 = arith.constant 0 : index
    %get3A_3 = arith.constant 0 : index
    %get3A_4 = arith.constant 0 : index
    %get3A_5 = vector.load %arg3[%get3A_2, %get3A_3, %get3A_4] : memref<1x1024x1024xf32, #tpu.memory_space<vmem>>, vector<1x1024x1024xf32>
    %get3A_6 = vector.shape_cast %get3A_5 : vector<1x1024x1024xf32> to vector<1024x1024xf32>
    %dot_general3A = arith.constant dense<0.000000e+00> : vector<512x1024xf32>
    %dot_general3A_7 = tpu.matmul %get3A_1, %get3A_6, %dot_general3A {dimension_numbers = #tpu.dot_dimension_numbers<[1], [0], [0], [1], [0, 0, 1, 1], [], []>, transpose_lhs_hint = false} : vector<512x1024xf32>, vector<1024x1024xf32>, vector<512x1024xf32> -> vector<512x1024xf32>
    %get3A_8 = arith.constant 0 : index
    %get3A_9 = arith.constant 0 : index
    %get3A_10 = arith.constant 0 : index
    %get3A_11 = vector.load %arg4[%get3A_8, %get3A_9, %get3A_10] : memref<1x1x1024xf32, #tpu.memory_space<vmem>>, vector<1x1x1024xf32>
    %get3A_12 = vector.shape_cast %get3A_11 : vector<1x1x1024xf32> to vector<1x1024xf32>
    %add3A = vector.broadcast %get3A_12 : vector<1x1024xf32> to vector<512x1024xf32>
    %add3A_13 = arith.addf %dot_general3A_7, %add3A : vector<512x1024xf32>
    %max3A = arith.constant 0.000000e+00 : f32
    %max3A_14 = vector.broadcast %max3A : f32 to vector<512x1024xf32>
    %max3A_15 = arith.maximumf %add3A_13, %max3A_14 : vector<512x1024xf32>
    %get3A_16 = arith.constant 0 : index
    %get3A_17 = arith.constant 0 : index
    %get3A_18 = arith.constant 0 : index
    %get3A_19 = vector.load %arg5[%get3A_16, %get3A_17, %get3A_18] : memref<1x1024x1024xf32, #tpu.memory_space<vmem>>, vector<1x1024x1024xf32>
    %get3A_20 = vector.shape_cast %get3A_19 : vector<1x1024x1024xf32> to vector<1024x1024xf32>
    %dot_general3A_21 = arith.constant dense<0.000000e+00> : vector<512x1024xf32>
    %dot_general3A_22 = tpu.matmul %max3A_15, %get3A_20, %dot_general3A_21 {dimension_numbers = #tpu.dot_dimension_numbers<[1], [0], [0], [1], [0, 0, 1, 1], [], []>, transpose_lhs_hint = false} : vector<512x1024xf32>, vector<1024x1024xf32>, vector<512x1024xf32> -> vector<512x1024xf32>
    %eq3A = arith.constant 0 : i32
    %eq3A_23 = arith.cmpi eq, %arg1, %eq3A : i32
    %convert_element_type3A = arith.extui %eq3A_23 : i1 to i32
    %cond3A = arith.constant 0 : i32
    %cond3A_24 = arith.cmpi ne, %convert_element_type3A, %cond3A : i32
    scf.if %cond3A_24 {
      %get3A_29 = arith.constant 0 : index
      %get3A_30 = arith.constant 0 : index
      %get3A_31 = arith.constant 0 : index
      %get3A_32 = vector.load %arg6[%get3A_29, %get3A_30, %get3A_31] : memref<1x1x1024xf32, #tpu.memory_space<vmem>>, vector<1x1x1024xf32>
      %get3A_33 = vector.shape_cast %get3A_32 : vector<1x1x1024xf32> to vector<1x1024xf32>
      %add3A_34 = vector.broadcast %get3A_33 : vector<1x1024xf32> to vector<512x1024xf32>
      %add3A_35 = arith.addf %dot_general3A_22, %add3A_34 : vector<512x1024xf32>
      %swap3A = arith.constant 0 : index
      %swap3A_36 = arith.constant 0 : index
      %swap3A_37 = vector.load %arg7[%swap3A, %swap3A_36] : memref<512x1024xf32, #tpu.memory_space<vmem>>, vector<512x1024xf32>
      tpu.vector_store %arg7[%swap3A, %swap3A_36], %add3A_35 {strides = array<i32>} : memref<512x1024xf32, #tpu.memory_space<vmem>>, vector<512x1024xf32>,
    } else {
    }
    %gt3A = arith.constant 0 : i32
    %gt3A_25 = arith.cmpi sgt, %arg1, %gt3A : i32
    %convert_element_type3A_26 = arith.extui %gt3A_25 : i1 to i32
    %cond3A_27 = arith.constant 0 : i32
    %cond3A_28 = arith.cmpi ne, %convert_element_type3A_26, %cond3A_27 : i32
    scf.if %cond3A_28 {
      %get3A_29 = arith.constant 0 : index
      %get3A_30 = arith.constant 0 : index
      %get3A_31 = vector.load %arg7[%get3A_29, %get3A_30] : memref<512x1024xf32, #tpu.memory_space<vmem>>, vector<512x1024xf32>
      %add3A_32 = arith.addf %get3A_31, %dot_general3A_22 : vector<512x1024xf32>
      %swap3A = arith.constant 0 : index
      %swap3A_33 = arith.constant 0 : index
      %swap3A_34 = vector.load %arg7[%swap3A, %swap3A_33] : memref<512x1024xf32, #tpu.memory_space<vmem>>, vector<512x1024xf32>
      tpu.vector_store %arg7[%swap3A, %swap3A_33], %add3A_32 {strides = array<i32>} : memref<512x1024xf32, #tpu.memory_space<vmem>>, vector<512x1024xf32>,
    } else {
    }
    return
  }
  func.func @transform_0(%arg0: i32, %arg1: i32) -> (i32, i32) {
    %c0_i32 = arith.constant 0 : i32
    %c0_i32_0 = arith.constant 0 : i32
    return %arg0, %c0_i32 : i32, i32
  }
  func.func @transform_1(%arg0: i32, %arg1: i32) -> (i32, i32, i32) {
    %add3A = arith.constant 8 : i32
    %add3A_0 = arith.addi %add3A, %arg0 : i32
    %c0_i32 = arith.constant 0 : i32
    %c0_i32_1 = arith.constant 0 : i32
    return %add3A_0, %c0_i32, %arg1 : i32, i32, i32
  }
  func.func @transform_2(%arg0: i32, %arg1: i32) -> (i32, i32, i32) {
    %add3A = arith.constant 8 : i32
    %add3A_0 = arith.addi %add3A, %arg0 : i32
    %c0_i32 = arith.constant 0 : i32
    %c0_i32_1 = arith.constant 0 : i32
    return %add3A_0, %c0_i32, %arg1 : i32, i32, i32
  }
  func.func @transform_3(%arg0: i32, %arg1: i32) -> (i32, i32, i32) {
    %add3A = arith.constant 8 : i32
    %add3A_0 = arith.addi %add3A, %arg0 : i32
    %c0_i32 = arith.constant 0 : i32
    %c0_i32_1 = arith.constant 0 : i32
    return %add3A_0, %arg1, %c0_i32 : i32, i32, i32
  }
  func.func @transform_4(%arg0: i32, %arg1: i32) -> (i32, i32, i32) {
    %add3A = arith.constant 8 : i32
    %add3A_0 = arith.addi %add3A, %arg0 : i32
    %c0_i32 = arith.constant 0 : i32
    %c0_i32_1 = arith.constant 0 : i32
    %c0_i32_2 = arith.constant 0 : i32
    return %add3A_0, %c0_i32, %c0_i32_1 : i32, i32, i32
  }
  func.func @transform_5(%arg0: i32, %arg1: i32) -> (i32, i32) {
    %c0_i32 = arith.constant 0 : i32
    %c0_i32_0 = arith.constant 0 : i32
    return %arg0, %c0_i32 : i32, i32
  }
}

module attributes {stable_mosaic.version = 14 : i64} {
  func.func @body(%arg0: i32, %arg1: i32, %arg2: memref<512x1024xf32, #tpu.memory_space<vmem>>, %arg3: memref<512x1024xf32, #tpu.memory_space<vmem>>, %arg4: memref<1x512x1xf32, #tpu.memory_space<vmem>>, %arg5: memref<1x1x1024xf32, #tpu.memory_space<vmem>>, %arg6: memref<1x1x1024xf32, #tpu.memory_space<vmem>>, %arg7: memref<2x1x2048xf32, #tpu.memory_space<vmem>>, %arg8: memref<1024x1000xf32, #tpu.memory_space<vmem>>, %arg9: memref<1x1000xf32, #tpu.memory_space<vmem>>, %arg10: memref<2x1000xf32, #tpu.memory_space<vmem>>, %arg11: memref<2x1024xf32, #tpu.memory_space<vmem>>) attributes {dimension_semantics = [#tpu.dimension_semantics<arbitrary>, #tpu.dimension_semantics<arbitrary>], iteration_bounds = array<i64: 2, 4>, scalar_prefetch = 0 : i64, scratch_operands = 1 : i64, tpu.core_type = #tpu.core_type<tc>, window_params = [{transform_indices = @transform_0, window_bounds = array<i64: 512, 1024>}, {transform_indices = @transform_1, window_bounds = array<i64: 512, 1024>}, {transform_indices = @transform_2, window_bounds = array<i64: 1, 512, 1>}, {transform_indices = @transform_3, window_bounds = array<i64: 1, 1, 1024>}, {transform_indices = @transform_4, window_bounds = array<i64: 1, 1, 1024>}, {pipeline_mode = #tpu.pipeline_mode<synchronous>, transform_indices = @transform_5, window_bounds = array<i64: 2, 1, 2048>}, {pipeline_mode = #tpu.pipeline_mode<synchronous>, transform_indices = @transform_6, window_bounds = array<i64: 1024, 1000>}, {pipeline_mode = #tpu.pipeline_mode<synchronous>, transform_indices = @transform_7, window_bounds = array<i64: 1, 1000>}, {pipeline_mode = #tpu.pipeline_mode<synchronous>, transform_indices = @transform_8, window_bounds = array<i64: 2, 1000>}]} {
    %eq3A = arith.constant 0 : i32
    %eq3A_0 = arith.cmpi eq, %arg0, %eq3A : i32
    %eq3A_1 = arith.constant 0 : i32
    %eq3A_2 = arith.cmpi eq, %arg1, %eq3A_1 : i32
    %and3A = arith.andi %eq3A_0, %eq3A_2 : i1
    %convert_element_type3A = arith.extui %and3A : i1 to i32
    %cond3A = arith.constant 0 : i32
    %cond3A_3 = arith.cmpi ne, %convert_element_type3A, %cond3A : i32
    scf.if %cond3A_3 {
      %broadcast_in_dim3A_68 = arith.constant 0.000000e+00 : f32
      %broadcast_in_dim3A_69 = vector.broadcast %broadcast_in_dim3A_68 : f32 to vector<2x1024xf32>
      %swap3A_70 = arith.constant 0 : index
      %swap3A_71 = arith.constant 0 : index
      %swap3A_72 = vector.load %arg11[%swap3A_70, %swap3A_71] : memref<2x1024xf32, #tpu.memory_space<vmem>>, vector<2x1024xf32>
      tpu.vector_store %arg11[%swap3A_70, %swap3A_71], %broadcast_in_dim3A_69 {strides = array<i32>} : memref<2x1024xf32, #tpu.memory_space<vmem>>, vector<2x1024xf32>,
    } else {
    }
    %get3A = arith.constant 0 : index
    %get3A_4 = arith.constant 0 : index
    %get3A_5 = vector.load %arg2[%get3A, %get3A_4] : memref<512x1024xf32, #tpu.memory_space<vmem>>, vector<512x1024xf32>
    %get3A_6 = arith.constant 0 : index
    %get3A_7 = arith.constant 0 : index
    %get3A_8 = vector.load %arg3[%get3A_6, %get3A_7] : memref<512x1024xf32, #tpu.memory_space<vmem>>, vector<512x1024xf32>
    %get3A_9 = arith.constant 0 : index
    %get3A_10 = arith.constant 0 : index
    %get3A_11 = arith.constant 0 : index
    %get3A_12 = vector.load %arg4[%get3A_9, %get3A_10, %get3A_11] : memref<1x512x1xf32, #tpu.memory_space<vmem>>, vector<1x512x1xf32>
    %get3A_13 = vector.shape_cast %get3A_12 : vector<1x512x1xf32> to vector<512x1xf32>
    %mul3A = vector.broadcast %get3A_13 : vector<512x1xf32> to vector<512x1024xf32>
    %mul3A_14 = arith.mulf %get3A_8, %mul3A : vector<512x1024xf32>
    %add3A = arith.addf %get3A_5, %mul3A_14 : vector<512x1024xf32>
    %reduce_sum3A = arith.constant dense<0.000000e+00> : vector<512xf32>
    %reduce_sum3A_15 = vector.multi_reduction <add>, %add3A, %reduce_sum3A [1] : vector<512x1024xf32> to vector<512xf32>
    %broadcast_in_dim3A = vector.shape_cast %reduce_sum3A_15 : vector<512xf32> to vector<512x1xf32>
    %div3A = arith.constant 1.024000e+03 : f32
    %div3A_16 = vector.broadcast %div3A : f32 to vector<512x1xf32>
    %div3A_17 = arith.divf %broadcast_in_dim3A, %div3A_16 : vector<512x1xf32>
    %sub3A = vector.broadcast %div3A_17 : vector<512x1xf32> to vector<512x1024xf32>
    %sub3A_18 = arith.subf %add3A, %sub3A : vector<512x1024xf32>
    %integer_pow3A = arith.mulf %sub3A_18, %sub3A_18 : vector<512x1024xf32>
    %reduce_sum3A_19 = arith.constant dense<0.000000e+00> : vector<512xf32>
    %reduce_sum3A_20 = vector.multi_reduction <add>, %integer_pow3A, %reduce_sum3A_19 [1] : vector<512x1024xf32> to vector<512xf32>
    %broadcast_in_dim3A_21 = vector.shape_cast %reduce_sum3A_20 : vector<512xf32> to vector<512x1xf32>
    %div3A_22 = arith.constant 1.024000e+03 : f32
    %div3A_23 = vector.broadcast %div3A_22 : f32 to vector<512x1xf32>
    %div3A_24 = arith.divf %broadcast_in_dim3A_21, %div3A_23 : vector<512x1xf32>
    %sub3A_25 = vector.broadcast %div3A_17 : vector<512x1xf32> to vector<512x1024xf32>
    %sub3A_26 = arith.subf %add3A, %sub3A_25 : vector<512x1024xf32>
    %add3A_27 = arith.constant 9.99999974E-6 : f32
    %add3A_28 = vector.broadcast %add3A_27 : f32 to vector<512x1xf32>
    %add3A_29 = arith.addf %div3A_24, %add3A_28 : vector<512x1xf32>
    %sqrt3A = math.sqrt %add3A_29 : vector<512x1xf32>
    %div3A_30 = vector.broadcast %sqrt3A : vector<512x1xf32> to vector<512x1024xf32>
    %div3A_31 = arith.divf %sub3A_26, %div3A_30 : vector<512x1024xf32>
    %get3A_32 = arith.constant 0 : index
    %get3A_33 = arith.constant 0 : index
    %get3A_34 = arith.constant 0 : index
    %get3A_35 = vector.load %arg5[%get3A_32, %get3A_33, %get3A_34] : memref<1x1x1024xf32, #tpu.memory_space<vmem>>, vector<1x1x1024xf32>
    %get3A_36 = vector.shape_cast %get3A_35 : vector<1x1x1024xf32> to vector<1x1024xf32>
    %mul3A_37 = vector.broadcast %get3A_36 : vector<1x1024xf32> to vector<512x1024xf32>
    %mul3A_38 = arith.mulf %div3A_31, %mul3A_37 : vector<512x1024xf32>
    %get3A_39 = arith.constant 0 : index
    %get3A_40 = arith.constant 0 : index
    %get3A_41 = arith.constant 0 : index
    %get3A_42 = vector.load %arg6[%get3A_39, %get3A_40, %get3A_41] : memref<1x1x1024xf32, #tpu.memory_space<vmem>>, vector<1x1x1024xf32>
    %get3A_43 = vector.shape_cast %get3A_42 : vector<1x1x1024xf32> to vector<1x1024xf32>
    %add3A_44 = vector.broadcast %get3A_43 : vector<1x1024xf32> to vector<512x1024xf32>
    %add3A_45 = arith.addf %mul3A_38, %add3A_44 : vector<512x1024xf32>
    %mul3A_46 = arith.constant 512 : i32
    %mul3A_47 = arith.muli %arg1, %mul3A_46 : i32
    %get3A_48 = arith.index_cast %arg0 : i32 to index
    %get3A_49 = arith.constant 0 : index
    %get3A_50 = arith.index_cast %mul3A_47 : i32 to index
    %get3A_51 = vector.load %arg7[%get3A_48, %get3A_49, %get3A_50] : memref<2x1x2048xf32, #tpu.memory_space<vmem>>, vector<1x1x512xf32>
    %get3A_52 = vector.shape_cast %get3A_51 : vector<1x1x512xf32> to vector<1x512xf32>
    %get3A_53 = arith.index_cast %arg0 : i32 to index
    %get3A_54 = arith.constant 0 : index
    %get3A_55 = vector.load %arg11[%get3A_53, %get3A_54] : memref<2x1024xf32, #tpu.memory_space<vmem>>, vector<1x1024xf32>
    %dot_general3A = arith.constant dense<0.000000e+00> : vector<1x1024xf32>
    %dot_general3A_56 = tpu.matmul %get3A_52, %add3A_45, %dot_general3A {dimension_numbers = #tpu.dot_dimension_numbers<[1], [0], [0], [1], [0, 0, 1, 1], [], []>, transpose_lhs_hint = false} : vector<1x512xf32>, vector<512x1024xf32>, vector<1x1024xf32> -> vector<1x1024xf32>
    %add3A_57 = arith.addf %get3A_55, %dot_general3A_56 : vector<1x1024xf32>
    %swap3A = arith.index_cast %arg0 : i32 to index
    %swap3A_58 = arith.constant 0 : index
    %swap3A_59 = vector.load %arg11[%swap3A, %swap3A_58] : memref<2x1024xf32, #tpu.memory_space<vmem>>, vector<1x1024xf32>
    tpu.vector_store %arg11[%swap3A, %swap3A_58], %add3A_57 {strides = array<i32>} : memref<2x1024xf32, #tpu.memory_space<vmem>>, vector<1x1024xf32>,
    %eq3A_60 = arith.constant 1 : i32
    %eq3A_61 = arith.cmpi eq, %arg0, %eq3A_60 : i32
    %eq3A_62 = arith.constant 3 : i32
    %eq3A_63 = arith.cmpi eq, %arg1, %eq3A_62 : i32
    %and3A_64 = arith.andi %eq3A_61, %eq3A_63 : i1
    %convert_element_type3A_65 = arith.extui %and3A_64 : i1 to i32
    %cond3A_66 = arith.constant 0 : i32
    %cond3A_67 = arith.cmpi ne, %convert_element_type3A_65, %cond3A_66 : i32
    scf.if %cond3A_67 {
      %get3A_68 = arith.constant 0 : index
      %get3A_69 = arith.constant 0 : index
      %get3A_70 = arith.constant 0 : index
      %get3A_71 = vector.load %arg7[%get3A_68, %get3A_69, %get3A_70] : memref<2x1x2048xf32, #tpu.memory_space<vmem>>, vector<2x1x2048xf32>
      %squeeze3A = vector.shape_cast %get3A_71 : vector<2x1x2048xf32> to vector<2x2048xf32>
      %reduce_sum3A_72 = arith.constant dense<0.000000e+00> : vector<2xf32>
      %reduce_sum3A_73 = vector.multi_reduction <add>, %squeeze3A, %reduce_sum3A_72 [1] : vector<2x2048xf32> to vector<2xf32>
      %broadcast_in_dim3A_74 = vector.shape_cast %reduce_sum3A_73 : vector<2xf32> to vector<2x1xf32>
      %jit3A = arith.constant 1.000000e+00 : f32
      %max3A = vector.broadcast %jit3A : f32 to vector<2x1xf32>
      %max3A_75 = arith.maximumf %max3A, %broadcast_in_dim3A_74 : vector<2x1xf32>
      %get3A_76 = arith.constant 0 : index
      %get3A_77 = arith.constant 0 : index
      %get3A_78 = vector.load %arg11[%get3A_76, %get3A_77] : memref<2x1024xf32, #tpu.memory_space<vmem>>, vector<2x1024xf32>
      %div3A_79 = vector.broadcast %max3A_75 : vector<2x1xf32> to vector<2x1024xf32>
      %div3A_80 = arith.divf %get3A_78, %div3A_79 : vector<2x1024xf32>
      %get3A_81 = arith.constant 0 : index
      %get3A_82 = arith.constant 0 : index
      %get3A_83 = vector.load %arg8[%get3A_81, %get3A_82] : memref<1024x1000xf32, #tpu.memory_space<vmem>>, vector<1024x1000xf32>
      %dot_general3A_84 = arith.constant dense<0.000000e+00> : vector<2x1000xf32>
      %dot_general3A_85 = tpu.matmul %div3A_80, %get3A_83, %dot_general3A_84 {dimension_numbers = #tpu.dot_dimension_numbers<[1], [0], [0], [1], [0, 0, 1, 1], [], []>, transpose_lhs_hint = false} : vector<2x1024xf32>, vector<1024x1000xf32>, vector<2x1000xf32> -> vector<2x1000xf32>
      %get3A_86 = arith.constant 0 : index
      %get3A_87 = arith.constant 0 : index
      %get3A_88 = vector.load %arg9[%get3A_86, %get3A_87] : memref<1x1000xf32, #tpu.memory_space<vmem>>, vector<1x1000xf32>
      %add3A_89 = vector.broadcast %get3A_88 : vector<1x1000xf32> to vector<2x1000xf32>
      %add3A_90 = arith.addf %dot_general3A_85, %add3A_89 : vector<2x1000xf32>
      %swap3A_91 = arith.constant 0 : index
      %swap3A_92 = arith.constant 0 : index
      %swap3A_93 = vector.load %arg10[%swap3A_91, %swap3A_92] : memref<2x1000xf32, #tpu.memory_space<vmem>>, vector<2x1000xf32>
      tpu.vector_store %arg10[%swap3A_91, %swap3A_92], %add3A_90 {strides = array<i32>} : memref<2x1000xf32, #tpu.memory_space<vmem>>, vector<2x1000xf32>,
    } else {
    }
    return
  }
  func.func @transform_0(%arg0: i32, %arg1: i32) -> (i32, i32) {
    %mul3A = arith.constant 4 : i32
    %mul3A_0 = arith.muli %arg0, %mul3A : i32
    %add3A = arith.addi %mul3A_0, %arg1 : i32
    %c0_i32 = arith.constant 0 : i32
    %c0_i32_1 = arith.constant 0 : i32
    return %add3A, %c0_i32 : i32, i32
  }
  func.func @transform_1(%arg0: i32, %arg1: i32) -> (i32, i32) {
    %mul3A = arith.constant 4 : i32
    %mul3A_0 = arith.muli %arg0, %mul3A : i32
    %add3A = arith.addi %mul3A_0, %arg1 : i32
    %c0_i32 = arith.constant 0 : i32
    %c0_i32_1 = arith.constant 0 : i32
    return %add3A, %c0_i32 : i32, i32
  }
  func.func @transform_2(%arg0: i32, %arg1: i32) -> (i32, i32, i32) {
    %mul3A = arith.constant 4 : i32
    %mul3A_0 = arith.muli %arg0, %mul3A : i32
    %add3A = arith.addi %mul3A_0, %arg1 : i32
    %c0_i32 = arith.constant 0 : i32
    %c0_i32_1 = arith.constant 0 : i32
    %c0_i32_2 = arith.constant 0 : i32
    return %add3A, %c0_i32, %c0_i32_1 : i32, i32, i32
  }
  func.func @transform_3(%arg0: i32, %arg1: i32) -> (i32, i32, i32) {
    %c1_i32 = arith.constant 1 : i32
    %c0_i32 = arith.constant 0 : i32
    %c0_i32_0 = arith.constant 0 : i32
    %c0_i32_1 = arith.constant 0 : i32
    return %c1_i32, %c0_i32, %c0_i32_0 : i32, i32, i32
  }
  func.func @transform_4(%arg0: i32, %arg1: i32) -> (i32, i32, i32) {
    %c1_i32 = arith.constant 1 : i32
    %c0_i32 = arith.constant 0 : i32
    %c0_i32_0 = arith.constant 0 : i32
    %c0_i32_1 = arith.constant 0 : i32
    return %c1_i32, %c0_i32, %c0_i32_0 : i32, i32, i32
  }
  func.func @transform_5(%arg0: i32, %arg1: i32) -> (i32, i32, i32) {
    %c0_i32 = arith.constant 0 : i32
    %c0_i32_0 = arith.constant 0 : i32
    %c0_i32_1 = arith.constant 0 : i32
    %c0_i32_2 = arith.constant 0 : i32
    return %c0_i32, %c0_i32_0, %c0_i32_1 : i32, i32, i32
  }
  func.func @transform_6(%arg0: i32, %arg1: i32) -> (i32, i32) {
    %c0_i32 = arith.constant 0 : i32
    %c0_i32_0 = arith.constant 0 : i32
    %c0_i32_1 = arith.constant 0 : i32
    return %c0_i32, %c0_i32_0 : i32, i32
  }
  func.func @transform_7(%arg0: i32, %arg1: i32) -> (i32, i32) {
    %c0_i32 = arith.constant 0 : i32
    %c0_i32_0 = arith.constant 0 : i32
    %c0_i32_1 = arith.constant 0 : i32
    return %c0_i32, %c0_i32_0 : i32, i32
  }
  func.func @transform_8(%arg0: i32, %arg1: i32) -> (i32, i32) {
    %c0_i32 = arith.constant 0 : i32
    %c0_i32_0 = arith.constant 0 : i32
    %c0_i32_1 = arith.constant 0 : i32
    return %c0_i32, %c0_i32_0 : i32, i32
  }
}

</mosaic_0001>

<sc_bundles>
// kernel: kernel.18.cloned.1.call-start
scs
__scs_entry_jumppad:
0x0: {  	(pc) =	sbr.rel $0x88, $3  }
0x1: {  	(tag) =	ssettag $0x0;
	lr =	simm.s32 $0x1  }
0x2: {  	[smem:$0x3F8A] =	sst lr;
	_ =	strace $0xD0000000  }
0x3: {  	_ = 	snop  }
0x4: {  	_ = 	snop  }
0x5: {  	_ = 	snop  }
0x6: {  	_ = 	snop  }
0x7: {  	_ = 	snop  }
__scs_overlays_trampoline_lowered:
0x8: {  	[smem:$0x3F99] =	sst s0  }
0x9: {  	[smem:$0x3F9A] =	sst s1  }
0xa: {  	[smem:$0x3F9B] =	sst s2  }
0xb: {  	[smem:$0x3F9C] =	sst s3  }
0xc: {  	[smem:$0x3F9D] =	sst s4  }
0xd: {  	[smem:$0x3F9E] =	sst s5  }
0xe: {  	[smem:$0x3F9F] =	sst s6  }
0xf: {  	[smem:$0x3FA0] =	sst s7  }
0x10: {  	[smem:$0x3FA1] =	sst s8  }
0x11: {  	[smem:$0x3FA2] =	sst s9;
	s0 =	simm.s32 @!p0 $0x0  }
0x12: {  	s1 =	sld [smem:$0x3F88];
	s0 =	simm.s32 @p0 $0x1  }
0x13: {  	[smem:$0x3FA3] =	sst s0;
	s0 =	simm.s32 @!p1 $0x0  }
0x14: {  	s2 =	sld [smem:$0x3F87];
	s0 =	simm.s32 @p1 $0x1  }
0x15: {  	[smem:$0x3FA4] =	sst s0;
	s0 =	simm.s32 @!p2 $0x0  }
0x16: {  	s3 =	sld [smem:$0x3FDB];
	s0 =	simm.s32 @p2 $0x1  }
0x17: {  	s4 =	simm.s32 $0x1BF5;
	[smem:$0x3FA6] =	sst s0  }
0x18: {  	s0 =	sld [smem:$0x3F89];
	_ =	swait.ge [sflag:s4], $0x0  }
0x19: {  	s7 =	sld [smem:$0x3F8A]  }
0x1a: {  	s8 =	sadd.s32 $0xFFFFE003, lr  }
0x1b: {  	s9 =	sadd.s32 $0xFFFFFEF7, lr;
	s5 =	simm.s32 $0xFFFFFFFF;
	p2 =	slt.u32 s8, $0xFFFFF086  }
0x1c: {  	p1 =	slt.u32 s9, $0xF7A;
	s5 =	simm.s32 @!p2 $0x0  }
0x1d: {  	s5 =	simm.s32 @p1 $0x1;
	p0 =	seq.s32 s7, s2  }
0x1e: {  	s7 =	smul.u32 @!p0 $0xF7A, s2;
	p2 =	seq.s32 @!p0 s5, $0x0  }
0x1f: {  	s9 =	smul.u32 $0xF7A, s1;
	s8 =	simm.s32 @!p0 $0x1BF5;
	p2 =	por !p2, p0  }
0x20: {  	[sflag:s8] =	ssyncset.s32 @!p0 $0xFFFFF086;
	s6 =	sadd.s32 @!p0 s3, s7;
	s7 =	simm.s32 @!p0 $0x108  }
0x21: {  	s3 =	sadd.s32 s3, s9;
	s6 =	sadd.s32 @!p0 $0x88, s6;
	s7 =	simm.s32 @p2 $0x1082  }
0x22: {  	[simem:s7], [sflag:s8] =	dma.local @!p0 [hbm:s6], $0xF7A  }
0x23: {  	s9 =	sor.u32 $0xD0000000, s2;
	s6 =	simm.s32 $0x108;
	_ =	swait.ge @!p0 [sflag:s8], $0x0  }
0x24: {  	s3 =	sadd.s32 $0x88, s3;
	s6 =	simm.s32 @!p1 $0x1082;
	[sflag:s4] =	ssyncset.s32 $0xFFFFF086  }
0x25: {  	[simem:s6], [sflag:s4] =	dma.local [hbm:s3], $0xF7A  }
0x26: {  	[smem:$0x3F8A] =	sst s1;
	(tag) =	ssettag s2;
	_ =	strace s9  }
0x27: {  	s1 =	sld [smem:$0x3F9A]  }
0x28: {  	s2 =	sld [smem:$0x3F9B]  }
0x29: {  	s4 =	sld [smem:$0x3F9D]  }
0x2a: {  	p0 =	seq.s32 s5, $0x0;
	s5 =	sld [smem:$0x3F9E]  }
0x2b: {  	s6 =	sld [smem:$0x3F9F]  }
0x2c: {  	s7 =	sld [smem:$0x3FA0]  }
0x2d: {  	s3 =	simm.s32 $0x108;
	s8 =	sld [smem:$0x3FA1]  }
0x2e: {  	s3 =	simm.s32 @!p0 $0x1082;
	s9 =	sld [smem:$0x3FA2]  }
0x2f: {  	lr =	sadd.s32 s0, s3;
	s0 =	sld [smem:$0x3F99]  }
0x30: {  	s3 =	sld [smem:$0x3F9C]  }
0x31: {  	[smem:$0x3FA5] =	sst s10  }
0x32: {  	s10 =	sld [smem:$0x3FA3];
	_ =	sdelay $0x3  }
0x33: {  	p0 =	seq.s32 s10, $0x1;
	s10 =	sld [smem:$0x3FA5];
	_ =	sdelay $0x3  }
0x34: {  	[smem:$0x3FA5] =	sst s10  }
0x35: {  	s10 =	sld [smem:$0x3FA4];
	_ =	sdelay $0x3  }
0x36: {  	p1 =	seq.s32 s10, $0x1;
	s10 =	sld [smem:$0x3FA5];
	_ =	sdelay $0x3  }
0x37: {  	[smem:$0x3FA5] =	sst s10  }
0x38: {  	s10 =	sld [smem:$0x3FA6]  }
0x39: {  	_ = 	snop;
	(pc) =	sbr.ind lr, $3  }
0x3a: {  	_ = 	snop  }
0x3b: {  	_ = 	snop  }
0x3c: {  	p2 =	seq.s32 s10, $0x1;
	s10 =	sld [smem:$0x3FA5]  }
0x3d: {  	_ =	shalt  }
0x3e: {  	_ =	shalt  }
0x3f: {  	_ =	shalt  }
0x40: {  	_ =	shalt  }
0x41: {  	_ =	shalt  }
0x42: {  	_ =	shalt  }
0x43: {  	_ =	shalt  }
0x44: {  	_ =	shalt  }
0x45: {  	_ =	shalt  }
0x46: {  	_ =	shalt  }
0x47: {  	_ =	shalt  }
0x48: {  	_ =	shalt  }
0x49: {  	_ =	shalt  }
0x4a: {  	_ =	shalt  }
0x4b: {  	_ =	shalt  }
0x4c: {  	_ =	shalt  }
0x4d: {  	_ =	shalt  }
0x4e: {  	_ =	shalt  }
0x4f: {  	_ =	shalt  }
0x50: {  	_ =	shalt  }
0x51: {  	_ =	shalt  }
0x52: {  	_ =	shalt  }
0x53: {  	_ =	shalt  }
0x54: {  	_ =	shalt  }
0x55: {  	_ =	shalt  }
0x56: {  	_ =	shalt  }
0x57: {  	_ =	shalt  }
0x58: {  	_ =	shalt  }
0x59: {  	_ =	shalt  }
0x5a: {  	_ =	shalt  }
0x5b: {  	_ =	shalt  }
0x5c: {  	_ =	shalt  }
0x5d: {  	_ =	shalt  }
0x5e: {  	_ =	shalt  }
0x5f: {  	_ =	shalt  }
0x60: {  	_ =	shalt  }
0x61: {  	_ =	shalt  }
0x62: {  	_ =	shalt  }
0x63: {  	_ =	shalt  }
0x64: {  	_ =	shalt  }
0x65: {  	_ =	shalt  }
0x66: {  	_ =	shalt  }
0x67: {  	_ =	shalt  }
0x68: {  	_ =	shalt  }
0x69: {  	_ =	shalt  }
0x6a: {  	_ =	shalt  }
0x6b: {  	_ =	shalt  }
0x6c: {  	_ =	shalt  }
0x6d: {  	_ =	shalt  }
0x6e: {  	_ =	shalt  }
0x6f: {  	_ =	shalt  }
0x70: {  	_ =	shalt  }
0x71: {  	_ =	shalt  }
0x72: {  	_ =	shalt  }
0x73: {  	_ =	shalt  }
0x74: {  	_ =	shalt  }
0x75: {  	_ =	shalt  }
0x76: {  	_ =	shalt  }
0x77: {  	_ =	shalt  }
0x78: {  	_ =	shalt  }
0x79: {  	_ =	shalt  }
0x7a: {  	_ =	shalt  }
0x7b: {  	_ =	shalt  }
0x7c: {  	_ =	shalt  }
0x7d: {  	_ =	shalt  }
0x7e: {  	_ =	shalt  }
0x7f: {  	_ =	shalt  }
0x80: {  	_ =	shalt  }
0x81: {  	_ =	shalt  }
0x82: {  	_ =	shalt  }
0x83: {  	_ =	shalt  }
0x84: {  	_ =	shalt  }
0x85: {  	_ =	shalt  }
0x86: {  	_ =	shalt  }
0x87: {  	_ =	shalt  }
.Lfunc_end0:
.L_simem_size_0:
called_computation_lowered:
.L_overlay_start_0:
0x88: {  	s2 =	sld [smem:$0x3FD9]  }
0x89: {  	s3 =	sld [smem:$0x3FFE];
	_ =	sdelay $0x1  }
0x8a: {  	s1 =	srdreg.scid  }
0x8b: {  	s0 =	sand.u32 $0x1, s1  }
0x8c: {  	s17 =	sshll.u32 s0, $0xA;
	s2 =	sadd.s32 s3, s2  }
0x8d: {  	s2 =	sadd.s32 s2, s17  }
0x8e: {  	[smem:$0x3FB1] =	sst s2  }
0x8f: {  	_ = 	snop  }
0x90: {  	s2 =	sld [smem:$0x3FC7];
	(tm) =	ssettm $0x1  }
0x91: {  	s18 =	sld [smem:$0x3FFB];
	_ =	sdelay $0x3  }
0x92: {  	_ =	strace s18  }
0x93: {  	s3 =	sld [smem:$0x3FFC];
	_ =	sdelay $0x3  }
0x94: {  	_ =	strace s3  }
0x95: {  	s3 =	sld [smem:$0x3FFD];
	_ =	sdelay $0x3  }
0x96: {  	_ =	strace s3  }
0x97: {  	_ =	strace $0x8FFFFFFF  }
0x98: {  	s19 =	sld [smem:$0x3FDB];
	_ =	sdelay $0x1  }
0x99: {  	s4 =	simm.s32 $_scs_section_size  }
0x9a: {  	s5 =	simm.s32 $_size__tile_overlayer_lowered;
	s6 =	simm.s32 $_tile_overlayer_lowered  }
0x9b: {  	s22 =	simm.s32 $0x1BFF;
	s21 =	sshll.u32 s6, $0x1;
	s3 =	sadd.s32 s4, s19  }
0x9c: {  	s7 =	simm.s32 $0x0;
	s20 =	sshll.u32 s5, $0x1;
	s5 =	sadd.s32 s21, s3  }
0x9d: {  	[timem:s7], [sflag:s22] =	dma.local [hbm:s5], s20  }
0x9e: {  	_ =	swait.ge [sflag:s22], s20  }
0x9f: {  	s4 =	ssub.s32 $0x0, s20;
	[sflag:s22] =	ssyncset.done $0x0  }
0xa0: {  	[sflag:s22] =	ssyncadd.s32 s4;
	_ =	sdelay $0x1  }
0xa1: {  	s23 =	simm.s32 $0x1B8B  }
0xa2: {  	_ =	swait.ge [sflag:s23], $0x1  }
0xa3: {  	[sflag:s23] =	ssyncset.done $0x0  }
0xa4: {  	s25 =	simm.s32 $0x1B8E;
	s24 =	sld [smem:$0x3FFE];
	[sflag:s23] =	ssyncadd.s32 $0xFFFFFFFF  }
0xa5: {  	s26 =	simm.s32 $execute0_lowered;
	[smem:$0x3FD2] =	sst s25  }
0xa6: {  	s5 =	sshll.u32 s26, $0x1;
	_ =	strace $0x80000046;
	[dreg:$0x1] =	wrdreg $0xFFFFFFFF  }
0xa7: {  	s28 =	simm.s32 $_size_execute0_lowered;
	s3 =	sadd.s32 s3, s5;
	[dreg:$0x0] =	wrdreg $0x0  }
0xa8: {  	s5 =	sshll.u32 s28, $0x1;
	[dreg:$0x2] =	wrdreg s3  }
0xa9: {  	[dreg:$0x3] =	wrdreg s5  }
0xaa: {  	[dreg:$0x4] =	wrdreg $0xC0  }
0xab: {  	_ =	task [dreg:s7], $0x5FFFF  }
0xac: {  	[dreg:$0x1] =	wrdreg $0xFFFFFFFF  }
0xad: {  	[dreg:$0x0] =	wrdreg $0x60  }
0xae: {  	[dreg:$0x2] =	wrdreg s2  }
0xaf: {  	[dreg:$0x3] =	wrdreg s24  }
0xb0: {  	[dreg:$0x4] =	wrdreg $0x9  }
0xb1: {  	_ =	task.clear_ibuf [dreg:s7], $0x5FFFF;
	_ =	strace $0x90000046  }
0xb2: {  	s29 =	simm.s32 $0x9;
	_ =	strace $0x80000048  }
0xb3: {  	_ =	swait.ge [sflag:s29], $0x1  }
0xb4: {  	[sflag:s29] =	ssyncadd.s32 $0xFFFFFFFF  }
0xb5: {  	_ =	strace $0x90000048  }
0xb6: {  	_ =	sfence  }
0xb7: {  	s30 =	sld [smem:$0x0];
	_ =	sdelay $0x2  }
0xb8: {  	s31 =	sshll.u32 s1, $0xD;
	s1 =	sshrl.u32 s1, $0x2  }
0xb9: {  	s3 =	sand.u32 $0x4000, s31;
	s1 =	sadd.s32 s1, s30  }
0xba: {  	s0 =	sor.u32 s3, s0;
	s1 =	sshll.u32 s1, $0x11  }
0xbb: {  	s0 =	sor.u32 s1, s0  }
0xbc: {  	s0 =	sadd.s32 $0x8F2B, s0  }
0xbd: {  	[sflag:s0] =	ssyncadd.remote.s32 $0x1  }
0xbe: {  	_ =	sfence.sel $0xFFFF  }
0xbf: {  	[dreg:$0x0] =	wrdreg $0xFFFFFFFF;
	(pc) =	sbr.abs _section_cstart, $3  }
0xc0: {  	[dreg:$0x1] =	wrdreg $0xFFFFFFFF  }
0xc1: {  	_ =	task.clear_ibuf [dreg:s7], $0x2FFFF;
	_ =	strace $0x9FFFFFFF  }
0xc2: {  	(tm) =	ssettm $0x7FFFFFFF  }
0xc3: {  	_ =	shalt  }
tec
execute0_lowered:
.L_overlay_start_1:
0x0: {  	(tag) =	ssettag $0x1  }
0x1: {  	s1 =	rddreg [dreg:$0x0]  }
0x2: {  	s0 =	rddreg [dreg:$0x1];
	s3 =	simm.s32 $0x0;
	s2 =	srdreg.scid  }
0x3: {  	s4 =	stileid.u32;
	s28 =	simm.s32 $0x1900;
	s29 =	simm.s32 $0x2100  }
0x4: {  	s30 =	simm.s32 $0x2900;
	s31 =	simm.s32 $0x3100;
	s10 =	simm.s32 $0x4900  }
0x5: {  	s11 =	simm.s32 $0x5100;
	s12 =	simm.s32 $0x5900;
	s13 =	simm.s32 $0x6100  }
0x6: {  	s14 =	simm.s32 $0x6900;
	s15 =	simm.s32 $0x7100;
	[smem:$0x7FF] =	sst s3  }
0x7: {  	s2 =	sand.u32 $0x1, s2;
	s4 =	sshll.u32 s4, $0x8;
	s6 =	sadd.s32 $0x8200, s0  }
0x8: {  	s0 =	sadd.s32 $0x8400, s0;
	s5 =	sshll.u32 s2, $0x7;
	s2 =	ssub.s32 $0x2, s2  }
0x9: {  	_ =	strace $0x80000047;
	s4 =	sor.u32 s5, s4;
	s8 =	sshrl.u32 s2, $0x1  }
0xa: {  	s5 =	sshrl.u32 s4, $0x3;
	s7 =	sor.u32 $0x20, s4;
	s17 =	sshll.u32 s4, $0x7  }
0xb: {  	s19 =	sor.u32 $0x40, s4;
	s2 =	ssub.s32 s2, s8;
	s4 =	sor.u32 $0x60, s4  }
0xc: {  	s8 =	simm.s32 $0x5;
	s5 =	sadd.s32 s6, s5;
	s9 =	sshrl.u32 s7, $0x3  }
0xd: {  	s18 =	sadd.s32 s0, s17;
	s20 =	sshrl.u32 s19, $0x3;
	s7 =	sshll.u32 s7, $0x7  }
0xe: {  	s22 =	sshrl.u32 s4, $0x3;
	s24 =	sshll.u32 s19, $0x7;
	s26 =	sshll.u32 s4, $0x7  }
0xf: {  	s4 =	sadd.s32 $0x100, s1;
	s17 =	simm.s32 $0x80;
	[dreg:$0x3] =	wrdreg s5  }
0x10: {  	s19 =	simm.s32 $0x8100;
	s16 =	sadd.s32 s6, s9;
	[dreg:$0x5] =	wrdreg s18  }
0x11: {  	s5 =	sadd.s32 s6, s20;
	s21 =	sadd.s32 s0, s7;
	s23 =	sadd.s32 s6, s22  }
0x12: {  	s25 =	sadd.s32 s0, s24;
	s0 =	sadd.s32 s0, s26;
	[dreg:$0x4] =	wrdreg s16  }
0x13: {  	s6 =	sadd.s32 $0x300, s1;
	s7 =	smax.u32 s2, $0x1;
	[dreg:$0x6] =	wrdreg s5  }
0x14: {  	s9 =	simm.s32 $0x1;
	s20 =	simm.s32 $0x3;
	[dreg:$0x7] =	wrdreg s21  }
0x15: {  	s22 =	simm.s32 $0x4;
	s26 =	simm.s32 $0x100;
	[dreg:$0x8] =	wrdreg s23  }
0x16: {  	v2 =	vlaneseq.u32;
	s24 =	simm.s32 $0x900;
	s2 =	simm.s32 $0x4100;
	[dreg:$0x9] =	wrdreg s25  }
0x17: {  	vm0 =	vmmov $0xffff;
	v1 =	vshrl.u32 v2, $0x3;
	s18 =	simm.s32 $0x8900;
	s5 =	sadd.s32 $0x200, s1;
	[dreg:$0xa] =	wrdreg s0  }
0x18: {  	v0 =	vand.u32 $0x7, v2;
	v2 =	vor.u32 $0x8, v2;
	v1 =	vmul.u32 $0x8, v1;
	s21 =	simm.s32 $0x2;
	s25 =	simm.s32 $0x1100;
	s16 =	simm.s32 $0x7900  }
.LBB2_1:
0x19: {  	s23 =	rddreg [dreg:$0x3]  }
0x1a: {  	[tilespmem:s3], [sflag:$0x5] =	stream.linear.gather [hbm4b:s23+s3], $0x20, $0x38;
	[tilespmem:$0x10100] =	vst v63  }
0x1b: {  	_ =	swait.ge [sflag:s8], $0x20  }
0x1c: {  	[sflag:s8] =	ssyncset.done $0x0  }
0x1d: {  	[sflag:s8] =	ssyncadd.s32 $0xFFFFFFE0  }
0x1e: {  	v3 =	vld [tilespmem:$0x0];
	_ =	sdelay $0x4  }
0x1f: {  	v4 =	vshll.u32 v3, $0x3  }
0x20: {  	v3 =	vand.u32 $0x7, v3;
	v4 =	vand.u32 $0xFFFFFFC0, v4  }
0x21: {  	v3 =	vor.u32 v3, v4  }
0x22: {  	v4 =	vperm.xlane v3, v0;
	_ =	sdelay $0x1  }
0x23: {  	v4 =	vadd.s32 v1, v4;
	_ =	sdelay $0x4  }
0x24: {  	[tilespmem:s26], [sflag:$0x1] =	stream.indirect_vreg.gather [hbm4b:s1+s3], $0x80, v4, vm0, $0xb8;
	[tilespmem:$0x10100] =	vst v63  }
0x25: {  	v3 =	vperm.xlane v3, v2  }
0x26: {  	[tilespmem:s24], [sflag:$0x1] =	stream.indirect_vreg.gather [hbm4b:s4+s3], $0x80, v4, vm0, $0xb8;
	[tilespmem:$0x10100] =	vst v63  }
0x27: {  	v3 =	vadd.s32 v1, v3  }
0x28: {  	[tilespmem:s25], [sflag:$0x1] =	stream.indirect_vreg.gather [hbm4b:s5+s3], $0x80, v4, vm0, $0xb8;
	[tilespmem:$0x10100] =	vst v63  }
0x29: {  	_ = 	snop  }
0x2a: {  	[tilespmem:s28], [sflag:$0x1] =	stream.indirect_vreg.gather [hbm4b:s6+s3], $0x80, v4, vm0, $0xb8;
	[tilespmem:$0x10100] =	vst v63  }
0x2b: {  	_ = 	snop  }
0x2c: {  	[tilespmem:s29], [sflag:$0x1] =	stream.indirect_vreg.gather [hbm4b:s1+s3], $0x80, v3, vm0, $0xb8;
	[tilespmem:$0x10100] =	vst v63  }
0x2d: {  	_ = 	snop  }
0x2e: {  	[tilespmem:s30], [sflag:$0x1] =	stream.indirect_vreg.gather [hbm4b:s4+s3], $0x80, v3, vm0, $0xb8;
	[tilespmem:$0x10100] =	vst v63  }
0x2f: {  	_ = 	snop  }
0x30: {  	[tilespmem:s31], [sflag:$0x1] =	stream.indirect_vreg.gather [hbm4b:s5+s3], $0x80, v3, vm0, $0xb8;
	[tilespmem:$0x10100] =	vst v63  }
0x31: {  	s0 =	simm.s32 $0x3900  }
0x32: {  	[tilespmem:s0], [sflag:$0x1] =	stream.indirect_vreg.gather [hbm4b:s6+s3], $0x80, v3, vm0, $0xb8;
	[tilespmem:$0x10100] =	vst v63  }
0x33: {  	v3 =	vld [tilespmem:$0x10];
	_ =	sdelay $0x4  }
0x34: {  	v57 =	vshll.u32 v3, $0x3  }
0x35: {  	v3 =	vand.u32 $0x7, v3;
	v4 =	vand.u32 $0xFFFFFFC0, v57  }
0x36: {  	v3 =	vor.u32 v3, v4  }
0x37: {  	v4 =	vperm.xlane v3, v0;
	_ =	sdelay $0x1  }
0x38: {  	v4 =	vadd.s32 v1, v4;
	_ =	sdelay $0x4  }
0x39: {  	[tilespmem:s2], [sflag:$0x1] =	stream.indirect_vreg.gather [hbm4b:s1+s3], $0x80, v4, vm0, $0xb8;
	[tilespmem:$0x10100] =	vst v63  }
0x3a: {  	v3 =	vperm.xlane v3, v2  }
0x3b: {  	[tilespmem:s10], [sflag:$0x1] =	stream.indirect_vreg.gather [hbm4b:s4+s3], $0x80, v4, vm0, $0xb8;
	[tilespmem:$0x10100] =	vst v63  }
0x3c: {  	v3 =	vadd.s32 v1, v3  }
0x3d: {  	[tilespmem:s11], [sflag:$0x1] =	stream.indirect_vreg.gather [hbm4b:s5+s3], $0x80, v4, vm0, $0xb8;
	[tilespmem:$0x10100] =	vst v63  }
0x3e: {  	_ = 	snop  }
0x3f: {  	[tilespmem:s12], [sflag:$0x1] =	stream.indirect_vreg.gather [hbm4b:s6+s3], $0x80, v4, vm0, $0xb8;
	[tilespmem:$0x10100] =	vst v63  }
0x40: {  	_ = 	snop  }
0x41: {  	[tilespmem:s13], [sflag:$0x1] =	stream.indirect_vreg.gather [hbm4b:s1+s3], $0x80, v3, vm0, $0xb8;
	[tilespmem:$0x10100] =	vst v63  }
0x42: {  	_ = 	snop  }
0x43: {  	[tilespmem:s14], [sflag:$0x1] =	stream.indirect_vreg.gather [hbm4b:s4+s3], $0x80, v3, vm0, $0xb8;
	[tilespmem:$0x10100] =	vst v63  }
0x44: {  	_ = 	snop  }
0x45: {  	[tilespmem:s15], [sflag:$0x1] =	stream.indirect_vreg.gather [hbm4b:s5+s3], $0x80, v3, vm0, $0xb8;
	[tilespmem:$0x10100] =	vst v63  }
0x46: {  	_ = 	snop  }
0x47: {  	[tilespmem:s16], [sflag:$0x1] =	stream.indirect_vreg.gather [hbm4b:s6+s3], $0x80, v3, vm0, $0xb8;
	[tilespmem:$0x10100] =	vst v63  }
0x48: {  	s23 =	rddreg [dreg:$0x4]  }
0x49: {  	[tilespmem:s17], [sflag:$0x5] =	stream.linear.gather [hbm4b:s23+s3], $0x20, $0x38;
	[tilespmem:$0x10100] =	vst v63  }
0x4a: {  	_ =	swait.ge [sflag:s8], $0x20  }
0x4b: {  	[sflag:s8] =	ssyncset.done $0x0  }
0x4c: {  	[sflag:s8] =	ssyncadd.s32 $0xFFFFFFE0  }
0x4d: {  	v3 =	vld [tilespmem:$0x80];
	_ =	sdelay $0x4  }
0x4e: {  	v58 =	vshll.u32 v3, $0x3  }
0x4f: {  	v3 =	vand.u32 $0x7, v3;
	v4 =	vand.u32 $0xFFFFFFC0, v58  }
0x50: {  	v3 =	vor.u32 v3, v4  }
0x51: {  	v4 =	vperm.xlane v3, v0;
	_ =	sdelay $0x1  }
0x52: {  	v4 =	vadd.s32 v1, v4;
	_ =	sdelay $0x4  }
0x53: {  	[tilespmem:s19], [sflag:$0x2] =	stream.indirect_vreg.gather [hbm4b:s1+s3], $0x80, v4, vm0, $0xb8;
	[tilespmem:$0x10100] =	vst v63  }
0x54: {  	v3 =	vperm.xlane v3, v2  }
0x55: {  	[tilespmem:s18], [sflag:$0x2] =	stream.indirect_vreg.gather [hbm4b:s4+s3], $0x80, v4, vm0, $0xb8;
	[tilespmem:$0x10100] =	vst v63  }
0x56: {  	s23 =	simm.s32 $0x9100;
	v3 =	vadd.s32 v1, v3  }
0x57: {  	[tilespmem:s23], [sflag:$0x2] =	stream.indirect_vreg.gather [hbm4b:s5+s3], $0x80, v4, vm0, $0xb8;
	[tilespmem:$0x10100] =	vst v63  }
0x58: {  	s23 =	simm.s32 $0x9900  }
0x59: {  	[tilespmem:s23], [sflag:$0x2] =	stream.indirect_vreg.gather [hbm4b:s6+s3], $0x80, v4, vm0, $0xb8;
	[tilespmem:$0x10100] =	vst v63  }
0x5a: {  	s23 =	simm.s32 $0xA100  }
0x5b: {  	[tilespmem:s23], [sflag:$0x2] =	stream.indirect_vreg.gather [hbm4b:s1+s3], $0x80, v3, vm0, $0xb8;
	[tilespmem:$0x10100] =	vst v63  }
0x5c: {  	s23 =	simm.s32 $0xA900  }
0x5d: {  	[tilespmem:s23], [sflag:$0x2] =	stream.indirect_vreg.gather [hbm4b:s4+s3], $0x80, v3, vm0, $0xb8;
	[tilespmem:$0x10100] =	vst v63  }
0x5e: {  	s23 =	simm.s32 $0xB100  }
0x5f: {  	[tilespmem:s23], [sflag:$0x2] =	stream.indirect_vreg.gather [hbm4b:s5+s3], $0x80, v3, vm0, $0xb8;
	[tilespmem:$0x10100] =	vst v63  }
0x60: {  	s23 =	simm.s32 $0xB900  }
0x61: {  	[tilespmem:s23], [sflag:$0x2] =	stream.indirect_vreg.gather [hbm4b:s6+s3], $0x80, v3, vm0, $0xb8;
	[tilespmem:$0x10100] =	vst v63  }
0x62: {  	v3 =	vld [tilespmem:$0x90];
	_ =	sdelay $0x4  }
0x63: {  	v59 =	vshll.u32 v3, $0x3  }
0x64: {  	v3 =	vand.u32 $0x7, v3;
	v4 =	vand.u32 $0xFFFFFFC0, v59  }
0x65: {  	v3 =	vor.u32 v3, v4  }
0x66: {  	v4 =	vperm.xlane v3, v0;
	_ =	sdelay $0x1  }
0x67: {  	v4 =	vadd.s32 v1, v4;
	_ =	sdelay $0x3  }
0x68: {  	s23 =	simm.s32 $0xC100  }
0x69: {  	[tilespmem:s23], [sflag:$0x2] =	stream.indirect_vreg.gather [hbm4b:s1+s3], $0x80, v4, vm0, $0xb8;
	[tilespmem:$0x10100] =	vst v63  }
0x6a: {  	v3 =	vperm.xlane v3, v2;
	s23 =	simm.s32 $0xC900  }
0x6b: {  	[tilespmem:s23], [sflag:$0x2] =	stream.indirect_vreg.gather [hbm4b:s4+s3], $0x80, v4, vm0, $0xb8;
	[tilespmem:$0x10100] =	vst v63  }
0x6c: {  	v3 =	vadd.s32 v1, v3;
	s23 =	simm.s32 $0xD100  }
0x6d: {  	[tilespmem:s23], [sflag:$0x2] =	stream.indirect_vreg.gather [hbm4b:s5+s3], $0x80, v4, vm0, $0xb8;
	[tilespmem:$0x10100] =	vst v63  }
0x6e: {  	s23 =	simm.s32 $0xD900  }
0x6f: {  	[tilespmem:s23], [sflag:$0x2] =	stream.indirect_vreg.gather [hbm4b:s6+s3], $0x80, v4, vm0, $0xb8;
	[tilespmem:$0x10100] =	vst v63  }
0x70: {  	s23 =	simm.s32 $0xE100  }
0x71: {  	[tilespmem:s23], [sflag:$0x2] =	stream.indirect_vreg.gather [hbm4b:s1+s3], $0x80, v3, vm0, $0xb8;
	[tilespmem:$0x10100] =	vst v63  }
0x72: {  	s23 =	simm.s32 $0xE900  }
0x73: {  	[tilespmem:s23], [sflag:$0x2] =	stream.indirect_vreg.gather [hbm4b:s4+s3], $0x80, v3, vm0, $0xb8;
	[tilespmem:$0x10100] =	vst v63  }
0x74: {  	s23 =	simm.s32 $0xF100  }
0x75: {  	[tilespmem:s23], [sflag:$0x2] =	stream.indirect_vreg.gather [hbm4b:s5+s3], $0x80, v3, vm0, $0xb8;
	[tilespmem:$0x10100] =	vst v63  }
0x76: {  	s23 =	simm.s32 $0xF900  }
0x77: {  	[tilespmem:s23], [sflag:$0x2] =	stream.indirect_vreg.gather [hbm4b:s6+s3], $0x80, v3, vm0, $0xb8;
	[tilespmem:$0x10100] =	vst v63  }
0x78: {  	_ =	swait.ge [sflag:s9], $0x8000  }
0x79: {  	[sflag:s9] =	ssyncset.done $0x0  }
0x7a: {  	s23 =	rddreg [dreg:$0x5];
	[sflag:s9] =	ssyncadd.s32 $0xFFFF8000  }
0x7b: {  	[hbm4b:s23+s3] =	stream.linear.scatter [tilespmem:s26], [sflag:$0x3], $0x8000, $0x38;
	[tilespmem:$0x10100] =	vst v63  }
0x7c: {  	_ =	swait.ge [sflag:s20], $0x8000  }
0x7d: {  	[sflag:s20] =	ssyncset.done $0x0  }
0x7e: {  	s23 =	rddreg [dreg:$0x6];
	[sflag:s20] =	ssyncadd.s32 $0xFFFF8000  }
0x7f: {  	[tilespmem:s3], [sflag:$0x5] =	stream.linear.gather [hbm4b:s23+s3], $0x20, $0x38;
	[tilespmem:$0x10100] =	vst v63  }
0x80: {  	_ =	swait.ge [sflag:s8], $0x20  }
0x81: {  	[sflag:s8] =	ssyncset.done $0x0  }
0x82: {  	[sflag:s8] =	ssyncadd.s32 $0xFFFFFFE0  }
0x83: {  	v3 =	vld [tilespmem:$0x0];
	_ =	sdelay $0x4  }
0x84: {  	v60 =	vshll.u32 v3, $0x3  }
0x85: {  	v3 =	vand.u32 $0x7, v3;
	v4 =	vand.u32 $0xFFFFFFC0, v60  }
0x86: {  	v3 =	vor.u32 v3, v4  }
0x87: {  	v4 =	vperm.xlane v3, v0;
	_ =	sdelay $0x1  }
0x88: {  	v4 =	vadd.s32 v1, v4;
	_ =	sdelay $0x4  }
0x89: {  	[tilespmem:s26], [sflag:$0x1] =	stream.indirect_vreg.gather [hbm4b:s1+s3], $0x80, v4, vm0, $0xb8;
	[tilespmem:$0x10100] =	vst v63  }
0x8a: {  	v3 =	vperm.xlane v3, v2  }
0x8b: {  	[tilespmem:s24], [sflag:$0x1] =	stream.indirect_vreg.gather [hbm4b:s4+s3], $0x80, v4, vm0, $0xb8;
	[tilespmem:$0x10100] =	vst v63  }
0x8c: {  	v3 =	vadd.s32 v1, v3  }
0x8d: {  	[tilespmem:s25], [sflag:$0x1] =	stream.indirect_vreg.gather [hbm4b:s5+s3], $0x80, v4, vm0, $0xb8;
	[tilespmem:$0x10100] =	vst v63  }
0x8e: {  	_ = 	snop  }
0x8f: {  	[tilespmem:s28], [sflag:$0x1] =	stream.indirect_vreg.gather [hbm4b:s6+s3], $0x80, v4, vm0, $0xb8;
	[tilespmem:$0x10100] =	vst v63  }
0x90: {  	_ = 	snop  }
0x91: {  	[tilespmem:s29], [sflag:$0x1] =	stream.indirect_vreg.gather [hbm4b:s1+s3], $0x80, v3, vm0, $0xb8;
	[tilespmem:$0x10100] =	vst v63  }
0x92: {  	_ = 	snop  }
0x93: {  	[tilespmem:s30], [sflag:$0x1] =	stream.indirect_vreg.gather [hbm4b:s4+s3], $0x80, v3, vm0, $0xb8;
	[tilespmem:$0x10100] =	vst v63  }
0x94: {  	_ = 	snop  }
0x95: {  	[tilespmem:s31], [sflag:$0x1] =	stream.indirect_vreg.gather [hbm4b:s5+s3], $0x80, v3, vm0, $0xb8;
	[tilespmem:$0x10100] =	vst v63  }
0x96: {  	_ = 	snop  }
0x97: {  	[tilespmem:s0], [sflag:$0x1] =	stream.indirect_vreg.gather [hbm4b:s6+s3], $0x80, v3, vm0, $0xb8;
	[tilespmem:$0x10100] =	vst v63  }
0x98: {  	v3 =	vld [tilespmem:$0x10];
	_ =	sdelay $0x4  }
0x99: {  	v61 =	vshll.u32 v3, $0x3  }
0x9a: {  	v3 =	vand.u32 $0x7, v3;
	v4 =	vand.u32 $0xFFFFFFC0, v61  }
0x9b: {  	v3 =	vor.u32 v3, v4  }
0x9c: {  	v4 =	vperm.xlane v3, v0;
	_ =	sdelay $0x1  }
0x9d: {  	v4 =	vadd.s32 v1, v4;
	_ =	sdelay $0x4  }
0x9e: {  	[tilespmem:s2], [sflag:$0x1] =	stream.indirect_vreg.gather [hbm4b:s1+s3], $0x80, v4, vm0, $0xb8;
	[tilespmem:$0x10100] =	vst v63  }
0x9f: {  	v3 =	vperm.xlane v3, v2  }
0xa0: {  	[tilespmem:s10], [sflag:$0x1] =	stream.indirect_vreg.gather [hbm4b:s4+s3], $0x80, v4, vm0, $0xb8;
	[tilespmem:$0x10100] =	vst v63  }
0xa1: {  	v3 =	vadd.s32 v1, v3  }
0xa2: {  	[tilespmem:s11], [sflag:$0x1] =	stream.indirect_vreg.gather [hbm4b:s5+s3], $0x80, v4, vm0, $0xb8;
	[tilespmem:$0x10100] =	vst v63  }
0xa3: {  	_ = 	snop  }
0xa4: {  	[tilespmem:s12], [sflag:$0x1] =	stream.indirect_vreg.gather [hbm4b:s6+s3], $0x80, v4, vm0, $0xb8;
	[tilespmem:$0x10100] =	vst v63  }
0xa5: {  	_ = 	snop  }
0xa6: {  	[tilespmem:s13], [sflag:$0x1] =	stream.indirect_vreg.gather [hbm4b:s1+s3], $0x80, v3, vm0, $0xb8;
	[tilespmem:$0x10100] =	vst v63  }
0xa7: {  	_ = 	snop  }
0xa8: {  	[tilespmem:s14], [sflag:$0x1] =	stream.indirect_vreg.gather [hbm4b:s4+s3], $0x80, v3, vm0, $0xb8;
	[tilespmem:$0x10100] =	vst v63  }
0xa9: {  	_ = 	snop  }
0xaa: {  	[tilespmem:s15], [sflag:$0x1] =	stream.indirect_vreg.gather [hbm4b:s5+s3], $0x80, v3, vm0, $0xb8;
	[tilespmem:$0x10100] =	vst v63  }
0xab: {  	_ = 	snop  }
0xac: {  	[tilespmem:s16], [sflag:$0x1] =	stream.indirect_vreg.gather [hbm4b:s6+s3], $0x80, v3, vm0, $0xb8;
	[tilespmem:$0x10100] =	vst v63  }
0xad: {  	_ =	swait.ge [sflag:s21], $0x8000  }
0xae: {  	[sflag:s21] =	ssyncset.done $0x0  }
0xaf: {  	s0 =	rddreg [dreg:$0x7];
	[sflag:s21] =	ssyncadd.s32 $0xFFFF8000  }
0xb0: {  	[hbm4b:s0+s3] =	stream.linear.scatter [tilespmem:s19], [sflag:$0x4], $0x8000, $0x38;
	[tilespmem:$0x10100] =	vst v63  }
0xb1: {  	_ =	swait.ge [sflag:s22], $0x8000  }
0xb2: {  	[sflag:s22] =	ssyncset.done $0x0  }
0xb3: {  	s0 =	rddreg [dreg:$0x8];
	[sflag:s22] =	ssyncadd.s32 $0xFFFF8000  }
0xb4: {  	[tilespmem:s17], [sflag:$0x5] =	stream.linear.gather [hbm4b:s0+s3], $0x20, $0x38;
	[tilespmem:$0x10100] =	vst v63  }
0xb5: {  	_ =	swait.ge [sflag:s8], $0x20  }
0xb6: {  	[sflag:s8] =	ssyncset.done $0x0  }
0xb7: {  	[sflag:s8] =	ssyncadd.s32 $0xFFFFFFE0  }
0xb8: {  	v3 =	vld [tilespmem:$0x80];
	_ =	sdelay $0x4  }
0xb9: {  	v62 =	vshll.u32 v3, $0x3  }
0xba: {  	v3 =	vand.u32 $0x7, v3;
	v4 =	vand.u32 $0xFFFFFFC0, v62  }
0xbb: {  	v3 =	vor.u32 v3, v4  }
0xbc: {  	v4 =	vperm.xlane v3, v0;
	_ =	sdelay $0x1  }
0xbd: {  	v4 =	vadd.s32 v1, v4;
	_ =	sdelay $0x4  }
0xbe: {  	[tilespmem:s19], [sflag:$0x2] =	stream.indirect_vreg.gather [hbm4b:s1+s3], $0x80, v4, vm0, $0xb8;
	[tilespmem:$0x10100] =	vst v63  }
0xbf: {  	v3 =	vperm.xlane v3, v2  }
0xc0: {  	[tilespmem:s18], [sflag:$0x2] =	stream.indirect_vreg.gather [hbm4b:s4+s3], $0x80, v4, vm0, $0xb8;
	[tilespmem:$0x10100] =	vst v63  }
0xc1: {  	s23 =	simm.s32 $0x9100;
	v3 =	vadd.s32 v1, v3  }
0xc2: {  	[tilespmem:s23], [sflag:$0x2] =	stream.indirect_vreg.gather [hbm4b:s5+s3], $0x80, v4, vm0, $0xb8;
	[tilespmem:$0x10100] =	vst v63  }
0xc3: {  	s23 =	simm.s32 $0x9900  }
0xc4: {  	[tilespmem:s23], [sflag:$0x2] =	stream.indirect_vreg.gather [hbm4b:s6+s3], $0x80, v4, vm0, $0xb8;
	[tilespmem:$0x10100] =	vst v63  }
0xc5: {  	s23 =	simm.s32 $0xA100  }
0xc6: {  	[tilespmem:s23], [sflag:$0x2] =	stream.indirect_vreg.gather [hbm4b:s1+s3], $0x80, v3, vm0, $0xb8;
	[tilespmem:$0x10100] =	vst v63  }
0xc7: {  	s23 =	simm.s32 $0xA900  }
0xc8: {  	[tilespmem:s23], [sflag:$0x2] =	stream.indirect_vreg.gather [hbm4b:s4+s3], $0x80, v3, vm0, $0xb8;
	[tilespmem:$0x10100] =	vst v63  }
0xc9: {  	s23 =	simm.s32 $0xB100  }
0xca: {  	[tilespmem:s23], [sflag:$0x2] =	stream.indirect_vreg.gather [hbm4b:s5+s3], $0x80, v3, vm0, $0xb8;
	[tilespmem:$0x10100] =	vst v63  }
0xcb: {  	s23 =	simm.s32 $0xB900  }
0xcc: {  	[tilespmem:s23], [sflag:$0x2] =	stream.indirect_vreg.gather [hbm4b:s6+s3], $0x80, v3, vm0, $0xb8;
	[tilespmem:$0x10100] =	vst v63  }
0xcd: {  	v3 =	vld [tilespmem:$0x90];
	_ =	sdelay $0x4  }
0xce: {  	v63 =	vshll.u32 v3, $0x3  }
0xcf: {  	v3 =	vand.u32 $0x7, v3;
	v4 =	vand.u32 $0xFFFFFFC0, v63  }
0xd0: {  	v3 =	vor.u32 v3, v4  }
0xd1: {  	v4 =	vperm.xlane v3, v0;
	_ =	sdelay $0x1  }
0xd2: {  	v4 =	vadd.s32 v1, v4;
	_ =	sdelay $0x3  }
0xd3: {  	s23 =	simm.s32 $0xC100  }
0xd4: {  	[tilespmem:s23], [sflag:$0x2] =	stream.indirect_vreg.gather [hbm4b:s1+s3], $0x80, v4, vm0, $0xb8;
	[tilespmem:$0x10100] =	vst v63  }
0xd5: {  	v3 =	vperm.xlane v3, v2;
	s23 =	simm.s32 $0xC900  }
0xd6: {  	[tilespmem:s23], [sflag:$0x2] =	stream.indirect_vreg.gather [hbm4b:s4+s3], $0x80, v4, vm0, $0xb8;
	[tilespmem:$0x10100] =	vst v63  }
0xd7: {  	v3 =	vadd.s32 v1, v3;
	s23 =	simm.s32 $0xD100  }
0xd8: {  	[tilespmem:s23], [sflag:$0x2] =	stream.indirect_vreg.gather [hbm4b:s5+s3], $0x80, v4, vm0, $0xb8;
	[tilespmem:$0x10100] =	vst v63  }
0xd9: {  	s23 =	simm.s32 $0xD900  }
0xda: {  	[tilespmem:s23], [sflag:$0x2] =	stream.indirect_vreg.gather [hbm4b:s6+s3], $0x80, v4, vm0, $0xb8;
	[tilespmem:$0x10100] =	vst v63  }
0xdb: {  	s23 =	simm.s32 $0xE100  }
0xdc: {  	[tilespmem:s23], [sflag:$0x2] =	stream.indirect_vreg.gather [hbm4b:s1+s3], $0x80, v3, vm0, $0xb8;
	[tilespmem:$0x10100] =	vst v63  }
0xdd: {  	s23 =	simm.s32 $0xE900  }
0xde: {  	[tilespmem:s23], [sflag:$0x2] =	stream.indirect_vreg.gather [hbm4b:s4+s3], $0x80, v3, vm0, $0xb8;
	[tilespmem:$0x10100] =	vst v63  }
0xdf: {  	s23 =	simm.s32 $0xF100  }
0xe0: {  	[tilespmem:s23], [sflag:$0x2] =	stream.indirect_vreg.gather [hbm4b:s5+s3], $0x80, v3, vm0, $0xb8;
	[tilespmem:$0x10100] =	vst v63  }
0xe1: {  	s23 =	simm.s32 $0xF900  }
0xe2: {  	[tilespmem:s23], [sflag:$0x2] =	stream.indirect_vreg.gather [hbm4b:s6+s3], $0x80, v3, vm0, $0xb8;
	[tilespmem:$0x10100] =	vst v63  }
0xe3: {  	_ =	swait.ge [sflag:s9], $0x8000  }
0xe4: {  	[sflag:s9] =	ssyncset.done $0x0  }
0xe5: {  	s0 =	rddreg [dreg:$0x9];
	[sflag:s9] =	ssyncadd.s32 $0xFFFF8000  }
0xe6: {  	[hbm4b:s0+s3] =	stream.linear.scatter [tilespmem:s26], [sflag:$0x3], $0x8000, $0x38;
	[tilespmem:$0x10100] =	vst v63  }
0xe7: {  	_ =	swait.ge [sflag:s21], $0x8000  }
0xe8: {  	[sflag:s21] =	ssyncset.done $0x0  }
0xe9: {  	s0 =	rddreg [dreg:$0xa];
	[sflag:s21] =	ssyncadd.s32 $0xFFFF8000  }
0xea: {  	[hbm4b:s0+s3] =	stream.linear.scatter [tilespmem:s19], [sflag:$0x4], $0x8000, $0x38;
	[tilespmem:$0x10100] =	vst v63  }
0xeb: {  	p0 =	sne.s32 s7, $0x1;
	_ =	swait.ge [sflag:s20], $0x8000  }
.Ltmp0:
0xec: {  	[sflag:s20] =	ssyncset.done $0x0;
	(pc) =	sbr.rel @p0 .LBB2_1-.Ltmp0, $4  }
0xed: {  	[sflag:s20] =	ssyncadd.s32 $0xFFFF8000  }
0xee: {  	_ =	swait.ge [sflag:s22], $0x8000  }
0xef: {  	[sflag:s22] =	ssyncset.done $0x0  }
0xf0: {  	s7 =	sadd.s32 $0xFFFFFFFF, s7;
	[sflag:s22] =	ssyncadd.s32 $0xFFFF8000  }
0xf1: {  	_ =	sfence.sel $0x180000  }
0xf2: {  	[bflag:$0x0] =	sbarrier.arrive $0xFFFF  }
0xf3: {  	_ =	strace $0x90000047  }
0xf4: {  	s0 =	stileid.u32;
	[bflag:$0x2] =	sbarrier.arrive $0xFFFF  }
0xf5: {  	p0 =	sne.s32 s0, $0x0;
	s0 =	rddreg [dreg:$0x2]  }
0xf6: {  	s0 =	sadd.s32 @!p0 $0x100000, s0  }
0xf7: {  	[sflag:s0] =	ssyncadd.tile.s32 @!p0 $0x1;
	_ =	shalt  }
.Lfunc_end2:
_tile_overlayer_lowered:
.L_overlay_start_2:
0xf8: {  	(tag) =	ssettag $0x2  }
0xf9: {  	s0 =	rddreg [dreg:$0x0];
	s2 =	stileid.u32  }
0xfa: {  	s1 =	rddreg [dreg:$0x1];
	p0 =	sne.s32 s2, $0x0  }
0xfb: {  	s3 =	rddreg [dreg:$0x2];
	[bflag:$0x3] =	sbarrier.arrive $0xFFFF;
	s2 =	simm.s32 @!p0 $0x1C05  }
0xfc: {  	[timem:s3], [sflag:s2] =	dma.local @!p0 [hbm:s0], s1  }
0xfd: {  	s0 =	simm.s32 @!p0 $0x5  }
0xfe: {  	_ =	swait.ge @!p0 [sflag:s0], s1  }
0xff: {  	s1 =	ssub.s32 @!p0 $0x0, s1;
	[sflag:s0] =	ssyncset.done @!p0 $0x0  }
0x100: {  	[sflag:s0] =	ssyncadd.s32 @!p0 s1  }
0x101: {  	[bflag:$0x3] =	sbarrier.arrive $0xFFFF  }
0x102: {  	_ =	shalt  }

// kernel: kernel.21.cloned.1.call-start
scs
__scs_entry_jumppad:
0x0: {  	(pc) =	sbr.rel $0x88, $3  }
0x1: {  	(tag) =	ssettag $0x0;
	lr =	simm.s32 $0x1  }
0x2: {  	[smem:$0x3F8A] =	sst lr;
	_ =	strace $0xD0000000  }
0x3: {  	_ = 	snop  }
0x4: {  	_ = 	snop  }
0x5: {  	_ = 	snop  }
0x6: {  	_ = 	snop  }
0x7: {  	_ = 	snop  }
__scs_overlays_trampoline_lowered:
0x8: {  	[smem:$0x3F99] =	sst s0  }
0x9: {  	[smem:$0x3F9A] =	sst s1  }
0xa: {  	[smem:$0x3F9B] =	sst s2  }
0xb: {  	[smem:$0x3F9C] =	sst s3  }
0xc: {  	[smem:$0x3F9D] =	sst s4  }
0xd: {  	[smem:$0x3F9E] =	sst s5  }
0xe: {  	[smem:$0x3F9F] =	sst s6  }
0xf: {  	[smem:$0x3FA0] =	sst s7  }
0x10: {  	[smem:$0x3FA1] =	sst s8  }
0x11: {  	[smem:$0x3FA2] =	sst s9;
	s0 =	simm.s32 @!p0 $0x0  }
0x12: {  	s1 =	sld [smem:$0x3F88];
	s0 =	simm.s32 @p0 $0x1  }
0x13: {  	[smem:$0x3FA3] =	sst s0;
	s0 =	simm.s32 @!p1 $0x0  }
0x14: {  	s2 =	sld [smem:$0x3F87];
	s0 =	simm.s32 @p1 $0x1  }
0x15: {  	[smem:$0x3FA4] =	sst s0;
	s0 =	simm.s32 @!p2 $0x0  }
0x16: {  	s3 =	sld [smem:$0x3FDB];
	s0 =	simm.s32 @p2 $0x1  }
0x17: {  	s4 =	simm.s32 $0x1BF5;
	[smem:$0x3FA6] =	sst s0  }
0x18: {  	s0 =	sld [smem:$0x3F89];
	_ =	swait.ge [sflag:s4], $0x0  }
0x19: {  	s7 =	sld [smem:$0x3F8A]  }
0x1a: {  	s8 =	sadd.s32 $0xFFFFE003, lr  }
0x1b: {  	s9 =	sadd.s32 $0xFFFFFEF7, lr;
	s5 =	simm.s32 $0xFFFFFFFF;
	p2 =	slt.u32 s8, $0xFFFFF086  }
0x1c: {  	p1 =	slt.u32 s9, $0xF7A;
	s5 =	simm.s32 @!p2 $0x0  }
0x1d: {  	s5 =	simm.s32 @p1 $0x1;
	p0 =	seq.s32 s7, s2  }
0x1e: {  	s7 =	smul.u32 @!p0 $0xF7A, s2;
	p2 =	seq.s32 @!p0 s5, $0x0  }
0x1f: {  	s9 =	smul.u32 $0xF7A, s1;
	s8 =	simm.s32 @!p0 $0x1BF5;
	p2 =	por !p2, p0  }
0x20: {  	[sflag:s8] =	ssyncset.s32 @!p0 $0xFFFFF086;
	s6 =	sadd.s32 @!p0 s3, s7;
	s7 =	simm.s32 @!p0 $0x108  }
0x21: {  	s3 =	sadd.s32 s3, s9;
	s6 =	sadd.s32 @!p0 $0x88, s6;
	s7 =	simm.s32 @p2 $0x1082  }
0x22: {  	[simem:s7], [sflag:s8] =	dma.local @!p0 [hbm:s6], $0xF7A  }
0x23: {  	s9 =	sor.u32 $0xD0000000, s2;
	s6 =	simm.s32 $0x108;
	_ =	swait.ge @!p0 [sflag:s8], $0x0  }
0x24: {  	s3 =	sadd.s32 $0x88, s3;
	s6 =	simm.s32 @!p1 $0x1082;
	[sflag:s4] =	ssyncset.s32 $0xFFFFF086  }
0x25: {  	[simem:s6], [sflag:s4] =	dma.local [hbm:s3], $0xF7A  }
0x26: {  	[smem:$0x3F8A] =	sst s1;
	(tag) =	ssettag s2;
	_ =	strace s9  }
0x27: {  	s1 =	sld [smem:$0x3F9A]  }
0x28: {  	s2 =	sld [smem:$0x3F9B]  }
0x29: {  	s4 =	sld [smem:$0x3F9D]  }
0x2a: {  	p0 =	seq.s32 s5, $0x0;
	s5 =	sld [smem:$0x3F9E]  }
0x2b: {  	s6 =	sld [smem:$0x3F9F]  }
0x2c: {  	s7 =	sld [smem:$0x3FA0]  }
0x2d: {  	s3 =	simm.s32 $0x108;
	s8 =	sld [smem:$0x3FA1]  }
0x2e: {  	s3 =	simm.s32 @!p0 $0x1082;
	s9 =	sld [smem:$0x3FA2]  }
0x2f: {  	lr =	sadd.s32 s0, s3;
	s0 =	sld [smem:$0x3F99]  }
0x30: {  	s3 =	sld [smem:$0x3F9C]  }
0x31: {  	[smem:$0x3FA5] =	sst s10  }
0x32: {  	s10 =	sld [smem:$0x3FA3];
	_ =	sdelay $0x3  }
0x33: {  	p0 =	seq.s32 s10, $0x1;
	s10 =	sld [smem:$0x3FA5];
	_ =	sdelay $0x3  }
0x34: {  	[smem:$0x3FA5] =	sst s10  }
0x35: {  	s10 =	sld [smem:$0x3FA4];
	_ =	sdelay $0x3  }
0x36: {  	p1 =	seq.s32 s10, $0x1;
	s10 =	sld [smem:$0x3FA5];
	_ =	sdelay $0x3  }
0x37: {  	[smem:$0x3FA5] =	sst s10  }
0x38: {  	s10 =	sld [smem:$0x3FA6]  }
0x39: {  	_ = 	snop;
	(pc) =	sbr.ind lr, $3  }
0x3a: {  	_ = 	snop  }
0x3b: {  	_ = 	snop  }
0x3c: {  	p2 =	seq.s32 s10, $0x1;
	s10 =	sld [smem:$0x3FA5]  }
0x3d: {  	_ =	shalt  }
0x3e: {  	_ =	shalt  }
0x3f: {  	_ =	shalt  }
0x40: {  	_ =	shalt  }
0x41: {  	_ =	shalt  }
0x42: {  	_ =	shalt  }
0x43: {  	_ =	shalt  }
0x44: {  	_ =	shalt  }
0x45: {  	_ =	shalt  }
0x46: {  	_ =	shalt  }
0x47: {  	_ =	shalt  }
0x48: {  	_ =	shalt  }
0x49: {  	_ =	shalt  }
0x4a: {  	_ =	shalt  }
0x4b: {  	_ =	shalt  }
0x4c: {  	_ =	shalt  }
0x4d: {  	_ =	shalt  }
0x4e: {  	_ =	shalt  }
0x4f: {  	_ =	shalt  }
0x50: {  	_ =	shalt  }
0x51: {  	_ =	shalt  }
0x52: {  	_ =	shalt  }
0x53: {  	_ =	shalt  }
0x54: {  	_ =	shalt  }
0x55: {  	_ =	shalt  }
0x56: {  	_ =	shalt  }
0x57: {  	_ =	shalt  }
0x58: {  	_ =	shalt  }
0x59: {  	_ =	shalt  }
0x5a: {  	_ =	shalt  }
0x5b: {  	_ =	shalt  }
0x5c: {  	_ =	shalt  }
0x5d: {  	_ =	shalt  }
0x5e: {  	_ =	shalt  }
0x5f: {  	_ =	shalt  }
0x60: {  	_ =	shalt  }
0x61: {  	_ =	shalt  }
0x62: {  	_ =	shalt  }
0x63: {  	_ =	shalt  }
0x64: {  	_ =	shalt  }
0x65: {  	_ =	shalt  }
0x66: {  	_ =	shalt  }
0x67: {  	_ =	shalt  }
0x68: {  	_ =	shalt  }
0x69: {  	_ =	shalt  }
0x6a: {  	_ =	shalt  }
0x6b: {  	_ =	shalt  }
0x6c: {  	_ =	shalt  }
0x6d: {  	_ =	shalt  }
0x6e: {  	_ =	shalt  }
0x6f: {  	_ =	shalt  }
0x70: {  	_ =	shalt  }
0x71: {  	_ =	shalt  }
0x72: {  	_ =	shalt  }
0x73: {  	_ =	shalt  }
0x74: {  	_ =	shalt  }
0x75: {  	_ =	shalt  }
0x76: {  	_ =	shalt  }
0x77: {  	_ =	shalt  }
0x78: {  	_ =	shalt  }
0x79: {  	_ =	shalt  }
0x7a: {  	_ =	shalt  }
0x7b: {  	_ =	shalt  }
0x7c: {  	_ =	shalt  }
0x7d: {  	_ =	shalt  }
0x7e: {  	_ =	shalt  }
0x7f: {  	_ =	shalt  }
0x80: {  	_ =	shalt  }
0x81: {  	_ =	shalt  }
0x82: {  	_ =	shalt  }
0x83: {  	_ =	shalt  }
0x84: {  	_ =	shalt  }
0x85: {  	_ =	shalt  }
0x86: {  	_ =	shalt  }
0x87: {  	_ =	shalt  }
.Lfunc_end0:
.L_simem_size_0:
called_computation.1_lowered:
.L_overlay_start_0:
0x88: {  	s2 =	sld [smem:$0x3FD9]  }
0x89: {  	s3 =	sld [smem:$0x3FFE];
	_ =	sdelay $0x1  }
0x8a: {  	s1 =	srdreg.scid  }
0x8b: {  	s0 =	sand.u32 $0x1, s1  }
0x8c: {  	s16 =	sshll.u32 s0, $0xA;
	s2 =	sadd.s32 s3, s2  }
0x8d: {  	s2 =	sadd.s32 s2, s16  }
0x8e: {  	[smem:$0x3FB1] =	sst s2  }
0x8f: {  	_ = 	snop  }
0x90: {  	(tm) =	ssettm $0x1  }
0x91: {  	s17 =	sld [smem:$0x3FFB];
	_ =	sdelay $0x3  }
0x92: {  	_ =	strace s17  }
0x93: {  	s2 =	sld [smem:$0x3FFC];
	_ =	sdelay $0x3  }
0x94: {  	_ =	strace s2  }
0x95: {  	s2 =	sld [smem:$0x3FFD];
	_ =	sdelay $0x3  }
0x96: {  	_ =	strace s2  }
0x97: {  	_ =	strace $0x8FFFFFFF  }
0x98: {  	s18 =	sld [smem:$0x3FDB];
	_ =	sdelay $0x1  }
0x99: {  	s19 =	simm.s32 $_scs_section_size  }
0x9a: {  	s4 =	simm.s32 $_size__tile_overlayer_lowered;
	s5 =	simm.s32 $_tile_overlayer_lowered  }
0x9b: {  	s22 =	simm.s32 $0x1BFF;
	s21 =	sshll.u32 s5, $0x1;
	s2 =	sadd.s32 s19, s18  }
0x9c: {  	s6 =	simm.s32 $0x0;
	s20 =	sshll.u32 s4, $0x1;
	s4 =	sadd.s32 s21, s2  }
0x9d: {  	[timem:s6], [sflag:s22] =	dma.local [hbm:s4], s20  }
0x9e: {  	_ =	swait.ge [sflag:s22], s20  }
0x9f: {  	s3 =	ssub.s32 $0x0, s20;
	[sflag:s22] =	ssyncset.done $0x0  }
0xa0: {  	[sflag:s22] =	ssyncadd.s32 s3;
	_ =	sdelay $0x1  }
0xa1: {  	s23 =	simm.s32 $0x1B8B  }
0xa2: {  	_ =	swait.ge [sflag:s23], $0x1  }
0xa3: {  	[sflag:s23] =	ssyncset.done $0x0  }
0xa4: {  	s25 =	simm.s32 $0x1B8E;
	s24 =	sld [smem:$0x3FFE];
	[sflag:s23] =	ssyncadd.s32 $0xFFFFFFFF  }
0xa5: {  	s26 =	simm.s32 $execute0_lowered;
	[smem:$0x3FD2] =	sst s25  }
0xa6: {  	s4 =	sshll.u32 s26, $0x1;
	_ =	strace $0x80000049;
	[dreg:$0x1] =	wrdreg $0xFFFFFFFF  }
0xa7: {  	s28 =	simm.s32 $_size_execute0_lowered;
	s2 =	sadd.s32 s2, s4;
	[dreg:$0x0] =	wrdreg $0x0  }
0xa8: {  	s4 =	sshll.u32 s28, $0x1;
	[dreg:$0x2] =	wrdreg s2  }
0xa9: {  	[dreg:$0x3] =	wrdreg s4  }
0xaa: {  	[dreg:$0x4] =	wrdreg $0xC0  }
0xab: {  	_ =	task [dreg:s6], $0x5FFFF  }
0xac: {  	[dreg:$0x1] =	wrdreg $0xFFFFFFFF  }
0xad: {  	[dreg:$0x0] =	wrdreg $0x60  }
0xae: {  	[dreg:$0x2] =	wrdreg s24  }
0xaf: {  	[dreg:$0x3] =	wrdreg $0x9  }
0xb0: {  	_ =	task.clear_ibuf [dreg:s6], $0x4FFFF;
	_ =	strace $0x90000049  }
0xb1: {  	s29 =	simm.s32 $0x9;
	_ =	strace $0x8000004B  }
0xb2: {  	_ =	swait.ge [sflag:s29], $0x1  }
0xb3: {  	[sflag:s29] =	ssyncadd.s32 $0xFFFFFFFF  }
0xb4: {  	_ =	strace $0x9000004B  }
0xb5: {  	_ =	sfence  }
0xb6: {  	s30 =	sld [smem:$0x0];
	_ =	sdelay $0x2  }
0xb7: {  	s31 =	sshll.u32 s1, $0xD;
	s1 =	sshrl.u32 s1, $0x2  }
0xb8: {  	s3 =	sand.u32 $0x4000, s31;
	s1 =	sadd.s32 s1, s30  }
0xb9: {  	s0 =	sor.u32 s3, s0;
	s1 =	sshll.u32 s1, $0x11  }
0xba: {  	s0 =	sor.u32 s1, s0  }
0xbb: {  	s0 =	sadd.s32 $0x8F2B, s0  }
0xbc: {  	[sflag:s0] =	ssyncadd.remote.s32 $0x1  }
0xbd: {  	_ =	sfence.sel $0xFFFF  }
0xbe: {  	[dreg:$0x0] =	wrdreg $0xFFFFFFFF;
	(pc) =	sbr.abs _section_cstart, $3  }
0xbf: {  	[dreg:$0x1] =	wrdreg $0xFFFFFFFF  }
0xc0: {  	_ =	task.clear_ibuf [dreg:s6], $0x2FFFF;
	_ =	strace $0x9FFFFFFF  }
0xc1: {  	(tm) =	ssettm $0x7FFFFFFF  }
tec
execute0_lowered:
.L_overlay_start_1:
0x0: {  	(tag) =	ssettag $0x1  }
0x1: {  	s0 =	rddreg [dreg:$0x0]  }
0x2: {  	s2 =	simm.s32 $0x0;
	s1 =	srdreg.scid;
	s4 =	stileid.u32  }
0x3: {  	s28 =	simm.s32 $0x1900;
	s29 =	simm.s32 $0x2100;
	s30 =	simm.s32 $0x2900  }
0x4: {  	s31 =	simm.s32 $0x3100;
	s11 =	simm.s32 $0x5100;
	s12 =	simm.s32 $0x5900  }
0x5: {  	s13 =	simm.s32 $0x6100;
	s14 =	simm.s32 $0x6900;
	s15 =	simm.s32 $0x7100  }
0x6: {  	[smem:$0x7FF] =	sst s2;
	s1 =	sand.u32 $0x1, s1;
	s3 =	sadd.s32 $0x90E00, s0  }
0x7: {  	s4 =	sshll.u32 s4, $0x8;
	s6 =	sadd.s32 $0x8600, s0;
	s5 =	sshll.u32 s1, $0x7  }
0x8: {  	s7 =	sadd.s32 $0x110E00, s0;
	s1 =	ssub.s32 $0x2, s1;
	s4 =	sor.u32 s5, s4  }
0x9: {  	_ =	strace $0x8000004A;
	s9 =	sshrl.u32 s1, $0x1;
	s5 =	sshrl.u32 s4, $0x3  }
0xa: {  	s8 =	sor.u32 $0x20, s4;
	s17 =	sshll.u32 s4, $0x7;
	s19 =	sor.u32 $0x40, s4  }
0xb: {  	s1 =	ssub.s32 s1, s9;
	s4 =	sor.u32 $0x60, s4;
	s9 =	simm.s32 $0x1  }
0xc: {  	s5 =	sadd.s32 s6, s5;
	s10 =	sshrl.u32 s8, $0x3;
	s18 =	sadd.s32 s7, s17  }
0xd: {  	s20 =	sshrl.u32 s19, $0x3;
	s8 =	sshll.u32 s8, $0x7;
	s22 =	sshrl.u32 s4, $0x3  }
0xe: {  	s24 =	sshll.u32 s19, $0x7;
	s26 =	sshll.u32 s4, $0x7;
	s4 =	sadd.s32 $0x90F00, s0  }
0xf: {  	s17 =	simm.s32 $0x80;
	s19 =	simm.s32 $0x8100;
	[dreg:$0x2] =	wrdreg s5  }
0x10: {  	s16 =	sadd.s32 s6, s10;
	[dreg:$0x4] =	wrdreg s18;
	s5 =	sadd.s32 s6, s20  }
0x11: {  	s21 =	sadd.s32 s7, s8;
	s23 =	sadd.s32 s6, s22;
	s25 =	sadd.s32 s7, s24  }
0x12: {  	s7 =	sadd.s32 s7, s26;
	s6 =	sadd.s32 $0x91100, s0;
	[dreg:$0x3] =	wrdreg s16  }
0x13: {  	s8 =	simm.s32 $0x5;
	s20 =	simm.s32 $0x3;
	[dreg:$0x5] =	wrdreg s5  }
0x14: {  	s22 =	simm.s32 $0x4;
	s26 =	simm.s32 $0x100;
	[dreg:$0x6] =	wrdreg s21  }
0x15: {  	s24 =	simm.s32 $0x900;
	s10 =	simm.s32 $0x4900;
	[dreg:$0x7] =	wrdreg s23  }
0x16: {  	v2 =	vlaneseq.u32;
	s18 =	simm.s32 $0x8900;
	[dreg:$0x8] =	wrdreg s25;
	s5 =	sadd.s32 $0x91000, s0  }
0x17: {  	vm0 =	vmmov $0xffff;
	v1 =	vshrl.u32 v2, $0x3;
	[dreg:$0x9] =	wrdreg s7;
	s7 =	smax.u32 s1, $0x1;
	s21 =	simm.s32 $0x2  }
0x18: {  	v0 =	vand.u32 $0x7, v2;
	v2 =	vor.u32 $0x8, v2;
	v1 =	vmul.u32 $0x8, v1;
	s25 =	simm.s32 $0x1100;
	s1 =	simm.s32 $0x4100;
	s16 =	simm.s32 $0x7900  }
.LBB2_1:
0x19: {  	s23 =	rddreg [dreg:$0x2]  }
0x1a: {  	[tilespmem:s2], [sflag:$0x5] =	stream.linear.gather [hbm4b:s23+s2], $0x20, $0x38;
	[tilespmem:$0x10100] =	vst v63  }
0x1b: {  	_ =	swait.ge [sflag:s8], $0x20  }
0x1c: {  	[sflag:s8] =	ssyncset.done $0x0  }
0x1d: {  	[sflag:s8] =	ssyncadd.s32 $0xFFFFFFE0  }
0x1e: {  	v3 =	vld [tilespmem:$0x0];
	_ =	sdelay $0x4  }
0x1f: {  	v4 =	vshll.u32 v3, $0x3  }
0x20: {  	v3 =	vand.u32 $0x7, v3;
	v4 =	vand.u32 $0xFFFFFFC0, v4  }
0x21: {  	v3 =	vor.u32 v3, v4  }
0x22: {  	v4 =	vperm.xlane v3, v0;
	_ =	sdelay $0x1  }
0x23: {  	v4 =	vadd.s32 v1, v4;
	_ =	sdelay $0x4  }
0x24: {  	[tilespmem:s26], [sflag:$0x1] =	stream.indirect_vreg.gather [hbm4b:s3+s2], $0x80, v4, vm0, $0xb8;
	[tilespmem:$0x10100] =	vst v63  }
0x25: {  	v3 =	vperm.xlane v3, v2  }
0x26: {  	[tilespmem:s24], [sflag:$0x1] =	stream.indirect_vreg.gather [hbm4b:s4+s2], $0x80, v4, vm0, $0xb8;
	[tilespmem:$0x10100] =	vst v63  }
0x27: {  	v3 =	vadd.s32 v1, v3  }
0x28: {  	[tilespmem:s25], [sflag:$0x1] =	stream.indirect_vreg.gather [hbm4b:s5+s2], $0x80, v4, vm0, $0xb8;
	[tilespmem:$0x10100] =	vst v63  }
0x29: {  	_ = 	snop  }
0x2a: {  	[tilespmem:s28], [sflag:$0x1] =	stream.indirect_vreg.gather [hbm4b:s6+s2], $0x80, v4, vm0, $0xb8;
	[tilespmem:$0x10100] =	vst v63  }
0x2b: {  	_ = 	snop  }
0x2c: {  	[tilespmem:s29], [sflag:$0x1] =	stream.indirect_vreg.gather [hbm4b:s3+s2], $0x80, v3, vm0, $0xb8;
	[tilespmem:$0x10100] =	vst v63  }
0x2d: {  	_ = 	snop  }
0x2e: {  	[tilespmem:s30], [sflag:$0x1] =	stream.indirect_vreg.gather [hbm4b:s4+s2], $0x80, v3, vm0, $0xb8;
	[tilespmem:$0x10100] =	vst v63  }
0x2f: {  	_ = 	snop  }
0x30: {  	[tilespmem:s31], [sflag:$0x1] =	stream.indirect_vreg.gather [hbm4b:s5+s2], $0x80, v3, vm0, $0xb8;
	[tilespmem:$0x10100] =	vst v63  }
0x31: {  	s0 =	simm.s32 $0x3900  }
0x32: {  	[tilespmem:s0], [sflag:$0x1] =	stream.indirect_vreg.gather [hbm4b:s6+s2], $0x80, v3, vm0, $0xb8;
	[tilespmem:$0x10100] =	vst v63  }
0x33: {  	v3 =	vld [tilespmem:$0x10];
	_ =	sdelay $0x4  }
0x34: {  	v57 =	vshll.u32 v3, $0x3  }
0x35: {  	v3 =	vand.u32 $0x7, v3;
	v4 =	vand.u32 $0xFFFFFFC0, v57  }
0x36: {  	v3 =	vor.u32 v3, v4  }
0x37: {  	v4 =	vperm.xlane v3, v0;
	_ =	sdelay $0x1  }
0x38: {  	v4 =	vadd.s32 v1, v4;
	_ =	sdelay $0x4  }
0x39: {  	[tilespmem:s1], [sflag:$0x1] =	stream.indirect_vreg.gather [hbm4b:s3+s2], $0x80, v4, vm0, $0xb8;
	[tilespmem:$0x10100] =	vst v63  }
0x3a: {  	v3 =	vperm.xlane v3, v2  }
0x3b: {  	[tilespmem:s10], [sflag:$0x1] =	stream.indirect_vreg.gather [hbm4b:s4+s2], $0x80, v4, vm0, $0xb8;
	[tilespmem:$0x10100] =	vst v63  }
0x3c: {  	v3 =	vadd.s32 v1, v3  }
0x3d: {  	[tilespmem:s11], [sflag:$0x1] =	stream.indirect_vreg.gather [hbm4b:s5+s2], $0x80, v4, vm0, $0xb8;
	[tilespmem:$0x10100] =	vst v63  }
0x3e: {  	_ = 	snop  }
0x3f: {  	[tilespmem:s12], [sflag:$0x1] =	stream.indirect_vreg.gather [hbm4b:s6+s2], $0x80, v4, vm0, $0xb8;
	[tilespmem:$0x10100] =	vst v63  }
0x40: {  	_ = 	snop  }
0x41: {  	[tilespmem:s13], [sflag:$0x1] =	stream.indirect_vreg.gather [hbm4b:s3+s2], $0x80, v3, vm0, $0xb8;
	[tilespmem:$0x10100] =	vst v63  }
0x42: {  	_ = 	snop  }
0x43: {  	[tilespmem:s14], [sflag:$0x1] =	stream.indirect_vreg.gather [hbm4b:s4+s2], $0x80, v3, vm0, $0xb8;
	[tilespmem:$0x10100] =	vst v63  }
0x44: {  	_ = 	snop  }
0x45: {  	[tilespmem:s15], [sflag:$0x1] =	stream.indirect_vreg.gather [hbm4b:s5+s2], $0x80, v3, vm0, $0xb8;
	[tilespmem:$0x10100] =	vst v63  }
0x46: {  	_ = 	snop  }
0x47: {  	[tilespmem:s16], [sflag:$0x1] =	stream.indirect_vreg.gather [hbm4b:s6+s2], $0x80, v3, vm0, $0xb8;
	[tilespmem:$0x10100] =	vst v63  }
0x48: {  	s23 =	rddreg [dreg:$0x3]  }
0x49: {  	[tilespmem:s17], [sflag:$0x5] =	stream.linear.gather [hbm4b:s23+s2], $0x20, $0x38;
	[tilespmem:$0x10100] =	vst v63  }
0x4a: {  	_ =	swait.ge [sflag:s8], $0x20  }
0x4b: {  	[sflag:s8] =	ssyncset.done $0x0  }
0x4c: {  	[sflag:s8] =	ssyncadd.s32 $0xFFFFFFE0  }
0x4d: {  	v3 =	vld [tilespmem:$0x80];
	_ =	sdelay $0x4  }
0x4e: {  	v58 =	vshll.u32 v3, $0x3  }
0x4f: {  	v3 =	vand.u32 $0x7, v3;
	v4 =	vand.u32 $0xFFFFFFC0, v58  }
0x50: {  	v3 =	vor.u32 v3, v4  }
0x51: {  	v4 =	vperm.xlane v3, v0;
	_ =	sdelay $0x1  }
0x52: {  	v4 =	vadd.s32 v1, v4;
	_ =	sdelay $0x4  }
0x53: {  	[tilespmem:s19], [sflag:$0x2] =	stream.indirect_vreg.gather [hbm4b:s3+s2], $0x80, v4, vm0, $0xb8;
	[tilespmem:$0x10100] =	vst v63  }
0x54: {  	v3 =	vperm.xlane v3, v2  }
0x55: {  	[tilespmem:s18], [sflag:$0x2] =	stream.indirect_vreg.gather [hbm4b:s4+s2], $0x80, v4, vm0, $0xb8;
	[tilespmem:$0x10100] =	vst v63  }
0x56: {  	s23 =	simm.s32 $0x9100;
	v3 =	vadd.s32 v1, v3  }
0x57: {  	[tilespmem:s23], [sflag:$0x2] =	stream.indirect_vreg.gather [hbm4b:s5+s2], $0x80, v4, vm0, $0xb8;
	[tilespmem:$0x10100] =	vst v63  }
0x58: {  	s23 =	simm.s32 $0x9900  }
0x59: {  	[tilespmem:s23], [sflag:$0x2] =	stream.indirect_vreg.gather [hbm4b:s6+s2], $0x80, v4, vm0, $0xb8;
	[tilespmem:$0x10100] =	vst v63  }
0x5a: {  	s23 =	simm.s32 $0xA100  }
0x5b: {  	[tilespmem:s23], [sflag:$0x2] =	stream.indirect_vreg.gather [hbm4b:s3+s2], $0x80, v3, vm0, $0xb8;
	[tilespmem:$0x10100] =	vst v63  }
0x5c: {  	s23 =	simm.s32 $0xA900  }
0x5d: {  	[tilespmem:s23], [sflag:$0x2] =	stream.indirect_vreg.gather [hbm4b:s4+s2], $0x80, v3, vm0, $0xb8;
	[tilespmem:$0x10100] =	vst v63  }
0x5e: {  	s23 =	simm.s32 $0xB100  }
0x5f: {  	[tilespmem:s23], [sflag:$0x2] =	stream.indirect_vreg.gather [hbm4b:s5+s2], $0x80, v3, vm0, $0xb8;
	[tilespmem:$0x10100] =	vst v63  }
0x60: {  	s23 =	simm.s32 $0xB900  }
0x61: {  	[tilespmem:s23], [sflag:$0x2] =	stream.indirect_vreg.gather [hbm4b:s6+s2], $0x80, v3, vm0, $0xb8;
	[tilespmem:$0x10100] =	vst v63  }
0x62: {  	v3 =	vld [tilespmem:$0x90];
	_ =	sdelay $0x4  }
0x63: {  	v59 =	vshll.u32 v3, $0x3  }
0x64: {  	v3 =	vand.u32 $0x7, v3;
	v4 =	vand.u32 $0xFFFFFFC0, v59  }
0x65: {  	v3 =	vor.u32 v3, v4  }
0x66: {  	v4 =	vperm.xlane v3, v0;
	_ =	sdelay $0x1  }
0x67: {  	v4 =	vadd.s32 v1, v4;
	_ =	sdelay $0x3  }
0x68: {  	s23 =	simm.s32 $0xC100  }
0x69: {  	[tilespmem:s23], [sflag:$0x2] =	stream.indirect_vreg.gather [hbm4b:s3+s2], $0x80, v4, vm0, $0xb8;
	[tilespmem:$0x10100] =	vst v63  }
0x6a: {  	v3 =	vperm.xlane v3, v2;
	s23 =	simm.s32 $0xC900  }
0x6b: {  	[tilespmem:s23], [sflag:$0x2] =	stream.indirect_vreg.gather [hbm4b:s4+s2], $0x80, v4, vm0, $0xb8;
	[tilespmem:$0x10100] =	vst v63  }
0x6c: {  	v3 =	vadd.s32 v1, v3;
	s23 =	simm.s32 $0xD100  }
0x6d: {  	[tilespmem:s23], [sflag:$0x2] =	stream.indirect_vreg.gather [hbm4b:s5+s2], $0x80, v4, vm0, $0xb8;
	[tilespmem:$0x10100] =	vst v63  }
0x6e: {  	s23 =	simm.s32 $0xD900  }
0x6f: {  	[tilespmem:s23], [sflag:$0x2] =	stream.indirect_vreg.gather [hbm4b:s6+s2], $0x80, v4, vm0, $0xb8;
	[tilespmem:$0x10100] =	vst v63  }
0x70: {  	s23 =	simm.s32 $0xE100  }
0x71: {  	[tilespmem:s23], [sflag:$0x2] =	stream.indirect_vreg.gather [hbm4b:s3+s2], $0x80, v3, vm0, $0xb8;
	[tilespmem:$0x10100] =	vst v63  }
0x72: {  	s23 =	simm.s32 $0xE900  }
0x73: {  	[tilespmem:s23], [sflag:$0x2] =	stream.indirect_vreg.gather [hbm4b:s4+s2], $0x80, v3, vm0, $0xb8;
	[tilespmem:$0x10100] =	vst v63  }
0x74: {  	s23 =	simm.s32 $0xF100  }
0x75: {  	[tilespmem:s23], [sflag:$0x2] =	stream.indirect_vreg.gather [hbm4b:s5+s2], $0x80, v3, vm0, $0xb8;
	[tilespmem:$0x10100] =	vst v63  }
0x76: {  	s23 =	simm.s32 $0xF900  }
0x77: {  	[tilespmem:s23], [sflag:$0x2] =	stream.indirect_vreg.gather [hbm4b:s6+s2], $0x80, v3, vm0, $0xb8;
	[tilespmem:$0x10100] =	vst v63  }
0x78: {  	_ =	swait.ge [sflag:s9], $0x8000  }
0x79: {  	[sflag:s9] =	ssyncset.done $0x0  }
0x7a: {  	s23 =	rddreg [dreg:$0x4];
	[sflag:s9] =	ssyncadd.s32 $0xFFFF8000  }
0x7b: {  	[hbm4b:s23+s2] =	stream.linear.scatter [tilespmem:s26], [sflag:$0x3], $0x8000, $0x38;
	[tilespmem:$0x10100] =	vst v63  }
0x7c: {  	_ =	swait.ge [sflag:s20], $0x8000  }
0x7d: {  	[sflag:s20] =	ssyncset.done $0x0  }
0x7e: {  	s23 =	rddreg [dreg:$0x5];
	[sflag:s20] =	ssyncadd.s32 $0xFFFF8000  }
0x7f: {  	[tilespmem:s2], [sflag:$0x5] =	stream.linear.gather [hbm4b:s23+s2], $0x20, $0x38;
	[tilespmem:$0x10100] =	vst v63  }
0x80: {  	_ =	swait.ge [sflag:s8], $0x20  }
0x81: {  	[sflag:s8] =	ssyncset.done $0x0  }
0x82: {  	[sflag:s8] =	ssyncadd.s32 $0xFFFFFFE0  }
0x83: {  	v3 =	vld [tilespmem:$0x0];
	_ =	sdelay $0x4  }
0x84: {  	v60 =	vshll.u32 v3, $0x3  }
0x85: {  	v3 =	vand.u32 $0x7, v3;
	v4 =	vand.u32 $0xFFFFFFC0, v60  }
0x86: {  	v3 =	vor.u32 v3, v4  }
0x87: {  	v4 =	vperm.xlane v3, v0;
	_ =	sdelay $0x1  }
0x88: {  	v4 =	vadd.s32 v1, v4;
	_ =	sdelay $0x4  }
0x89: {  	[tilespmem:s26], [sflag:$0x1] =	stream.indirect_vreg.gather [hbm4b:s3+s2], $0x80, v4, vm0, $0xb8;
	[tilespmem:$0x10100] =	vst v63  }
0x8a: {  	v3 =	vperm.xlane v3, v2  }
0x8b: {  	[tilespmem:s24], [sflag:$0x1] =	stream.indirect_vreg.gather [hbm4b:s4+s2], $0x80, v4, vm0, $0xb8;
	[tilespmem:$0x10100] =	vst v63  }
0x8c: {  	v3 =	vadd.s32 v1, v3  }
0x8d: {  	[tilespmem:s25], [sflag:$0x1] =	stream.indirect_vreg.gather [hbm4b:s5+s2], $0x80, v4, vm0, $0xb8;
	[tilespmem:$0x10100] =	vst v63  }
0x8e: {  	_ = 	snop  }
0x8f: {  	[tilespmem:s28], [sflag:$0x1] =	stream.indirect_vreg.gather [hbm4b:s6+s2], $0x80, v4, vm0, $0xb8;
	[tilespmem:$0x10100] =	vst v63  }
0x90: {  	_ = 	snop  }
0x91: {  	[tilespmem:s29], [sflag:$0x1] =	stream.indirect_vreg.gather [hbm4b:s3+s2], $0x80, v3, vm0, $0xb8;
	[tilespmem:$0x10100] =	vst v63  }
0x92: {  	_ = 	snop  }
0x93: {  	[tilespmem:s30], [sflag:$0x1] =	stream.indirect_vreg.gather [hbm4b:s4+s2], $0x80, v3, vm0, $0xb8;
	[tilespmem:$0x10100] =	vst v63  }
0x94: {  	_ = 	snop  }
0x95: {  	[tilespmem:s31], [sflag:$0x1] =	stream.indirect_vreg.gather [hbm4b:s5+s2], $0x80, v3, vm0, $0xb8;
	[tilespmem:$0x10100] =	vst v63  }
0x96: {  	_ = 	snop  }
0x97: {  	[tilespmem:s0], [sflag:$0x1] =	stream.indirect_vreg.gather [hbm4b:s6+s2], $0x80, v3, vm0, $0xb8;
	[tilespmem:$0x10100] =	vst v63  }
0x98: {  	v3 =	vld [tilespmem:$0x10];
	_ =	sdelay $0x4  }
0x99: {  	v61 =	vshll.u32 v3, $0x3  }
0x9a: {  	v3 =	vand.u32 $0x7, v3;
	v4 =	vand.u32 $0xFFFFFFC0, v61  }
0x9b: {  	v3 =	vor.u32 v3, v4  }
0x9c: {  	v4 =	vperm.xlane v3, v0;
	_ =	sdelay $0x1  }
0x9d: {  	v4 =	vadd.s32 v1, v4;
	_ =	sdelay $0x4  }
0x9e: {  	[tilespmem:s1], [sflag:$0x1] =	stream.indirect_vreg.gather [hbm4b:s3+s2], $0x80, v4, vm0, $0xb8;
	[tilespmem:$0x10100] =	vst v63  }
0x9f: {  	v3 =	vperm.xlane v3, v2  }
0xa0: {  	[tilespmem:s10], [sflag:$0x1] =	stream.indirect_vreg.gather [hbm4b:s4+s2], $0x80, v4, vm0, $0xb8;
	[tilespmem:$0x10100] =	vst v63  }
0xa1: {  	v3 =	vadd.s32 v1, v3  }
0xa2: {  	[tilespmem:s11], [sflag:$0x1] =	stream.indirect_vreg.gather [hbm4b:s5+s2], $0x80, v4, vm0, $0xb8;
	[tilespmem:$0x10100] =	vst v63  }
0xa3: {  	_ = 	snop  }
0xa4: {  	[tilespmem:s12], [sflag:$0x1] =	stream.indirect_vreg.gather [hbm4b:s6+s2], $0x80, v4, vm0, $0xb8;
	[tilespmem:$0x10100] =	vst v63  }
0xa5: {  	_ = 	snop  }
0xa6: {  	[tilespmem:s13], [sflag:$0x1] =	stream.indirect_vreg.gather [hbm4b:s3+s2], $0x80, v3, vm0, $0xb8;
	[tilespmem:$0x10100] =	vst v63  }
0xa7: {  	_ = 	snop  }
0xa8: {  	[tilespmem:s14], [sflag:$0x1] =	stream.indirect_vreg.gather [hbm4b:s4+s2], $0x80, v3, vm0, $0xb8;
	[tilespmem:$0x10100] =	vst v63  }
0xa9: {  	_ = 	snop  }
0xaa: {  	[tilespmem:s15], [sflag:$0x1] =	stream.indirect_vreg.gather [hbm4b:s5+s2], $0x80, v3, vm0, $0xb8;
	[tilespmem:$0x10100] =	vst v63  }
0xab: {  	_ = 	snop  }
0xac: {  	[tilespmem:s16], [sflag:$0x1] =	stream.indirect_vreg.gather [hbm4b:s6+s2], $0x80, v3, vm0, $0xb8;
	[tilespmem:$0x10100] =	vst v63  }
0xad: {  	_ =	swait.ge [sflag:s21], $0x8000  }
0xae: {  	[sflag:s21] =	ssyncset.done $0x0  }
0xaf: {  	s0 =	rddreg [dreg:$0x6];
	[sflag:s21] =	ssyncadd.s32 $0xFFFF8000  }
0xb0: {  	[hbm4b:s0+s2] =	stream.linear.scatter [tilespmem:s19], [sflag:$0x4], $0x8000, $0x38;
	[tilespmem:$0x10100] =	vst v63  }
0xb1: {  	_ =	swait.ge [sflag:s22], $0x8000  }
0xb2: {  	[sflag:s22] =	ssyncset.done $0x0  }
0xb3: {  	s0 =	rddreg [dreg:$0x7];
	[sflag:s22] =	ssyncadd.s32 $0xFFFF8000  }
0xb4: {  	[tilespmem:s17], [sflag:$0x5] =	stream.linear.gather [hbm4b:s0+s2], $0x20, $0x38;
	[tilespmem:$0x10100] =	vst v63  }
0xb5: {  	_ =	swait.ge [sflag:s8], $0x20  }
0xb6: {  	[sflag:s8] =	ssyncset.done $0x0  }
0xb7: {  	[sflag:s8] =	ssyncadd.s32 $0xFFFFFFE0  }
0xb8: {  	v3 =	vld [tilespmem:$0x80];
	_ =	sdelay $0x4  }
0xb9: {  	v62 =	vshll.u32 v3, $0x3  }
0xba: {  	v3 =	vand.u32 $0x7, v3;
	v4 =	vand.u32 $0xFFFFFFC0, v62  }
0xbb: {  	v3 =	vor.u32 v3, v4  }
0xbc: {  	v4 =	vperm.xlane v3, v0;
	_ =	sdelay $0x1  }
0xbd: {  	v4 =	vadd.s32 v1, v4;
	_ =	sdelay $0x4  }
0xbe: {  	[tilespmem:s19], [sflag:$0x2] =	stream.indirect_vreg.gather [hbm4b:s3+s2], $0x80, v4, vm0, $0xb8;
	[tilespmem:$0x10100] =	vst v63  }
0xbf: {  	v3 =	vperm.xlane v3, v2  }
0xc0: {  	[tilespmem:s18], [sflag:$0x2] =	stream.indirect_vreg.gather [hbm4b:s4+s2], $0x80, v4, vm0, $0xb8;
	[tilespmem:$0x10100] =	vst v63  }
0xc1: {  	s23 =	simm.s32 $0x9100;
	v3 =	vadd.s32 v1, v3  }
0xc2: {  	[tilespmem:s23], [sflag:$0x2] =	stream.indirect_vreg.gather [hbm4b:s5+s2], $0x80, v4, vm0, $0xb8;
	[tilespmem:$0x10100] =	vst v63  }
0xc3: {  	s23 =	simm.s32 $0x9900  }
0xc4: {  	[tilespmem:s23], [sflag:$0x2] =	stream.indirect_vreg.gather [hbm4b:s6+s2], $0x80, v4, vm0, $0xb8;
	[tilespmem:$0x10100] =	vst v63  }
0xc5: {  	s23 =	simm.s32 $0xA100  }
0xc6: {  	[tilespmem:s23], [sflag:$0x2] =	stream.indirect_vreg.gather [hbm4b:s3+s2], $0x80, v3, vm0, $0xb8;
	[tilespmem:$0x10100] =	vst v63  }
0xc7: {  	s23 =	simm.s32 $0xA900  }
0xc8: {  	[tilespmem:s23], [sflag:$0x2] =	stream.indirect_vreg.gather [hbm4b:s4+s2], $0x80, v3, vm0, $0xb8;
	[tilespmem:$0x10100] =	vst v63  }
0xc9: {  	s23 =	simm.s32 $0xB100  }
0xca: {  	[tilespmem:s23], [sflag:$0x2] =	stream.indirect_vreg.gather [hbm4b:s5+s2], $0x80, v3, vm0, $0xb8;
	[tilespmem:$0x10100] =	vst v63  }
0xcb: {  	s23 =	simm.s32 $0xB900  }
0xcc: {  	[tilespmem:s23], [sflag:$0x2] =	stream.indirect_vreg.gather [hbm4b:s6+s2], $0x80, v3, vm0, $0xb8;
	[tilespmem:$0x10100] =	vst v63  }
0xcd: {  	v3 =	vld [tilespmem:$0x90];
	_ =	sdelay $0x4  }
0xce: {  	v63 =	vshll.u32 v3, $0x3  }
0xcf: {  	v3 =	vand.u32 $0x7, v3;
	v4 =	vand.u32 $0xFFFFFFC0, v63  }
0xd0: {  	v3 =	vor.u32 v3, v4  }
0xd1: {  	v4 =	vperm.xlane v3, v0;
	_ =	sdelay $0x1  }
0xd2: {  	v4 =	vadd.s32 v1, v4;
	_ =	sdelay $0x3  }
0xd3: {  	s23 =	simm.s32 $0xC100  }
0xd4: {  	[tilespmem:s23], [sflag:$0x2] =	stream.indirect_vreg.gather [hbm4b:s3+s2], $0x80, v4, vm0, $0xb8;
	[tilespmem:$0x10100] =	vst v63  }
0xd5: {  	v3 =	vperm.xlane v3, v2;
	s23 =	simm.s32 $0xC900  }
0xd6: {  	[tilespmem:s23], [sflag:$0x2] =	stream.indirect_vreg.gather [hbm4b:s4+s2], $0x80, v4, vm0, $0xb8;
	[tilespmem:$0x10100] =	vst v63  }
0xd7: {  	v3 =	vadd.s32 v1, v3;
	s23 =	simm.s32 $0xD100  }
0xd8: {  	[tilespmem:s23], [sflag:$0x2] =	stream.indirect_vreg.gather [hbm4b:s5+s2], $0x80, v4, vm0, $0xb8;
	[tilespmem:$0x10100] =	vst v63  }
0xd9: {  	s23 =	simm.s32 $0xD900  }
0xda: {  	[tilespmem:s23], [sflag:$0x2] =	stream.indirect_vreg.gather [hbm4b:s6+s2], $0x80, v4, vm0, $0xb8;
	[tilespmem:$0x10100] =	vst v63  }
0xdb: {  	s23 =	simm.s32 $0xE100  }
0xdc: {  	[tilespmem:s23], [sflag:$0x2] =	stream.indirect_vreg.gather [hbm4b:s3+s2], $0x80, v3, vm0, $0xb8;
	[tilespmem:$0x10100] =	vst v63  }
0xdd: {  	s23 =	simm.s32 $0xE900  }
0xde: {  	[tilespmem:s23], [sflag:$0x2] =	stream.indirect_vreg.gather [hbm4b:s4+s2], $0x80, v3, vm0, $0xb8;
	[tilespmem:$0x10100] =	vst v63  }
0xdf: {  	s23 =	simm.s32 $0xF100  }
0xe0: {  	[tilespmem:s23], [sflag:$0x2] =	stream.indirect_vreg.gather [hbm4b:s5+s2], $0x80, v3, vm0, $0xb8;
	[tilespmem:$0x10100] =	vst v63  }
0xe1: {  	s23 =	simm.s32 $0xF900  }
0xe2: {  	[tilespmem:s23], [sflag:$0x2] =	stream.indirect_vreg.gather [hbm4b:s6+s2], $0x80, v3, vm0, $0xb8;
	[tilespmem:$0x10100] =	vst v63  }
0xe3: {  	_ =	swait.ge [sflag:s9], $0x8000  }
0xe4: {  	[sflag:s9] =	ssyncset.done $0x0  }
0xe5: {  	s0 =	rddreg [dreg:$0x8];
	[sflag:s9] =	ssyncadd.s32 $0xFFFF8000  }
0xe6: {  	[hbm4b:s0+s2] =	stream.linear.scatter [tilespmem:s26], [sflag:$0x3], $0x8000, $0x38;
	[tilespmem:$0x10100] =	vst v63  }
0xe7: {  	_ =	swait.ge [sflag:s21], $0x8000  }
0xe8: {  	[sflag:s21] =	ssyncset.done $0x0  }
0xe9: {  	s0 =	rddreg [dreg:$0x9];
	[sflag:s21] =	ssyncadd.s32 $0xFFFF8000  }
0xea: {  	[hbm4b:s0+s2] =	stream.linear.scatter [tilespmem:s19], [sflag:$0x4], $0x8000, $0x38;
	[tilespmem:$0x10100] =	vst v63  }
0xeb: {  	p0 =	sne.s32 s7, $0x1;
	_ =	swait.ge [sflag:s20], $0x8000  }
.Ltmp0:
0xec: {  	[sflag:s20] =	ssyncset.done $0x0;
	(pc) =	sbr.rel @p0 .LBB2_1-.Ltmp0, $4  }
0xed: {  	[sflag:s20] =	ssyncadd.s32 $0xFFFF8000  }
0xee: {  	_ =	swait.ge [sflag:s22], $0x8000  }
0xef: {  	[sflag:s22] =	ssyncset.done $0x0  }
0xf0: {  	s7 =	sadd.s32 $0xFFFFFFFF, s7;
	[sflag:s22] =	ssyncadd.s32 $0xFFFF8000  }
0xf1: {  	_ =	sfence.sel $0x180000  }
0xf2: {  	[bflag:$0x0] =	sbarrier.arrive $0xFFFF  }
0xf3: {  	_ =	strace $0x9000004A  }
0xf4: {  	s0 =	stileid.u32;
	[bflag:$0x2] =	sbarrier.arrive $0xFFFF  }
0xf5: {  	p0 =	sne.s32 s0, $0x0;
	s0 =	rddreg [dreg:$0x1]  }
0xf6: {  	s0 =	sadd.s32 @!p0 $0x100000, s0  }
0xf7: {  	[sflag:s0] =	ssyncadd.tile.s32 @!p0 $0x1;
	_ =	shalt  }
.Lfunc_end2:
_tile_overlayer_lowered:
.L_overlay_start_2:
0xf8: {  	(tag) =	ssettag $0x2  }
0xf9: {  	s0 =	rddreg [dreg:$0x0];
	s2 =	stileid.u32  }
0xfa: {  	s1 =	rddreg [dreg:$0x1];
	p0 =	sne.s32 s2, $0x0  }
0xfb: {  	s3 =	rddreg [dreg:$0x2];
	[bflag:$0x3] =	sbarrier.arrive $0xFFFF;
	s2 =	simm.s32 @!p0 $0x1C05  }
0xfc: {  	[timem:s3], [sflag:s2] =	dma.local @!p0 [hbm:s0], s1  }
0xfd: {  	s0 =	simm.s32 @!p0 $0x5  }
0xfe: {  	_ =	swait.ge @!p0 [sflag:s0], s1  }
0xff: {  	s1 =	ssub.s32 @!p0 $0x0, s1;
	[sflag:s0] =	ssyncset.done @!p0 $0x0  }
0x100: {  	[sflag:s0] =	ssyncadd.s32 @!p0 s1  }
0x101: {  	[bflag:$0x3] =	sbarrier.arrive $0xFFFF  }
0x102: {  	_ =	shalt  }

// kernel: kernel.24.cloned.1.call-start
scs
__scs_entry_jumppad:
0x0: {  	(pc) =	sbr.rel $0x88, $3  }
0x1: {  	(tag) =	ssettag $0x0;
	lr =	simm.s32 $0x1  }
0x2: {  	[smem:$0x3F8A] =	sst lr;
	_ =	strace $0xD0000000  }
0x3: {  	_ = 	snop  }
0x4: {  	_ = 	snop  }
0x5: {  	_ = 	snop  }
0x6: {  	_ = 	snop  }
0x7: {  	_ = 	snop  }
__scs_overlays_trampoline_lowered:
0x8: {  	[smem:$0x3F99] =	sst s0  }
0x9: {  	[smem:$0x3F9A] =	sst s1  }
0xa: {  	[smem:$0x3F9B] =	sst s2  }
0xb: {  	[smem:$0x3F9C] =	sst s3  }
0xc: {  	[smem:$0x3F9D] =	sst s4  }
0xd: {  	[smem:$0x3F9E] =	sst s5  }
0xe: {  	[smem:$0x3F9F] =	sst s6  }
0xf: {  	[smem:$0x3FA0] =	sst s7  }
0x10: {  	[smem:$0x3FA1] =	sst s8  }
0x11: {  	[smem:$0x3FA2] =	sst s9;
	s0 =	simm.s32 @!p0 $0x0  }
0x12: {  	s1 =	sld [smem:$0x3F88];
	s0 =	simm.s32 @p0 $0x1  }
0x13: {  	[smem:$0x3FA3] =	sst s0;
	s0 =	simm.s32 @!p1 $0x0  }
0x14: {  	s2 =	sld [smem:$0x3F87];
	s0 =	simm.s32 @p1 $0x1  }
0x15: {  	[smem:$0x3FA4] =	sst s0;
	s0 =	simm.s32 @!p2 $0x0  }
0x16: {  	s3 =	sld [smem:$0x3FDB];
	s0 =	simm.s32 @p2 $0x1  }
0x17: {  	s4 =	simm.s32 $0x1BF5;
	[smem:$0x3FA6] =	sst s0  }
0x18: {  	s0 =	sld [smem:$0x3F89];
	_ =	swait.ge [sflag:s4], $0x0  }
0x19: {  	s7 =	sld [smem:$0x3F8A]  }
0x1a: {  	s8 =	sadd.s32 $0xFFFFE003, lr  }
0x1b: {  	s9 =	sadd.s32 $0xFFFFFEF7, lr;
	s5 =	simm.s32 $0xFFFFFFFF;
	p2 =	slt.u32 s8, $0xFFFFF086  }
0x1c: {  	p1 =	slt.u32 s9, $0xF7A;
	s5 =	simm.s32 @!p2 $0x0  }
0x1d: {  	s5 =	simm.s32 @p1 $0x1;
	p0 =	seq.s32 s7, s2  }
0x1e: {  	s7 =	smul.u32 @!p0 $0xF7A, s2;
	p2 =	seq.s32 @!p0 s5, $0x0  }
0x1f: {  	s9 =	smul.u32 $0xF7A, s1;
	s8 =	simm.s32 @!p0 $0x1BF5;
	p2 =	por !p2, p0  }
0x20: {  	[sflag:s8] =	ssyncset.s32 @!p0 $0xFFFFF086;
	s6 =	sadd.s32 @!p0 s3, s7;
	s7 =	simm.s32 @!p0 $0x108  }
0x21: {  	s3 =	sadd.s32 s3, s9;
	s6 =	sadd.s32 @!p0 $0x88, s6;
	s7 =	simm.s32 @p2 $0x1082  }
0x22: {  	[simem:s7], [sflag:s8] =	dma.local @!p0 [hbm:s6], $0xF7A  }
0x23: {  	s9 =	sor.u32 $0xD0000000, s2;
	s6 =	simm.s32 $0x108;
	_ =	swait.ge @!p0 [sflag:s8], $0x0  }
0x24: {  	s3 =	sadd.s32 $0x88, s3;
	s6 =	simm.s32 @!p1 $0x1082;
	[sflag:s4] =	ssyncset.s32 $0xFFFFF086  }
0x25: {  	[simem:s6], [sflag:s4] =	dma.local [hbm:s3], $0xF7A  }
0x26: {  	[smem:$0x3F8A] =	sst s1;
	(tag) =	ssettag s2;
	_ =	strace s9  }
0x27: {  	s1 =	sld [smem:$0x3F9A]  }
0x28: {  	s2 =	sld [smem:$0x3F9B]  }
0x29: {  	s4 =	sld [smem:$0x3F9D]  }
0x2a: {  	p0 =	seq.s32 s5, $0x0;
	s5 =	sld [smem:$0x3F9E]  }
0x2b: {  	s6 =	sld [smem:$0x3F9F]  }
0x2c: {  	s7 =	sld [smem:$0x3FA0]  }
0x2d: {  	s3 =	simm.s32 $0x108;
	s8 =	sld [smem:$0x3FA1]  }
0x2e: {  	s3 =	simm.s32 @!p0 $0x1082;
	s9 =	sld [smem:$0x3FA2]  }
0x2f: {  	lr =	sadd.s32 s0, s3;
	s0 =	sld [smem:$0x3F99]  }
0x30: {  	s3 =	sld [smem:$0x3F9C]  }
0x31: {  	[smem:$0x3FA5] =	sst s10  }
0x32: {  	s10 =	sld [smem:$0x3FA3];
	_ =	sdelay $0x3  }
0x33: {  	p0 =	seq.s32 s10, $0x1;
	s10 =	sld [smem:$0x3FA5];
	_ =	sdelay $0x3  }
0x34: {  	[smem:$0x3FA5] =	sst s10  }
0x35: {  	s10 =	sld [smem:$0x3FA4];
	_ =	sdelay $0x3  }
0x36: {  	p1 =	seq.s32 s10, $0x1;
	s10 =	sld [smem:$0x3FA5];
	_ =	sdelay $0x3  }
0x37: {  	[smem:$0x3FA5] =	sst s10  }
0x38: {  	s10 =	sld [smem:$0x3FA6]  }
0x39: {  	_ = 	snop;
	(pc) =	sbr.ind lr, $3  }
0x3a: {  	_ = 	snop  }
0x3b: {  	_ = 	snop  }
0x3c: {  	p2 =	seq.s32 s10, $0x1;
	s10 =	sld [smem:$0x3FA5]  }
0x3d: {  	_ =	shalt  }
0x3e: {  	_ =	shalt  }
0x3f: {  	_ =	shalt  }
0x40: {  	_ =	shalt  }
0x41: {  	_ =	shalt  }
0x42: {  	_ =	shalt  }
0x43: {  	_ =	shalt  }
0x44: {  	_ =	shalt  }
0x45: {  	_ =	shalt  }
0x46: {  	_ =	shalt  }
0x47: {  	_ =	shalt  }
0x48: {  	_ =	shalt  }
0x49: {  	_ =	shalt  }
0x4a: {  	_ =	shalt  }
0x4b: {  	_ =	shalt  }
0x4c: {  	_ =	shalt  }
0x4d: {  	_ =	shalt  }
0x4e: {  	_ =	shalt  }
0x4f: {  	_ =	shalt  }
0x50: {  	_ =	shalt  }
0x51: {  	_ =	shalt  }
0x52: {  	_ =	shalt  }
0x53: {  	_ =	shalt  }
0x54: {  	_ =	shalt  }
0x55: {  	_ =	shalt  }
0x56: {  	_ =	shalt  }
0x57: {  	_ =	shalt  }
0x58: {  	_ =	shalt  }
0x59: {  	_ =	shalt  }
0x5a: {  	_ =	shalt  }
0x5b: {  	_ =	shalt  }
0x5c: {  	_ =	shalt  }
0x5d: {  	_ =	shalt  }
0x5e: {  	_ =	shalt  }
0x5f: {  	_ =	shalt  }
0x60: {  	_ =	shalt  }
0x61: {  	_ =	shalt  }
0x62: {  	_ =	shalt  }
0x63: {  	_ =	shalt  }
0x64: {  	_ =	shalt  }
0x65: {  	_ =	shalt  }
0x66: {  	_ =	shalt  }
0x67: {  	_ =	shalt  }
0x68: {  	_ =	shalt  }
0x69: {  	_ =	shalt  }
0x6a: {  	_ =	shalt  }
0x6b: {  	_ =	shalt  }
0x6c: {  	_ =	shalt  }
0x6d: {  	_ =	shalt  }
0x6e: {  	_ =	shalt  }
0x6f: {  	_ =	shalt  }
0x70: {  	_ =	shalt  }
0x71: {  	_ =	shalt  }
0x72: {  	_ =	shalt  }
0x73: {  	_ =	shalt  }
0x74: {  	_ =	shalt  }
0x75: {  	_ =	shalt  }
0x76: {  	_ =	shalt  }
0x77: {  	_ =	shalt  }
0x78: {  	_ =	shalt  }
0x79: {  	_ =	shalt  }
0x7a: {  	_ =	shalt  }
0x7b: {  	_ =	shalt  }
0x7c: {  	_ =	shalt  }
0x7d: {  	_ =	shalt  }
0x7e: {  	_ =	shalt  }
0x7f: {  	_ =	shalt  }
0x80: {  	_ =	shalt  }
0x81: {  	_ =	shalt  }
0x82: {  	_ =	shalt  }
0x83: {  	_ =	shalt  }
0x84: {  	_ =	shalt  }
0x85: {  	_ =	shalt  }
0x86: {  	_ =	shalt  }
0x87: {  	_ =	shalt  }
.Lfunc_end0:
.L_simem_size_0:
called_computation.2_lowered:
.L_overlay_start_0:
0x88: {  	s2 =	sld [smem:$0x3FD9]  }
0x89: {  	s3 =	sld [smem:$0x3FFE];
	_ =	sdelay $0x1  }
0x8a: {  	s1 =	srdreg.scid  }
0x8b: {  	s0 =	sand.u32 $0x1, s1  }
0x8c: {  	s16 =	sshll.u32 s0, $0xA;
	s2 =	sadd.s32 s3, s2  }
0x8d: {  	s2 =	sadd.s32 s2, s16  }
0x8e: {  	[smem:$0x3FB1] =	sst s2  }
0x8f: {  	_ = 	snop  }
0x90: {  	(tm) =	ssettm $0x1  }
0x91: {  	s17 =	sld [smem:$0x3FFB];
	_ =	sdelay $0x3  }
0x92: {  	_ =	strace s17  }
0x93: {  	s2 =	sld [smem:$0x3FFC];
	_ =	sdelay $0x3  }
0x94: {  	_ =	strace s2  }
0x95: {  	s2 =	sld [smem:$0x3FFD];
	_ =	sdelay $0x3  }
0x96: {  	_ =	strace s2  }
0x97: {  	_ =	strace $0x8FFFFFFF  }
0x98: {  	s18 =	sld [smem:$0x3FDB];
	_ =	sdelay $0x1  }
0x99: {  	s19 =	simm.s32 $_scs_section_size  }
0x9a: {  	s4 =	simm.s32 $_size__tile_overlayer_lowered;
	s5 =	simm.s32 $_tile_overlayer_lowered  }
0x9b: {  	s22 =	simm.s32 $0x1BFF;
	s21 =	sshll.u32 s5, $0x1;
	s2 =	sadd.s32 s19, s18  }
0x9c: {  	s6 =	simm.s32 $0x0;
	s20 =	sshll.u32 s4, $0x1;
	s4 =	sadd.s32 s21, s2  }
0x9d: {  	[timem:s6], [sflag:s22] =	dma.local [hbm:s4], s20  }
0x9e: {  	_ =	swait.ge [sflag:s22], s20  }
0x9f: {  	s3 =	ssub.s32 $0x0, s20;
	[sflag:s22] =	ssyncset.done $0x0  }
0xa0: {  	[sflag:s22] =	ssyncadd.s32 s3;
	_ =	sdelay $0x1  }
0xa1: {  	s23 =	simm.s32 $0x1B8B  }
0xa2: {  	_ =	swait.ge [sflag:s23], $0x1  }
0xa3: {  	[sflag:s23] =	ssyncset.done $0x0  }
0xa4: {  	s25 =	simm.s32 $0x1B8E;
	s24 =	sld [smem:$0x3FFE];
	[sflag:s23] =	ssyncadd.s32 $0xFFFFFFFF  }
0xa5: {  	s26 =	simm.s32 $execute0_lowered;
	[smem:$0x3FD2] =	sst s25  }
0xa6: {  	s4 =	sshll.u32 s26, $0x1;
	_ =	strace $0x8000004C;
	[dreg:$0x1] =	wrdreg $0xFFFFFFFF  }
0xa7: {  	s28 =	simm.s32 $_size_execute0_lowered;
	s2 =	sadd.s32 s2, s4;
	[dreg:$0x0] =	wrdreg $0x0  }
0xa8: {  	s4 =	sshll.u32 s28, $0x1;
	[dreg:$0x2] =	wrdreg s2  }
0xa9: {  	[dreg:$0x3] =	wrdreg s4  }
0xaa: {  	[dreg:$0x4] =	wrdreg $0xC0  }
0xab: {  	_ =	task [dreg:s6], $0x5FFFF  }
0xac: {  	[dreg:$0x1] =	wrdreg $0xFFFFFFFF  }
0xad: {  	[dreg:$0x0] =	wrdreg $0x60  }
0xae: {  	[dreg:$0x2] =	wrdreg s24  }
0xaf: {  	[dreg:$0x3] =	wrdreg $0x9  }
0xb0: {  	_ =	task.clear_ibuf [dreg:s6], $0x4FFFF;
	_ =	strace $0x9000004C  }
0xb1: {  	s29 =	simm.s32 $0x9;
	_ =	strace $0x8000004E  }
0xb2: {  	_ =	swait.ge [sflag:s29], $0x1  }
0xb3: {  	[sflag:s29] =	ssyncadd.s32 $0xFFFFFFFF  }
0xb4: {  	_ =	strace $0x9000004E  }
0xb5: {  	_ =	sfence  }
0xb6: {  	s30 =	sld [smem:$0x0];
	_ =	sdelay $0x2  }
0xb7: {  	s31 =	sshll.u32 s1, $0xD;
	s1 =	sshrl.u32 s1, $0x2  }
0xb8: {  	s3 =	sand.u32 $0x4000, s31;
	s1 =	sadd.s32 s1, s30  }
0xb9: {  	s0 =	sor.u32 s3, s0;
	s1 =	sshll.u32 s1, $0x11  }
0xba: {  	s0 =	sor.u32 s1, s0  }
0xbb: {  	s0 =	sadd.s32 $0x8F2B, s0  }
0xbc: {  	[sflag:s0] =	ssyncadd.remote.s32 $0x1  }
0xbd: {  	_ =	sfence.sel $0xFFFF  }
0xbe: {  	[dreg:$0x0] =	wrdreg $0xFFFFFFFF;
	(pc) =	sbr.abs _section_cstart, $3  }
0xbf: {  	[dreg:$0x1] =	wrdreg $0xFFFFFFFF  }
0xc0: {  	_ =	task.clear_ibuf [dreg:s6], $0x2FFFF;
	_ =	strace $0x9FFFFFFF  }
0xc1: {  	(tm) =	ssettm $0x7FFFFFFF  }
tec
execute0_lowered:
.L_overlay_start_1:
0x0: {  	(tag) =	ssettag $0x1  }
0x1: {  	s0 =	rddreg [dreg:$0x0]  }
0x2: {  	s2 =	simm.s32 $0x0;
	s1 =	srdreg.scid;
	s4 =	stileid.u32  }
0x3: {  	s28 =	simm.s32 $0x1900;
	s29 =	simm.s32 $0x2100;
	s30 =	simm.s32 $0x2900  }
0x4: {  	s31 =	simm.s32 $0x3100;
	s11 =	simm.s32 $0x5100;
	s12 =	simm.s32 $0x5900  }
0x5: {  	s13 =	simm.s32 $0x6100;
	s14 =	simm.s32 $0x6900;
	s15 =	simm.s32 $0x7100  }
0x6: {  	[smem:$0x7FF] =	sst s2;
	s1 =	sand.u32 $0x1, s1;
	s3 =	sadd.s32 $0x110E00, s0  }
0x7: {  	s4 =	sshll.u32 s4, $0x8;
	s6 =	sadd.s32 $0x8200, s0;
	s5 =	sshll.u32 s1, $0x7  }
0x8: {  	s7 =	sadd.s32 $0x190E00, s0;
	s1 =	ssub.s32 $0x2, s1;
	s4 =	sor.u32 s5, s4  }
0x9: {  	_ =	strace $0x8000004D;
	s9 =	sshrl.u32 s1, $0x1;
	s5 =	sshrl.u32 s4, $0x3  }
0xa: {  	s8 =	sor.u32 $0x20, s4;
	s17 =	sshll.u32 s4, $0x7;
	s19 =	sor.u32 $0x40, s4  }
0xb: {  	s1 =	ssub.s32 s1, s9;
	s4 =	sor.u32 $0x60, s4;
	s9 =	simm.s32 $0x1  }
0xc: {  	s5 =	sadd.s32 s6, s5;
	s10 =	sshrl.u32 s8, $0x3;
	s18 =	sadd.s32 s7, s17  }
0xd: {  	s20 =	sshrl.u32 s19, $0x3;
	s8 =	sshll.u32 s8, $0x7;
	s22 =	sshrl.u32 s4, $0x3  }
0xe: {  	s24 =	sshll.u32 s19, $0x7;
	s26 =	sshll.u32 s4, $0x7;
	s4 =	sadd.s32 $0x110F00, s0  }
0xf: {  	s17 =	simm.s32 $0x80;
	s19 =	simm.s32 $0x8100;
	[dreg:$0x2] =	wrdreg s5  }
0x10: {  	s16 =	sadd.s32 s6, s10;
	[dreg:$0x4] =	wrdreg s18;
	s5 =	sadd.s32 s6, s20  }
0x11: {  	s21 =	sadd.s32 s7, s8;
	s23 =	sadd.s32 s6, s22;
	s25 =	sadd.s32 s7, s24  }
0x12: {  	s7 =	sadd.s32 s7, s26;
	s6 =	sadd.s32 $0x111100, s0;
	[dreg:$0x3] =	wrdreg s16  }
0x13: {  	s8 =	simm.s32 $0x5;
	s20 =	simm.s32 $0x3;
	[dreg:$0x5] =	wrdreg s5  }
0x14: {  	s22 =	simm.s32 $0x4;
	s26 =	simm.s32 $0x100;
	[dreg:$0x6] =	wrdreg s21  }
0x15: {  	s24 =	simm.s32 $0x900;
	s10 =	simm.s32 $0x4900;
	[dreg:$0x7] =	wrdreg s23  }
0x16: {  	v2 =	vlaneseq.u32;
	s18 =	simm.s32 $0x8900;
	[dreg:$0x8] =	wrdreg s25;
	s5 =	sadd.s32 $0x111000, s0  }
0x17: {  	vm0 =	vmmov $0xffff;
	v1 =	vshrl.u32 v2, $0x3;
	[dreg:$0x9] =	wrdreg s7;
	s7 =	smax.u32 s1, $0x1;
	s21 =	simm.s32 $0x2  }
0x18: {  	v0 =	vand.u32 $0x7, v2;
	v2 =	vor.u32 $0x8, v2;
	v1 =	vmul.u32 $0x8, v1;
	s25 =	simm.s32 $0x1100;
	s1 =	simm.s32 $0x4100;
	s16 =	simm.s32 $0x7900  }
.LBB2_1:
0x19: {  	s23 =	rddreg [dreg:$0x2]  }
0x1a: {  	[tilespmem:s2], [sflag:$0x5] =	stream.linear.gather [hbm4b:s23+s2], $0x20, $0x38;
	[tilespmem:$0x10100] =	vst v63  }
0x1b: {  	_ =	swait.ge [sflag:s8], $0x20  }
0x1c: {  	[sflag:s8] =	ssyncset.done $0x0  }
0x1d: {  	[sflag:s8] =	ssyncadd.s32 $0xFFFFFFE0  }
0x1e: {  	v3 =	vld [tilespmem:$0x0];
	_ =	sdelay $0x4  }
0x1f: {  	v4 =	vshll.u32 v3, $0x3  }
0x20: {  	v3 =	vand.u32 $0x7, v3;
	v4 =	vand.u32 $0xFFFFFFC0, v4  }
0x21: {  	v3 =	vor.u32 v3, v4  }
0x22: {  	v4 =	vperm.xlane v3, v0;
	_ =	sdelay $0x1  }
0x23: {  	v4 =	vadd.s32 v1, v4;
	_ =	sdelay $0x4  }
0x24: {  	[tilespmem:s26], [sflag:$0x1] =	stream.indirect_vreg.gather [hbm4b:s3+s2], $0x80, v4, vm0, $0xb8;
	[tilespmem:$0x10100] =	vst v63  }
0x25: {  	v3 =	vperm.xlane v3, v2  }
0x26: {  	[tilespmem:s24], [sflag:$0x1] =	stream.indirect_vreg.gather [hbm4b:s4+s2], $0x80, v4, vm0, $0xb8;
	[tilespmem:$0x10100] =	vst v63  }
0x27: {  	v3 =	vadd.s32 v1, v3  }
0x28: {  	[tilespmem:s25], [sflag:$0x1] =	stream.indirect_vreg.gather [hbm4b:s5+s2], $0x80, v4, vm0, $0xb8;
	[tilespmem:$0x10100] =	vst v63  }
0x29: {  	_ = 	snop  }
0x2a: {  	[tilespmem:s28], [sflag:$0x1] =	stream.indirect_vreg.gather [hbm4b:s6+s2], $0x80, v4, vm0, $0xb8;
	[tilespmem:$0x10100] =	vst v63  }
0x2b: {  	_ = 	snop  }
0x2c: {  	[tilespmem:s29], [sflag:$0x1] =	stream.indirect_vreg.gather [hbm4b:s3+s2], $0x80, v3, vm0, $0xb8;
	[tilespmem:$0x10100] =	vst v63  }
0x2d: {  	_ = 	snop  }
0x2e: {  	[tilespmem:s30], [sflag:$0x1] =	stream.indirect_vreg.gather [hbm4b:s4+s2], $0x80, v3, vm0, $0xb8;
	[tilespmem:$0x10100] =	vst v63  }
0x2f: {  	_ = 	snop  }
0x30: {  	[tilespmem:s31], [sflag:$0x1] =	stream.indirect_vreg.gather [hbm4b:s5+s2], $0x80, v3, vm0, $0xb8;
	[tilespmem:$0x10100] =	vst v63  }
0x31: {  	s0 =	simm.s32 $0x3900  }
0x32: {  	[tilespmem:s0], [sflag:$0x1] =	stream.indirect_vreg.gather [hbm4b:s6+s2], $0x80, v3, vm0, $0xb8;
	[tilespmem:$0x10100] =	vst v63  }
0x33: {  	v3 =	vld [tilespmem:$0x10];
	_ =	sdelay $0x4  }
0x34: {  	v57 =	vshll.u32 v3, $0x3  }
0x35: {  	v3 =	vand.u32 $0x7, v3;
	v4 =	vand.u32 $0xFFFFFFC0, v57  }
0x36: {  	v3 =	vor.u32 v3, v4  }
0x37: {  	v4 =	vperm.xlane v3, v0;
	_ =	sdelay $0x1  }
0x38: {  	v4 =	vadd.s32 v1, v4;
	_ =	sdelay $0x4  }
0x39: {  	[tilespmem:s1], [sflag:$0x1] =	stream.indirect_vreg.gather [hbm4b:s3+s2], $0x80, v4, vm0, $0xb8;
	[tilespmem:$0x10100] =	vst v63  }
0x3a: {  	v3 =	vperm.xlane v3, v2  }
0x3b: {  	[tilespmem:s10], [sflag:$0x1] =	stream.indirect_vreg.gather [hbm4b:s4+s2], $0x80, v4, vm0, $0xb8;
	[tilespmem:$0x10100] =	vst v63  }
0x3c: {  	v3 =	vadd.s32 v1, v3  }
0x3d: {  	[tilespmem:s11], [sflag:$0x1] =	stream.indirect_vreg.gather [hbm4b:s5+s2], $0x80, v4, vm0, $0xb8;
	[tilespmem:$0x10100] =	vst v63  }
0x3e: {  	_ = 	snop  }
0x3f: {  	[tilespmem:s12], [sflag:$0x1] =	stream.indirect_vreg.gather [hbm4b:s6+s2], $0x80, v4, vm0, $0xb8;
	[tilespmem:$0x10100] =	vst v63  }
0x40: {  	_ = 	snop  }
0x41: {  	[tilespmem:s13], [sflag:$0x1] =	stream.indirect_vreg.gather [hbm4b:s3+s2], $0x80, v3, vm0, $0xb8;
	[tilespmem:$0x10100] =	vst v63  }
0x42: {  	_ = 	snop  }
0x43: {  	[tilespmem:s14], [sflag:$0x1] =	stream.indirect_vreg.gather [hbm4b:s4+s2], $0x80, v3, vm0, $0xb8;
	[tilespmem:$0x10100] =	vst v63  }
0x44: {  	_ = 	snop  }
0x45: {  	[tilespmem:s15], [sflag:$0x1] =	stream.indirect_vreg.gather [hbm4b:s5+s2], $0x80, v3, vm0, $0xb8;
	[tilespmem:$0x10100] =	vst v63  }
0x46: {  	_ = 	snop  }
0x47: {  	[tilespmem:s16], [sflag:$0x1] =	stream.indirect_vreg.gather [hbm4b:s6+s2], $0x80, v3, vm0, $0xb8;
	[tilespmem:$0x10100] =	vst v63  }
0x48: {  	s23 =	rddreg [dreg:$0x3]  }
0x49: {  	[tilespmem:s17], [sflag:$0x5] =	stream.linear.gather [hbm4b:s23+s2], $0x20, $0x38;
	[tilespmem:$0x10100] =	vst v63  }
0x4a: {  	_ =	swait.ge [sflag:s8], $0x20  }
0x4b: {  	[sflag:s8] =	ssyncset.done $0x0  }
0x4c: {  	[sflag:s8] =	ssyncadd.s32 $0xFFFFFFE0  }
0x4d: {  	v3 =	vld [tilespmem:$0x80];
	_ =	sdelay $0x4  }
0x4e: {  	v58 =	vshll.u32 v3, $0x3  }
0x4f: {  	v3 =	vand.u32 $0x7, v3;
	v4 =	vand.u32 $0xFFFFFFC0, v58  }
0x50: {  	v3 =	vor.u32 v3, v4  }
0x51: {  	v4 =	vperm.xlane v3, v0;
	_ =	sdelay $0x1  }
0x52: {  	v4 =	vadd.s32 v1, v4;
	_ =	sdelay $0x4  }
0x53: {  	[tilespmem:s19], [sflag:$0x2] =	stream.indirect_vreg.gather [hbm4b:s3+s2], $0x80, v4, vm0, $0xb8;
	[tilespmem:$0x10100] =	vst v63  }
0x54: {  	v3 =	vperm.xlane v3, v2  }
0x55: {  	[tilespmem:s18], [sflag:$0x2] =	stream.indirect_vreg.gather [hbm4b:s4+s2], $0x80, v4, vm0, $0xb8;
	[tilespmem:$0x10100] =	vst v63  }
0x56: {  	s23 =	simm.s32 $0x9100;
	v3 =	vadd.s32 v1, v3  }
0x57: {  	[tilespmem:s23], [sflag:$0x2] =	stream.indirect_vreg.gather [hbm4b:s5+s2], $0x80, v4, vm0, $0xb8;
	[tilespmem:$0x10100] =	vst v63  }
0x58: {  	s23 =	simm.s32 $0x9900  }
0x59: {  	[tilespmem:s23], [sflag:$0x2] =	stream.indirect_vreg.gather [hbm4b:s6+s2], $0x80, v4, vm0, $0xb8;
	[tilespmem:$0x10100] =	vst v63  }
0x5a: {  	s23 =	simm.s32 $0xA100  }
0x5b: {  	[tilespmem:s23], [sflag:$0x2] =	stream.indirect_vreg.gather [hbm4b:s3+s2], $0x80, v3, vm0, $0xb8;
	[tilespmem:$0x10100] =	vst v63  }
0x5c: {  	s23 =	simm.s32 $0xA900  }
0x5d: {  	[tilespmem:s23], [sflag:$0x2] =	stream.indirect_vreg.gather [hbm4b:s4+s2], $0x80, v3, vm0, $0xb8;
	[tilespmem:$0x10100] =	vst v63  }
0x5e: {  	s23 =	simm.s32 $0xB100  }
0x5f: {  	[tilespmem:s23], [sflag:$0x2] =	stream.indirect_vreg.gather [hbm4b:s5+s2], $0x80, v3, vm0, $0xb8;
	[tilespmem:$0x10100] =	vst v63  }
0x60: {  	s23 =	simm.s32 $0xB900  }
0x61: {  	[tilespmem:s23], [sflag:$0x2] =	stream.indirect_vreg.gather [hbm4b:s6+s2], $0x80, v3, vm0, $0xb8;
	[tilespmem:$0x10100] =	vst v63  }
0x62: {  	v3 =	vld [tilespmem:$0x90];
	_ =	sdelay $0x4  }
0x63: {  	v59 =	vshll.u32 v3, $0x3  }
0x64: {  	v3 =	vand.u32 $0x7, v3;
	v4 =	vand.u32 $0xFFFFFFC0, v59  }
0x65: {  	v3 =	vor.u32 v3, v4  }
0x66: {  	v4 =	vperm.xlane v3, v0;
	_ =	sdelay $0x1  }
0x67: {  	v4 =	vadd.s32 v1, v4;
	_ =	sdelay $0x3  }
0x68: {  	s23 =	simm.s32 $0xC100  }
0x69: {  	[tilespmem:s23], [sflag:$0x2] =	stream.indirect_vreg.gather [hbm4b:s3+s2], $0x80, v4, vm0, $0xb8;
	[tilespmem:$0x10100] =	vst v63  }
0x6a: {  	v3 =	vperm.xlane v3, v2;
	s23 =	simm.s32 $0xC900  }
0x6b: {  	[tilespmem:s23], [sflag:$0x2] =	stream.indirect_vreg.gather [hbm4b:s4+s2], $0x80, v4, vm0, $0xb8;
	[tilespmem:$0x10100] =	vst v63  }
0x6c: {  	v3 =	vadd.s32 v1, v3;
	s23 =	simm.s32 $0xD100  }
0x6d: {  	[tilespmem:s23], [sflag:$0x2] =	stream.indirect_vreg.gather [hbm4b:s5+s2], $0x80, v4, vm0, $0xb8;
	[tilespmem:$0x10100] =	vst v63  }
0x6e: {  	s23 =	simm.s32 $0xD900  }
0x6f: {  	[tilespmem:s23], [sflag:$0x2] =	stream.indirect_vreg.gather [hbm4b:s6+s2], $0x80, v4, vm0, $0xb8;
	[tilespmem:$0x10100] =	vst v63  }
0x70: {  	s23 =	simm.s32 $0xE100  }
0x71: {  	[tilespmem:s23], [sflag:$0x2] =	stream.indirect_vreg.gather [hbm4b:s3+s2], $0x80, v3, vm0, $0xb8;
	[tilespmem:$0x10100] =	vst v63  }
0x72: {  	s23 =	simm.s32 $0xE900  }
0x73: {  	[tilespmem:s23], [sflag:$0x2] =	stream.indirect_vreg.gather [hbm4b:s4+s2], $0x80, v3, vm0, $0xb8;
	[tilespmem:$0x10100] =	vst v63  }
0x74: {  	s23 =	simm.s32 $0xF100  }
0x75: {  	[tilespmem:s23], [sflag:$0x2] =	stream.indirect_vreg.gather [hbm4b:s5+s2], $0x80, v3, vm0, $0xb8;
	[tilespmem:$0x10100] =	vst v63  }
0x76: {  	s23 =	simm.s32 $0xF900  }
0x77: {  	[tilespmem:s23], [sflag:$0x2] =	stream.indirect_vreg.gather [hbm4b:s6+s2], $0x80, v3, vm0, $0xb8;
	[tilespmem:$0x10100] =	vst v63  }
0x78: {  	_ =	swait.ge [sflag:s9], $0x8000  }
0x79: {  	[sflag:s9] =	ssyncset.done $0x0  }
0x7a: {  	s23 =	rddreg [dreg:$0x4];
	[sflag:s9] =	ssyncadd.s32 $0xFFFF8000  }
0x7b: {  	[hbm4b:s23+s2] =	stream.linear.scatter [tilespmem:s26], [sflag:$0x3], $0x8000, $0x38;
	[tilespmem:$0x10100] =	vst v63  }
0x7c: {  	_ =	swait.ge [sflag:s20], $0x8000  }
0x7d: {  	[sflag:s20] =	ssyncset.done $0x0  }
0x7e: {  	s23 =	rddreg [dreg:$0x5];
	[sflag:s20] =	ssyncadd.s32 $0xFFFF8000  }
0x7f: {  	[tilespmem:s2], [sflag:$0x5] =	stream.linear.gather [hbm4b:s23+s2], $0x20, $0x38;
	[tilespmem:$0x10100] =	vst v63  }
0x80: {  	_ =	swait.ge [sflag:s8], $0x20  }
0x81: {  	[sflag:s8] =	ssyncset.done $0x0  }
0x82: {  	[sflag:s8] =	ssyncadd.s32 $0xFFFFFFE0  }
0x83: {  	v3 =	vld [tilespmem:$0x0];
	_ =	sdelay $0x4  }
0x84: {  	v60 =	vshll.u32 v3, $0x3  }
0x85: {  	v3 =	vand.u32 $0x7, v3;
	v4 =	vand.u32 $0xFFFFFFC0, v60  }
0x86: {  	v3 =	vor.u32 v3, v4  }
0x87: {  	v4 =	vperm.xlane v3, v0;
	_ =	sdelay $0x1  }
0x88: {  	v4 =	vadd.s32 v1, v4;
	_ =	sdelay $0x4  }
0x89: {  	[tilespmem:s26], [sflag:$0x1] =	stream.indirect_vreg.gather [hbm4b:s3+s2], $0x80, v4, vm0, $0xb8;
	[tilespmem:$0x10100] =	vst v63  }
0x8a: {  	v3 =	vperm.xlane v3, v2  }
0x8b: {  	[tilespmem:s24], [sflag:$0x1] =	stream.indirect_vreg.gather [hbm4b:s4+s2], $0x80, v4, vm0, $0xb8;
	[tilespmem:$0x10100] =	vst v63  }
0x8c: {  	v3 =	vadd.s32 v1, v3  }
0x8d: {  	[tilespmem:s25], [sflag:$0x1] =	stream.indirect_vreg.gather [hbm4b:s5+s2], $0x80, v4, vm0, $0xb8;
	[tilespmem:$0x10100] =	vst v63  }
0x8e: {  	_ = 	snop  }
0x8f: {  	[tilespmem:s28], [sflag:$0x1] =	stream.indirect_vreg.gather [hbm4b:s6+s2], $0x80, v4, vm0, $0xb8;
	[tilespmem:$0x10100] =	vst v63  }
0x90: {  	_ = 	snop  }
0x91: {  	[tilespmem:s29], [sflag:$0x1] =	stream.indirect_vreg.gather [hbm4b:s3+s2], $0x80, v3, vm0, $0xb8;
	[tilespmem:$0x10100] =	vst v63  }
0x92: {  	_ = 	snop  }
0x93: {  	[tilespmem:s30], [sflag:$0x1] =	stream.indirect_vreg.gather [hbm4b:s4+s2], $0x80, v3, vm0, $0xb8;
	[tilespmem:$0x10100] =	vst v63  }
0x94: {  	_ = 	snop  }
0x95: {  	[tilespmem:s31], [sflag:$0x1] =	stream.indirect_vreg.gather [hbm4b:s5+s2], $0x80, v3, vm0, $0xb8;
	[tilespmem:$0x10100] =	vst v63  }
0x96: {  	_ = 	snop  }
0x97: {  	[tilespmem:s0], [sflag:$0x1] =	stream.indirect_vreg.gather [hbm4b:s6+s2], $0x80, v3, vm0, $0xb8;
	[tilespmem:$0x10100] =	vst v63  }
0x98: {  	v3 =	vld [tilespmem:$0x10];
	_ =	sdelay $0x4  }
0x99: {  	v61 =	vshll.u32 v3, $0x3  }
0x9a: {  	v3 =	vand.u32 $0x7, v3;
	v4 =	vand.u32 $0xFFFFFFC0, v61  }
0x9b: {  	v3 =	vor.u32 v3, v4  }
0x9c: {  	v4 =	vperm.xlane v3, v0;
	_ =	sdelay $0x1  }
0x9d: {  	v4 =	vadd.s32 v1, v4;
	_ =	sdelay $0x4  }
0x9e: {  	[tilespmem:s1], [sflag:$0x1] =	stream.indirect_vreg.gather [hbm4b:s3+s2], $0x80, v4, vm0, $0xb8;
	[tilespmem:$0x10100] =	vst v63  }
0x9f: {  	v3 =	vperm.xlane v3, v2  }
0xa0: {  	[tilespmem:s10], [sflag:$0x1] =	stream.indirect_vreg.gather [hbm4b:s4+s2], $0x80, v4, vm0, $0xb8;
	[tilespmem:$0x10100] =	vst v63  }
0xa1: {  	v3 =	vadd.s32 v1, v3  }
0xa2: {  	[tilespmem:s11], [sflag:$0x1] =	stream.indirect_vreg.gather [hbm4b:s5+s2], $0x80, v4, vm0, $0xb8;
	[tilespmem:$0x10100] =	vst v63  }
0xa3: {  	_ = 	snop  }
0xa4: {  	[tilespmem:s12], [sflag:$0x1] =	stream.indirect_vreg.gather [hbm4b:s6+s2], $0x80, v4, vm0, $0xb8;
	[tilespmem:$0x10100] =	vst v63  }
0xa5: {  	_ = 	snop  }
0xa6: {  	[tilespmem:s13], [sflag:$0x1] =	stream.indirect_vreg.gather [hbm4b:s3+s2], $0x80, v3, vm0, $0xb8;
	[tilespmem:$0x10100] =	vst v63  }
0xa7: {  	_ = 	snop  }
0xa8: {  	[tilespmem:s14], [sflag:$0x1] =	stream.indirect_vreg.gather [hbm4b:s4+s2], $0x80, v3, vm0, $0xb8;
	[tilespmem:$0x10100] =	vst v63  }
0xa9: {  	_ = 	snop  }
0xaa: {  	[tilespmem:s15], [sflag:$0x1] =	stream.indirect_vreg.gather [hbm4b:s5+s2], $0x80, v3, vm0, $0xb8;
	[tilespmem:$0x10100] =	vst v63  }
0xab: {  	_ = 	snop  }
0xac: {  	[tilespmem:s16], [sflag:$0x1] =	stream.indirect_vreg.gather [hbm4b:s6+s2], $0x80, v3, vm0, $0xb8;
	[tilespmem:$0x10100] =	vst v63  }
0xad: {  	_ =	swait.ge [sflag:s21], $0x8000  }
0xae: {  	[sflag:s21] =	ssyncset.done $0x0  }
0xaf: {  	s0 =	rddreg [dreg:$0x6];
	[sflag:s21] =	ssyncadd.s32 $0xFFFF8000  }
0xb0: {  	[hbm4b:s0+s2] =	stream.linear.scatter [tilespmem:s19], [sflag:$0x4], $0x8000, $0x38;
	[tilespmem:$0x10100] =	vst v63  }
0xb1: {  	_ =	swait.ge [sflag:s22], $0x8000  }
0xb2: {  	[sflag:s22] =	ssyncset.done $0x0  }
0xb3: {  	s0 =	rddreg [dreg:$0x7];
	[sflag:s22] =	ssyncadd.s32 $0xFFFF8000  }
0xb4: {  	[tilespmem:s17], [sflag:$0x5] =	stream.linear.gather [hbm4b:s0+s2], $0x20, $0x38;
	[tilespmem:$0x10100] =	vst v63  }
0xb5: {  	_ =	swait.ge [sflag:s8], $0x20  }
0xb6: {  	[sflag:s8] =	ssyncset.done $0x0  }
0xb7: {  	[sflag:s8] =	ssyncadd.s32 $0xFFFFFFE0  }
0xb8: {  	v3 =	vld [tilespmem:$0x80];
	_ =	sdelay $0x4  }
0xb9: {  	v62 =	vshll.u32 v3, $0x3  }
0xba: {  	v3 =	vand.u32 $0x7, v3;
	v4 =	vand.u32 $0xFFFFFFC0, v62  }
0xbb: {  	v3 =	vor.u32 v3, v4  }
0xbc: {  	v4 =	vperm.xlane v3, v0;
	_ =	sdelay $0x1  }
0xbd: {  	v4 =	vadd.s32 v1, v4;
	_ =	sdelay $0x4  }
0xbe: {  	[tilespmem:s19], [sflag:$0x2] =	stream.indirect_vreg.gather [hbm4b:s3+s2], $0x80, v4, vm0, $0xb8;
	[tilespmem:$0x10100] =	vst v63  }
0xbf: {  	v3 =	vperm.xlane v3, v2  }
0xc0: {  	[tilespmem:s18], [sflag:$0x2] =	stream.indirect_vreg.gather [hbm4b:s4+s2], $0x80, v4, vm0, $0xb8;
	[tilespmem:$0x10100] =	vst v63  }
0xc1: {  	s23 =	simm.s32 $0x9100;
	v3 =	vadd.s32 v1, v3  }
0xc2: {  	[tilespmem:s23], [sflag:$0x2] =	stream.indirect_vreg.gather [hbm4b:s5+s2], $0x80, v4, vm0, $0xb8;
	[tilespmem:$0x10100] =	vst v63  }
0xc3: {  	s23 =	simm.s32 $0x9900  }
0xc4: {  	[tilespmem:s23], [sflag:$0x2] =	stream.indirect_vreg.gather [hbm4b:s6+s2], $0x80, v4, vm0, $0xb8;
	[tilespmem:$0x10100] =	vst v63  }
0xc5: {  	s23 =	simm.s32 $0xA100  }
0xc6: {  	[tilespmem:s23], [sflag:$0x2] =	stream.indirect_vreg.gather [hbm4b:s3+s2], $0x80, v3, vm0, $0xb8;
	[tilespmem:$0x10100] =	vst v63  }
0xc7: {  	s23 =	simm.s32 $0xA900  }
0xc8: {  	[tilespmem:s23], [sflag:$0x2] =	stream.indirect_vreg.gather [hbm4b:s4+s2], $0x80, v3, vm0, $0xb8;
	[tilespmem:$0x10100] =	vst v63  }
0xc9: {  	s23 =	simm.s32 $0xB100  }
0xca: {  	[tilespmem:s23], [sflag:$0x2] =	stream.indirect_vreg.gather [hbm4b:s5+s2], $0x80, v3, vm0, $0xb8;
	[tilespmem:$0x10100] =	vst v63  }
0xcb: {  	s23 =	simm.s32 $0xB900  }
0xcc: {  	[tilespmem:s23], [sflag:$0x2] =	stream.indirect_vreg.gather [hbm4b:s6+s2], $0x80, v3, vm0, $0xb8;
	[tilespmem:$0x10100] =	vst v63  }
0xcd: {  	v3 =	vld [tilespmem:$0x90];
	_ =	sdelay $0x4  }
0xce: {  	v63 =	vshll.u32 v3, $0x3  }
0xcf: {  	v3 =	vand.u32 $0x7, v3;
	v4 =	vand.u32 $0xFFFFFFC0, v63  }
0xd0: {  	v3 =	vor.u32 v3, v4  }
0xd1: {  	v4 =	vperm.xlane v3, v0;
	_ =	sdelay $0x1  }
0xd2: {  	v4 =	vadd.s32 v1, v4;
	_ =	sdelay $0x3  }
0xd3: {  	s23 =	simm.s32 $0xC100  }
0xd4: {  	[tilespmem:s23], [sflag:$0x2] =	stream.indirect_vreg.gather [hbm4b:s3+s2], $0x80, v4, vm0, $0xb8;
	[tilespmem:$0x10100] =	vst v63  }
0xd5: {  	v3 =	vperm.xlane v3, v2;
	s23 =	simm.s32 $0xC900  }
0xd6: {  	[tilespmem:s23], [sflag:$0x2] =	stream.indirect_vreg.gather [hbm4b:s4+s2], $0x80, v4, vm0, $0xb8;
	[tilespmem:$0x10100] =	vst v63  }
0xd7: {  	v3 =	vadd.s32 v1, v3;
	s23 =	simm.s32 $0xD100  }
0xd8: {  	[tilespmem:s23], [sflag:$0x2] =	stream.indirect_vreg.gather [hbm4b:s5+s2], $0x80, v4, vm0, $0xb8;
	[tilespmem:$0x10100] =	vst v63  }
0xd9: {  	s23 =	simm.s32 $0xD900  }
0xda: {  	[tilespmem:s23], [sflag:$0x2] =	stream.indirect_vreg.gather [hbm4b:s6+s2], $0x80, v4, vm0, $0xb8;
	[tilespmem:$0x10100] =	vst v63  }
0xdb: {  	s23 =	simm.s32 $0xE100  }
0xdc: {  	[tilespmem:s23], [sflag:$0x2] =	stream.indirect_vreg.gather [hbm4b:s3+s2], $0x80, v3, vm0, $0xb8;
	[tilespmem:$0x10100] =	vst v63  }
0xdd: {  	s23 =	simm.s32 $0xE900  }
0xde: {  	[tilespmem:s23], [sflag:$0x2] =	stream.indirect_vreg.gather [hbm4b:s4+s2], $0x80, v3, vm0, $0xb8;
	[tilespmem:$0x10100] =	vst v63  }
0xdf: {  	s23 =	simm.s32 $0xF100  }
0xe0: {  	[tilespmem:s23], [sflag:$0x2] =	stream.indirect_vreg.gather [hbm4b:s5+s2], $0x80, v3, vm0, $0xb8;
	[tilespmem:$0x10100] =	vst v63  }
0xe1: {  	s23 =	simm.s32 $0xF900  }
0xe2: {  	[tilespmem:s23], [sflag:$0x2] =	stream.indirect_vreg.gather [hbm4b:s6+s2], $0x80, v3, vm0, $0xb8;
	[tilespmem:$0x10100] =	vst v63  }
0xe3: {  	_ =	swait.ge [sflag:s9], $0x8000  }
0xe4: {  	[sflag:s9] =	ssyncset.done $0x0  }
0xe5: {  	s0 =	rddreg [dreg:$0x8];
	[sflag:s9] =	ssyncadd.s32 $0xFFFF8000  }
0xe6: {  	[hbm4b:s0+s2] =	stream.linear.scatter [tilespmem:s26], [sflag:$0x3], $0x8000, $0x38;
	[tilespmem:$0x10100] =	vst v63  }
0xe7: {  	_ =	swait.ge [sflag:s21], $0x8000  }
0xe8: {  	[sflag:s21] =	ssyncset.done $0x0  }
0xe9: {  	s0 =	rddreg [dreg:$0x9];
	[sflag:s21] =	ssyncadd.s32 $0xFFFF8000  }
0xea: {  	[hbm4b:s0+s2] =	stream.linear.scatter [tilespmem:s19], [sflag:$0x4], $0x8000, $0x38;
	[tilespmem:$0x10100] =	vst v63  }
0xeb: {  	p0 =	sne.s32 s7, $0x1;
	_ =	swait.ge [sflag:s20], $0x8000  }
.Ltmp0:
0xec: {  	[sflag:s20] =	ssyncset.done $0x0;
	(pc) =	sbr.rel @p0 .LBB2_1-.Ltmp0, $4  }
0xed: {  	[sflag:s20] =	ssyncadd.s32 $0xFFFF8000  }
0xee: {  	_ =	swait.ge [sflag:s22], $0x8000  }
0xef: {  	[sflag:s22] =	ssyncset.done $0x0  }
0xf0: {  	s7 =	sadd.s32 $0xFFFFFFFF, s7;
	[sflag:s22] =	ssyncadd.s32 $0xFFFF8000  }
0xf1: {  	_ =	sfence.sel $0x180000  }
0xf2: {  	[bflag:$0x0] =	sbarrier.arrive $0xFFFF  }
0xf3: {  	_ =	strace $0x9000004D  }
0xf4: {  	s0 =	stileid.u32;
	[bflag:$0x2] =	sbarrier.arrive $0xFFFF  }
0xf5: {  	p0 =	sne.s32 s0, $0x0;
	s0 =	rddreg [dreg:$0x1]  }
0xf6: {  	s0 =	sadd.s32 @!p0 $0x100000, s0  }
0xf7: {  	[sflag:s0] =	ssyncadd.tile.s32 @!p0 $0x1;
	_ =	shalt  }
.Lfunc_end2:
_tile_overlayer_lowered:
.L_overlay_start_2:
0xf8: {  	(tag) =	ssettag $0x2  }
0xf9: {  	s0 =	rddreg [dreg:$0x0];
	s2 =	stileid.u32  }
0xfa: {  	s1 =	rddreg [dreg:$0x1];
	p0 =	sne.s32 s2, $0x0  }
0xfb: {  	s3 =	rddreg [dreg:$0x2];
	[bflag:$0x3] =	sbarrier.arrive $0xFFFF;
	s2 =	simm.s32 @!p0 $0x1C05  }
0xfc: {  	[timem:s3], [sflag:s2] =	dma.local @!p0 [hbm:s0], s1  }
0xfd: {  	s0 =	simm.s32 @!p0 $0x5  }
0xfe: {  	_ =	swait.ge @!p0 [sflag:s0], s1  }
0xff: {  	s1 =	ssub.s32 @!p0 $0x0, s1;
	[sflag:s0] =	ssyncset.done @!p0 $0x0  }
0x100: {  	[sflag:s0] =	ssyncadd.s32 @!p0 s1  }
0x101: {  	[bflag:$0x3] =	sbarrier.arrive $0xFFFF  }
0x102: {  	_ =	shalt  }

// kernel: kernel.27.cloned.1.call-start
scs
__scs_entry_jumppad:
0x0: {  	(pc) =	sbr.rel $0x88, $3  }
0x1: {  	(tag) =	ssettag $0x0;
	lr =	simm.s32 $0x1  }
0x2: {  	[smem:$0x3F8A] =	sst lr;
	_ =	strace $0xD0000000  }
0x3: {  	_ = 	snop  }
0x4: {  	_ = 	snop  }
0x5: {  	_ = 	snop  }
0x6: {  	_ = 	snop  }
0x7: {  	_ = 	snop  }
__scs_overlays_trampoline_lowered:
0x8: {  	[smem:$0x3F99] =	sst s0  }
0x9: {  	[smem:$0x3F9A] =	sst s1  }
0xa: {  	[smem:$0x3F9B] =	sst s2  }
0xb: {  	[smem:$0x3F9C] =	sst s3  }
0xc: {  	[smem:$0x3F9D] =	sst s4  }
0xd: {  	[smem:$0x3F9E] =	sst s5  }
0xe: {  	[smem:$0x3F9F] =	sst s6  }
0xf: {  	[smem:$0x3FA0] =	sst s7  }
0x10: {  	[smem:$0x3FA1] =	sst s8  }
0x11: {  	[smem:$0x3FA2] =	sst s9;
	s0 =	simm.s32 @!p0 $0x0  }
0x12: {  	s1 =	sld [smem:$0x3F88];
	s0 =	simm.s32 @p0 $0x1  }
0x13: {  	[smem:$0x3FA3] =	sst s0;
	s0 =	simm.s32 @!p1 $0x0  }
0x14: {  	s2 =	sld [smem:$0x3F87];
	s0 =	simm.s32 @p1 $0x1  }
0x15: {  	[smem:$0x3FA4] =	sst s0;
	s0 =	simm.s32 @!p2 $0x0  }
0x16: {  	s3 =	sld [smem:$0x3FDB];
	s0 =	simm.s32 @p2 $0x1  }
0x17: {  	s4 =	simm.s32 $0x1BF5;
	[smem:$0x3FA6] =	sst s0  }
0x18: {  	s0 =	sld [smem:$0x3F89];
	_ =	swait.ge [sflag:s4], $0x0  }
0x19: {  	s7 =	sld [smem:$0x3F8A]  }
0x1a: {  	s8 =	sadd.s32 $0xFFFFE003, lr  }
0x1b: {  	s9 =	sadd.s32 $0xFFFFFEF7, lr;
	s5 =	simm.s32 $0xFFFFFFFF;
	p2 =	slt.u32 s8, $0xFFFFF086  }
0x1c: {  	p1 =	slt.u32 s9, $0xF7A;
	s5 =	simm.s32 @!p2 $0x0  }
0x1d: {  	s5 =	simm.s32 @p1 $0x1;
	p0 =	seq.s32 s7, s2  }
0x1e: {  	s7 =	smul.u32 @!p0 $0xF7A, s2;
	p2 =	seq.s32 @!p0 s5, $0x0  }
0x1f: {  	s9 =	smul.u32 $0xF7A, s1;
	s8 =	simm.s32 @!p0 $0x1BF5;
	p2 =	por !p2, p0  }
0x20: {  	[sflag:s8] =	ssyncset.s32 @!p0 $0xFFFFF086;
	s6 =	sadd.s32 @!p0 s3, s7;
	s7 =	simm.s32 @!p0 $0x108  }
0x21: {  	s3 =	sadd.s32 s3, s9;
	s6 =	sadd.s32 @!p0 $0x88, s6;
	s7 =	simm.s32 @p2 $0x1082  }
0x22: {  	[simem:s7], [sflag:s8] =	dma.local @!p0 [hbm:s6], $0xF7A  }
0x23: {  	s9 =	sor.u32 $0xD0000000, s2;
	s6 =	simm.s32 $0x108;
	_ =	swait.ge @!p0 [sflag:s8], $0x0  }
0x24: {  	s3 =	sadd.s32 $0x88, s3;
	s6 =	simm.s32 @!p1 $0x1082;
	[sflag:s4] =	ssyncset.s32 $0xFFFFF086  }
0x25: {  	[simem:s6], [sflag:s4] =	dma.local [hbm:s3], $0xF7A  }
0x26: {  	[smem:$0x3F8A] =	sst s1;
	(tag) =	ssettag s2;
	_ =	strace s9  }
0x27: {  	s1 =	sld [smem:$0x3F9A]  }
0x28: {  	s2 =	sld [smem:$0x3F9B]  }
0x29: {  	s4 =	sld [smem:$0x3F9D]  }
0x2a: {  	p0 =	seq.s32 s5, $0x0;
	s5 =	sld [smem:$0x3F9E]  }
0x2b: {  	s6 =	sld [smem:$0x3F9F]  }
0x2c: {  	s7 =	sld [smem:$0x3FA0]  }
0x2d: {  	s3 =	simm.s32 $0x108;
	s8 =	sld [smem:$0x3FA1]  }
0x2e: {  	s3 =	simm.s32 @!p0 $0x1082;
	s9 =	sld [smem:$0x3FA2]  }
0x2f: {  	lr =	sadd.s32 s0, s3;
	s0 =	sld [smem:$0x3F99]  }
0x30: {  	s3 =	sld [smem:$0x3F9C]  }
0x31: {  	[smem:$0x3FA5] =	sst s10  }
0x32: {  	s10 =	sld [smem:$0x3FA3];
	_ =	sdelay $0x3  }
0x33: {  	p0 =	seq.s32 s10, $0x1;
	s10 =	sld [smem:$0x3FA5];
	_ =	sdelay $0x3  }
0x34: {  	[smem:$0x3FA5] =	sst s10  }
0x35: {  	s10 =	sld [smem:$0x3FA4];
	_ =	sdelay $0x3  }
0x36: {  	p1 =	seq.s32 s10, $0x1;
	s10 =	sld [smem:$0x3FA5];
	_ =	sdelay $0x3  }
0x37: {  	[smem:$0x3FA5] =	sst s10  }
0x38: {  	s10 =	sld [smem:$0x3FA6]  }
0x39: {  	_ = 	snop;
	(pc) =	sbr.ind lr, $3  }
0x3a: {  	_ = 	snop  }
0x3b: {  	_ = 	snop  }
0x3c: {  	p2 =	seq.s32 s10, $0x1;
	s10 =	sld [smem:$0x3FA5]  }
0x3d: {  	_ =	shalt  }
0x3e: {  	_ =	shalt  }
0x3f: {  	_ =	shalt  }
0x40: {  	_ =	shalt  }
0x41: {  	_ =	shalt  }
0x42: {  	_ =	shalt  }
0x43: {  	_ =	shalt  }
0x44: {  	_ =	shalt  }
0x45: {  	_ =	shalt  }
0x46: {  	_ =	shalt  }
0x47: {  	_ =	shalt  }
0x48: {  	_ =	shalt  }
0x49: {  	_ =	shalt  }
0x4a: {  	_ =	shalt  }
0x4b: {  	_ =	shalt  }
0x4c: {  	_ =	shalt  }
0x4d: {  	_ =	shalt  }
0x4e: {  	_ =	shalt  }
0x4f: {  	_ =	shalt  }
0x50: {  	_ =	shalt  }
0x51: {  	_ =	shalt  }
0x52: {  	_ =	shalt  }
0x53: {  	_ =	shalt  }
0x54: {  	_ =	shalt  }
0x55: {  	_ =	shalt  }
0x56: {  	_ =	shalt  }
0x57: {  	_ =	shalt  }
0x58: {  	_ =	shalt  }
0x59: {  	_ =	shalt  }
0x5a: {  	_ =	shalt  }
0x5b: {  	_ =	shalt  }
0x5c: {  	_ =	shalt  }
0x5d: {  	_ =	shalt  }
0x5e: {  	_ =	shalt  }
0x5f: {  	_ =	shalt  }
0x60: {  	_ =	shalt  }
0x61: {  	_ =	shalt  }
0x62: {  	_ =	shalt  }
0x63: {  	_ =	shalt  }
0x64: {  	_ =	shalt  }
0x65: {  	_ =	shalt  }
0x66: {  	_ =	shalt  }
0x67: {  	_ =	shalt  }
0x68: {  	_ =	shalt  }
0x69: {  	_ =	shalt  }
0x6a: {  	_ =	shalt  }
0x6b: {  	_ =	shalt  }
0x6c: {  	_ =	shalt  }
0x6d: {  	_ =	shalt  }
0x6e: {  	_ =	shalt  }
0x6f: {  	_ =	shalt  }
0x70: {  	_ =	shalt  }
0x71: {  	_ =	shalt  }
0x72: {  	_ =	shalt  }
0x73: {  	_ =	shalt  }
0x74: {  	_ =	shalt  }
0x75: {  	_ =	shalt  }
0x76: {  	_ =	shalt  }
0x77: {  	_ =	shalt  }
0x78: {  	_ =	shalt  }
0x79: {  	_ =	shalt  }
0x7a: {  	_ =	shalt  }
0x7b: {  	_ =	shalt  }
0x7c: {  	_ =	shalt  }
0x7d: {  	_ =	shalt  }
0x7e: {  	_ =	shalt  }
0x7f: {  	_ =	shalt  }
0x80: {  	_ =	shalt  }
0x81: {  	_ =	shalt  }
0x82: {  	_ =	shalt  }
0x83: {  	_ =	shalt  }
0x84: {  	_ =	shalt  }
0x85: {  	_ =	shalt  }
0x86: {  	_ =	shalt  }
0x87: {  	_ =	shalt  }
.Lfunc_end0:
.L_simem_size_0:
called_computation.3_lowered:
.L_overlay_start_0:
0x88: {  	s2 =	sld [smem:$0x3FD9]  }
0x89: {  	s3 =	sld [smem:$0x3FFE];
	_ =	sdelay $0x1  }
0x8a: {  	s1 =	srdreg.scid  }
0x8b: {  	s0 =	sand.u32 $0x1, s1  }
0x8c: {  	s16 =	sshll.u32 s0, $0xA;
	s2 =	sadd.s32 s3, s2  }
0x8d: {  	s2 =	sadd.s32 s2, s16  }
0x8e: {  	[smem:$0x3FB1] =	sst s2  }
0x8f: {  	_ = 	snop  }
0x90: {  	(tm) =	ssettm $0x1  }
0x91: {  	s17 =	sld [smem:$0x3FFB];
	_ =	sdelay $0x3  }
0x92: {  	_ =	strace s17  }
0x93: {  	s2 =	sld [smem:$0x3FFC];
	_ =	sdelay $0x3  }
0x94: {  	_ =	strace s2  }
0x95: {  	s2 =	sld [smem:$0x3FFD];
	_ =	sdelay $0x3  }
0x96: {  	_ =	strace s2  }
0x97: {  	_ =	strace $0x8FFFFFFF  }
0x98: {  	s18 =	sld [smem:$0x3FDB];
	_ =	sdelay $0x1  }
0x99: {  	s19 =	simm.s32 $_scs_section_size  }
0x9a: {  	s4 =	simm.s32 $_size__tile_overlayer_lowered;
	s5 =	simm.s32 $_tile_overlayer_lowered  }
0x9b: {  	s22 =	simm.s32 $0x1BFF;
	s21 =	sshll.u32 s5, $0x1;
	s2 =	sadd.s32 s19, s18  }
0x9c: {  	s6 =	simm.s32 $0x0;
	s20 =	sshll.u32 s4, $0x1;
	s4 =	sadd.s32 s21, s2  }
0x9d: {  	[timem:s6], [sflag:s22] =	dma.local [hbm:s4], s20  }
0x9e: {  	_ =	swait.ge [sflag:s22], s20  }
0x9f: {  	s3 =	ssub.s32 $0x0, s20;
	[sflag:s22] =	ssyncset.done $0x0  }
0xa0: {  	[sflag:s22] =	ssyncadd.s32 s3;
	_ =	sdelay $0x1  }
0xa1: {  	s23 =	simm.s32 $0x1B8B  }
0xa2: {  	_ =	swait.ge [sflag:s23], $0x1  }
0xa3: {  	[sflag:s23] =	ssyncset.done $0x0  }
0xa4: {  	s25 =	simm.s32 $0x1B8E;
	s24 =	sld [smem:$0x3FFE];
	[sflag:s23] =	ssyncadd.s32 $0xFFFFFFFF  }
0xa5: {  	s26 =	simm.s32 $execute0_lowered;
	[smem:$0x3FD2] =	sst s25  }
0xa6: {  	s4 =	sshll.u32 s26, $0x1;
	_ =	strace $0x8000004F;
	[dreg:$0x1] =	wrdreg $0xFFFFFFFF  }
0xa7: {  	s28 =	simm.s32 $_size_execute0_lowered;
	s2 =	sadd.s32 s2, s4;
	[dreg:$0x0] =	wrdreg $0x0  }
0xa8: {  	s4 =	sshll.u32 s28, $0x1;
	[dreg:$0x2] =	wrdreg s2  }
0xa9: {  	[dreg:$0x3] =	wrdreg s4  }
0xaa: {  	[dreg:$0x4] =	wrdreg $0xC0  }
0xab: {  	_ =	task [dreg:s6], $0x5FFFF  }
0xac: {  	[dreg:$0x1] =	wrdreg $0xFFFFFFFF  }
0xad: {  	[dreg:$0x0] =	wrdreg $0x60  }
0xae: {  	[dreg:$0x2] =	wrdreg s24  }
0xaf: {  	[dreg:$0x3] =	wrdreg $0x9  }
0xb0: {  	_ =	task.clear_ibuf [dreg:s6], $0x4FFFF;
	_ =	strace $0x9000004F  }
0xb1: {  	s29 =	simm.s32 $0x9;
	_ =	strace $0x80000051  }
0xb2: {  	_ =	swait.ge [sflag:s29], $0x1  }
0xb3: {  	[sflag:s29] =	ssyncadd.s32 $0xFFFFFFFF  }
0xb4: {  	_ =	strace $0x90000051  }
0xb5: {  	_ =	sfence  }
0xb6: {  	s30 =	sld [smem:$0x0];
	_ =	sdelay $0x2  }
0xb7: {  	s31 =	sshll.u32 s1, $0xD;
	s1 =	sshrl.u32 s1, $0x2  }
0xb8: {  	s3 =	sand.u32 $0x4000, s31;
	s1 =	sadd.s32 s1, s30  }
0xb9: {  	s0 =	sor.u32 s3, s0;
	s1 =	sshll.u32 s1, $0x11  }
0xba: {  	s0 =	sor.u32 s1, s0  }
0xbb: {  	s0 =	sadd.s32 $0x8F2B, s0  }
0xbc: {  	[sflag:s0] =	ssyncadd.remote.s32 $0x1  }
0xbd: {  	_ =	sfence.sel $0xFFFF  }
0xbe: {  	[dreg:$0x0] =	wrdreg $0xFFFFFFFF;
	(pc) =	sbr.abs _section_cstart, $3  }
0xbf: {  	[dreg:$0x1] =	wrdreg $0xFFFFFFFF  }
0xc0: {  	_ =	task.clear_ibuf [dreg:s6], $0x2FFFF;
	_ =	strace $0x9FFFFFFF  }
0xc1: {  	(tm) =	ssettm $0x7FFFFFFF  }
tec
execute0_lowered:
.L_overlay_start_1:
0x0: {  	(tag) =	ssettag $0x1  }
0x1: {  	s0 =	rddreg [dreg:$0x0]  }
0x2: {  	s2 =	simm.s32 $0x0;
	s1 =	srdreg.scid;
	s4 =	stileid.u32  }
0x3: {  	s28 =	simm.s32 $0x1900;
	s29 =	simm.s32 $0x2100;
	s30 =	simm.s32 $0x2900  }
0x4: {  	s31 =	simm.s32 $0x3100;
	s11 =	simm.s32 $0x5100;
	s12 =	simm.s32 $0x5900  }
0x5: {  	s13 =	simm.s32 $0x6100;
	s14 =	simm.s32 $0x6900;
	s15 =	simm.s32 $0x7100  }
0x6: {  	[smem:$0x7FF] =	sst s2;
	s1 =	sand.u32 $0x1, s1;
	s3 =	sadd.s32 $0x8A00, s0  }
0x7: {  	s4 =	sshll.u32 s4, $0x8;
	s6 =	sadd.s32 $0x88A00, s0;
	s5 =	sshll.u32 s1, $0x7  }
0x8: {  	s7 =	sadd.s32 $0x88C00, s0;
	s1 =	ssub.s32 $0x2, s1;
	s4 =	sor.u32 s5, s4  }
0x9: {  	_ =	strace $0x80000050;
	s9 =	sshrl.u32 s1, $0x1;
	s5 =	sshrl.u32 s4, $0x3  }
0xa: {  	s8 =	sor.u32 $0x20, s4;
	s17 =	sshll.u32 s4, $0x7;
	s19 =	sor.u32 $0x40, s4  }
0xb: {  	s1 =	ssub.s32 s1, s9;
	s4 =	sor.u32 $0x60, s4;
	s9 =	simm.s32 $0x1  }
0xc: {  	s5 =	sadd.s32 s6, s5;
	s10 =	sshrl.u32 s8, $0x3;
	s18 =	sadd.s32 s7, s17  }
0xd: {  	s20 =	sshrl.u32 s19, $0x3;
	s8 =	sshll.u32 s8, $0x7;
	s22 =	sshrl.u32 s4, $0x3  }
0xe: {  	s24 =	sshll.u32 s19, $0x7;
	s26 =	sshll.u32 s4, $0x7;
	s4 =	sadd.s32 $0x8B00, s0  }
0xf: {  	s17 =	simm.s32 $0x80;
	s19 =	simm.s32 $0x8100;
	[dreg:$0x2] =	wrdreg s5  }
0x10: {  	s16 =	sadd.s32 s6, s10;
	[dreg:$0x4] =	wrdreg s18;
	s5 =	sadd.s32 s6, s20  }
0x11: {  	s21 =	sadd.s32 s7, s8;
	s23 =	sadd.s32 s6, s22;
	s25 =	sadd.s32 s7, s24  }
0x12: {  	s7 =	sadd.s32 s7, s26;
	s6 =	sadd.s32 $0x8D00, s0;
	[dreg:$0x3] =	wrdreg s16  }
0x13: {  	s8 =	simm.s32 $0x5;
	s20 =	simm.s32 $0x3;
	[dreg:$0x5] =	wrdreg s5  }
0x14: {  	s22 =	simm.s32 $0x4;
	s26 =	simm.s32 $0x100;
	[dreg:$0x6] =	wrdreg s21  }
0x15: {  	s24 =	simm.s32 $0x900;
	s10 =	simm.s32 $0x4900;
	[dreg:$0x7] =	wrdreg s23  }
0x16: {  	v2 =	vlaneseq.u32;
	s18 =	simm.s32 $0x8900;
	[dreg:$0x8] =	wrdreg s25;
	s5 =	sadd.s32 $0x8C00, s0  }
0x17: {  	vm0 =	vmmov $0xffff;
	v1 =	vshrl.u32 v2, $0x3;
	[dreg:$0x9] =	wrdreg s7;
	s7 =	smax.u32 s1, $0x1;
	s21 =	simm.s32 $0x2  }
0x18: {  	v0 =	vand.u32 $0x7, v2;
	v2 =	vor.u32 $0x8, v2;
	v1 =	vmul.u32 $0x8, v1;
	s25 =	simm.s32 $0x1100;
	s1 =	simm.s32 $0x4100;
	s16 =	simm.s32 $0x7900  }
.LBB2_1:
0x19: {  	s23 =	rddreg [dreg:$0x2]  }
0x1a: {  	[tilespmem:s2], [sflag:$0x5] =	stream.linear.gather [hbm4b:s23+s2], $0x20, $0x38;
	[tilespmem:$0x10100] =	vst v63  }
0x1b: {  	_ =	swait.ge [sflag:s8], $0x20  }
0x1c: {  	[sflag:s8] =	ssyncset.done $0x0  }
0x1d: {  	[sflag:s8] =	ssyncadd.s32 $0xFFFFFFE0  }
0x1e: {  	v3 =	vld [tilespmem:$0x0];
	_ =	sdelay $0x4  }
0x1f: {  	v4 =	vshll.u32 v3, $0x3  }
0x20: {  	v3 =	vand.u32 $0x7, v3;
	v4 =	vand.u32 $0xFFFFFFC0, v4  }
0x21: {  	v3 =	vor.u32 v3, v4  }
0x22: {  	v4 =	vperm.xlane v3, v0;
	_ =	sdelay $0x1  }
0x23: {  	v4 =	vadd.s32 v1, v4;
	_ =	sdelay $0x4  }
0x24: {  	[tilespmem:s26], [sflag:$0x1] =	stream.indirect_vreg.gather [hbm4b:s3+s2], $0x80, v4, vm0, $0xb8;
	[tilespmem:$0x10100] =	vst v63  }
0x25: {  	v3 =	vperm.xlane v3, v2  }
0x26: {  	[tilespmem:s24], [sflag:$0x1] =	stream.indirect_vreg.gather [hbm4b:s4+s2], $0x80, v4, vm0, $0xb8;
	[tilespmem:$0x10100] =	vst v63  }
0x27: {  	v3 =	vadd.s32 v1, v3  }
0x28: {  	[tilespmem:s25], [sflag:$0x1] =	stream.indirect_vreg.gather [hbm4b:s5+s2], $0x80, v4, vm0, $0xb8;
	[tilespmem:$0x10100] =	vst v63  }
0x29: {  	_ = 	snop  }
0x2a: {  	[tilespmem:s28], [sflag:$0x1] =	stream.indirect_vreg.gather [hbm4b:s6+s2], $0x80, v4, vm0, $0xb8;
	[tilespmem:$0x10100] =	vst v63  }
0x2b: {  	_ = 	snop  }
0x2c: {  	[tilespmem:s29], [sflag:$0x1] =	stream.indirect_vreg.gather [hbm4b:s3+s2], $0x80, v3, vm0, $0xb8;
	[tilespmem:$0x10100] =	vst v63  }
0x2d: {  	_ = 	snop  }
0x2e: {  	[tilespmem:s30], [sflag:$0x1] =	stream.indirect_vreg.gather [hbm4b:s4+s2], $0x80, v3, vm0, $0xb8;
	[tilespmem:$0x10100] =	vst v63  }
0x2f: {  	_ = 	snop  }
0x30: {  	[tilespmem:s31], [sflag:$0x1] =	stream.indirect_vreg.gather [hbm4b:s5+s2], $0x80, v3, vm0, $0xb8;
	[tilespmem:$0x10100] =	vst v63  }
0x31: {  	s0 =	simm.s32 $0x3900  }
0x32: {  	[tilespmem:s0], [sflag:$0x1] =	stream.indirect_vreg.gather [hbm4b:s6+s2], $0x80, v3, vm0, $0xb8;
	[tilespmem:$0x10100] =	vst v63  }
0x33: {  	v3 =	vld [tilespmem:$0x10];
	_ =	sdelay $0x4  }
0x34: {  	v57 =	vshll.u32 v3, $0x3  }
0x35: {  	v3 =	vand.u32 $0x7, v3;
	v4 =	vand.u32 $0xFFFFFFC0, v57  }
0x36: {  	v3 =	vor.u32 v3, v4  }
0x37: {  	v4 =	vperm.xlane v3, v0;
	_ =	sdelay $0x1  }
0x38: {  	v4 =	vadd.s32 v1, v4;
	_ =	sdelay $0x4  }
0x39: {  	[tilespmem:s1], [sflag:$0x1] =	stream.indirect_vreg.gather [hbm4b:s3+s2], $0x80, v4, vm0, $0xb8;
	[tilespmem:$0x10100] =	vst v63  }
0x3a: {  	v3 =	vperm.xlane v3, v2  }
0x3b: {  	[tilespmem:s10], [sflag:$0x1] =	stream.indirect_vreg.gather [hbm4b:s4+s2], $0x80, v4, vm0, $0xb8;
	[tilespmem:$0x10100] =	vst v63  }
0x3c: {  	v3 =	vadd.s32 v1, v3  }
0x3d: {  	[tilespmem:s11], [sflag:$0x1] =	stream.indirect_vreg.gather [hbm4b:s5+s2], $0x80, v4, vm0, $0xb8;
	[tilespmem:$0x10100] =	vst v63  }
0x3e: {  	_ = 	snop  }
0x3f: {  	[tilespmem:s12], [sflag:$0x1] =	stream.indirect_vreg.gather [hbm4b:s6+s2], $0x80, v4, vm0, $0xb8;
	[tilespmem:$0x10100] =	vst v63  }
0x40: {  	_ = 	snop  }
0x41: {  	[tilespmem:s13], [sflag:$0x1] =	stream.indirect_vreg.gather [hbm4b:s3+s2], $0x80, v3, vm0, $0xb8;
	[tilespmem:$0x10100] =	vst v63  }
0x42: {  	_ = 	snop  }
0x43: {  	[tilespmem:s14], [sflag:$0x1] =	stream.indirect_vreg.gather [hbm4b:s4+s2], $0x80, v3, vm0, $0xb8;
	[tilespmem:$0x10100] =	vst v63  }
0x44: {  	_ = 	snop  }
0x45: {  	[tilespmem:s15], [sflag:$0x1] =	stream.indirect_vreg.gather [hbm4b:s5+s2], $0x80, v3, vm0, $0xb8;
	[tilespmem:$0x10100] =	vst v63  }
0x46: {  	_ = 	snop  }
0x47: {  	[tilespmem:s16], [sflag:$0x1] =	stream.indirect_vreg.gather [hbm4b:s6+s2], $0x80, v3, vm0, $0xb8;
	[tilespmem:$0x10100] =	vst v63  }
0x48: {  	s23 =	rddreg [dreg:$0x3]  }
0x49: {  	[tilespmem:s17], [sflag:$0x5] =	stream.linear.gather [hbm4b:s23+s2], $0x20, $0x38;
	[tilespmem:$0x10100] =	vst v63  }
0x4a: {  	_ =	swait.ge [sflag:s8], $0x20  }
0x4b: {  	[sflag:s8] =	ssyncset.done $0x0  }
0x4c: {  	[sflag:s8] =	ssyncadd.s32 $0xFFFFFFE0  }
0x4d: {  	v3 =	vld [tilespmem:$0x80];
	_ =	sdelay $0x4  }
0x4e: {  	v58 =	vshll.u32 v3, $0x3  }
0x4f: {  	v3 =	vand.u32 $0x7, v3;
	v4 =	vand.u32 $0xFFFFFFC0, v58  }
0x50: {  	v3 =	vor.u32 v3, v4  }
0x51: {  	v4 =	vperm.xlane v3, v0;
	_ =	sdelay $0x1  }
0x52: {  	v4 =	vadd.s32 v1, v4;
	_ =	sdelay $0x4  }
0x53: {  	[tilespmem:s19], [sflag:$0x2] =	stream.indirect_vreg.gather [hbm4b:s3+s2], $0x80, v4, vm0, $0xb8;
	[tilespmem:$0x10100] =	vst v63  }
0x54: {  	v3 =	vperm.xlane v3, v2  }
0x55: {  	[tilespmem:s18], [sflag:$0x2] =	stream.indirect_vreg.gather [hbm4b:s4+s2], $0x80, v4, vm0, $0xb8;
	[tilespmem:$0x10100] =	vst v63  }
0x56: {  	s23 =	simm.s32 $0x9100;
	v3 =	vadd.s32 v1, v3  }
0x57: {  	[tilespmem:s23], [sflag:$0x2] =	stream.indirect_vreg.gather [hbm4b:s5+s2], $0x80, v4, vm0, $0xb8;
	[tilespmem:$0x10100] =	vst v63  }
0x58: {  	s23 =	simm.s32 $0x9900  }
0x59: {  	[tilespmem:s23], [sflag:$0x2] =	stream.indirect_vreg.gather [hbm4b:s6+s2], $0x80, v4, vm0, $0xb8;
	[tilespmem:$0x10100] =	vst v63  }
0x5a: {  	s23 =	simm.s32 $0xA100  }
0x5b: {  	[tilespmem:s23], [sflag:$0x2] =	stream.indirect_vreg.gather [hbm4b:s3+s2], $0x80, v3, vm0, $0xb8;
	[tilespmem:$0x10100] =	vst v63  }
0x5c: {  	s23 =	simm.s32 $0xA900  }
0x5d: {  	[tilespmem:s23], [sflag:$0x2] =	stream.indirect_vreg.gather [hbm4b:s4+s2], $0x80, v3, vm0, $0xb8;
	[tilespmem:$0x10100] =	vst v63  }
0x5e: {  	s23 =	simm.s32 $0xB100  }
0x5f: {  	[tilespmem:s23], [sflag:$0x2] =	stream.indirect_vreg.gather [hbm4b:s5+s2], $0x80, v3, vm0, $0xb8;
	[tilespmem:$0x10100] =	vst v63  }
0x60: {  	s23 =	simm.s32 $0xB900  }
0x61: {  	[tilespmem:s23], [sflag:$0x2] =	stream.indirect_vreg.gather [hbm4b:s6+s2], $0x80, v3, vm0, $0xb8;
	[tilespmem:$0x10100] =	vst v63  }
0x62: {  	v3 =	vld [tilespmem:$0x90];
	_ =	sdelay $0x4  }
0x63: {  	v59 =	vshll.u32 v3, $0x3  }
0x64: {  	v3 =	vand.u32 $0x7, v3;
	v4 =	vand.u32 $0xFFFFFFC0, v59  }
0x65: {  	v3 =	vor.u32 v3, v4  }
0x66: {  	v4 =	vperm.xlane v3, v0;
	_ =	sdelay $0x1  }
0x67: {  	v4 =	vadd.s32 v1, v4;
	_ =	sdelay $0x3  }
0x68: {  	s23 =	simm.s32 $0xC100  }
0x69: {  	[tilespmem:s23], [sflag:$0x2] =	stream.indirect_vreg.gather [hbm4b:s3+s2], $0x80, v4, vm0, $0xb8;
	[tilespmem:$0x10100] =	vst v63  }
0x6a: {  	v3 =	vperm.xlane v3, v2;
	s23 =	simm.s32 $0xC900  }
0x6b: {  	[tilespmem:s23], [sflag:$0x2] =	stream.indirect_vreg.gather [hbm4b:s4+s2], $0x80, v4, vm0, $0xb8;
	[tilespmem:$0x10100] =	vst v63  }
0x6c: {  	v3 =	vadd.s32 v1, v3;
	s23 =	simm.s32 $0xD100  }
0x6d: {  	[tilespmem:s23], [sflag:$0x2] =	stream.indirect_vreg.gather [hbm4b:s5+s2], $0x80, v4, vm0, $0xb8;
	[tilespmem:$0x10100] =	vst v63  }
0x6e: {  	s23 =	simm.s32 $0xD900  }
0x6f: {  	[tilespmem:s23], [sflag:$0x2] =	stream.indirect_vreg.gather [hbm4b:s6+s2], $0x80, v4, vm0, $0xb8;
	[tilespmem:$0x10100] =	vst v63  }
0x70: {  	s23 =	simm.s32 $0xE100  }
0x71: {  	[tilespmem:s23], [sflag:$0x2] =	stream.indirect_vreg.gather [hbm4b:s3+s2], $0x80, v3, vm0, $0xb8;
	[tilespmem:$0x10100] =	vst v63  }
0x72: {  	s23 =	simm.s32 $0xE900  }
0x73: {  	[tilespmem:s23], [sflag:$0x2] =	stream.indirect_vreg.gather [hbm4b:s4+s2], $0x80, v3, vm0, $0xb8;
	[tilespmem:$0x10100] =	vst v63  }
0x74: {  	s23 =	simm.s32 $0xF100  }
0x75: {  	[tilespmem:s23], [sflag:$0x2] =	stream.indirect_vreg.gather [hbm4b:s5+s2], $0x80, v3, vm0, $0xb8;
	[tilespmem:$0x10100] =	vst v63  }
0x76: {  	s23 =	simm.s32 $0xF900  }
0x77: {  	[tilespmem:s23], [sflag:$0x2] =	stream.indirect_vreg.gather [hbm4b:s6+s2], $0x80, v3, vm0, $0xb8;
	[tilespmem:$0x10100] =	vst v63  }
0x78: {  	_ =	swait.ge [sflag:s9], $0x8000  }
0x79: {  	[sflag:s9] =	ssyncset.done $0x0  }
0x7a: {  	s23 =	rddreg [dreg:$0x4];
	[sflag:s9] =	ssyncadd.s32 $0xFFFF8000  }
0x7b: {  	[hbm4b:s23+s2] =	stream.linear.scatter [tilespmem:s26], [sflag:$0x3], $0x8000, $0x38;
	[tilespmem:$0x10100] =	vst v63  }
0x7c: {  	_ =	swait.ge [sflag:s20], $0x8000  }
0x7d: {  	[sflag:s20] =	ssyncset.done $0x0  }
0x7e: {  	s23 =	rddreg [dreg:$0x5];
	[sflag:s20] =	ssyncadd.s32 $0xFFFF8000  }
0x7f: {  	[tilespmem:s2], [sflag:$0x5] =	stream.linear.gather [hbm4b:s23+s2], $0x20, $0x38;
	[tilespmem:$0x10100] =	vst v63  }
0x80: {  	_ =	swait.ge [sflag:s8], $0x20  }
0x81: {  	[sflag:s8] =	ssyncset.done $0x0  }
0x82: {  	[sflag:s8] =	ssyncadd.s32 $0xFFFFFFE0  }
0x83: {  	v3 =	vld [tilespmem:$0x0];
	_ =	sdelay $0x4  }
0x84: {  	v60 =	vshll.u32 v3, $0x3  }
0x85: {  	v3 =	vand.u32 $0x7, v3;
	v4 =	vand.u32 $0xFFFFFFC0, v60  }
0x86: {  	v3 =	vor.u32 v3, v4  }
0x87: {  	v4 =	vperm.xlane v3, v0;
	_ =	sdelay $0x1  }
0x88: {  	v4 =	vadd.s32 v1, v4;
	_ =	sdelay $0x4  }
0x89: {  	[tilespmem:s26], [sflag:$0x1] =	stream.indirect_vreg.gather [hbm4b:s3+s2], $0x80, v4, vm0, $0xb8;
	[tilespmem:$0x10100] =	vst v63  }
0x8a: {  	v3 =	vperm.xlane v3, v2  }
0x8b: {  	[tilespmem:s24], [sflag:$0x1] =	stream.indirect_vreg.gather [hbm4b:s4+s2], $0x80, v4, vm0, $0xb8;
	[tilespmem:$0x10100] =	vst v63  }
0x8c: {  	v3 =	vadd.s32 v1, v3  }
0x8d: {  	[tilespmem:s25], [sflag:$0x1] =	stream.indirect_vreg.gather [hbm4b:s5+s2], $0x80, v4, vm0, $0xb8;
	[tilespmem:$0x10100] =	vst v63  }
0x8e: {  	_ = 	snop  }
0x8f: {  	[tilespmem:s28], [sflag:$0x1] =	stream.indirect_vreg.gather [hbm4b:s6+s2], $0x80, v4, vm0, $0xb8;
	[tilespmem:$0x10100] =	vst v63  }
0x90: {  	_ = 	snop  }
0x91: {  	[tilespmem:s29], [sflag:$0x1] =	stream.indirect_vreg.gather [hbm4b:s3+s2], $0x80, v3, vm0, $0xb8;
	[tilespmem:$0x10100] =	vst v63  }
0x92: {  	_ = 	snop  }
0x93: {  	[tilespmem:s30], [sflag:$0x1] =	stream.indirect_vreg.gather [hbm4b:s4+s2], $0x80, v3, vm0, $0xb8;
	[tilespmem:$0x10100] =	vst v63  }
0x94: {  	_ = 	snop  }
0x95: {  	[tilespmem:s31], [sflag:$0x1] =	stream.indirect_vreg.gather [hbm4b:s5+s2], $0x80, v3, vm0, $0xb8;
	[tilespmem:$0x10100] =	vst v63  }
0x96: {  	_ = 	snop  }
0x97: {  	[tilespmem:s0], [sflag:$0x1] =	stream.indirect_vreg.gather [hbm4b:s6+s2], $0x80, v3, vm0, $0xb8;
	[tilespmem:$0x10100] =	vst v63  }
0x98: {  	v3 =	vld [tilespmem:$0x10];
	_ =	sdelay $0x4  }
0x99: {  	v61 =	vshll.u32 v3, $0x3  }
0x9a: {  	v3 =	vand.u32 $0x7, v3;
	v4 =	vand.u32 $0xFFFFFFC0, v61  }
0x9b: {  	v3 =	vor.u32 v3, v4  }
0x9c: {  	v4 =	vperm.xlane v3, v0;
	_ =	sdelay $0x1  }
0x9d: {  	v4 =	vadd.s32 v1, v4;
	_ =	sdelay $0x4  }
0x9e: {  	[tilespmem:s1], [sflag:$0x1] =	stream.indirect_vreg.gather [hbm4b:s3+s2], $0x80, v4, vm0, $0xb8;
	[tilespmem:$0x10100] =	vst v63  }
0x9f: {  	v3 =	vperm.xlane v3, v2  }
0xa0: {  	[tilespmem:s10], [sflag:$0x1] =	stream.indirect_vreg.gather [hbm4b:s4+s2], $0x80, v4, vm0, $0xb8;
	[tilespmem:$0x10100] =	vst v63  }
0xa1: {  	v3 =	vadd.s32 v1, v3  }
0xa2: {  	[tilespmem:s11], [sflag:$0x1] =	stream.indirect_vreg.gather [hbm4b:s5+s2], $0x80, v4, vm0, $0xb8;
	[tilespmem:$0x10100] =	vst v63  }
0xa3: {  	_ = 	snop  }
0xa4: {  	[tilespmem:s12], [sflag:$0x1] =	stream.indirect_vreg.gather [hbm4b:s6+s2], $0x80, v4, vm0, $0xb8;
	[tilespmem:$0x10100] =	vst v63  }
0xa5: {  	_ = 	snop  }
0xa6: {  	[tilespmem:s13], [sflag:$0x1] =	stream.indirect_vreg.gather [hbm4b:s3+s2], $0x80, v3, vm0, $0xb8;
	[tilespmem:$0x10100] =	vst v63  }
0xa7: {  	_ = 	snop  }
0xa8: {  	[tilespmem:s14], [sflag:$0x1] =	stream.indirect_vreg.gather [hbm4b:s4+s2], $0x80, v3, vm0, $0xb8;
	[tilespmem:$0x10100] =	vst v63  }
0xa9: {  	_ = 	snop  }
0xaa: {  	[tilespmem:s15], [sflag:$0x1] =	stream.indirect_vreg.gather [hbm4b:s5+s2], $0x80, v3, vm0, $0xb8;
	[tilespmem:$0x10100] =	vst v63  }
0xab: {  	_ = 	snop  }
0xac: {  	[tilespmem:s16], [sflag:$0x1] =	stream.indirect_vreg.gather [hbm4b:s6+s2], $0x80, v3, vm0, $0xb8;
	[tilespmem:$0x10100] =	vst v63  }
0xad: {  	_ =	swait.ge [sflag:s21], $0x8000  }
0xae: {  	[sflag:s21] =	ssyncset.done $0x0  }
0xaf: {  	s0 =	rddreg [dreg:$0x6];
	[sflag:s21] =	ssyncadd.s32 $0xFFFF8000  }
0xb0: {  	[hbm4b:s0+s2] =	stream.linear.scatter [tilespmem:s19], [sflag:$0x4], $0x8000, $0x38;
	[tilespmem:$0x10100] =	vst v63  }
0xb1: {  	_ =	swait.ge [sflag:s22], $0x8000  }
0xb2: {  	[sflag:s22] =	ssyncset.done $0x0  }
0xb3: {  	s0 =	rddreg [dreg:$0x7];
	[sflag:s22] =	ssyncadd.s32 $0xFFFF8000  }
0xb4: {  	[tilespmem:s17], [sflag:$0x5] =	stream.linear.gather [hbm4b:s0+s2], $0x20, $0x38;
	[tilespmem:$0x10100] =	vst v63  }
0xb5: {  	_ =	swait.ge [sflag:s8], $0x20  }
0xb6: {  	[sflag:s8] =	ssyncset.done $0x0  }
0xb7: {  	[sflag:s8] =	ssyncadd.s32 $0xFFFFFFE0  }
0xb8: {  	v3 =	vld [tilespmem:$0x80];
	_ =	sdelay $0x4  }
0xb9: {  	v62 =	vshll.u32 v3, $0x3  }
0xba: {  	v3 =	vand.u32 $0x7, v3;
	v4 =	vand.u32 $0xFFFFFFC0, v62  }
0xbb: {  	v3 =	vor.u32 v3, v4  }
0xbc: {  	v4 =	vperm.xlane v3, v0;
	_ =	sdelay $0x1  }
0xbd: {  	v4 =	vadd.s32 v1, v4;
	_ =	sdelay $0x4  }
0xbe: {  	[tilespmem:s19], [sflag:$0x2] =	stream.indirect_vreg.gather [hbm4b:s3+s2], $0x80, v4, vm0, $0xb8;
	[tilespmem:$0x10100] =	vst v63  }
0xbf: {  	v3 =	vperm.xlane v3, v2  }
0xc0: {  	[tilespmem:s18], [sflag:$0x2] =	stream.indirect_vreg.gather [hbm4b:s4+s2], $0x80, v4, vm0, $0xb8;
	[tilespmem:$0x10100] =	vst v63  }
0xc1: {  	s23 =	simm.s32 $0x9100;
	v3 =	vadd.s32 v1, v3  }
0xc2: {  	[tilespmem:s23], [sflag:$0x2] =	stream.indirect_vreg.gather [hbm4b:s5+s2], $0x80, v4, vm0, $0xb8;
	[tilespmem:$0x10100] =	vst v63  }
0xc3: {  	s23 =	simm.s32 $0x9900  }
0xc4: {  	[tilespmem:s23], [sflag:$0x2] =	stream.indirect_vreg.gather [hbm4b:s6+s2], $0x80, v4, vm0, $0xb8;
	[tilespmem:$0x10100] =	vst v63  }
0xc5: {  	s23 =	simm.s32 $0xA100  }
0xc6: {  	[tilespmem:s23], [sflag:$0x2] =	stream.indirect_vreg.gather [hbm4b:s3+s2], $0x80, v3, vm0, $0xb8;
	[tilespmem:$0x10100] =	vst v63  }
0xc7: {  	s23 =	simm.s32 $0xA900  }
0xc8: {  	[tilespmem:s23], [sflag:$0x2] =	stream.indirect_vreg.gather [hbm4b:s4+s2], $0x80, v3, vm0, $0xb8;
	[tilespmem:$0x10100] =	vst v63  }
0xc9: {  	s23 =	simm.s32 $0xB100  }
0xca: {  	[tilespmem:s23], [sflag:$0x2] =	stream.indirect_vreg.gather [hbm4b:s5+s2], $0x80, v3, vm0, $0xb8;
	[tilespmem:$0x10100] =	vst v63  }
0xcb: {  	s23 =	simm.s32 $0xB900  }
0xcc: {  	[tilespmem:s23], [sflag:$0x2] =	stream.indirect_vreg.gather [hbm4b:s6+s2], $0x80, v3, vm0, $0xb8;
	[tilespmem:$0x10100] =	vst v63  }
0xcd: {  	v3 =	vld [tilespmem:$0x90];
	_ =	sdelay $0x4  }
0xce: {  	v63 =	vshll.u32 v3, $0x3  }
0xcf: {  	v3 =	vand.u32 $0x7, v3;
	v4 =	vand.u32 $0xFFFFFFC0, v63  }
0xd0: {  	v3 =	vor.u32 v3, v4  }
0xd1: {  	v4 =	vperm.xlane v3, v0;
	_ =	sdelay $0x1  }
0xd2: {  	v4 =	vadd.s32 v1, v4;
	_ =	sdelay $0x3  }
0xd3: {  	s23 =	simm.s32 $0xC100  }
0xd4: {  	[tilespmem:s23], [sflag:$0x2] =	stream.indirect_vreg.gather [hbm4b:s3+s2], $0x80, v4, vm0, $0xb8;
	[tilespmem:$0x10100] =	vst v63  }
0xd5: {  	v3 =	vperm.xlane v3, v2;
	s23 =	simm.s32 $0xC900  }
0xd6: {  	[tilespmem:s23], [sflag:$0x2] =	stream.indirect_vreg.gather [hbm4b:s4+s2], $0x80, v4, vm0, $0xb8;
	[tilespmem:$0x10100] =	vst v63  }
0xd7: {  	v3 =	vadd.s32 v1, v3;
	s23 =	simm.s32 $0xD100  }
0xd8: {  	[tilespmem:s23], [sflag:$0x2] =	stream.indirect_vreg.gather [hbm4b:s5+s2], $0x80, v4, vm0, $0xb8;
	[tilespmem:$0x10100] =	vst v63  }
0xd9: {  	s23 =	simm.s32 $0xD900  }
0xda: {  	[tilespmem:s23], [sflag:$0x2] =	stream.indirect_vreg.gather [hbm4b:s6+s2], $0x80, v4, vm0, $0xb8;
	[tilespmem:$0x10100] =	vst v63  }
0xdb: {  	s23 =	simm.s32 $0xE100  }
0xdc: {  	[tilespmem:s23], [sflag:$0x2] =	stream.indirect_vreg.gather [hbm4b:s3+s2], $0x80, v3, vm0, $0xb8;
	[tilespmem:$0x10100] =	vst v63  }
0xdd: {  	s23 =	simm.s32 $0xE900  }
0xde: {  	[tilespmem:s23], [sflag:$0x2] =	stream.indirect_vreg.gather [hbm4b:s4+s2], $0x80, v3, vm0, $0xb8;
	[tilespmem:$0x10100] =	vst v63  }
0xdf: {  	s23 =	simm.s32 $0xF100  }
0xe0: {  	[tilespmem:s23], [sflag:$0x2] =	stream.indirect_vreg.gather [hbm4b:s5+s2], $0x80, v3, vm0, $0xb8;
	[tilespmem:$0x10100] =	vst v63  }
0xe1: {  	s23 =	simm.s32 $0xF900  }
0xe2: {  	[tilespmem:s23], [sflag:$0x2] =	stream.indirect_vreg.gather [hbm4b:s6+s2], $0x80, v3, vm0, $0xb8;
	[tilespmem:$0x10100] =	vst v63  }
0xe3: {  	_ =	swait.ge [sflag:s9], $0x8000  }
0xe4: {  	[sflag:s9] =	ssyncset.done $0x0  }
0xe5: {  	s0 =	rddreg [dreg:$0x8];
	[sflag:s9] =	ssyncadd.s32 $0xFFFF8000  }
0xe6: {  	[hbm4b:s0+s2] =	stream.linear.scatter [tilespmem:s26], [sflag:$0x3], $0x8000, $0x38;
	[tilespmem:$0x10100] =	vst v63  }
0xe7: {  	_ =	swait.ge [sflag:s21], $0x8000  }
0xe8: {  	[sflag:s21] =	ssyncset.done $0x0  }
0xe9: {  	s0 =	rddreg [dreg:$0x9];
	[sflag:s21] =	ssyncadd.s32 $0xFFFF8000  }
0xea: {  	[hbm4b:s0+s2] =	stream.linear.scatter [tilespmem:s19], [sflag:$0x4], $0x8000, $0x38;
	[tilespmem:$0x10100] =	vst v63  }
0xeb: {  	p0 =	sne.s32 s7, $0x1;
	_ =	swait.ge [sflag:s20], $0x8000  }
.Ltmp0:
0xec: {  	[sflag:s20] =	ssyncset.done $0x0;
	(pc) =	sbr.rel @p0 .LBB2_1-.Ltmp0, $4  }
0xed: {  	[sflag:s20] =	ssyncadd.s32 $0xFFFF8000  }
0xee: {  	_ =	swait.ge [sflag:s22], $0x8000  }
0xef: {  	[sflag:s22] =	ssyncset.done $0x0  }
0xf0: {  	s7 =	sadd.s32 $0xFFFFFFFF, s7;
	[sflag:s22] =	ssyncadd.s32 $0xFFFF8000  }
0xf1: {  	_ =	sfence.sel $0x180000  }
0xf2: {  	[bflag:$0x0] =	sbarrier.arrive $0xFFFF  }
0xf3: {  	_ =	strace $0x90000050  }
0xf4: {  	s0 =	stileid.u32;
	[bflag:$0x2] =	sbarrier.arrive $0xFFFF  }
0xf5: {  	p0 =	sne.s32 s0, $0x0;
	s0 =	rddreg [dreg:$0x1]  }
0xf6: {  	s0 =	sadd.s32 @!p0 $0x100000, s0  }
0xf7: {  	[sflag:s0] =	ssyncadd.tile.s32 @!p0 $0x1;
	_ =	shalt  }
.Lfunc_end2:
_tile_overlayer_lowered:
.L_overlay_start_2:
0xf8: {  	(tag) =	ssettag $0x2  }
0xf9: {  	s0 =	rddreg [dreg:$0x0];
	s2 =	stileid.u32  }
0xfa: {  	s1 =	rddreg [dreg:$0x1];
	p0 =	sne.s32 s2, $0x0  }
0xfb: {  	s3 =	rddreg [dreg:$0x2];
	[bflag:$0x3] =	sbarrier.arrive $0xFFFF;
	s2 =	simm.s32 @!p0 $0x1C05  }
0xfc: {  	[timem:s3], [sflag:s2] =	dma.local @!p0 [hbm:s0], s1  }
0xfd: {  	s0 =	simm.s32 @!p0 $0x5  }
0xfe: {  	_ =	swait.ge @!p0 [sflag:s0], s1  }
0xff: {  	s1 =	ssub.s32 @!p0 $0x0, s1;
	[sflag:s0] =	ssyncset.done @!p0 $0x0  }
0x100: {  	[sflag:s0] =	ssyncadd.s32 @!p0 s1  }
0x101: {  	[bflag:$0x3] =	sbarrier.arrive $0xFFFF  }
0x102: {  	_ =	shalt  }

// kernel: kernel.30.cloned.1.call-start
scs
__scs_entry_jumppad:
0x0: {  	(pc) =	sbr.rel $0x88, $3  }
0x1: {  	(tag) =	ssettag $0x0;
	lr =	simm.s32 $0x1  }
0x2: {  	[smem:$0x3F8A] =	sst lr;
	_ =	strace $0xD0000000  }
0x3: {  	_ = 	snop  }
0x4: {  	_ = 	snop  }
0x5: {  	_ = 	snop  }
0x6: {  	_ = 	snop  }
0x7: {  	_ = 	snop  }
__scs_overlays_trampoline_lowered:
0x8: {  	[smem:$0x3F99] =	sst s0  }
0x9: {  	[smem:$0x3F9A] =	sst s1  }
0xa: {  	[smem:$0x3F9B] =	sst s2  }
0xb: {  	[smem:$0x3F9C] =	sst s3  }
0xc: {  	[smem:$0x3F9D] =	sst s4  }
0xd: {  	[smem:$0x3F9E] =	sst s5  }
0xe: {  	[smem:$0x3F9F] =	sst s6  }
0xf: {  	[smem:$0x3FA0] =	sst s7  }
0x10: {  	[smem:$0x3FA1] =	sst s8  }
0x11: {  	[smem:$0x3FA2] =	sst s9;
	s0 =	simm.s32 @!p0 $0x0  }
0x12: {  	s1 =	sld [smem:$0x3F88];
	s0 =	simm.s32 @p0 $0x1  }
0x13: {  	[smem:$0x3FA3] =	sst s0;
	s0 =	simm.s32 @!p1 $0x0  }
0x14: {  	s2 =	sld [smem:$0x3F87];
	s0 =	simm.s32 @p1 $0x1  }
0x15: {  	[smem:$0x3FA4] =	sst s0;
	s0 =	simm.s32 @!p2 $0x0  }
0x16: {  	s3 =	sld [smem:$0x3FDB];
	s0 =	simm.s32 @p2 $0x1  }
0x17: {  	s4 =	simm.s32 $0x1BF5;
	[smem:$0x3FA6] =	sst s0  }
0x18: {  	s0 =	sld [smem:$0x3F89];
	_ =	swait.ge [sflag:s4], $0x0  }
0x19: {  	s7 =	sld [smem:$0x3F8A]  }
0x1a: {  	s8 =	sadd.s32 $0xFFFFE003, lr  }
0x1b: {  	s9 =	sadd.s32 $0xFFFFFEF7, lr;
	s5 =	simm.s32 $0xFFFFFFFF;
	p2 =	slt.u32 s8, $0xFFFFF086  }
0x1c: {  	p1 =	slt.u32 s9, $0xF7A;
	s5 =	simm.s32 @!p2 $0x0  }
0x1d: {  	s5 =	simm.s32 @p1 $0x1;
	p0 =	seq.s32 s7, s2  }
0x1e: {  	s7 =	smul.u32 @!p0 $0xF7A, s2;
	p2 =	seq.s32 @!p0 s5, $0x0  }
0x1f: {  	s9 =	smul.u32 $0xF7A, s1;
	s8 =	simm.s32 @!p0 $0x1BF5;
	p2 =	por !p2, p0  }
0x20: {  	[sflag:s8] =	ssyncset.s32 @!p0 $0xFFFFF086;
	s6 =	sadd.s32 @!p0 s3, s7;
	s7 =	simm.s32 @!p0 $0x108  }
0x21: {  	s3 =	sadd.s32 s3, s9;
	s6 =	sadd.s32 @!p0 $0x88, s6;
	s7 =	simm.s32 @p2 $0x1082  }
0x22: {  	[simem:s7], [sflag:s8] =	dma.local @!p0 [hbm:s6], $0xF7A  }
0x23: {  	s9 =	sor.u32 $0xD0000000, s2;
	s6 =	simm.s32 $0x108;
	_ =	swait.ge @!p0 [sflag:s8], $0x0  }
0x24: {  	s3 =	sadd.s32 $0x88, s3;
	s6 =	simm.s32 @!p1 $0x1082;
	[sflag:s4] =	ssyncset.s32 $0xFFFFF086  }
0x25: {  	[simem:s6], [sflag:s4] =	dma.local [hbm:s3], $0xF7A  }
0x26: {  	[smem:$0x3F8A] =	sst s1;
	(tag) =	ssettag s2;
	_ =	strace s9  }
0x27: {  	s1 =	sld [smem:$0x3F9A]  }
0x28: {  	s2 =	sld [smem:$0x3F9B]  }
0x29: {  	s4 =	sld [smem:$0x3F9D]  }
0x2a: {  	p0 =	seq.s32 s5, $0x0;
	s5 =	sld [smem:$0x3F9E]  }
0x2b: {  	s6 =	sld [smem:$0x3F9F]  }
0x2c: {  	s7 =	sld [smem:$0x3FA0]  }
0x2d: {  	s3 =	simm.s32 $0x108;
	s8 =	sld [smem:$0x3FA1]  }
0x2e: {  	s3 =	simm.s32 @!p0 $0x1082;
	s9 =	sld [smem:$0x3FA2]  }
0x2f: {  	lr =	sadd.s32 s0, s3;
	s0 =	sld [smem:$0x3F99]  }
0x30: {  	s3 =	sld [smem:$0x3F9C]  }
0x31: {  	[smem:$0x3FA5] =	sst s10  }
0x32: {  	s10 =	sld [smem:$0x3FA3];
	_ =	sdelay $0x3  }
0x33: {  	p0 =	seq.s32 s10, $0x1;
	s10 =	sld [smem:$0x3FA5];
	_ =	sdelay $0x3  }
0x34: {  	[smem:$0x3FA5] =	sst s10  }
0x35: {  	s10 =	sld [smem:$0x3FA4];
	_ =	sdelay $0x3  }
0x36: {  	p1 =	seq.s32 s10, $0x1;
	s10 =	sld [smem:$0x3FA5];
	_ =	sdelay $0x3  }
0x37: {  	[smem:$0x3FA5] =	sst s10  }
0x38: {  	s10 =	sld [smem:$0x3FA6]  }
0x39: {  	_ = 	snop;
	(pc) =	sbr.ind lr, $3  }
0x3a: {  	_ = 	snop  }
0x3b: {  	_ = 	snop  }
0x3c: {  	p2 =	seq.s32 s10, $0x1;
	s10 =	sld [smem:$0x3FA5]  }
0x3d: {  	_ =	shalt  }
0x3e: {  	_ =	shalt  }
0x3f: {  	_ =	shalt  }
0x40: {  	_ =	shalt  }
0x41: {  	_ =	shalt  }
0x42: {  	_ =	shalt  }
0x43: {  	_ =	shalt  }
0x44: {  	_ =	shalt  }
0x45: {  	_ =	shalt  }
0x46: {  	_ =	shalt  }
0x47: {  	_ =	shalt  }
0x48: {  	_ =	shalt  }
0x49: {  	_ =	shalt  }
0x4a: {  	_ =	shalt  }
0x4b: {  	_ =	shalt  }
0x4c: {  	_ =	shalt  }
0x4d: {  	_ =	shalt  }
0x4e: {  	_ =	shalt  }
0x4f: {  	_ =	shalt  }
0x50: {  	_ =	shalt  }
0x51: {  	_ =	shalt  }
0x52: {  	_ =	shalt  }
0x53: {  	_ =	shalt  }
0x54: {  	_ =	shalt  }
0x55: {  	_ =	shalt  }
0x56: {  	_ =	shalt  }
0x57: {  	_ =	shalt  }
0x58: {  	_ =	shalt  }
0x59: {  	_ =	shalt  }
0x5a: {  	_ =	shalt  }
0x5b: {  	_ =	shalt  }
0x5c: {  	_ =	shalt  }
0x5d: {  	_ =	shalt  }
0x5e: {  	_ =	shalt  }
0x5f: {  	_ =	shalt  }
0x60: {  	_ =	shalt  }
0x61: {  	_ =	shalt  }
0x62: {  	_ =	shalt  }
0x63: {  	_ =	shalt  }
0x64: {  	_ =	shalt  }
0x65: {  	_ =	shalt  }
0x66: {  	_ =	shalt  }
0x67: {  	_ =	shalt  }
0x68: {  	_ =	shalt  }
0x69: {  	_ =	shalt  }
0x6a: {  	_ =	shalt  }
0x6b: {  	_ =	shalt  }
0x6c: {  	_ =	shalt  }
0x6d: {  	_ =	shalt  }
0x6e: {  	_ =	shalt  }
0x6f: {  	_ =	shalt  }
0x70: {  	_ =	shalt  }
0x71: {  	_ =	shalt  }
0x72: {  	_ =	shalt  }
0x73: {  	_ =	shalt  }
0x74: {  	_ =	shalt  }
0x75: {  	_ =	shalt  }
0x76: {  	_ =	shalt  }
0x77: {  	_ =	shalt  }
0x78: {  	_ =	shalt  }
0x79: {  	_ =	shalt  }
0x7a: {  	_ =	shalt  }
0x7b: {  	_ =	shalt  }
0x7c: {  	_ =	shalt  }
0x7d: {  	_ =	shalt  }
0x7e: {  	_ =	shalt  }
0x7f: {  	_ =	shalt  }
0x80: {  	_ =	shalt  }
0x81: {  	_ =	shalt  }
0x82: {  	_ =	shalt  }
0x83: {  	_ =	shalt  }
0x84: {  	_ =	shalt  }
0x85: {  	_ =	shalt  }
0x86: {  	_ =	shalt  }
0x87: {  	_ =	shalt  }
.Lfunc_end0:
.L_simem_size_0:
called_computation.4_lowered:
.L_overlay_start_0:
0x88: {  	s2 =	sld [smem:$0x3FD9]  }
0x89: {  	s3 =	sld [smem:$0x3FFE];
	_ =	sdelay $0x1  }
0x8a: {  	s1 =	srdreg.scid  }
0x8b: {  	s0 =	sand.u32 $0x1, s1  }
0x8c: {  	s16 =	sshll.u32 s0, $0xA;
	s2 =	sadd.s32 s3, s2  }
0x8d: {  	s2 =	sadd.s32 s2, s16  }
0x8e: {  	[smem:$0x3FB1] =	sst s2  }
0x8f: {  	_ = 	snop  }
0x90: {  	(tm) =	ssettm $0x1  }
0x91: {  	s17 =	sld [smem:$0x3FFB];
	_ =	sdelay $0x3  }
0x92: {  	_ =	strace s17  }
0x93: {  	s2 =	sld [smem:$0x3FFC];
	_ =	sdelay $0x3  }
0x94: {  	_ =	strace s2  }
0x95: {  	s2 =	sld [smem:$0x3FFD];
	_ =	sdelay $0x3  }
0x96: {  	_ =	strace s2  }
0x97: {  	_ =	strace $0x8FFFFFFF  }
0x98: {  	s18 =	sld [smem:$0x3FDB];
	_ =	sdelay $0x1  }
0x99: {  	s19 =	simm.s32 $_scs_section_size  }
0x9a: {  	s4 =	simm.s32 $_size__tile_overlayer_lowered;
	s5 =	simm.s32 $_tile_overlayer_lowered  }
0x9b: {  	s22 =	simm.s32 $0x1BFF;
	s21 =	sshll.u32 s5, $0x1;
	s2 =	sadd.s32 s19, s18  }
0x9c: {  	s6 =	simm.s32 $0x0;
	s20 =	sshll.u32 s4, $0x1;
	s4 =	sadd.s32 s21, s2  }
0x9d: {  	[timem:s6], [sflag:s22] =	dma.local [hbm:s4], s20  }
0x9e: {  	_ =	swait.ge [sflag:s22], s20  }
0x9f: {  	s3 =	ssub.s32 $0x0, s20;
	[sflag:s22] =	ssyncset.done $0x0  }
0xa0: {  	[sflag:s22] =	ssyncadd.s32 s3;
	_ =	sdelay $0x1  }
0xa1: {  	s23 =	simm.s32 $0x1B8B  }
0xa2: {  	_ =	swait.ge [sflag:s23], $0x1  }
0xa3: {  	[sflag:s23] =	ssyncset.done $0x0  }
0xa4: {  	s25 =	simm.s32 $0x1B8E;
	s24 =	sld [smem:$0x3FFE];
	[sflag:s23] =	ssyncadd.s32 $0xFFFFFFFF  }
0xa5: {  	s26 =	simm.s32 $execute0_lowered;
	[smem:$0x3FD2] =	sst s25  }
0xa6: {  	s4 =	sshll.u32 s26, $0x1;
	_ =	strace $0x80000052;
	[dreg:$0x1] =	wrdreg $0xFFFFFFFF  }
0xa7: {  	s28 =	simm.s32 $_size_execute0_lowered;
	s2 =	sadd.s32 s2, s4;
	[dreg:$0x0] =	wrdreg $0x0  }
0xa8: {  	s4 =	sshll.u32 s28, $0x1;
	[dreg:$0x2] =	wrdreg s2  }
0xa9: {  	[dreg:$0x3] =	wrdreg s4  }
0xaa: {  	[dreg:$0x4] =	wrdreg $0xC0  }
0xab: {  	_ =	task [dreg:s6], $0x5FFFF  }
0xac: {  	[dreg:$0x1] =	wrdreg $0xFFFFFFFF  }
0xad: {  	[dreg:$0x0] =	wrdreg $0x60  }
0xae: {  	[dreg:$0x2] =	wrdreg s24  }
0xaf: {  	[dreg:$0x3] =	wrdreg $0x9  }
0xb0: {  	_ =	task.clear_ibuf [dreg:s6], $0x4FFFF;
	_ =	strace $0x90000052  }
0xb1: {  	s29 =	simm.s32 $0x9;
	_ =	strace $0x80000054  }
0xb2: {  	_ =	swait.ge [sflag:s29], $0x1  }
0xb3: {  	[sflag:s29] =	ssyncadd.s32 $0xFFFFFFFF  }
0xb4: {  	_ =	strace $0x90000054  }
0xb5: {  	_ =	sfence  }
0xb6: {  	s30 =	sld [smem:$0x0];
	_ =	sdelay $0x2  }
0xb7: {  	s31 =	sshll.u32 s1, $0xD;
	s1 =	sshrl.u32 s1, $0x2  }
0xb8: {  	s3 =	sand.u32 $0x4000, s31;
	s1 =	sadd.s32 s1, s30  }
0xb9: {  	s0 =	sor.u32 s3, s0;
	s1 =	sshll.u32 s1, $0x11  }
0xba: {  	s0 =	sor.u32 s1, s0  }
0xbb: {  	s0 =	sadd.s32 $0x8F2B, s0  }
0xbc: {  	[sflag:s0] =	ssyncadd.remote.s32 $0x1  }
0xbd: {  	_ =	sfence.sel $0xFFFF  }
0xbe: {  	[dreg:$0x0] =	wrdreg $0xFFFFFFFF;
	(pc) =	sbr.abs _section_cstart, $3  }
0xbf: {  	[dreg:$0x1] =	wrdreg $0xFFFFFFFF  }
0xc0: {  	_ =	task.clear_ibuf [dreg:s6], $0x2FFFF;
	_ =	strace $0x9FFFFFFF  }
0xc1: {  	(tm) =	ssettm $0x7FFFFFFF  }
tec
execute0_lowered:
.L_overlay_start_1:
0x0: {  	(tag) =	ssettag $0x1  }
0x1: {  	s0 =	rddreg [dreg:$0x0]  }
0x2: {  	s2 =	simm.s32 $0x0;
	s1 =	srdreg.scid;
	s4 =	stileid.u32  }
0x3: {  	s28 =	simm.s32 $0x1900;
	s29 =	simm.s32 $0x2100;
	s30 =	simm.s32 $0x2900  }
0x4: {  	s31 =	simm.s32 $0x3100;
	s11 =	simm.s32 $0x5100;
	s12 =	simm.s32 $0x5900  }
0x5: {  	s13 =	simm.s32 $0x6100;
	s14 =	simm.s32 $0x6900;
	s15 =	simm.s32 $0x7100  }
0x6: {  	[smem:$0x7FF] =	sst s2;
	s1 =	sand.u32 $0x1, s1;
	s3 =	sadd.s32 $0x88A00, s0  }
0x7: {  	s4 =	sshll.u32 s4, $0x8;
	s6 =	sadd.s32 $0x8200, s0;
	s5 =	sshll.u32 s1, $0x7  }
0x8: {  	s7 =	sadd.s32 $0x108A00, s0;
	s1 =	ssub.s32 $0x2, s1;
	s4 =	sor.u32 s5, s4  }
0x9: {  	_ =	strace $0x80000053;
	s9 =	sshrl.u32 s1, $0x1;
	s5 =	sshrl.u32 s4, $0x3  }
0xa: {  	s8 =	sor.u32 $0x20, s4;
	s17 =	sshll.u32 s4, $0x7;
	s19 =	sor.u32 $0x40, s4  }
0xb: {  	s1 =	ssub.s32 s1, s9;
	s4 =	sor.u32 $0x60, s4;
	s9 =	simm.s32 $0x1  }
0xc: {  	s5 =	sadd.s32 s6, s5;
	s10 =	sshrl.u32 s8, $0x3;
	s18 =	sadd.s32 s7, s17  }
0xd: {  	s20 =	sshrl.u32 s19, $0x3;
	s8 =	sshll.u32 s8, $0x7;
	s22 =	sshrl.u32 s4, $0x3  }
0xe: {  	s24 =	sshll.u32 s19, $0x7;
	s26 =	sshll.u32 s4, $0x7;
	s4 =	sadd.s32 $0x88B00, s0  }
0xf: {  	s17 =	simm.s32 $0x80;
	s19 =	simm.s32 $0x8100;
	[dreg:$0x2] =	wrdreg s5  }
0x10: {  	s16 =	sadd.s32 s6, s10;
	[dreg:$0x4] =	wrdreg s18;
	s5 =	sadd.s32 s6, s20  }
0x11: {  	s21 =	sadd.s32 s7, s8;
	s23 =	sadd.s32 s6, s22;
	s25 =	sadd.s32 s7, s24  }
0x12: {  	s7 =	sadd.s32 s7, s26;
	s6 =	sadd.s32 $0x88D00, s0;
	[dreg:$0x3] =	wrdreg s16  }
0x13: {  	s8 =	simm.s32 $0x5;
	s20 =	simm.s32 $0x3;
	[dreg:$0x5] =	wrdreg s5  }
0x14: {  	s22 =	simm.s32 $0x4;
	s26 =	simm.s32 $0x100;
	[dreg:$0x6] =	wrdreg s21  }
0x15: {  	s24 =	simm.s32 $0x900;
	s10 =	simm.s32 $0x4900;
	[dreg:$0x7] =	wrdreg s23  }
0x16: {  	v2 =	vlaneseq.u32;
	s18 =	simm.s32 $0x8900;
	[dreg:$0x8] =	wrdreg s25;
	s5 =	sadd.s32 $0x88C00, s0  }
0x17: {  	vm0 =	vmmov $0xffff;
	v1 =	vshrl.u32 v2, $0x3;
	[dreg:$0x9] =	wrdreg s7;
	s7 =	smax.u32 s1, $0x1;
	s21 =	simm.s32 $0x2  }
0x18: {  	v0 =	vand.u32 $0x7, v2;
	v2 =	vor.u32 $0x8, v2;
	v1 =	vmul.u32 $0x8, v1;
	s25 =	simm.s32 $0x1100;
	s1 =	simm.s32 $0x4100;
	s16 =	simm.s32 $0x7900  }
.LBB2_1:
0x19: {  	s23 =	rddreg [dreg:$0x2]  }
0x1a: {  	[tilespmem:s2], [sflag:$0x5] =	stream.linear.gather [hbm4b:s23+s2], $0x20, $0x38;
	[tilespmem:$0x10100] =	vst v63  }
0x1b: {  	_ =	swait.ge [sflag:s8], $0x20  }
0x1c: {  	[sflag:s8] =	ssyncset.done $0x0  }
0x1d: {  	[sflag:s8] =	ssyncadd.s32 $0xFFFFFFE0  }
0x1e: {  	v3 =	vld [tilespmem:$0x0];
	_ =	sdelay $0x4  }
0x1f: {  	v4 =	vshll.u32 v3, $0x3  }
0x20: {  	v3 =	vand.u32 $0x7, v3;
	v4 =	vand.u32 $0xFFFFFFC0, v4  }
0x21: {  	v3 =	vor.u32 v3, v4  }
0x22: {  	v4 =	vperm.xlane v3, v0;
	_ =	sdelay $0x1  }
0x23: {  	v4 =	vadd.s32 v1, v4;
	_ =	sdelay $0x4  }
0x24: {  	[tilespmem:s26], [sflag:$0x1] =	stream.indirect_vreg.gather [hbm4b:s3+s2], $0x80, v4, vm0, $0xb8;
	[tilespmem:$0x10100] =	vst v63  }
0x25: {  	v3 =	vperm.xlane v3, v2  }
0x26: {  	[tilespmem:s24], [sflag:$0x1] =	stream.indirect_vreg.gather [hbm4b:s4+s2], $0x80, v4, vm0, $0xb8;
	[tilespmem:$0x10100] =	vst v63  }
0x27: {  	v3 =	vadd.s32 v1, v3  }
0x28: {  	[tilespmem:s25], [sflag:$0x1] =	stream.indirect_vreg.gather [hbm4b:s5+s2], $0x80, v4, vm0, $0xb8;
	[tilespmem:$0x10100] =	vst v63  }
0x29: {  	_ = 	snop  }
0x2a: {  	[tilespmem:s28], [sflag:$0x1] =	stream.indirect_vreg.gather [hbm4b:s6+s2], $0x80, v4, vm0, $0xb8;
	[tilespmem:$0x10100] =	vst v63  }
0x2b: {  	_ = 	snop  }
0x2c: {  	[tilespmem:s29], [sflag:$0x1] =	stream.indirect_vreg.gather [hbm4b:s3+s2], $0x80, v3, vm0, $0xb8;
	[tilespmem:$0x10100] =	vst v63  }
0x2d: {  	_ = 	snop  }
0x2e: {  	[tilespmem:s30], [sflag:$0x1] =	stream.indirect_vreg.gather [hbm4b:s4+s2], $0x80, v3, vm0, $0xb8;
	[tilespmem:$0x10100] =	vst v63  }
0x2f: {  	_ = 	snop  }
0x30: {  	[tilespmem:s31], [sflag:$0x1] =	stream.indirect_vreg.gather [hbm4b:s5+s2], $0x80, v3, vm0, $0xb8;
	[tilespmem:$0x10100] =	vst v63  }
0x31: {  	s0 =	simm.s32 $0x3900  }
0x32: {  	[tilespmem:s0], [sflag:$0x1] =	stream.indirect_vreg.gather [hbm4b:s6+s2], $0x80, v3, vm0, $0xb8;
	[tilespmem:$0x10100] =	vst v63  }
0x33: {  	v3 =	vld [tilespmem:$0x10];
	_ =	sdelay $0x4  }
0x34: {  	v57 =	vshll.u32 v3, $0x3  }
0x35: {  	v3 =	vand.u32 $0x7, v3;
	v4 =	vand.u32 $0xFFFFFFC0, v57  }
0x36: {  	v3 =	vor.u32 v3, v4  }
0x37: {  	v4 =	vperm.xlane v3, v0;
	_ =	sdelay $0x1  }
0x38: {  	v4 =	vadd.s32 v1, v4;
	_ =	sdelay $0x4  }
0x39: {  	[tilespmem:s1], [sflag:$0x1] =	stream.indirect_vreg.gather [hbm4b:s3+s2], $0x80, v4, vm0, $0xb8;
	[tilespmem:$0x10100] =	vst v63  }
0x3a: {  	v3 =	vperm.xlane v3, v2  }
0x3b: {  	[tilespmem:s10], [sflag:$0x1] =	stream.indirect_vreg.gather [hbm4b:s4+s2], $0x80, v4, vm0, $0xb8;
	[tilespmem:$0x10100] =	vst v63  }
0x3c: {  	v3 =	vadd.s32 v1, v3  }
0x3d: {  	[tilespmem:s11], [sflag:$0x1] =	stream.indirect_vreg.gather [hbm4b:s5+s2], $0x80, v4, vm0, $0xb8;
	[tilespmem:$0x10100] =	vst v63  }
0x3e: {  	_ = 	snop  }
0x3f: {  	[tilespmem:s12], [sflag:$0x1] =	stream.indirect_vreg.gather [hbm4b:s6+s2], $0x80, v4, vm0, $0xb8;
	[tilespmem:$0x10100] =	vst v63  }
0x40: {  	_ = 	snop  }
0x41: {  	[tilespmem:s13], [sflag:$0x1] =	stream.indirect_vreg.gather [hbm4b:s3+s2], $0x80, v3, vm0, $0xb8;
	[tilespmem:$0x10100] =	vst v63  }
0x42: {  	_ = 	snop  }
0x43: {  	[tilespmem:s14], [sflag:$0x1] =	stream.indirect_vreg.gather [hbm4b:s4+s2], $0x80, v3, vm0, $0xb8;
	[tilespmem:$0x10100] =	vst v63  }
0x44: {  	_ = 	snop  }
0x45: {  	[tilespmem:s15], [sflag:$0x1] =	stream.indirect_vreg.gather [hbm4b:s5+s2], $0x80, v3, vm0, $0xb8;
	[tilespmem:$0x10100] =	vst v63  }
0x46: {  	_ = 	snop  }
0x47: {  	[tilespmem:s16], [sflag:$0x1] =	stream.indirect_vreg.gather [hbm4b:s6+s2], $0x80, v3, vm0, $0xb8;
	[tilespmem:$0x10100] =	vst v63  }
0x48: {  	s23 =	rddreg [dreg:$0x3]  }
0x49: {  	[tilespmem:s17], [sflag:$0x5] =	stream.linear.gather [hbm4b:s23+s2], $0x20, $0x38;
	[tilespmem:$0x10100] =	vst v63  }
0x4a: {  	_ =	swait.ge [sflag:s8], $0x20  }
0x4b: {  	[sflag:s8] =	ssyncset.done $0x0  }
0x4c: {  	[sflag:s8] =	ssyncadd.s32 $0xFFFFFFE0  }
0x4d: {  	v3 =	vld [tilespmem:$0x80];
	_ =	sdelay $0x4  }
0x4e: {  	v58 =	vshll.u32 v3, $0x3  }
0x4f: {  	v3 =	vand.u32 $0x7, v3;
	v4 =	vand.u32 $0xFFFFFFC0, v58  }
0x50: {  	v3 =	vor.u32 v3, v4  }
0x51: {  	v4 =	vperm.xlane v3, v0;
	_ =	sdelay $0x1  }
0x52: {  	v4 =	vadd.s32 v1, v4;
	_ =	sdelay $0x4  }
0x53: {  	[tilespmem:s19], [sflag:$0x2] =	stream.indirect_vreg.gather [hbm4b:s3+s2], $0x80, v4, vm0, $0xb8;
	[tilespmem:$0x10100] =	vst v63  }
0x54: {  	v3 =	vperm.xlane v3, v2  }
0x55: {  	[tilespmem:s18], [sflag:$0x2] =	stream.indirect_vreg.gather [hbm4b:s4+s2], $0x80, v4, vm0, $0xb8;
	[tilespmem:$0x10100] =	vst v63  }
0x56: {  	s23 =	simm.s32 $0x9100;
	v3 =	vadd.s32 v1, v3  }
0x57: {  	[tilespmem:s23], [sflag:$0x2] =	stream.indirect_vreg.gather [hbm4b:s5+s2], $0x80, v4, vm0, $0xb8;
	[tilespmem:$0x10100] =	vst v63  }
0x58: {  	s23 =	simm.s32 $0x9900  }
0x59: {  	[tilespmem:s23], [sflag:$0x2] =	stream.indirect_vreg.gather [hbm4b:s6+s2], $0x80, v4, vm0, $0xb8;
	[tilespmem:$0x10100] =	vst v63  }
0x5a: {  	s23 =	simm.s32 $0xA100  }
0x5b: {  	[tilespmem:s23], [sflag:$0x2] =	stream.indirect_vreg.gather [hbm4b:s3+s2], $0x80, v3, vm0, $0xb8;
	[tilespmem:$0x10100] =	vst v63  }
0x5c: {  	s23 =	simm.s32 $0xA900  }
0x5d: {  	[tilespmem:s23], [sflag:$0x2] =	stream.indirect_vreg.gather [hbm4b:s4+s2], $0x80, v3, vm0, $0xb8;
	[tilespmem:$0x10100] =	vst v63  }
0x5e: {  	s23 =	simm.s32 $0xB100  }
0x5f: {  	[tilespmem:s23], [sflag:$0x2] =	stream.indirect_vreg.gather [hbm4b:s5+s2], $0x80, v3, vm0, $0xb8;
	[tilespmem:$0x10100] =	vst v63  }
0x60: {  	s23 =	simm.s32 $0xB900  }
0x61: {  	[tilespmem:s23], [sflag:$0x2] =	stream.indirect_vreg.gather [hbm4b:s6+s2], $0x80, v3, vm0, $0xb8;
	[tilespmem:$0x10100] =	vst v63  }
0x62: {  	v3 =	vld [tilespmem:$0x90];
	_ =	sdelay $0x4  }
0x63: {  	v59 =	vshll.u32 v3, $0x3  }
0x64: {  	v3 =	vand.u32 $0x7, v3;
	v4 =	vand.u32 $0xFFFFFFC0, v59  }
0x65: {  	v3 =	vor.u32 v3, v4  }
0x66: {  	v4 =	vperm.xlane v3, v0;
	_ =	sdelay $0x1  }
0x67: {  	v4 =	vadd.s32 v1, v4;
	_ =	sdelay $0x3  }
0x68: {  	s23 =	simm.s32 $0xC100  }
0x69: {  	[tilespmem:s23], [sflag:$0x2] =	stream.indirect_vreg.gather [hbm4b:s3+s2], $0x80, v4, vm0, $0xb8;
	[tilespmem:$0x10100] =	vst v63  }
0x6a: {  	v3 =	vperm.xlane v3, v2;
	s23 =	simm.s32 $0xC900  }
0x6b: {  	[tilespmem:s23], [sflag:$0x2] =	stream.indirect_vreg.gather [hbm4b:s4+s2], $0x80, v4, vm0, $0xb8;
	[tilespmem:$0x10100] =	vst v63  }
0x6c: {  	v3 =	vadd.s32 v1, v3;
	s23 =	simm.s32 $0xD100  }
0x6d: {  	[tilespmem:s23], [sflag:$0x2] =	stream.indirect_vreg.gather [hbm4b:s5+s2], $0x80, v4, vm0, $0xb8;
	[tilespmem:$0x10100] =	vst v63  }
0x6e: {  	s23 =	simm.s32 $0xD900  }
0x6f: {  	[tilespmem:s23], [sflag:$0x2] =	stream.indirect_vreg.gather [hbm4b:s6+s2], $0x80, v4, vm0, $0xb8;
	[tilespmem:$0x10100] =	vst v63  }
0x70: {  	s23 =	simm.s32 $0xE100  }
0x71: {  	[tilespmem:s23], [sflag:$0x2] =	stream.indirect_vreg.gather [hbm4b:s3+s2], $0x80, v3, vm0, $0xb8;
	[tilespmem:$0x10100] =	vst v63  }
0x72: {  	s23 =	simm.s32 $0xE900  }
0x73: {  	[tilespmem:s23], [sflag:$0x2] =	stream.indirect_vreg.gather [hbm4b:s4+s2], $0x80, v3, vm0, $0xb8;
	[tilespmem:$0x10100] =	vst v63  }
0x74: {  	s23 =	simm.s32 $0xF100  }
0x75: {  	[tilespmem:s23], [sflag:$0x2] =	stream.indirect_vreg.gather [hbm4b:s5+s2], $0x80, v3, vm0, $0xb8;
	[tilespmem:$0x10100] =	vst v63  }
0x76: {  	s23 =	simm.s32 $0xF900  }
0x77: {  	[tilespmem:s23], [sflag:$0x2] =	stream.indirect_vreg.gather [hbm4b:s6+s2], $0x80, v3, vm0, $0xb8;
	[tilespmem:$0x10100] =	vst v63  }
0x78: {  	_ =	swait.ge [sflag:s9], $0x8000  }
0x79: {  	[sflag:s9] =	ssyncset.done $0x0  }
0x7a: {  	s23 =	rddreg [dreg:$0x4];
	[sflag:s9] =	ssyncadd.s32 $0xFFFF8000  }
0x7b: {  	[hbm4b:s23+s2] =	stream.linear.scatter [tilespmem:s26], [sflag:$0x3], $0x8000, $0x38;
	[tilespmem:$0x10100] =	vst v63  }
0x7c: {  	_ =	swait.ge [sflag:s20], $0x8000  }
0x7d: {  	[sflag:s20] =	ssyncset.done $0x0  }
0x7e: {  	s23 =	rddreg [dreg:$0x5];
	[sflag:s20] =	ssyncadd.s32 $0xFFFF8000  }
0x7f: {  	[tilespmem:s2], [sflag:$0x5] =	stream.linear.gather [hbm4b:s23+s2], $0x20, $0x38;
	[tilespmem:$0x10100] =	vst v63  }
0x80: {  	_ =	swait.ge [sflag:s8], $0x20  }
0x81: {  	[sflag:s8] =	ssyncset.done $0x0  }
0x82: {  	[sflag:s8] =	ssyncadd.s32 $0xFFFFFFE0  }
0x83: {  	v3 =	vld [tilespmem:$0x0];
	_ =	sdelay $0x4  }
0x84: {  	v60 =	vshll.u32 v3, $0x3  }
0x85: {  	v3 =	vand.u32 $0x7, v3;
	v4 =	vand.u32 $0xFFFFFFC0, v60  }
0x86: {  	v3 =	vor.u32 v3, v4  }
0x87: {  	v4 =	vperm.xlane v3, v0;
	_ =	sdelay $0x1  }
0x88: {  	v4 =	vadd.s32 v1, v4;
	_ =	sdelay $0x4  }
0x89: {  	[tilespmem:s26], [sflag:$0x1] =	stream.indirect_vreg.gather [hbm4b:s3+s2], $0x80, v4, vm0, $0xb8;
	[tilespmem:$0x10100] =	vst v63  }
0x8a: {  	v3 =	vperm.xlane v3, v2  }
0x8b: {  	[tilespmem:s24], [sflag:$0x1] =	stream.indirect_vreg.gather [hbm4b:s4+s2], $0x80, v4, vm0, $0xb8;
	[tilespmem:$0x10100] =	vst v63  }
0x8c: {  	v3 =	vadd.s32 v1, v3  }
0x8d: {  	[tilespmem:s25], [sflag:$0x1] =	stream.indirect_vreg.gather [hbm4b:s5+s2], $0x80, v4, vm0, $0xb8;
	[tilespmem:$0x10100] =	vst v63  }
0x8e: {  	_ = 	snop  }
0x8f: {  	[tilespmem:s28], [sflag:$0x1] =	stream.indirect_vreg.gather [hbm4b:s6+s2], $0x80, v4, vm0, $0xb8;
	[tilespmem:$0x10100] =	vst v63  }
0x90: {  	_ = 	snop  }
0x91: {  	[tilespmem:s29], [sflag:$0x1] =	stream.indirect_vreg.gather [hbm4b:s3+s2], $0x80, v3, vm0, $0xb8;
	[tilespmem:$0x10100] =	vst v63  }
0x92: {  	_ = 	snop  }
0x93: {  	[tilespmem:s30], [sflag:$0x1] =	stream.indirect_vreg.gather [hbm4b:s4+s2], $0x80, v3, vm0, $0xb8;
	[tilespmem:$0x10100] =	vst v63  }
0x94: {  	_ = 	snop  }
0x95: {  	[tilespmem:s31], [sflag:$0x1] =	stream.indirect_vreg.gather [hbm4b:s5+s2], $0x80, v3, vm0, $0xb8;
	[tilespmem:$0x10100] =	vst v63  }
0x96: {  	_ = 	snop  }
0x97: {  	[tilespmem:s0], [sflag:$0x1] =	stream.indirect_vreg.gather [hbm4b:s6+s2], $0x80, v3, vm0, $0xb8;
	[tilespmem:$0x10100] =	vst v63  }
0x98: {  	v3 =	vld [tilespmem:$0x10];
	_ =	sdelay $0x4  }
0x99: {  	v61 =	vshll.u32 v3, $0x3  }
0x9a: {  	v3 =	vand.u32 $0x7, v3;
	v4 =	vand.u32 $0xFFFFFFC0, v61  }
0x9b: {  	v3 =	vor.u32 v3, v4  }
0x9c: {  	v4 =	vperm.xlane v3, v0;
	_ =	sdelay $0x1  }
0x9d: {  	v4 =	vadd.s32 v1, v4;
	_ =	sdelay $0x4  }
0x9e: {  	[tilespmem:s1], [sflag:$0x1] =	stream.indirect_vreg.gather [hbm4b:s3+s2], $0x80, v4, vm0, $0xb8;
	[tilespmem:$0x10100] =	vst v63  }
0x9f: {  	v3 =	vperm.xlane v3, v2  }
0xa0: {  	[tilespmem:s10], [sflag:$0x1] =	stream.indirect_vreg.gather [hbm4b:s4+s2], $0x80, v4, vm0, $0xb8;
	[tilespmem:$0x10100] =	vst v63  }
0xa1: {  	v3 =	vadd.s32 v1, v3  }
0xa2: {  	[tilespmem:s11], [sflag:$0x1] =	stream.indirect_vreg.gather [hbm4b:s5+s2], $0x80, v4, vm0, $0xb8;
	[tilespmem:$0x10100] =	vst v63  }
0xa3: {  	_ = 	snop  }
0xa4: {  	[tilespmem:s12], [sflag:$0x1] =	stream.indirect_vreg.gather [hbm4b:s6+s2], $0x80, v4, vm0, $0xb8;
	[tilespmem:$0x10100] =	vst v63  }
0xa5: {  	_ = 	snop  }
0xa6: {  	[tilespmem:s13], [sflag:$0x1] =	stream.indirect_vreg.gather [hbm4b:s3+s2], $0x80, v3, vm0, $0xb8;
	[tilespmem:$0x10100] =	vst v63  }
0xa7: {  	_ = 	snop  }
0xa8: {  	[tilespmem:s14], [sflag:$0x1] =	stream.indirect_vreg.gather [hbm4b:s4+s2], $0x80, v3, vm0, $0xb8;
	[tilespmem:$0x10100] =	vst v63  }
0xa9: {  	_ = 	snop  }
0xaa: {  	[tilespmem:s15], [sflag:$0x1] =	stream.indirect_vreg.gather [hbm4b:s5+s2], $0x80, v3, vm0, $0xb8;
	[tilespmem:$0x10100] =	vst v63  }
0xab: {  	_ = 	snop  }
0xac: {  	[tilespmem:s16], [sflag:$0x1] =	stream.indirect_vreg.gather [hbm4b:s6+s2], $0x80, v3, vm0, $0xb8;
	[tilespmem:$0x10100] =	vst v63  }
0xad: {  	_ =	swait.ge [sflag:s21], $0x8000  }
0xae: {  	[sflag:s21] =	ssyncset.done $0x0  }
0xaf: {  	s0 =	rddreg [dreg:$0x6];
	[sflag:s21] =	ssyncadd.s32 $0xFFFF8000  }
0xb0: {  	[hbm4b:s0+s2] =	stream.linear.scatter [tilespmem:s19], [sflag:$0x4], $0x8000, $0x38;
	[tilespmem:$0x10100] =	vst v63  }
0xb1: {  	_ =	swait.ge [sflag:s22], $0x8000  }
0xb2: {  	[sflag:s22] =	ssyncset.done $0x0  }
0xb3: {  	s0 =	rddreg [dreg:$0x7];
	[sflag:s22] =	ssyncadd.s32 $0xFFFF8000  }
0xb4: {  	[tilespmem:s17], [sflag:$0x5] =	stream.linear.gather [hbm4b:s0+s2], $0x20, $0x38;
	[tilespmem:$0x10100] =	vst v63  }
0xb5: {  	_ =	swait.ge [sflag:s8], $0x20  }
0xb6: {  	[sflag:s8] =	ssyncset.done $0x0  }
0xb7: {  	[sflag:s8] =	ssyncadd.s32 $0xFFFFFFE0  }
0xb8: {  	v3 =	vld [tilespmem:$0x80];
	_ =	sdelay $0x4  }
0xb9: {  	v62 =	vshll.u32 v3, $0x3  }
0xba: {  	v3 =	vand.u32 $0x7, v3;
	v4 =	vand.u32 $0xFFFFFFC0, v62  }
0xbb: {  	v3 =	vor.u32 v3, v4  }
0xbc: {  	v4 =	vperm.xlane v3, v0;
	_ =	sdelay $0x1  }
0xbd: {  	v4 =	vadd.s32 v1, v4;
	_ =	sdelay $0x4  }
0xbe: {  	[tilespmem:s19], [sflag:$0x2] =	stream.indirect_vreg.gather [hbm4b:s3+s2], $0x80, v4, vm0, $0xb8;
	[tilespmem:$0x10100] =	vst v63  }
0xbf: {  	v3 =	vperm.xlane v3, v2  }
0xc0: {  	[tilespmem:s18], [sflag:$0x2] =	stream.indirect_vreg.gather [hbm4b:s4+s2], $0x80, v4, vm0, $0xb8;
	[tilespmem:$0x10100] =	vst v63  }
0xc1: {  	s23 =	simm.s32 $0x9100;
	v3 =	vadd.s32 v1, v3  }
0xc2: {  	[tilespmem:s23], [sflag:$0x2] =	stream.indirect_vreg.gather [hbm4b:s5+s2], $0x80, v4, vm0, $0xb8;
	[tilespmem:$0x10100] =	vst v63  }
0xc3: {  	s23 =	simm.s32 $0x9900  }
0xc4: {  	[tilespmem:s23], [sflag:$0x2] =	stream.indirect_vreg.gather [hbm4b:s6+s2], $0x80, v4, vm0, $0xb8;
	[tilespmem:$0x10100] =	vst v63  }
0xc5: {  	s23 =	simm.s32 $0xA100  }
0xc6: {  	[tilespmem:s23], [sflag:$0x2] =	stream.indirect_vreg.gather [hbm4b:s3+s2], $0x80, v3, vm0, $0xb8;
	[tilespmem:$0x10100] =	vst v63  }
0xc7: {  	s23 =	simm.s32 $0xA900  }
0xc8: {  	[tilespmem:s23], [sflag:$0x2] =	stream.indirect_vreg.gather [hbm4b:s4+s2], $0x80, v3, vm0, $0xb8;
	[tilespmem:$0x10100] =	vst v63  }
0xc9: {  	s23 =	simm.s32 $0xB100  }
0xca: {  	[tilespmem:s23], [sflag:$0x2] =	stream.indirect_vreg.gather [hbm4b:s5+s2], $0x80, v3, vm0, $0xb8;
	[tilespmem:$0x10100] =	vst v63  }
0xcb: {  	s23 =	simm.s32 $0xB900  }
0xcc: {  	[tilespmem:s23], [sflag:$0x2] =	stream.indirect_vreg.gather [hbm4b:s6+s2], $0x80, v3, vm0, $0xb8;
	[tilespmem:$0x10100] =	vst v63  }
0xcd: {  	v3 =	vld [tilespmem:$0x90];
	_ =	sdelay $0x4  }
0xce: {  	v63 =	vshll.u32 v3, $0x3  }
0xcf: {  	v3 =	vand.u32 $0x7, v3;
	v4 =	vand.u32 $0xFFFFFFC0, v63  }
0xd0: {  	v3 =	vor.u32 v3, v4  }
0xd1: {  	v4 =	vperm.xlane v3, v0;
	_ =	sdelay $0x1  }
0xd2: {  	v4 =	vadd.s32 v1, v4;
	_ =	sdelay $0x3  }
0xd3: {  	s23 =	simm.s32 $0xC100  }
0xd4: {  	[tilespmem:s23], [sflag:$0x2] =	stream.indirect_vreg.gather [hbm4b:s3+s2], $0x80, v4, vm0, $0xb8;
	[tilespmem:$0x10100] =	vst v63  }
0xd5: {  	v3 =	vperm.xlane v3, v2;
	s23 =	simm.s32 $0xC900  }
0xd6: {  	[tilespmem:s23], [sflag:$0x2] =	stream.indirect_vreg.gather [hbm4b:s4+s2], $0x80, v4, vm0, $0xb8;
	[tilespmem:$0x10100] =	vst v63  }
0xd7: {  	v3 =	vadd.s32 v1, v3;
	s23 =	simm.s32 $0xD100  }
0xd8: {  	[tilespmem:s23], [sflag:$0x2] =	stream.indirect_vreg.gather [hbm4b:s5+s2], $0x80, v4, vm0, $0xb8;
	[tilespmem:$0x10100] =	vst v63  }
0xd9: {  	s23 =	simm.s32 $0xD900  }
0xda: {  	[tilespmem:s23], [sflag:$0x2] =	stream.indirect_vreg.gather [hbm4b:s6+s2], $0x80, v4, vm0, $0xb8;
	[tilespmem:$0x10100] =	vst v63  }
0xdb: {  	s23 =	simm.s32 $0xE100  }
0xdc: {  	[tilespmem:s23], [sflag:$0x2] =	stream.indirect_vreg.gather [hbm4b:s3+s2], $0x80, v3, vm0, $0xb8;
	[tilespmem:$0x10100] =	vst v63  }
0xdd: {  	s23 =	simm.s32 $0xE900  }
0xde: {  	[tilespmem:s23], [sflag:$0x2] =	stream.indirect_vreg.gather [hbm4b:s4+s2], $0x80, v3, vm0, $0xb8;
	[tilespmem:$0x10100] =	vst v63  }
0xdf: {  	s23 =	simm.s32 $0xF100  }
0xe0: {  	[tilespmem:s23], [sflag:$0x2] =	stream.indirect_vreg.gather [hbm4b:s5+s2], $0x80, v3, vm0, $0xb8;
	[tilespmem:$0x10100] =	vst v63  }
0xe1: {  	s23 =	simm.s32 $0xF900  }
0xe2: {  	[tilespmem:s23], [sflag:$0x2] =	stream.indirect_vreg.gather [hbm4b:s6+s2], $0x80, v3, vm0, $0xb8;
	[tilespmem:$0x10100] =	vst v63  }
0xe3: {  	_ =	swait.ge [sflag:s9], $0x8000  }
0xe4: {  	[sflag:s9] =	ssyncset.done $0x0  }
0xe5: {  	s0 =	rddreg [dreg:$0x8];
	[sflag:s9] =	ssyncadd.s32 $0xFFFF8000  }
0xe6: {  	[hbm4b:s0+s2] =	stream.linear.scatter [tilespmem:s26], [sflag:$0x3], $0x8000, $0x38;
	[tilespmem:$0x10100] =	vst v63  }
0xe7: {  	_ =	swait.ge [sflag:s21], $0x8000  }
0xe8: {  	[sflag:s21] =	ssyncset.done $0x0  }
0xe9: {  	s0 =	rddreg [dreg:$0x9];
	[sflag:s21] =	ssyncadd.s32 $0xFFFF8000  }
0xea: {  	[hbm4b:s0+s2] =	stream.linear.scatter [tilespmem:s19], [sflag:$0x4], $0x8000, $0x38;
	[tilespmem:$0x10100] =	vst v63  }
0xeb: {  	p0 =	sne.s32 s7, $0x1;
	_ =	swait.ge [sflag:s20], $0x8000  }
.Ltmp0:
0xec: {  	[sflag:s20] =	ssyncset.done $0x0;
	(pc) =	sbr.rel @p0 .LBB2_1-.Ltmp0, $4  }
0xed: {  	[sflag:s20] =	ssyncadd.s32 $0xFFFF8000  }
0xee: {  	_ =	swait.ge [sflag:s22], $0x8000  }
0xef: {  	[sflag:s22] =	ssyncset.done $0x0  }
0xf0: {  	s7 =	sadd.s32 $0xFFFFFFFF, s7;
	[sflag:s22] =	ssyncadd.s32 $0xFFFF8000  }
0xf1: {  	_ =	sfence.sel $0x180000  }
0xf2: {  	[bflag:$0x0] =	sbarrier.arrive $0xFFFF  }
0xf3: {  	_ =	strace $0x90000053  }
0xf4: {  	s0 =	stileid.u32;
	[bflag:$0x2] =	sbarrier.arrive $0xFFFF  }
0xf5: {  	p0 =	sne.s32 s0, $0x0;
	s0 =	rddreg [dreg:$0x1]  }
0xf6: {  	s0 =	sadd.s32 @!p0 $0x100000, s0  }
0xf7: {  	[sflag:s0] =	ssyncadd.tile.s32 @!p0 $0x1;
	_ =	shalt  }
.Lfunc_end2:
_tile_overlayer_lowered:
.L_overlay_start_2:
0xf8: {  	(tag) =	ssettag $0x2  }
0xf9: {  	s0 =	rddreg [dreg:$0x0];
	s2 =	stileid.u32  }
0xfa: {  	s1 =	rddreg [dreg:$0x1];
	p0 =	sne.s32 s2, $0x0  }
0xfb: {  	s3 =	rddreg [dreg:$0x2];
	[bflag:$0x3] =	sbarrier.arrive $0xFFFF;
	s2 =	simm.s32 @!p0 $0x1C05  }
0xfc: {  	[timem:s3], [sflag:s2] =	dma.local @!p0 [hbm:s0], s1  }
0xfd: {  	s0 =	simm.s32 @!p0 $0x5  }
0xfe: {  	_ =	swait.ge @!p0 [sflag:s0], s1  }
0xff: {  	s1 =	ssub.s32 @!p0 $0x0, s1;
	[sflag:s0] =	ssyncset.done @!p0 $0x0  }
0x100: {  	[sflag:s0] =	ssyncadd.s32 @!p0 s1  }
0x101: {  	[bflag:$0x3] =	sbarrier.arrive $0xFFFF  }
0x102: {  	_ =	shalt  }

</sc_bundles>
